<compile_context>
chip_gen: v7x
topology: tpu7x:2x2x1
jax: 0.10.2.dev20260603
libtpu: 0.0.44.dev20260713+nightly
codegen_flags: <defaults>
</compile_context>

<pallas_src>
import jax
import jax.numpy as jnp
from jax import lax
from jax.experimental import pallas as pl
from jax.experimental.pallas import tpu as pltpu
from jax.experimental.pallas import tpu_sc as plsc

_NC = 2
_NS = 16
_NW = _NC * _NS


def _leaky(x):
    return jnp.where(x >= 0, x, 0.2 * x)



_GC = 80


def _sc_gather_paths(t_a, t_b, src_o, dst_o, src_i, dst_i):
    e = src_o.shape[0]
    per_w = e // _NW
    n_chunks = per_w // _GC
    mesh = plsc.VectorSubcoreMesh(core_axis_name="c", subcore_axis_name="s")

    def body(ta_h, tb_h, so_h, do_h, si_h, di_h, g_h,
             idx_s, idx_d, buf_s, buf_d, buf_o, sem1, sem2):
        cid = lax.axis_index("c")
        sid = lax.axis_index("s")
        wid = sid * _NC + cid
        base = wid * per_w

        def do_path(t_h, s_h, d_h, col, ci):
            off = base + ci * _GC
            pltpu.sync_copy(s_h.at[pl.ds(off, _GC)], idx_s)
            pltpu.sync_copy(d_h.at[pl.ds(off, _GC)], idx_d)
            cp1 = pltpu.async_copy(t_h.at[idx_s], buf_s, sem1)
            cp2 = pltpu.async_copy(t_h.at[idx_d], buf_d, sem2)
            cp1.wait()
            cp2.wait()

            def row(r, carry):
                for j in range(64 // 16):
                    buf_o[r, pl.ds(col + j * 16, 16)] = (
                        buf_s[r, pl.ds(j * 16, 16)]
                        + buf_d[r, pl.ds(64 + j * 16, 16)])
                return carry
            lax.fori_loop(0, _GC, row, 0)

        def step(ci, carry):
            do_path(ta_h, so_h, do_h, 0, ci)
            do_path(tb_h, si_h, di_h, 64, ci)
            pltpu.sync_copy(buf_o, g_h.at[pl.ds(base + ci * _GC, _GC)])
            return carry
        lax.fori_loop(0, n_chunks, step, 0)

    f = pl.kernel(
        body,
        out_type=jax.ShapeDtypeStruct((e, 128), jnp.float32),
        mesh=mesh,
        scratch_types=[
            pltpu.VMEM((_GC,), jnp.int32),
            pltpu.VMEM((_GC,), jnp.int32),
            pltpu.VMEM((_GC, 128), jnp.float32),
            pltpu.VMEM((_GC, 128), jnp.float32),
            pltpu.VMEM((_GC, 128), jnp.float32),
            pltpu.SemaphoreType.DMA,
            pltpu.SemaphoreType.DMA,
        ],
    )
    return f(t_a, t_b, src_o, dst_o, src_i, dst_i)



def _proj_body(nf_ref, w_ref, o0_ref, o1_ref):
    p = jnp.dot(nf_ref[:], w_ref[:], preferred_element_type=jnp.float32)
    o0_ref[:] = p[:, 0:128]
    o1_ref[:] = p[:, 128:256]


def _node_proj(nf, wcat):
    n, k = nf.shape
    bn = 2000
    out128 = lambda: pl.BlockSpec((bn, 128), lambda i: (i, 0))
    return pl.pallas_call(
        _proj_body,
        grid=(n // bn,),
        in_specs=[
            pl.BlockSpec((bn, k), lambda i: (i, 0)),
            pl.BlockSpec((k, 256), lambda i: (0, 0)),
        ],
        out_specs=[out128(), out128()],
        out_shape=[jax.ShapeDtypeStruct((n, 128), jnp.float32)] * 2,
    )(nf, wcat)



def _sc_segment_sum_efi(efi, dst_o, n):
    e = dst_o.shape[0]
    per_s = e // _NS
    half = n // 2
    rows_w = 1000
    mesh = plsc.VectorSubcoreMesh(core_axis_name="c", subcore_axis_name="s")

    def body(efi_h, do_h, out_h, idx_a, rows_a, zba, acc_a, sem):
        cid = lax.axis_index("c")
        sid = lax.axis_index("s")
        base = cid * half

        def zrow(r, carry):
            for j in range(128 // 16):
                zba[r, pl.ds(j * 16, 16)] = jnp.zeros((16,), jnp.float32)
            return carry
        lax.fori_loop(0, 200, zrow, 0)

        @pl.when(sid < half // rows_w)
        def _():
            def zcp(k, carry):
                off = sid * rows_w + k * 200
                pltpu.sync_copy(zba, acc_a.at[pl.ds(off, 200)])
                return carry
            lax.fori_loop(0, rows_w // 200, zcp, 0)
        plsc.subcore_barrier()

        def step(ci, carry):
            off = sid * per_s + ci * _GC
            pltpu.sync_copy(do_h.at[pl.ds(off, _GC)], idx_a)
            pltpu.sync_copy(efi_h.at[pl.ds(off, _GC)], rows_a)
            for k in range(_GC // 16):
                sl = pl.ds(k * 16, 16)
                v = idx_a[sl] - base
                inb = (v >= 0) & (v < half)
                idx_a[sl] = jnp.where(inb, v, half)
            pltpu.sync_copy(rows_a, acc_a.at[idx_a], add=True)
            return carry
        lax.fori_loop(0, per_s // _GC, step, 0)
        plsc.subcore_barrier()

        @pl.when(sid < half // rows_w)
        def _():
            off = sid * rows_w
            pltpu.sync_copy(acc_a.at[pl.ds(off, rows_w)],
                            out_h.at[pl.ds(base + off, rows_w)])

    f = pl.kernel(
        body,
        out_type=jax.ShapeDtypeStruct((n, 128), jnp.float32),
        mesh=mesh,
        scratch_types=[
            pltpu.VMEM((_GC,), jnp.int32),
            pltpu.VMEM((_GC, 128), jnp.float32),
            pltpu.VMEM((200, 128), jnp.float32),
            pltpu.VMEM_SHARED((half + 8, 128), jnp.float32),
            pltpu.SemaphoreType.DMA,
        ],
    )
    return f(efi, dst_o)



def _bro_body(g_ref, ef_ref, w1e_ref, b1_ref, w2_ref, b2_ref, w3_ref, b3_ref,
              w4_ref, b4_ref, w5_ref, b5_ref, out_ref):
    h = g_ref[:, 0:64] + jnp.dot(ef_ref[:], w1e_ref[:], preferred_element_type=jnp.float32) + b1_ref[:]
    h = _leaky(h)
    h = _leaky(jnp.dot(h, w2_ref[:], preferred_element_type=jnp.float32) + b2_ref[:])
    h = _leaky(jnp.dot(h, w3_ref[:], preferred_element_type=jnp.float32) + b3_ref[:])
    h = _leaky(jnp.dot(h, w4_ref[:], preferred_element_type=jnp.float32) + b4_ref[:])
    out_ref[:] = jnp.dot(h, w5_ref[:], preferred_element_type=jnp.float32) + b5_ref[:]


def _bro_edge_mlp(g, ef, w1e, b1, w2, b2, w3, b3, w4, b4, w5, b5):
    e = g.shape[0]
    be = 3200
    full = lambda a: pl.BlockSpec(a.shape, lambda i: tuple(0 for _ in a.shape))
    return pl.pallas_call(
        _bro_body,
        grid=(e // be,),
        in_specs=[
            pl.BlockSpec((be, 128), lambda i: (i, 0)),
            pl.BlockSpec((be, 16), lambda i: (i, 0)),
            full(w1e), full(b1), full(w2), full(b2), full(w3), full(b3),
            full(w4), full(b4), full(w5), full(b5),
        ],
        out_specs=pl.BlockSpec((be, 128), lambda i: (i, 0)),
        out_shape=jax.ShapeDtypeStruct((e, 128), jnp.float32),
    )(g, ef, w1e, b1, w2, b2, w3, b3, w4, b4, w5, b5)



def _msg_body(g_ref, ef_ref, w1e_ref, b1_ref, w2_ref, b2_ref, w3_ref, b3_ref,
              w4_ref, b4_ref, o1_ref, o2_ref):
    h = g_ref[:, 64:128] + jnp.dot(ef_ref[:], w1e_ref[:], preferred_element_type=jnp.float32) + b1_ref[:]
    h = _leaky(h)
    h = _leaky(jnp.dot(h, w2_ref[:], preferred_element_type=jnp.float32) + b2_ref[:])
    h = _leaky(jnp.dot(h, w3_ref[:], preferred_element_type=jnp.float32) + b3_ref[:])
    x = jnp.dot(h, w4_ref[:], preferred_element_type=jnp.float32) + b4_ref[:]
    kk = jax.nn.sigmoid(x[:, :1])
    gated = x[:, 1:65] * kk
    o1_ref[:] = jnp.concatenate(
        [gated[:, 0:32], jnp.zeros((gated.shape[0], 96), jnp.float32)], axis=1)
    o2_ref[:] = gated[:, 32:64]


def _msg_edge_mlp(g, ef, w1e, b1, w2, b2, w3, b3, w4, b4):
    e = g.shape[0]
    be = 3200
    full = lambda a: pl.BlockSpec(a.shape, lambda i: tuple(0 for _ in a.shape))
    return pl.pallas_call(
        _msg_body,
        grid=(e // be,),
        in_specs=[
            pl.BlockSpec((be, 128), lambda i: (i, 0)),
            pl.BlockSpec((be, 16), lambda i: (i, 0)),
            full(w1e), full(b1), full(w2), full(b2), full(w3), full(b3),
            full(w4), full(b4),
        ],
        out_specs=[
            pl.BlockSpec((be, 128), lambda i: (i, 0)),
            pl.BlockSpec((be, 32), lambda i: (i, 0)),
        ],
        out_shape=[
            jax.ShapeDtypeStruct((e, 128), jnp.float32),
            jax.ShapeDtypeStruct((e, 32), jnp.float32),
        ],
    )(g, ef, w1e, b1, w2, b2, w3, b3, w4, b4)



def _red_body(x_ref, w1_ref, b1_ref, w2_ref, b2_ref, w3_ref, b3_ref,
              w4_ref, b4_ref, out_ref):
    h = _leaky(jnp.dot(x_ref[:], w1_ref[:], preferred_element_type=jnp.float32) + b1_ref[:])
    h = _leaky(jnp.dot(h, w2_ref[:], preferred_element_type=jnp.float32) + b2_ref[:])
    h = _leaky(jnp.dot(h, w3_ref[:], preferred_element_type=jnp.float32) + b3_ref[:])
    out_ref[:] = jnp.dot(h, w4_ref[:], preferred_element_type=jnp.float32) + b4_ref[:]


def _red_mlp(x, w1, b1, w2, b2, w3, b3, w4, b4):
    b, k = x.shape
    bb = 1000
    full = lambda a: pl.BlockSpec(a.shape, lambda i: tuple(0 for _ in a.shape))
    return pl.pallas_call(
        _red_body,
        grid=(b // bb,),
        in_specs=[
            pl.BlockSpec((bb, k), lambda i: (i, 0)),
            full(w1), full(b1), full(w2), full(b2), full(w3), full(b3),
            full(w4), full(b4),
        ],
        out_specs=pl.BlockSpec((bb, 128), lambda i: (i, 0)),
        out_shape=jax.ShapeDtypeStruct((b, 128), jnp.float32),
    )(x, w1, b1, w2, b2, w3, b3, w4, b4)


def kernel(nf, edge_index_out, ef_out, edge_index_in, ef_in, output_nodes,
           msg_params, red_params, bro_params):
    n = nf.shape[0]
    f2d = lambda v: v.reshape(1, -1)

    (bw1, bb1), (bw2, bb2), (bw3, bb3), (bw4, bb4), (bw5, bb5) = bro_params
    (mw1, mb1), (mw2, mb2), (mw3, mb3), (mw4, mb4) = msg_params
    (rw1, rb1), (rw2, rb2), (rw3, rb3), (rw4, rb4) = red_params

    wcat = jnp.concatenate(
        [bw1[:128], bw1[128:256], mw1[:128], mw1[128:256]], axis=1)
    t_a, t_b = _node_proj(nf, wcat)

    src_o, dst_o = edge_index_out[0], edge_index_out[1]
    src_i, dst_i = edge_index_in[0], edge_index_in[1]

    g = _sc_gather_paths(t_a, t_b, src_o, dst_o, src_i, dst_i)

    efi = _bro_edge_mlp(g, ef_out, bw1[256:272], f2d(bb1), bw2, f2d(bb2),
                        bw3, f2d(bb3), bw4, f2d(bb4), bw5, f2d(bb5))
    efo1, efo2 = _msg_edge_mlp(g, ef_in, mw1[256:272], f2d(mb1), mw2, f2d(mb2),
                               mw3, f2d(mb3), mw4, f2d(mb4))

    new_nf = _sc_segment_sum_efi(efi, dst_o, n)
    nfo1_full = _sc_segment_sum_efi(efo1, dst_i, n)
    nfo2 = jax.ops.segment_max(efo2, dst_i, num_segments=n)
    nfo2 = jnp.where(jnp.isneginf(nfo2), 0.0, nfo2)

    x = jnp.concatenate(
        [nf[output_nodes], nfo1_full[output_nodes][:, 0:32],
         nfo2[output_nodes]], axis=1)
    upd = _red_mlp(x, rw1, f2d(rb1), rw2, f2d(rb2), rw3, f2d(rb3), rw4, f2d(rb4))
    return new_nf.at[output_nodes].set(upd)

# --- scband reference (transcript-rebuilt; emitter-appended) ---
"""Pipeline reference for scband-net-conv-81578608820473 (READ-ONLY COPY).

The authoritative reference and input builder live on the scoring server;
editing this copy changes nothing except your own understanding.
"""

import jax, jax.numpy as jnp
import numpy as np

IN_NF = 128
IN_EF = 16
OUT_NF = 128
H1 = 32
H2 = 32
N_NODES = 10000
E = 320000
N_OUT = 5000


def make_mlp_params(key, sizes):
    params = []
    for i in range(1, len(sizes)):
        key, k1 = jax.random.split(key)
        W = jax.random.normal(k1, (sizes[i - 1], sizes[i]), dtype=jnp.float32) / np.sqrt(sizes[i - 1])
        b = jnp.zeros((sizes[i],), dtype=jnp.float32)
        params.append((W, b))
    return params


def mlp_apply(params, x):
    n = len(params)
    for i, (W, b) in enumerate(params):
        x = x @ W + b
        if i < n - 1:
            x = jnp.where(x >= 0, x, 0.2 * x)  # LeakyReLU(0.2)
    return x


def setup_inputs(seed: int = 0) -> dict:
    key = jax.random.key(seed)
    k = jax.random.split(key, 10)
    nf = jax.random.normal(k[0], (N_NODES, IN_NF), dtype=jnp.float32)
    edge_index_out = jax.random.randint(k[1], (2, E), 0, N_NODES, dtype=jnp.int64 if jax.config.jax_enable_x64 else jnp.int32).astype(jnp.int32)
    ef_out = jax.random.normal(k[2], (E, IN_EF), dtype=jnp.float32)
    edge_index_in = jax.random.randint(k[3], (2, E), 0, N_NODES, dtype=jnp.int32)
    ef_in = jax.random.normal(k[4], (E, IN_EF), dtype=jnp.float32)
    output_nodes = jax.random.randint(k[5], (N_OUT,), 0, N_NODES, dtype=jnp.int32)
    msg_params = make_mlp_params(k[6], [IN_NF * 2 + IN_EF, 64, 64, 64, 1 + H1 + H2])
    red_params = make_mlp_params(k[7], [IN_NF + H1 + H2, 64, 64, 64, OUT_NF])
    bro_params = make_mlp_params(k[8], [IN_NF * 2 + IN_EF, 64, 64, 64, 64, OUT_NF])
    return {
        "nf": nf,
        "edge_index_out": edge_index_out,
        "ef_out": ef_out,
        "edge_index_in": edge_index_in,
        "ef_in": ef_in,
        "output_nodes": output_nodes,
        "msg_params": msg_params,
        "red_params": red_params,
        "bro_params": bro_params,
    }


def reference(nf, edge_index_out, ef_out, edge_index_in, ef_in, output_nodes, msg_params, red_params, bro_params):
    N = nf.shape[0]
    # --- update_all(graph_broadcast, fn.sum('efi','new_nf'), etype='net_out') ---
    src_o = edge_index_out[0]
    dst_o = edge_index_out[1]
    efi = mlp_apply(bro_params, jnp.concatenate([nf[src_o], nf[dst_o], ef_out], axis=1))
    new_nf = jax.ops.segment_sum(efi, dst_o, num_segments=N)
    # --- apply_edges(graph_reduce, etype='net_in') ---
    src_i = edge_index_in[0]
    dst_i = edge_index_in[1]
    x = mlp_apply(msg_params, jnp.concatenate([nf[src_i], nf[dst_i], ef_in], axis=1))
    kk = jax.nn.sigmoid(x[:, :1])
    f1 = x[:, 1:1 + H1]
    f2 = x[:, 1 + H1:1 + H1 + H2]
    efo1 = f1 * kk
    efo2 = f2 * kk
    # --- update_all(copy_e, sum) and update_all(copy_e, max) on 'net_in' ---
    nfo1 = jax.ops.segment_sum(efo1, dst_i, num_segments=N)
    nfo2 = jax.ops.segment_max(efo2, dst_i, num_segments=N)
    nfo2 = jnp.where(jnp.isneginf(nfo2), 0.0, nfo2)  # DGL gives 0 for nodes with no in-edges
    # --- apply_nodes(graph_reduce_mlp_op, output_nodes) ---
    upd = mlp_apply(red_params, jnp.concatenate([nf[output_nodes], nfo1[output_nodes], nfo2[output_nodes]], axis=1))
    new_nf = new_nf.at[output_nodes].set(upd)
    return new_nf


if False:  # reference __main__ guard neutralized (emitter)
    inp = setup_inputs()
    out = reference(**inp)
    print(out.shape, out.dtype)

if __name__ == "__main__":
    import jax
    _d = setup_inputs()
    print(jax.jit(kernel)(*tuple(_d.values())))

</pallas_src>

<mosaic_0001>
#map = affine_map<(d0, d1) -> (0, 0)>
#map1 = affine_map<(d0, d1) -> (0)>
module attributes {stable_mosaic.version = 14 : i64} {
  func.func @body(%arg0: i32, %arg1: i32, %arg2: memref<10000x128xf32, #tpu.memory_space<hbm>>, %arg3: memref<10000x128xf32, #tpu.memory_space<hbm>>, %arg4: memref<320000xi32, #tpu.memory_space<hbm>>, %arg5: memref<320000xi32, #tpu.memory_space<hbm>>, %arg6: memref<320000xi32, #tpu.memory_space<hbm>>, %arg7: memref<320000xi32, #tpu.memory_space<hbm>>, %arg8: memref<320000x128xf32, #tpu.memory_space<hbm>>, %arg9: memref<80xi32, #tpu.memory_space<vmem>>, %arg10: memref<80xi32, #tpu.memory_space<vmem>>, %arg11: memref<80x128xf32, #tpu.memory_space<vmem>>, %arg12: memref<80x128xf32, #tpu.memory_space<vmem>>, %arg13: memref<80x128xf32, #tpu.memory_space<vmem>>, %arg14: memref<!tpu.dma_semaphore, #tpu.memory_space<semaphore_mem>>, %arg15: memref<!tpu.dma_semaphore, #tpu.memory_space<semaphore_mem>>) attributes {dimension_semantics = [#tpu.dimension_semantics<core_parallel>, #tpu.dimension_semantics<subcore_parallel>], iteration_bounds = array<i64: 2, 16>, scalar_prefetch = 0 : i64, scratch_operands = 7 : i64, tpu.core_type = #tpu.core_type<sc_vector_subcore>, window_params = [{transform_indices = #map}, {transform_indices = #map}, {transform_indices = #map1}, {transform_indices = #map1}, {transform_indices = #map1}, {transform_indices = #map1}, {transform_indices = #map}]} {
    %mul3A = arith.constant 2 : i32
    %mul3A_0 = arith.muli %arg1, %mul3A : i32
    %add3A = arith.addi %mul3A_0, %arg0 : i32
    %mul3A_1 = arith.constant 10000 : i32
    %mul3A_2 = arith.muli %add3A, %mul3A_1 : i32
    %scan3A = arith.constant 0 : i32
    %scan3A_3 = arith.constant 0 : i32
    %scan3A_4 = arith.constant 125 : i32
    %scan3A_5 = arith.addi %scan3A_3, %scan3A_4 : i32
    %scan3A_6 = arith.constant 1 : i32
    scf.for %scan3A_8 = %scan3A_3 to %scan3A_5 step %scan3A_6  : i32 {
      %mul3A_9 = arith.constant 80 : i32
      %mul3A_10 = arith.muli %scan3A_8, %mul3A_9 : i32
      %add3A_11 = arith.addi %mul3A_2, %mul3A_10 : i32
      "tpu.region"() ({
        %run_scoped3A = tpu.sem_alloc : memref<!tpu.dma_semaphore, #tpu.memory_space<semaphore_mem>>
        %dma_start3A_52 = tpu.memref_slice %arg4[%add3A_11] : memref<320000xi32, #tpu.memory_space<hbm>> -> memref<80xi32, #tpu.memory_space<hbm>>
        %dma_start3A_53 = tpu.memref_slice %arg4[%add3A_11] : memref<320000xi32, #tpu.memory_space<hbm>> -> memref<80xi32, #tpu.memory_space<hbm>>
        tpu.enqueue_dma source(%dma_start3A_53 : memref<80xi32, #tpu.memory_space<hbm>>) target(%arg9 : memref<80xi32, #tpu.memory_space<vmem>>) target_semaphore(%run_scoped3A : memref<!tpu.dma_semaphore, #tpu.memory_space<semaphore_mem>>)
        %dma_wait3A_54 = tpu.memref_slice %arg4[%add3A_11] : memref<320000xi32, #tpu.memory_space<hbm>> -> memref<80xi32, #tpu.memory_space<hbm>>
        %dma_wait3A_55 = tpu.memref_slice %arg4[%add3A_11] : memref<320000xi32, #tpu.memory_space<hbm>> -> memref<80xi32, #tpu.memory_space<hbm>>
        tpu.wait_dma2 semaphore(%run_scoped3A : memref<!tpu.dma_semaphore, #tpu.memory_space<semaphore_mem>>) src(%dma_wait3A_55 : memref<80xi32, #tpu.memory_space<hbm>>) dst(%arg9 : memref<80xi32, #tpu.memory_space<vmem>>)
        tpu.yield
      }) : () -> ()
      "tpu.region"() ({
        %run_scoped3A = tpu.sem_alloc : memref<!tpu.dma_semaphore, #tpu.memory_space<semaphore_mem>>
        %dma_start3A_52 = tpu.memref_slice %arg5[%add3A_11] : memref<320000xi32, #tpu.memory_space<hbm>> -> memref<80xi32, #tpu.memory_space<hbm>>
        %dma_start3A_53 = tpu.memref_slice %arg5[%add3A_11] : memref<320000xi32, #tpu.memory_space<hbm>> -> memref<80xi32, #tpu.memory_space<hbm>>
        tpu.enqueue_dma source(%dma_start3A_53 : memref<80xi32, #tpu.memory_space<hbm>>) target(%arg10 : memref<80xi32, #tpu.memory_space<vmem>>) target_semaphore(%run_scoped3A : memref<!tpu.dma_semaphore, #tpu.memory_space<semaphore_mem>>)
        %dma_wait3A_54 = tpu.memref_slice %arg5[%add3A_11] : memref<320000xi32, #tpu.memory_space<hbm>> -> memref<80xi32, #tpu.memory_space<hbm>>
        %dma_wait3A_55 = tpu.memref_slice %arg5[%add3A_11] : memref<320000xi32, #tpu.memory_space<hbm>> -> memref<80xi32, #tpu.memory_space<hbm>>
        tpu.wait_dma2 semaphore(%run_scoped3A : memref<!tpu.dma_semaphore, #tpu.memory_space<semaphore_mem>>) src(%dma_wait3A_55 : memref<80xi32, #tpu.memory_space<hbm>>) dst(%arg10 : memref<80xi32, #tpu.memory_space<vmem>>)
        tpu.yield
      }) : () -> ()
      %dma_start3A = arith.constant 0 : i32
      %dma_start3A_12 = arith.constant 0 : i32
      %dma_start3A_13 = tpu.memref_slice %arg2[%dma_start3A, %dma_start3A_12] : memref<10000x128xf32, #tpu.memory_space<hbm>> -> memref<10000x128xf32, #tpu.memory_space<hbm>>
      tpu.enqueue_indirect_dma source(%dma_start3A_13 : memref<10000x128xf32, #tpu.memory_space<hbm>>) target(%arg11 : memref<80x128xf32, #tpu.memory_space<vmem>>) offsets(%arg9 : memref<80xi32, #tpu.memory_space<vmem>>) semaphore(%arg14 : memref<!tpu.dma_semaphore, #tpu.memory_space<semaphore_mem>>)
      %dma_start3A_14 = arith.constant 0 : i32
      %dma_start3A_15 = arith.constant 0 : i32
      %dma_start3A_16 = tpu.memref_slice %arg2[%dma_start3A_14, %dma_start3A_15] : memref<10000x128xf32, #tpu.memory_space<hbm>> -> memref<10000x128xf32, #tpu.memory_space<hbm>>
      tpu.enqueue_indirect_dma source(%dma_start3A_16 : memref<10000x128xf32, #tpu.memory_space<hbm>>) target(%arg12 : memref<80x128xf32, #tpu.memory_space<vmem>>) offsets(%arg10 : memref<80xi32, #tpu.memory_space<vmem>>) semaphore(%arg15 : memref<!tpu.dma_semaphore, #tpu.memory_space<semaphore_mem>>)
      %dma_wait3A = arith.constant 0 : i32
      %dma_wait3A_17 = arith.constant 0 : i32
      %dma_wait3A_18 = tpu.memref_slice %arg2[%dma_wait3A, %dma_wait3A_17] : memref<10000x128xf32, #tpu.memory_space<hbm>> -> memref<10000x128xf32, #tpu.memory_space<hbm>>
      tpu.wait_indirect_dma semaphore(%arg14 : memref<!tpu.dma_semaphore, #tpu.memory_space<semaphore_mem>>) src(%dma_wait3A_18 : memref<10000x128xf32, #tpu.memory_space<hbm>>) dst(%arg11 : memref<80x128xf32, #tpu.memory_space<vmem>>)
      %dma_wait3A_19 = arith.constant 0 : i32
      %dma_wait3A_20 = arith.constant 0 : i32
      %dma_wait3A_21 = tpu.memref_slice %arg2[%dma_wait3A_19, %dma_wait3A_20] : memref<10000x128xf32, #tpu.memory_space<hbm>> -> memref<10000x128xf32, #tpu.memory_space<hbm>>
      tpu.wait_indirect_dma semaphore(%arg15 : memref<!tpu.dma_semaphore, #tpu.memory_space<semaphore_mem>>) src(%dma_wait3A_21 : memref<10000x128xf32, #tpu.memory_space<hbm>>) dst(%arg12 : memref<80x128xf32, #tpu.memory_space<vmem>>)
      %scan3A_22 = arith.constant 0 : i32
      %scan3A_23 = arith.constant 0 : i32
      %scan3A_24 = arith.constant 80 : i32
      %scan3A_25 = arith.addi %scan3A_23, %scan3A_24 : i32
      %scan3A_26 = arith.constant 1 : i32
      scf.for %scan3A_52 = %scan3A_23 to %scan3A_25 step %scan3A_26  : i32 {
        %get3A = arith.index_cast %scan3A_52 : i32 to index
        %get3A_53 = arith.constant 0 : index
        %get3A_54 = tpu.vector_load %arg11[%get3A, %get3A_53] {strides = array<i32>} : memref<80x128xf32, #tpu.memory_space<vmem>>, vector<1x16xf32>,
        %get3A_55 = vector.shape_cast %get3A_54 : vector<1x16xf32> to vector<16xf32>
        %get3A_56 = arith.index_cast %scan3A_52 : i32 to index
        %get3A_57 = arith.constant 64 : index
        %get3A_58 = tpu.vector_load %arg12[%get3A_56, %get3A_57] {strides = array<i32>} : memref<80x128xf32, #tpu.memory_space<vmem>>, vector<1x16xf32>,
        %get3A_59 = vector.shape_cast %get3A_58 : vector<1x16xf32> to vector<16xf32>
        %add3A_60 = arith.addf %get3A_55, %get3A_59 : vector<16xf32>
        %swap3A = arith.index_cast %scan3A_52 : i32 to index
        %swap3A_61 = arith.constant 0 : index
        %swap3A_62 = tpu.vector_load %arg13[%swap3A, %swap3A_61] {strides = array<i32>} : memref<80x128xf32, #tpu.memory_space<vmem>>, vector<1x16xf32>,
        %swap3A_63 = vector.shape_cast %swap3A_62 : vector<1x16xf32> to vector<16xf32>
        %swap3A_64 = vector.shape_cast %add3A_60 : vector<16xf32> to vector<1x16xf32>
        tpu.vector_store %arg13[%swap3A, %swap3A_61], %swap3A_64 {strides = array<i32>} : memref<80x128xf32, #tpu.memory_space<vmem>>, vector<1x16xf32>,
        %get3A_65 = arith.index_cast %scan3A_52 : i32 to index
        %get3A_66 = arith.constant 16 : index
        %get3A_67 = tpu.vector_load %arg11[%get3A_65, %get3A_66] {strides = array<i32>} : memref<80x128xf32, #tpu.memory_space<vmem>>, vector<1x16xf32>,
        %get3A_68 = vector.shape_cast %get3A_67 : vector<1x16xf32> to vector<16xf32>
        %get3A_69 = arith.index_cast %scan3A_52 : i32 to index
        %get3A_70 = arith.constant 80 : index
        %get3A_71 = tpu.vector_load %arg12[%get3A_69, %get3A_70] {strides = array<i32>} : memref<80x128xf32, #tpu.memory_space<vmem>>, vector<1x16xf32>,
        %get3A_72 = vector.shape_cast %get3A_71 : vector<1x16xf32> to vector<16xf32>
        %add3A_73 = arith.addf %get3A_68, %get3A_72 : vector<16xf32>
        %swap3A_74 = arith.index_cast %scan3A_52 : i32 to index
        %swap3A_75 = arith.constant 16 : index
        %swap3A_76 = tpu.vector_load %arg13[%swap3A_74, %swap3A_75] {strides = array<i32>} : memref<80x128xf32, #tpu.memory_space<vmem>>, vector<1x16xf32>,
        %swap3A_77 = vector.shape_cast %swap3A_76 : vector<1x16xf32> to vector<16xf32>
        %swap3A_78 = vector.shape_cast %add3A_73 : vector<16xf32> to vector<1x16xf32>
        tpu.vector_store %arg13[%swap3A_74, %swap3A_75], %swap3A_78 {strides = array<i32>} : memref<80x128xf32, #tpu.memory_space<vmem>>, vector<1x16xf32>,
        %get3A_79 = arith.index_cast %scan3A_52 : i32 to index
        %get3A_80 = arith.constant 32 : index
        %get3A_81 = tpu.vector_load %arg11[%get3A_79, %get3A_80] {strides = array<i32>} : memref<80x128xf32, #tpu.memory_space<vmem>>, vector<1x16xf32>,
        %get3A_82 = vector.shape_cast %get3A_81 : vector<1x16xf32> to vector<16xf32>
        %get3A_83 = arith.index_cast %scan3A_52 : i32 to index
        %get3A_84 = arith.constant 96 : index
        %get3A_85 = tpu.vector_load %arg12[%get3A_83, %get3A_84] {strides = array<i32>} : memref<80x128xf32, #tpu.memory_space<vmem>>, vector<1x16xf32>,
        %get3A_86 = vector.shape_cast %get3A_85 : vector<1x16xf32> to vector<16xf32>
        %add3A_87 = arith.addf %get3A_82, %get3A_86 : vector<16xf32>
        %swap3A_88 = arith.index_cast %scan3A_52 : i32 to index
        %swap3A_89 = arith.constant 32 : index
        %swap3A_90 = tpu.vector_load %arg13[%swap3A_88, %swap3A_89] {strides = array<i32>} : memref<80x128xf32, #tpu.memory_space<vmem>>, vector<1x16xf32>,
        %swap3A_91 = vector.shape_cast %swap3A_90 : vector<1x16xf32> to vector<16xf32>
        %swap3A_92 = vector.shape_cast %add3A_87 : vector<16xf32> to vector<1x16xf32>
        tpu.vector_store %arg13[%swap3A_88, %swap3A_89], %swap3A_92 {strides = array<i32>} : memref<80x128xf32, #tpu.memory_space<vmem>>, vector<1x16xf32>,
        %get3A_93 = arith.index_cast %scan3A_52 : i32 to index
        %get3A_94 = arith.constant 48 : index
        %get3A_95 = tpu.vector_load %arg11[%get3A_93, %get3A_94] {strides = array<i32>} : memref<80x128xf32, #tpu.memory_space<vmem>>, vector<1x16xf32>,
        %get3A_96 = vector.shape_cast %get3A_95 : vector<1x16xf32> to vector<16xf32>
        %get3A_97 = arith.index_cast %scan3A_52 : i32 to index
        %get3A_98 = arith.constant 112 : index
        %get3A_99 = tpu.vector_load %arg12[%get3A_97, %get3A_98] {strides = array<i32>} : memref<80x128xf32, #tpu.memory_space<vmem>>, vector<1x16xf32>,
        %get3A_100 = vector.shape_cast %get3A_99 : vector<1x16xf32> to vector<16xf32>
        %add3A_101 = arith.addf %get3A_96, %get3A_100 : vector<16xf32>
        %swap3A_102 = arith.index_cast %scan3A_52 : i32 to index
        %swap3A_103 = arith.constant 48 : index
        %swap3A_104 = tpu.vector_load %arg13[%swap3A_102, %swap3A_103] {strides = array<i32>} : memref<80x128xf32, #tpu.memory_space<vmem>>, vector<1x16xf32>,
        %swap3A_105 = vector.shape_cast %swap3A_104 : vector<1x16xf32> to vector<16xf32>
        %swap3A_106 = vector.shape_cast %add3A_101 : vector<16xf32> to vector<1x16xf32>
        tpu.vector_store %arg13[%swap3A_102, %swap3A_103], %swap3A_106 {strides = array<i32>} : memref<80x128xf32, #tpu.memory_space<vmem>>, vector<1x16xf32>,
      }
      %scan3A_27 = arith.constant 80 : i32
      %mul3A_28 = arith.constant 80 : i32
      %mul3A_29 = arith.muli %scan3A_8, %mul3A_28 : i32
      %add3A_30 = arith.addi %mul3A_2, %mul3A_29 : i32
      "tpu.region"() ({
        %run_scoped3A = tpu.sem_alloc : memref<!tpu.dma_semaphore, #tpu.memory_space<semaphore_mem>>
        %dma_start3A_52 = tpu.memref_slice %arg6[%add3A_30] : memref<320000xi32, #tpu.memory_space<hbm>> -> memref<80xi32, #tpu.memory_space<hbm>>
        %dma_start3A_53 = tpu.memref_slice %arg6[%add3A_30] : memref<320000xi32, #tpu.memory_space<hbm>> -> memref<80xi32, #tpu.memory_space<hbm>>
        tpu.enqueue_dma source(%dma_start3A_53 : memref<80xi32, #tpu.memory_space<hbm>>) target(%arg9 : memref<80xi32, #tpu.memory_space<vmem>>) target_semaphore(%run_scoped3A : memref<!tpu.dma_semaphore, #tpu.memory_space<semaphore_mem>>)
        %dma_wait3A_54 = tpu.memref_slice %arg6[%add3A_30] : memref<320000xi32, #tpu.memory_space<hbm>> -> memref<80xi32, #tpu.memory_space<hbm>>
        %dma_wait3A_55 = tpu.memref_slice %arg6[%add3A_30] : memref<320000xi32, #tpu.memory_space<hbm>> -> memref<80xi32, #tpu.memory_space<hbm>>
        tpu.wait_dma2 semaphore(%run_scoped3A : memref<!tpu.dma_semaphore, #tpu.memory_space<semaphore_mem>>) src(%dma_wait3A_55 : memref<80xi32, #tpu.memory_space<hbm>>) dst(%arg9 : memref<80xi32, #tpu.memory_space<vmem>>)
        tpu.yield
      }) : () -> ()
      "tpu.region"() ({
        %run_scoped3A = tpu.sem_alloc : memref<!tpu.dma_semaphore, #tpu.memory_space<semaphore_mem>>
        %dma_start3A_52 = tpu.memref_slice %arg7[%add3A_30] : memref<320000xi32, #tpu.memory_space<hbm>> -> memref<80xi32, #tpu.memory_space<hbm>>
        %dma_start3A_53 = tpu.memref_slice %arg7[%add3A_30] : memref<320000xi32, #tpu.memory_space<hbm>> -> memref<80xi32, #tpu.memory_space<hbm>>
        tpu.enqueue_dma source(%dma_start3A_53 : memref<80xi32, #tpu.memory_space<hbm>>) target(%arg10 : memref<80xi32, #tpu.memory_space<vmem>>) target_semaphore(%run_scoped3A : memref<!tpu.dma_semaphore, #tpu.memory_space<semaphore_mem>>)
        %dma_wait3A_54 = tpu.memref_slice %arg7[%add3A_30] : memref<320000xi32, #tpu.memory_space<hbm>> -> memref<80xi32, #tpu.memory_space<hbm>>
        %dma_wait3A_55 = tpu.memref_slice %arg7[%add3A_30] : memref<320000xi32, #tpu.memory_space<hbm>> -> memref<80xi32, #tpu.memory_space<hbm>>
        tpu.wait_dma2 semaphore(%run_scoped3A : memref<!tpu.dma_semaphore, #tpu.memory_space<semaphore_mem>>) src(%dma_wait3A_55 : memref<80xi32, #tpu.memory_space<hbm>>) dst(%arg10 : memref<80xi32, #tpu.memory_space<vmem>>)
        tpu.yield
      }) : () -> ()
      %dma_start3A_31 = arith.constant 0 : i32
      %dma_start3A_32 = arith.constant 0 : i32
      %dma_start3A_33 = tpu.memref_slice %arg3[%dma_start3A_31, %dma_start3A_32] : memref<10000x128xf32, #tpu.memory_space<hbm>> -> memref<10000x128xf32, #tpu.memory_space<hbm>>
      tpu.enqueue_indirect_dma source(%dma_start3A_33 : memref<10000x128xf32, #tpu.memory_space<hbm>>) target(%arg11 : memref<80x128xf32, #tpu.memory_space<vmem>>) offsets(%arg9 : memref<80xi32, #tpu.memory_space<vmem>>) semaphore(%arg14 : memref<!tpu.dma_semaphore, #tpu.memory_space<semaphore_mem>>)
      %dma_start3A_34 = arith.constant 0 : i32
      %dma_start3A_35 = arith.constant 0 : i32
      %dma_start3A_36 = tpu.memref_slice %arg3[%dma_start3A_34, %dma_start3A_35] : memref<10000x128xf32, #tpu.memory_space<hbm>> -> memref<10000x128xf32, #tpu.memory_space<hbm>>
      tpu.enqueue_indirect_dma source(%dma_start3A_36 : memref<10000x128xf32, #tpu.memory_space<hbm>>) target(%arg12 : memref<80x128xf32, #tpu.memory_space<vmem>>) offsets(%arg10 : memref<80xi32, #tpu.memory_space<vmem>>) semaphore(%arg15 : memref<!tpu.dma_semaphore, #tpu.memory_space<semaphore_mem>>)
      %dma_wait3A_37 = arith.constant 0 : i32
      %dma_wait3A_38 = arith.constant 0 : i32
      %dma_wait3A_39 = tpu.memref_slice %arg3[%dma_wait3A_37, %dma_wait3A_38] : memref<10000x128xf32, #tpu.memory_space<hbm>> -> memref<10000x128xf32, #tpu.memory_space<hbm>>
      tpu.wait_indirect_dma semaphore(%arg14 : memref<!tpu.dma_semaphore, #tpu.memory_space<semaphore_mem>>) src(%dma_wait3A_39 : memref<10000x128xf32, #tpu.memory_space<hbm>>) dst(%arg11 : memref<80x128xf32, #tpu.memory_space<vmem>>)
      %dma_wait3A_40 = arith.constant 0 : i32
      %dma_wait3A_41 = arith.constant 0 : i32
      %dma_wait3A_42 = tpu.memref_slice %arg3[%dma_wait3A_40, %dma_wait3A_41] : memref<10000x128xf32, #tpu.memory_space<hbm>> -> memref<10000x128xf32, #tpu.memory_space<hbm>>
      tpu.wait_indirect_dma semaphore(%arg15 : memref<!tpu.dma_semaphore, #tpu.memory_space<semaphore_mem>>) src(%dma_wait3A_42 : memref<10000x128xf32, #tpu.memory_space<hbm>>) dst(%arg12 : memref<80x128xf32, #tpu.memory_space<vmem>>)
      %scan3A_43 = arith.constant 0 : i32
      %scan3A_44 = arith.constant 0 : i32
      %scan3A_45 = arith.constant 80 : i32
      %scan3A_46 = arith.addi %scan3A_44, %scan3A_45 : i32
      %scan3A_47 = arith.constant 1 : i32
      scf.for %scan3A_52 = %scan3A_44 to %scan3A_46 step %scan3A_47  : i32 {
        %get3A = arith.index_cast %scan3A_52 : i32 to index
        %get3A_53 = arith.constant 0 : index
        %get3A_54 = tpu.vector_load %arg11[%get3A, %get3A_53] {strides = array<i32>} : memref<80x128xf32, #tpu.memory_space<vmem>>, vector<1x16xf32>,
        %get3A_55 = vector.shape_cast %get3A_54 : vector<1x16xf32> to vector<16xf32>
        %get3A_56 = arith.index_cast %scan3A_52 : i32 to index
        %get3A_57 = arith.constant 64 : index
        %get3A_58 = tpu.vector_load %arg12[%get3A_56, %get3A_57] {strides = array<i32>} : memref<80x128xf32, #tpu.memory_space<vmem>>, vector<1x16xf32>,
        %get3A_59 = vector.shape_cast %get3A_58 : vector<1x16xf32> to vector<16xf32>
        %add3A_60 = arith.addf %get3A_55, %get3A_59 : vector<16xf32>
        %swap3A = arith.index_cast %scan3A_52 : i32 to index
        %swap3A_61 = arith.constant 64 : index
        %swap3A_62 = tpu.vector_load %arg13[%swap3A, %swap3A_61] {strides = array<i32>} : memref<80x128xf32, #tpu.memory_space<vmem>>, vector<1x16xf32>,
        %swap3A_63 = vector.shape_cast %swap3A_62 : vector<1x16xf32> to vector<16xf32>
        %swap3A_64 = vector.shape_cast %add3A_60 : vector<16xf32> to vector<1x16xf32>
        tpu.vector_store %arg13[%swap3A, %swap3A_61], %swap3A_64 {strides = array<i32>} : memref<80x128xf32, #tpu.memory_space<vmem>>, vector<1x16xf32>,
        %get3A_65 = arith.index_cast %scan3A_52 : i32 to index
        %get3A_66 = arith.constant 16 : index
        %get3A_67 = tpu.vector_load %arg11[%get3A_65, %get3A_66] {strides = array<i32>} : memref<80x128xf32, #tpu.memory_space<vmem>>, vector<1x16xf32>,
        %get3A_68 = vector.shape_cast %get3A_67 : vector<1x16xf32> to vector<16xf32>
        %get3A_69 = arith.index_cast %scan3A_52 : i32 to index
        %get3A_70 = arith.constant 80 : index
        %get3A_71 = tpu.vector_load %arg12[%get3A_69, %get3A_70] {strides = array<i32>} : memref<80x128xf32, #tpu.memory_space<vmem>>, vector<1x16xf32>,
        %get3A_72 = vector.shape_cast %get3A_71 : vector<1x16xf32> to vector<16xf32>
        %add3A_73 = arith.addf %get3A_68, %get3A_72 : vector<16xf32>
        %swap3A_74 = arith.index_cast %scan3A_52 : i32 to index
        %swap3A_75 = arith.constant 80 : index
        %swap3A_76 = tpu.vector_load %arg13[%swap3A_74, %swap3A_75] {strides = array<i32>} : memref<80x128xf32, #tpu.memory_space<vmem>>, vector<1x16xf32>,
        %swap3A_77 = vector.shape_cast %swap3A_76 : vector<1x16xf32> to vector<16xf32>
        %swap3A_78 = vector.shape_cast %add3A_73 : vector<16xf32> to vector<1x16xf32>
        tpu.vector_store %arg13[%swap3A_74, %swap3A_75], %swap3A_78 {strides = array<i32>} : memref<80x128xf32, #tpu.memory_space<vmem>>, vector<1x16xf32>,
        %get3A_79 = arith.index_cast %scan3A_52 : i32 to index
        %get3A_80 = arith.constant 32 : index
        %get3A_81 = tpu.vector_load %arg11[%get3A_79, %get3A_80] {strides = array<i32>} : memref<80x128xf32, #tpu.memory_space<vmem>>, vector<1x16xf32>,
        %get3A_82 = vector.shape_cast %get3A_81 : vector<1x16xf32> to vector<16xf32>
        %get3A_83 = arith.index_cast %scan3A_52 : i32 to index
        %get3A_84 = arith.constant 96 : index
        %get3A_85 = tpu.vector_load %arg12[%get3A_83, %get3A_84] {strides = array<i32>} : memref<80x128xf32, #tpu.memory_space<vmem>>, vector<1x16xf32>,
        %get3A_86 = vector.shape_cast %get3A_85 : vector<1x16xf32> to vector<16xf32>
        %add3A_87 = arith.addf %get3A_82, %get3A_86 : vector<16xf32>
        %swap3A_88 = arith.index_cast %scan3A_52 : i32 to index
        %swap3A_89 = arith.constant 96 : index
        %swap3A_90 = tpu.vector_load %arg13[%swap3A_88, %swap3A_89] {strides = array<i32>} : memref<80x128xf32, #tpu.memory_space<vmem>>, vector<1x16xf32>,
        %swap3A_91 = vector.shape_cast %swap3A_90 : vector<1x16xf32> to vector<16xf32>
        %swap3A_92 = vector.shape_cast %add3A_87 : vector<16xf32> to vector<1x16xf32>
        tpu.vector_store %arg13[%swap3A_88, %swap3A_89], %swap3A_92 {strides = array<i32>} : memref<80x128xf32, #tpu.memory_space<vmem>>, vector<1x16xf32>,
        %get3A_93 = arith.index_cast %scan3A_52 : i32 to index
        %get3A_94 = arith.constant 48 : index
        %get3A_95 = tpu.vector_load %arg11[%get3A_93, %get3A_94] {strides = array<i32>} : memref<80x128xf32, #tpu.memory_space<vmem>>, vector<1x16xf32>,
        %get3A_96 = vector.shape_cast %get3A_95 : vector<1x16xf32> to vector<16xf32>
        %get3A_97 = arith.index_cast %scan3A_52 : i32 to index
        %get3A_98 = arith.constant 112 : index
        %get3A_99 = tpu.vector_load %arg12[%get3A_97, %get3A_98] {strides = array<i32>} : memref<80x128xf32, #tpu.memory_space<vmem>>, vector<1x16xf32>,
        %get3A_100 = vector.shape_cast %get3A_99 : vector<1x16xf32> to vector<16xf32>
        %add3A_101 = arith.addf %get3A_96, %get3A_100 : vector<16xf32>
        %swap3A_102 = arith.index_cast %scan3A_52 : i32 to index
        %swap3A_103 = arith.constant 112 : index
        %swap3A_104 = tpu.vector_load %arg13[%swap3A_102, %swap3A_103] {strides = array<i32>} : memref<80x128xf32, #tpu.memory_space<vmem>>, vector<1x16xf32>,
        %swap3A_105 = vector.shape_cast %swap3A_104 : vector<1x16xf32> to vector<16xf32>
        %swap3A_106 = vector.shape_cast %add3A_101 : vector<16xf32> to vector<1x16xf32>
        tpu.vector_store %arg13[%swap3A_102, %swap3A_103], %swap3A_106 {strides = array<i32>} : memref<80x128xf32, #tpu.memory_space<vmem>>, vector<1x16xf32>,
      }
      %scan3A_48 = arith.constant 80 : i32
      %mul3A_49 = arith.constant 80 : i32
      %mul3A_50 = arith.muli %scan3A_8, %mul3A_49 : i32
      %add3A_51 = arith.addi %mul3A_2, %mul3A_50 : i32
      "tpu.region"() ({
        %run_scoped3A = tpu.sem_alloc : memref<!tpu.dma_semaphore, #tpu.memory_space<semaphore_mem>>
        %dma_start3A_52 = arith.constant 0 : i32
        %dma_start3A_53 = tpu.memref_slice %arg8[%add3A_51, %dma_start3A_52] : memref<320000x128xf32, #tpu.memory_space<hbm>> -> memref<80x128xf32, #tpu.memory_space<hbm>>
        %dma_start3A_54 = arith.constant 0 : i32
        %dma_start3A_55 = tpu.memref_slice %arg8[%add3A_51, %dma_start3A_54] : memref<320000x128xf32, #tpu.memory_space<hbm>> -> memref<80x128xf32, #tpu.memory_space<hbm>>
        tpu.enqueue_dma source(%arg13 : memref<80x128xf32, #tpu.memory_space<vmem>>) target(%dma_start3A_55 : memref<80x128xf32, #tpu.memory_space<hbm>>) target_semaphore(%run_scoped3A : memref<!tpu.dma_semaphore, #tpu.memory_space<semaphore_mem>>)
        %dma_wait3A_56 = arith.constant 0 : i32
        %dma_wait3A_57 = tpu.memref_slice %arg8[%add3A_51, %dma_wait3A_56] : memref<320000x128xf32, #tpu.memory_space<hbm>> -> memref<80x128xf32, #tpu.memory_space<hbm>>
        %dma_wait3A_58 = arith.constant 0 : i32
        %dma_wait3A_59 = tpu.memref_slice %arg8[%add3A_51, %dma_wait3A_58] : memref<320000x128xf32, #tpu.memory_space<hbm>> -> memref<80x128xf32, #tpu.memory_space<hbm>>
        tpu.wait_dma2 semaphore(%run_scoped3A : memref<!tpu.dma_semaphore, #tpu.memory_space<semaphore_mem>>) src(%arg13 : memref<80x128xf32, #tpu.memory_space<vmem>>) dst(%dma_wait3A_59 : memref<80x128xf32, #tpu.memory_space<hbm>>)
        tpu.yield
      }) : () -> ()
    }
    %scan3A_7 = arith.constant 125 : i32
    return
  }
}

#map = affine_map<(d0, d1) -> (0, 0)>
#map1 = affine_map<(d0, d1) -> (0)>
module attributes {stable_mosaic.version = 14 : i64} {
  func.func @body(%arg0: i32, %arg1: i32, %arg2: memref<320000x128xf32, #tpu.memory_space<hbm>>, %arg3: memref<320000xi32, #tpu.memory_space<hbm>>, %arg4: memref<10000x128xf32, #tpu.memory_space<hbm>>, %arg5: memref<80xi32, #tpu.memory_space<vmem>>, %arg6: memref<80x128xf32, #tpu.memory_space<vmem>>, %arg7: memref<200x128xf32, #tpu.memory_space<vmem>>, %arg8: memref<5008x128xf32, #tpu.memory_space<vmem_shared>>, %arg9: memref<!tpu.dma_semaphore, #tpu.memory_space<semaphore_mem>>) attributes {dimension_semantics = [#tpu.dimension_semantics<core_parallel>, #tpu.dimension_semantics<subcore_parallel>], iteration_bounds = array<i64: 2, 16>, scalar_prefetch = 0 : i64, scratch_operands = 5 : i64, tpu.core_type = #tpu.core_type<sc_vector_subcore>, window_params = [{transform_indices = #map}, {transform_indices = #map1}, {transform_indices = #map}]} {
    %mul3A = arith.constant 5000 : i32
    %mul3A_0 = arith.muli %arg0, %mul3A : i32
    %scan3A = arith.constant 0 : i32
    %scan3A_1 = arith.constant 0 : i32
    %scan3A_2 = arith.constant 200 : i32
    %scan3A_3 = arith.addi %scan3A_1, %scan3A_2 : i32
    %scan3A_4 = arith.constant 1 : i32
    scf.for %scan3A_20 = %scan3A_1 to %scan3A_3 step %scan3A_4  : i32 {
      %broadcast_in_dim3A = arith.constant 0.000000e+00 : f32
      %broadcast_in_dim3A_21 = vector.broadcast %broadcast_in_dim3A : f32 to vector<16xf32>
      %swap3A = arith.index_cast %scan3A_20 : i32 to index
      %swap3A_22 = arith.constant 0 : index
      %swap3A_23 = tpu.vector_load %arg7[%swap3A, %swap3A_22] {strides = array<i32>} : memref<200x128xf32, #tpu.memory_space<vmem>>, vector<1x16xf32>,
      %swap3A_24 = vector.shape_cast %swap3A_23 : vector<1x16xf32> to vector<16xf32>
      %swap3A_25 = vector.shape_cast %broadcast_in_dim3A_21 : vector<16xf32> to vector<1x16xf32>
      tpu.vector_store %arg7[%swap3A, %swap3A_22], %swap3A_25 {strides = array<i32>} : memref<200x128xf32, #tpu.memory_space<vmem>>, vector<1x16xf32>,
      %broadcast_in_dim3A_26 = arith.constant 0.000000e+00 : f32
      %broadcast_in_dim3A_27 = vector.broadcast %broadcast_in_dim3A_26 : f32 to vector<16xf32>
      %swap3A_28 = arith.index_cast %scan3A_20 : i32 to index
      %swap3A_29 = arith.constant 16 : index
      %swap3A_30 = tpu.vector_load %arg7[%swap3A_28, %swap3A_29] {strides = array<i32>} : memref<200x128xf32, #tpu.memory_space<vmem>>, vector<1x16xf32>,
      %swap3A_31 = vector.shape_cast %swap3A_30 : vector<1x16xf32> to vector<16xf32>
      %swap3A_32 = vector.shape_cast %broadcast_in_dim3A_27 : vector<16xf32> to vector<1x16xf32>
      tpu.vector_store %arg7[%swap3A_28, %swap3A_29], %swap3A_32 {strides = array<i32>} : memref<200x128xf32, #tpu.memory_space<vmem>>, vector<1x16xf32>,
      %broadcast_in_dim3A_33 = arith.constant 0.000000e+00 : f32
      %broadcast_in_dim3A_34 = vector.broadcast %broadcast_in_dim3A_33 : f32 to vector<16xf32>
      %swap3A_35 = arith.index_cast %scan3A_20 : i32 to index
      %swap3A_36 = arith.constant 32 : index
      %swap3A_37 = tpu.vector_load %arg7[%swap3A_35, %swap3A_36] {strides = array<i32>} : memref<200x128xf32, #tpu.memory_space<vmem>>, vector<1x16xf32>,
      %swap3A_38 = vector.shape_cast %swap3A_37 : vector<1x16xf32> to vector<16xf32>
      %swap3A_39 = vector.shape_cast %broadcast_in_dim3A_34 : vector<16xf32> to vector<1x16xf32>
      tpu.vector_store %arg7[%swap3A_35, %swap3A_36], %swap3A_39 {strides = array<i32>} : memref<200x128xf32, #tpu.memory_space<vmem>>, vector<1x16xf32>,
      %broadcast_in_dim3A_40 = arith.constant 0.000000e+00 : f32
      %broadcast_in_dim3A_41 = vector.broadcast %broadcast_in_dim3A_40 : f32 to vector<16xf32>
      %swap3A_42 = arith.index_cast %scan3A_20 : i32 to index
      %swap3A_43 = arith.constant 48 : index
      %swap3A_44 = tpu.vector_load %arg7[%swap3A_42, %swap3A_43] {strides = array<i32>} : memref<200x128xf32, #tpu.memory_space<vmem>>, vector<1x16xf32>,
      %swap3A_45 = vector.shape_cast %swap3A_44 : vector<1x16xf32> to vector<16xf32>
      %swap3A_46 = vector.shape_cast %broadcast_in_dim3A_41 : vector<16xf32> to vector<1x16xf32>
      tpu.vector_store %arg7[%swap3A_42, %swap3A_43], %swap3A_46 {strides = array<i32>} : memref<200x128xf32, #tpu.memory_space<vmem>>, vector<1x16xf32>,
      %broadcast_in_dim3A_47 = arith.constant 0.000000e+00 : f32
      %broadcast_in_dim3A_48 = vector.broadcast %broadcast_in_dim3A_47 : f32 to vector<16xf32>
      %swap3A_49 = arith.index_cast %scan3A_20 : i32 to index
      %swap3A_50 = arith.constant 64 : index
      %swap3A_51 = tpu.vector_load %arg7[%swap3A_49, %swap3A_50] {strides = array<i32>} : memref<200x128xf32, #tpu.memory_space<vmem>>, vector<1x16xf32>,
      %swap3A_52 = vector.shape_cast %swap3A_51 : vector<1x16xf32> to vector<16xf32>
      %swap3A_53 = vector.shape_cast %broadcast_in_dim3A_48 : vector<16xf32> to vector<1x16xf32>
      tpu.vector_store %arg7[%swap3A_49, %swap3A_50], %swap3A_53 {strides = array<i32>} : memref<200x128xf32, #tpu.memory_space<vmem>>, vector<1x16xf32>,
      %broadcast_in_dim3A_54 = arith.constant 0.000000e+00 : f32
      %broadcast_in_dim3A_55 = vector.broadcast %broadcast_in_dim3A_54 : f32 to vector<16xf32>
      %swap3A_56 = arith.index_cast %scan3A_20 : i32 to index
      %swap3A_57 = arith.constant 80 : index
      %swap3A_58 = tpu.vector_load %arg7[%swap3A_56, %swap3A_57] {strides = array<i32>} : memref<200x128xf32, #tpu.memory_space<vmem>>, vector<1x16xf32>,
      %swap3A_59 = vector.shape_cast %swap3A_58 : vector<1x16xf32> to vector<16xf32>
      %swap3A_60 = vector.shape_cast %broadcast_in_dim3A_55 : vector<16xf32> to vector<1x16xf32>
      tpu.vector_store %arg7[%swap3A_56, %swap3A_57], %swap3A_60 {strides = array<i32>} : memref<200x128xf32, #tpu.memory_space<vmem>>, vector<1x16xf32>,
      %broadcast_in_dim3A_61 = arith.constant 0.000000e+00 : f32
      %broadcast_in_dim3A_62 = vector.broadcast %broadcast_in_dim3A_61 : f32 to vector<16xf32>
      %swap3A_63 = arith.index_cast %scan3A_20 : i32 to index
      %swap3A_64 = arith.constant 96 : index
      %swap3A_65 = tpu.vector_load %arg7[%swap3A_63, %swap3A_64] {strides = array<i32>} : memref<200x128xf32, #tpu.memory_space<vmem>>, vector<1x16xf32>,
      %swap3A_66 = vector.shape_cast %swap3A_65 : vector<1x16xf32> to vector<16xf32>
      %swap3A_67 = vector.shape_cast %broadcast_in_dim3A_62 : vector<16xf32> to vector<1x16xf32>
      tpu.vector_store %arg7[%swap3A_63, %swap3A_64], %swap3A_67 {strides = array<i32>} : memref<200x128xf32, #tpu.memory_space<vmem>>, vector<1x16xf32>,
      %broadcast_in_dim3A_68 = arith.constant 0.000000e+00 : f32
      %broadcast_in_dim3A_69 = vector.broadcast %broadcast_in_dim3A_68 : f32 to vector<16xf32>
      %swap3A_70 = arith.index_cast %scan3A_20 : i32 to index
      %swap3A_71 = arith.constant 112 : index
      %swap3A_72 = tpu.vector_load %arg7[%swap3A_70, %swap3A_71] {strides = array<i32>} : memref<200x128xf32, #tpu.memory_space<vmem>>, vector<1x16xf32>,
      %swap3A_73 = vector.shape_cast %swap3A_72 : vector<1x16xf32> to vector<16xf32>
      %swap3A_74 = vector.shape_cast %broadcast_in_dim3A_69 : vector<16xf32> to vector<1x16xf32>
      tpu.vector_store %arg7[%swap3A_70, %swap3A_71], %swap3A_74 {strides = array<i32>} : memref<200x128xf32, #tpu.memory_space<vmem>>, vector<1x16xf32>,
    }
    %scan3A_5 = arith.constant 200 : i32
    %lt3A = arith.constant 5 : i32
    %lt3A_6 = arith.cmpi slt, %arg1, %lt3A : i32
    %convert_element_type3A = arith.extui %lt3A_6 : i1 to i32
    %cond3A = arith.constant 0 : i32
    %cond3A_7 = arith.cmpi ne, %convert_element_type3A, %cond3A : i32
    scf.if %cond3A_7 {
      %scan3A_20 = arith.constant 0 : i32
      %scan3A_21 = arith.constant 0 : i32
      %scan3A_22 = arith.constant 5 : i32
      %scan3A_23 = arith.addi %scan3A_21, %scan3A_22 : i32
      %scan3A_24 = arith.constant 1 : i32
      scf.for %scan3A_26 = %scan3A_21 to %scan3A_23 step %scan3A_24  : i32 {
        %mul3A_27 = arith.constant 1000 : i32
        %mul3A_28 = arith.muli %arg1, %mul3A_27 : i32
        %mul3A_29 = arith.constant 200 : i32
        %mul3A_30 = arith.muli %scan3A_26, %mul3A_29 : i32
        %add3A = arith.addi %mul3A_28, %mul3A_30 : i32
        "tpu.region"() ({
          %run_scoped3A = tpu.sem_alloc : memref<!tpu.dma_semaphore, #tpu.memory_space<semaphore_mem>>
          %dma_start3A = arith.constant 0 : i32
          %dma_start3A_31 = tpu.memref_slice %arg8[%add3A, %dma_start3A] : memref<5008x128xf32, #tpu.memory_space<vmem_shared>> -> memref<200x128xf32, #tpu.memory_space<vmem_shared>>
          %dma_start3A_32 = arith.constant 0 : i32
          %dma_start3A_33 = tpu.memref_slice %arg8[%add3A, %dma_start3A_32] : memref<5008x128xf32, #tpu.memory_space<vmem_shared>> -> memref<200x128xf32, #tpu.memory_space<vmem_shared>>
          tpu.enqueue_dma source(%arg7 : memref<200x128xf32, #tpu.memory_space<vmem>>) target(%dma_start3A_33 : memref<200x128xf32, #tpu.memory_space<vmem_shared>>) target_semaphore(%run_scoped3A : memref<!tpu.dma_semaphore, #tpu.memory_space<semaphore_mem>>)
          %dma_wait3A = arith.constant 0 : i32
          %dma_wait3A_34 = tpu.memref_slice %arg8[%add3A, %dma_wait3A] : memref<5008x128xf32, #tpu.memory_space<vmem_shared>> -> memref<200x128xf32, #tpu.memory_space<vmem_shared>>
          %dma_wait3A_35 = arith.constant 0 : i32
          %dma_wait3A_36 = tpu.memref_slice %arg8[%add3A, %dma_wait3A_35] : memref<5008x128xf32, #tpu.memory_space<vmem_shared>> -> memref<200x128xf32, #tpu.memory_space<vmem_shared>>
          tpu.wait_dma2 semaphore(%run_scoped3A : memref<!tpu.dma_semaphore, #tpu.memory_space<semaphore_mem>>) src(%arg7 : memref<200x128xf32, #tpu.memory_space<vmem>>) dst(%dma_wait3A_36 : memref<200x128xf32, #tpu.memory_space<vmem_shared>>)
          tpu.yield
        }) : () -> ()
      }
      %scan3A_25 = arith.constant 5 : i32
    } else {
    }
    %barrier3A = arith.constant 0 : index
    tpu.barrier barrier_id(%barrier3A)
    %scan3A_8 = arith.constant 0 : i32
    %scan3A_9 = arith.constant 0 : i32
    %scan3A_10 = arith.constant 250 : i32
    %scan3A_11 = arith.addi %scan3A_9, %scan3A_10 : i32
    %scan3A_12 = arith.constant 1 : i32
    scf.for %scan3A_20 = %scan3A_9 to %scan3A_11 step %scan3A_12  : i32 {
      %mul3A_21 = arith.constant 20000 : i32
      %mul3A_22 = arith.muli %arg1, %mul3A_21 : i32
      %mul3A_23 = arith.constant 80 : i32
      %mul3A_24 = arith.muli %scan3A_20, %mul3A_23 : i32
      %add3A = arith.addi %mul3A_22, %mul3A_24 : i32
      "tpu.region"() ({
        %run_scoped3A = tpu.sem_alloc : memref<!tpu.dma_semaphore, #tpu.memory_space<semaphore_mem>>
        %dma_start3A = tpu.memref_slice %arg3[%add3A] : memref<320000xi32, #tpu.memory_space<hbm>> -> memref<80xi32, #tpu.memory_space<hbm>>
        %dma_start3A_112 = tpu.memref_slice %arg3[%add3A] : memref<320000xi32, #tpu.memory_space<hbm>> -> memref<80xi32, #tpu.memory_space<hbm>>
        tpu.enqueue_dma source(%dma_start3A_112 : memref<80xi32, #tpu.memory_space<hbm>>) target(%arg5 : memref<80xi32, #tpu.memory_space<vmem>>) target_semaphore(%run_scoped3A : memref<!tpu.dma_semaphore, #tpu.memory_space<semaphore_mem>>)
        %dma_wait3A = tpu.memref_slice %arg3[%add3A] : memref<320000xi32, #tpu.memory_space<hbm>> -> memref<80xi32, #tpu.memory_space<hbm>>
        %dma_wait3A_113 = tpu.memref_slice %arg3[%add3A] : memref<320000xi32, #tpu.memory_space<hbm>> -> memref<80xi32, #tpu.memory_space<hbm>>
        tpu.wait_dma2 semaphore(%run_scoped3A : memref<!tpu.dma_semaphore, #tpu.memory_space<semaphore_mem>>) src(%dma_wait3A_113 : memref<80xi32, #tpu.memory_space<hbm>>) dst(%arg5 : memref<80xi32, #tpu.memory_space<vmem>>)
        tpu.yield
      }) : () -> ()
      "tpu.region"() ({
        %run_scoped3A = tpu.sem_alloc : memref<!tpu.dma_semaphore, #tpu.memory_space<semaphore_mem>>
        %dma_start3A = arith.constant 0 : i32
        %dma_start3A_112 = tpu.memref_slice %arg2[%add3A, %dma_start3A] : memref<320000x128xf32, #tpu.memory_space<hbm>> -> memref<80x128xf32, #tpu.memory_space<hbm>>
        %dma_start3A_113 = arith.constant 0 : i32
        %dma_start3A_114 = tpu.memref_slice %arg2[%add3A, %dma_start3A_113] : memref<320000x128xf32, #tpu.memory_space<hbm>> -> memref<80x128xf32, #tpu.memory_space<hbm>>
        tpu.enqueue_dma source(%dma_start3A_114 : memref<80x128xf32, #tpu.memory_space<hbm>>) target(%arg6 : memref<80x128xf32, #tpu.memory_space<vmem>>) target_semaphore(%run_scoped3A : memref<!tpu.dma_semaphore, #tpu.memory_space<semaphore_mem>>)
        %dma_wait3A = arith.constant 0 : i32
        %dma_wait3A_115 = tpu.memref_slice %arg2[%add3A, %dma_wait3A] : memref<320000x128xf32, #tpu.memory_space<hbm>> -> memref<80x128xf32, #tpu.memory_space<hbm>>
        %dma_wait3A_116 = arith.constant 0 : i32
        %dma_wait3A_117 = tpu.memref_slice %arg2[%add3A, %dma_wait3A_116] : memref<320000x128xf32, #tpu.memory_space<hbm>> -> memref<80x128xf32, #tpu.memory_space<hbm>>
        tpu.wait_dma2 semaphore(%run_scoped3A : memref<!tpu.dma_semaphore, #tpu.memory_space<semaphore_mem>>) src(%dma_wait3A_117 : memref<80x128xf32, #tpu.memory_space<hbm>>) dst(%arg6 : memref<80x128xf32, #tpu.memory_space<vmem>>)
        tpu.yield
      }) : () -> ()
      %get3A = arith.constant 0 : index
      %get3A_25 = tpu.vector_load %arg5[%get3A] {strides = array<i32>} : memref<80xi32, #tpu.memory_space<vmem>>, vector<16xi32>,
      %get3A_26 = vector.shape_cast %get3A_25 : vector<16xi32> to vector<16xi32>
      %sub3A = vector.broadcast %mul3A_0 : i32 to vector<16xi32>
      %sub3A_27 = arith.subi %get3A_26, %sub3A : vector<16xi32>
      %ge3A = arith.constant 0 : i32
      %ge3A_28 = vector.broadcast %ge3A : i32 to vector<16xi32>
      %ge3A_29 = arith.cmpi sge, %sub3A_27, %ge3A_28 : vector<16xi32>
      %lt3A_30 = arith.constant 5000 : i32
      %lt3A_31 = vector.broadcast %lt3A_30 : i32 to vector<16xi32>
      %lt3A_32 = arith.cmpi slt, %sub3A_27, %lt3A_31 : vector<16xi32>
      %and3A = arith.andi %ge3A_29, %lt3A_32 : vector<16xi1>
      %jit3A = arith.constant 5000 : i32
      %broadcast_in_dim3A = vector.broadcast %jit3A : i32 to vector<16xi32>
      %select_n3A = arith.select %and3A, %sub3A_27, %broadcast_in_dim3A : vector<16xi1>, vector<16xi32>
      %swap3A = arith.constant 0 : index
      %swap3A_33 = tpu.vector_load %arg5[%swap3A] {strides = array<i32>} : memref<80xi32, #tpu.memory_space<vmem>>, vector<16xi32>,
      %swap3A_34 = vector.shape_cast %swap3A_33 : vector<16xi32> to vector<16xi32>
      %swap3A_35 = vector.shape_cast %select_n3A : vector<16xi32> to vector<16xi32>
      tpu.vector_store %arg5[%swap3A], %swap3A_35 {strides = array<i32>} : memref<80xi32, #tpu.memory_space<vmem>>, vector<16xi32>,
      %get3A_36 = arith.constant 16 : index
      %get3A_37 = tpu.vector_load %arg5[%get3A_36] {strides = array<i32>} : memref<80xi32, #tpu.memory_space<vmem>>, vector<16xi32>,
      %get3A_38 = vector.shape_cast %get3A_37 : vector<16xi32> to vector<16xi32>
      %sub3A_39 = vector.broadcast %mul3A_0 : i32 to vector<16xi32>
      %sub3A_40 = arith.subi %get3A_38, %sub3A_39 : vector<16xi32>
      %ge3A_41 = arith.constant 0 : i32
      %ge3A_42 = vector.broadcast %ge3A_41 : i32 to vector<16xi32>
      %ge3A_43 = arith.cmpi sge, %sub3A_40, %ge3A_42 : vector<16xi32>
      %lt3A_44 = arith.constant 5000 : i32
      %lt3A_45 = vector.broadcast %lt3A_44 : i32 to vector<16xi32>
      %lt3A_46 = arith.cmpi slt, %sub3A_40, %lt3A_45 : vector<16xi32>
      %and3A_47 = arith.andi %ge3A_43, %lt3A_46 : vector<16xi1>
      %jit3A_48 = arith.constant 5000 : i32
      %broadcast_in_dim3A_49 = vector.broadcast %jit3A_48 : i32 to vector<16xi32>
      %select_n3A_50 = arith.select %and3A_47, %sub3A_40, %broadcast_in_dim3A_49 : vector<16xi1>, vector<16xi32>
      %swap3A_51 = arith.constant 16 : index
      %swap3A_52 = tpu.vector_load %arg5[%swap3A_51] {strides = array<i32>} : memref<80xi32, #tpu.memory_space<vmem>>, vector<16xi32>,
      %swap3A_53 = vector.shape_cast %swap3A_52 : vector<16xi32> to vector<16xi32>
      %swap3A_54 = vector.shape_cast %select_n3A_50 : vector<16xi32> to vector<16xi32>
      tpu.vector_store %arg5[%swap3A_51], %swap3A_54 {strides = array<i32>} : memref<80xi32, #tpu.memory_space<vmem>>, vector<16xi32>,
      %get3A_55 = arith.constant 32 : index
      %get3A_56 = tpu.vector_load %arg5[%get3A_55] {strides = array<i32>} : memref<80xi32, #tpu.memory_space<vmem>>, vector<16xi32>,
      %get3A_57 = vector.shape_cast %get3A_56 : vector<16xi32> to vector<16xi32>
      %sub3A_58 = vector.broadcast %mul3A_0 : i32 to vector<16xi32>
      %sub3A_59 = arith.subi %get3A_57, %sub3A_58 : vector<16xi32>
      %ge3A_60 = arith.constant 0 : i32
      %ge3A_61 = vector.broadcast %ge3A_60 : i32 to vector<16xi32>
      %ge3A_62 = arith.cmpi sge, %sub3A_59, %ge3A_61 : vector<16xi32>
      %lt3A_63 = arith.constant 5000 : i32
      %lt3A_64 = vector.broadcast %lt3A_63 : i32 to vector<16xi32>
      %lt3A_65 = arith.cmpi slt, %sub3A_59, %lt3A_64 : vector<16xi32>
      %and3A_66 = arith.andi %ge3A_62, %lt3A_65 : vector<16xi1>
      %jit3A_67 = arith.constant 5000 : i32
      %broadcast_in_dim3A_68 = vector.broadcast %jit3A_67 : i32 to vector<16xi32>
      %select_n3A_69 = arith.select %and3A_66, %sub3A_59, %broadcast_in_dim3A_68 : vector<16xi1>, vector<16xi32>
      %swap3A_70 = arith.constant 32 : index
      %swap3A_71 = tpu.vector_load %arg5[%swap3A_70] {strides = array<i32>} : memref<80xi32, #tpu.memory_space<vmem>>, vector<16xi32>,
      %swap3A_72 = vector.shape_cast %swap3A_71 : vector<16xi32> to vector<16xi32>
      %swap3A_73 = vector.shape_cast %select_n3A_69 : vector<16xi32> to vector<16xi32>
      tpu.vector_store %arg5[%swap3A_70], %swap3A_73 {strides = array<i32>} : memref<80xi32, #tpu.memory_space<vmem>>, vector<16xi32>,
      %get3A_74 = arith.constant 48 : index
      %get3A_75 = tpu.vector_load %arg5[%get3A_74] {strides = array<i32>} : memref<80xi32, #tpu.memory_space<vmem>>, vector<16xi32>,
      %get3A_76 = vector.shape_cast %get3A_75 : vector<16xi32> to vector<16xi32>
      %sub3A_77 = vector.broadcast %mul3A_0 : i32 to vector<16xi32>
      %sub3A_78 = arith.subi %get3A_76, %sub3A_77 : vector<16xi32>
      %ge3A_79 = arith.constant 0 : i32
      %ge3A_80 = vector.broadcast %ge3A_79 : i32 to vector<16xi32>
      %ge3A_81 = arith.cmpi sge, %sub3A_78, %ge3A_80 : vector<16xi32>
      %lt3A_82 = arith.constant 5000 : i32
      %lt3A_83 = vector.broadcast %lt3A_82 : i32 to vector<16xi32>
      %lt3A_84 = arith.cmpi slt, %sub3A_78, %lt3A_83 : vector<16xi32>
      %and3A_85 = arith.andi %ge3A_81, %lt3A_84 : vector<16xi1>
      %jit3A_86 = arith.constant 5000 : i32
      %broadcast_in_dim3A_87 = vector.broadcast %jit3A_86 : i32 to vector<16xi32>
      %select_n3A_88 = arith.select %and3A_85, %sub3A_78, %broadcast_in_dim3A_87 : vector<16xi1>, vector<16xi32>
      %swap3A_89 = arith.constant 48 : index
      %swap3A_90 = tpu.vector_load %arg5[%swap3A_89] {strides = array<i32>} : memref<80xi32, #tpu.memory_space<vmem>>, vector<16xi32>,
      %swap3A_91 = vector.shape_cast %swap3A_90 : vector<16xi32> to vector<16xi32>
      %swap3A_92 = vector.shape_cast %select_n3A_88 : vector<16xi32> to vector<16xi32>
      tpu.vector_store %arg5[%swap3A_89], %swap3A_92 {strides = array<i32>} : memref<80xi32, #tpu.memory_space<vmem>>, vector<16xi32>,
      %get3A_93 = arith.constant 64 : index
      %get3A_94 = tpu.vector_load %arg5[%get3A_93] {strides = array<i32>} : memref<80xi32, #tpu.memory_space<vmem>>, vector<16xi32>,
      %get3A_95 = vector.shape_cast %get3A_94 : vector<16xi32> to vector<16xi32>
      %sub3A_96 = vector.broadcast %mul3A_0 : i32 to vector<16xi32>
      %sub3A_97 = arith.subi %get3A_95, %sub3A_96 : vector<16xi32>
      %ge3A_98 = arith.constant 0 : i32
      %ge3A_99 = vector.broadcast %ge3A_98 : i32 to vector<16xi32>
      %ge3A_100 = arith.cmpi sge, %sub3A_97, %ge3A_99 : vector<16xi32>
      %lt3A_101 = arith.constant 5000 : i32
      %lt3A_102 = vector.broadcast %lt3A_101 : i32 to vector<16xi32>
      %lt3A_103 = arith.cmpi slt, %sub3A_97, %lt3A_102 : vector<16xi32>
      %and3A_104 = arith.andi %ge3A_100, %lt3A_103 : vector<16xi1>
      %jit3A_105 = arith.constant 5000 : i32
      %broadcast_in_dim3A_106 = vector.broadcast %jit3A_105 : i32 to vector<16xi32>
      %select_n3A_107 = arith.select %and3A_104, %sub3A_97, %broadcast_in_dim3A_106 : vector<16xi1>, vector<16xi32>
      %swap3A_108 = arith.constant 64 : index
      %swap3A_109 = tpu.vector_load %arg5[%swap3A_108] {strides = array<i32>} : memref<80xi32, #tpu.memory_space<vmem>>, vector<16xi32>,
      %swap3A_110 = vector.shape_cast %swap3A_109 : vector<16xi32> to vector<16xi32>
      %swap3A_111 = vector.shape_cast %select_n3A_107 : vector<16xi32> to vector<16xi32>
      tpu.vector_store %arg5[%swap3A_108], %swap3A_111 {strides = array<i32>} : memref<80xi32, #tpu.memory_space<vmem>>, vector<16xi32>,
      "tpu.region"() ({
        %run_scoped3A = tpu.sem_alloc : memref<!tpu.dma_semaphore, #tpu.memory_space<semaphore_mem>>
        %dma_start3A = arith.constant 0 : i32
        %dma_start3A_112 = arith.constant 0 : i32
        %dma_start3A_113 = tpu.memref_slice %arg8[%dma_start3A, %dma_start3A_112] : memref<5008x128xf32, #tpu.memory_space<vmem_shared>> -> memref<5008x128xf32, #tpu.memory_space<vmem_shared>>
        tpu.enqueue_indirect_dma source(%arg6 : memref<80x128xf32, #tpu.memory_space<vmem>>) target(%dma_start3A_113 : memref<5008x128xf32, #tpu.memory_space<vmem_shared>>) offsets(%arg5 : memref<80xi32, #tpu.memory_space<vmem>>) semaphore(%run_scoped3A : memref<!tpu.dma_semaphore, #tpu.memory_space<semaphore_mem>>) {add = true}
        %dma_wait3A = arith.constant 0 : i32
        %dma_wait3A_114 = arith.constant 0 : i32
        %dma_wait3A_115 = tpu.memref_slice %arg8[%dma_wait3A, %dma_wait3A_114] : memref<5008x128xf32, #tpu.memory_space<vmem_shared>> -> memref<5008x128xf32, #tpu.memory_space<vmem_shared>>
        tpu.wait_indirect_dma semaphore(%run_scoped3A : memref<!tpu.dma_semaphore, #tpu.memory_space<semaphore_mem>>) src(%arg6 : memref<80x128xf32, #tpu.memory_space<vmem>>) dst(%dma_wait3A_115 : memref<5008x128xf32, #tpu.memory_space<vmem_shared>>)
        tpu.yield
      }) : () -> ()
    }
    %scan3A_13 = arith.constant 250 : i32
    %barrier3A_14 = arith.constant 0 : index
    tpu.barrier barrier_id(%barrier3A_14)
    %lt3A_15 = arith.constant 5 : i32
    %lt3A_16 = arith.cmpi slt, %arg1, %lt3A_15 : i32
    %convert_element_type3A_17 = arith.extui %lt3A_16 : i1 to i32
    %cond3A_18 = arith.constant 0 : i32
    %cond3A_19 = arith.cmpi ne, %convert_element_type3A_17, %cond3A_18 : i32
    scf.if %cond3A_19 {
      %mul3A_20 = arith.constant 1000 : i32
      %mul3A_21 = arith.muli %arg1, %mul3A_20 : i32
      %add3A = arith.addi %mul3A_0, %mul3A_21 : i32
      "tpu.region"() ({
        %run_scoped3A = tpu.sem_alloc : memref<!tpu.dma_semaphore, #tpu.memory_space<semaphore_mem>>
        %dma_start3A = arith.constant 0 : i32
        %dma_start3A_22 = tpu.memref_slice %arg4[%add3A, %dma_start3A] : memref<10000x128xf32, #tpu.memory_space<hbm>> -> memref<1000x128xf32, #tpu.memory_space<hbm>>
        %dma_start3A_23 = arith.constant 0 : i32
        %dma_start3A_24 = tpu.memref_slice %arg8[%mul3A_21, %dma_start3A_23] : memref<5008x128xf32, #tpu.memory_space<vmem_shared>> -> memref<1000x128xf32, #tpu.memory_space<vmem_shared>>
        tpu.enqueue_dma source(%dma_start3A_24 : memref<1000x128xf32, #tpu.memory_space<vmem_shared>>) target(%dma_start3A_22 : memref<1000x128xf32, #tpu.memory_space<hbm>>) target_semaphore(%run_scoped3A : memref<!tpu.dma_semaphore, #tpu.memory_space<semaphore_mem>>)
        %dma_wait3A = arith.constant 0 : i32
        %dma_wait3A_25 = tpu.memref_slice %arg4[%add3A, %dma_wait3A] : memref<10000x128xf32, #tpu.memory_space<hbm>> -> memref<1000x128xf32, #tpu.memory_space<hbm>>
        %dma_wait3A_26 = arith.constant 0 : i32
        %dma_wait3A_27 = tpu.memref_slice %arg8[%mul3A_21, %dma_wait3A_26] : memref<5008x128xf32, #tpu.memory_space<vmem_shared>> -> memref<1000x128xf32, #tpu.memory_space<vmem_shared>>
        tpu.wait_dma2 semaphore(%run_scoped3A : memref<!tpu.dma_semaphore, #tpu.memory_space<semaphore_mem>>) src(%dma_wait3A_27 : memref<1000x128xf32, #tpu.memory_space<vmem_shared>>) dst(%dma_wait3A_25 : memref<1000x128xf32, #tpu.memory_space<hbm>>)
        tpu.yield
      }) : () -> ()
    } else {
    }
    return
  }
}

#map = affine_map<(d0, d1) -> (0, 0)>
#map1 = affine_map<(d0, d1) -> (0)>
module attributes {stable_mosaic.version = 14 : i64} {
  func.func @body(%arg0: i32, %arg1: i32, %arg2: memref<320000x128xf32, #tpu.memory_space<hbm>>, %arg3: memref<320000xi32, #tpu.memory_space<hbm>>, %arg4: memref<10000x128xf32, #tpu.memory_space<hbm>>, %arg5: memref<80xi32, #tpu.memory_space<vmem>>, %arg6: memref<80x128xf32, #tpu.memory_space<vmem>>, %arg7: memref<200x128xf32, #tpu.memory_space<vmem>>, %arg8: memref<5008x128xf32, #tpu.memory_space<vmem_shared>>, %arg9: memref<!tpu.dma_semaphore, #tpu.memory_space<semaphore_mem>>) attributes {dimension_semantics = [#tpu.dimension_semantics<core_parallel>, #tpu.dimension_semantics<subcore_parallel>], iteration_bounds = array<i64: 2, 16>, scalar_prefetch = 0 : i64, scratch_operands = 5 : i64, tpu.core_type = #tpu.core_type<sc_vector_subcore>, window_params = [{transform_indices = #map}, {transform_indices = #map1}, {transform_indices = #map}]} {
    %mul3A = arith.constant 5000 : i32
    %mul3A_0 = arith.muli %arg0, %mul3A : i32
    %scan3A = arith.constant 0 : i32
    %scan3A_1 = arith.constant 0 : i32
    %scan3A_2 = arith.constant 200 : i32
    %scan3A_3 = arith.addi %scan3A_1, %scan3A_2 : i32
    %scan3A_4 = arith.constant 1 : i32
    scf.for %scan3A_20 = %scan3A_1 to %scan3A_3 step %scan3A_4  : i32 {
      %broadcast_in_dim3A = arith.constant 0.000000e+00 : f32
      %broadcast_in_dim3A_21 = vector.broadcast %broadcast_in_dim3A : f32 to vector<16xf32>
      %swap3A = arith.index_cast %scan3A_20 : i32 to index
      %swap3A_22 = arith.constant 0 : index
      %swap3A_23 = tpu.vector_load %arg7[%swap3A, %swap3A_22] {strides = array<i32>} : memref<200x128xf32, #tpu.memory_space<vmem>>, vector<1x16xf32>,
      %swap3A_24 = vector.shape_cast %swap3A_23 : vector<1x16xf32> to vector<16xf32>
      %swap3A_25 = vector.shape_cast %broadcast_in_dim3A_21 : vector<16xf32> to vector<1x16xf32>
      tpu.vector_store %arg7[%swap3A, %swap3A_22], %swap3A_25 {strides = array<i32>} : memref<200x128xf32, #tpu.memory_space<vmem>>, vector<1x16xf32>,
      %broadcast_in_dim3A_26 = arith.constant 0.000000e+00 : f32
      %broadcast_in_dim3A_27 = vector.broadcast %broadcast_in_dim3A_26 : f32 to vector<16xf32>
      %swap3A_28 = arith.index_cast %scan3A_20 : i32 to index
      %swap3A_29 = arith.constant 16 : index
      %swap3A_30 = tpu.vector_load %arg7[%swap3A_28, %swap3A_29] {strides = array<i32>} : memref<200x128xf32, #tpu.memory_space<vmem>>, vector<1x16xf32>,
      %swap3A_31 = vector.shape_cast %swap3A_30 : vector<1x16xf32> to vector<16xf32>
      %swap3A_32 = vector.shape_cast %broadcast_in_dim3A_27 : vector<16xf32> to vector<1x16xf32>
      tpu.vector_store %arg7[%swap3A_28, %swap3A_29], %swap3A_32 {strides = array<i32>} : memref<200x128xf32, #tpu.memory_space<vmem>>, vector<1x16xf32>,
      %broadcast_in_dim3A_33 = arith.constant 0.000000e+00 : f32
      %broadcast_in_dim3A_34 = vector.broadcast %broadcast_in_dim3A_33 : f32 to vector<16xf32>
      %swap3A_35 = arith.index_cast %scan3A_20 : i32 to index
      %swap3A_36 = arith.constant 32 : index
      %swap3A_37 = tpu.vector_load %arg7[%swap3A_35, %swap3A_36] {strides = array<i32>} : memref<200x128xf32, #tpu.memory_space<vmem>>, vector<1x16xf32>,
      %swap3A_38 = vector.shape_cast %swap3A_37 : vector<1x16xf32> to vector<16xf32>
      %swap3A_39 = vector.shape_cast %broadcast_in_dim3A_34 : vector<16xf32> to vector<1x16xf32>
      tpu.vector_store %arg7[%swap3A_35, %swap3A_36], %swap3A_39 {strides = array<i32>} : memref<200x128xf32, #tpu.memory_space<vmem>>, vector<1x16xf32>,
      %broadcast_in_dim3A_40 = arith.constant 0.000000e+00 : f32
      %broadcast_in_dim3A_41 = vector.broadcast %broadcast_in_dim3A_40 : f32 to vector<16xf32>
      %swap3A_42 = arith.index_cast %scan3A_20 : i32 to index
      %swap3A_43 = arith.constant 48 : index
      %swap3A_44 = tpu.vector_load %arg7[%swap3A_42, %swap3A_43] {strides = array<i32>} : memref<200x128xf32, #tpu.memory_space<vmem>>, vector<1x16xf32>,
      %swap3A_45 = vector.shape_cast %swap3A_44 : vector<1x16xf32> to vector<16xf32>
      %swap3A_46 = vector.shape_cast %broadcast_in_dim3A_41 : vector<16xf32> to vector<1x16xf32>
      tpu.vector_store %arg7[%swap3A_42, %swap3A_43], %swap3A_46 {strides = array<i32>} : memref<200x128xf32, #tpu.memory_space<vmem>>, vector<1x16xf32>,
      %broadcast_in_dim3A_47 = arith.constant 0.000000e+00 : f32
      %broadcast_in_dim3A_48 = vector.broadcast %broadcast_in_dim3A_47 : f32 to vector<16xf32>
      %swap3A_49 = arith.index_cast %scan3A_20 : i32 to index
      %swap3A_50 = arith.constant 64 : index
      %swap3A_51 = tpu.vector_load %arg7[%swap3A_49, %swap3A_50] {strides = array<i32>} : memref<200x128xf32, #tpu.memory_space<vmem>>, vector<1x16xf32>,
      %swap3A_52 = vector.shape_cast %swap3A_51 : vector<1x16xf32> to vector<16xf32>
      %swap3A_53 = vector.shape_cast %broadcast_in_dim3A_48 : vector<16xf32> to vector<1x16xf32>
      tpu.vector_store %arg7[%swap3A_49, %swap3A_50], %swap3A_53 {strides = array<i32>} : memref<200x128xf32, #tpu.memory_space<vmem>>, vector<1x16xf32>,
      %broadcast_in_dim3A_54 = arith.constant 0.000000e+00 : f32
      %broadcast_in_dim3A_55 = vector.broadcast %broadcast_in_dim3A_54 : f32 to vector<16xf32>
      %swap3A_56 = arith.index_cast %scan3A_20 : i32 to index
      %swap3A_57 = arith.constant 80 : index
      %swap3A_58 = tpu.vector_load %arg7[%swap3A_56, %swap3A_57] {strides = array<i32>} : memref<200x128xf32, #tpu.memory_space<vmem>>, vector<1x16xf32>,
      %swap3A_59 = vector.shape_cast %swap3A_58 : vector<1x16xf32> to vector<16xf32>
      %swap3A_60 = vector.shape_cast %broadcast_in_dim3A_55 : vector<16xf32> to vector<1x16xf32>
      tpu.vector_store %arg7[%swap3A_56, %swap3A_57], %swap3A_60 {strides = array<i32>} : memref<200x128xf32, #tpu.memory_space<vmem>>, vector<1x16xf32>,
      %broadcast_in_dim3A_61 = arith.constant 0.000000e+00 : f32
      %broadcast_in_dim3A_62 = vector.broadcast %broadcast_in_dim3A_61 : f32 to vector<16xf32>
      %swap3A_63 = arith.index_cast %scan3A_20 : i32 to index
      %swap3A_64 = arith.constant 96 : index
      %swap3A_65 = tpu.vector_load %arg7[%swap3A_63, %swap3A_64] {strides = array<i32>} : memref<200x128xf32, #tpu.memory_space<vmem>>, vector<1x16xf32>,
      %swap3A_66 = vector.shape_cast %swap3A_65 : vector<1x16xf32> to vector<16xf32>
      %swap3A_67 = vector.shape_cast %broadcast_in_dim3A_62 : vector<16xf32> to vector<1x16xf32>
      tpu.vector_store %arg7[%swap3A_63, %swap3A_64], %swap3A_67 {strides = array<i32>} : memref<200x128xf32, #tpu.memory_space<vmem>>, vector<1x16xf32>,
      %broadcast_in_dim3A_68 = arith.constant 0.000000e+00 : f32
      %broadcast_in_dim3A_69 = vector.broadcast %broadcast_in_dim3A_68 : f32 to vector<16xf32>
      %swap3A_70 = arith.index_cast %scan3A_20 : i32 to index
      %swap3A_71 = arith.constant 112 : index
      %swap3A_72 = tpu.vector_load %arg7[%swap3A_70, %swap3A_71] {strides = array<i32>} : memref<200x128xf32, #tpu.memory_space<vmem>>, vector<1x16xf32>,
      %swap3A_73 = vector.shape_cast %swap3A_72 : vector<1x16xf32> to vector<16xf32>
      %swap3A_74 = vector.shape_cast %broadcast_in_dim3A_69 : vector<16xf32> to vector<1x16xf32>
      tpu.vector_store %arg7[%swap3A_70, %swap3A_71], %swap3A_74 {strides = array<i32>} : memref<200x128xf32, #tpu.memory_space<vmem>>, vector<1x16xf32>,
    }
    %scan3A_5 = arith.constant 200 : i32
    %lt3A = arith.constant 5 : i32
    %lt3A_6 = arith.cmpi slt, %arg1, %lt3A : i32
    %convert_element_type3A = arith.extui %lt3A_6 : i1 to i32
    %cond3A = arith.constant 0 : i32
    %cond3A_7 = arith.cmpi ne, %convert_element_type3A, %cond3A : i32
    scf.if %cond3A_7 {
      %scan3A_20 = arith.constant 0 : i32
      %scan3A_21 = arith.constant 0 : i32
      %scan3A_22 = arith.constant 5 : i32
      %scan3A_23 = arith.addi %scan3A_21, %scan3A_22 : i32
      %scan3A_24 = arith.constant 1 : i32
      scf.for %scan3A_26 = %scan3A_21 to %scan3A_23 step %scan3A_24  : i32 {
        %mul3A_27 = arith.constant 1000 : i32
        %mul3A_28 = arith.muli %arg1, %mul3A_27 : i32
        %mul3A_29 = arith.constant 200 : i32
        %mul3A_30 = arith.muli %scan3A_26, %mul3A_29 : i32
        %add3A = arith.addi %mul3A_28, %mul3A_30 : i32
        "tpu.region"() ({
          %run_scoped3A = tpu.sem_alloc : memref<!tpu.dma_semaphore, #tpu.memory_space<semaphore_mem>>
          %dma_start3A = arith.constant 0 : i32
          %dma_start3A_31 = tpu.memref_slice %arg8[%add3A, %dma_start3A] : memref<5008x128xf32, #tpu.memory_space<vmem_shared>> -> memref<200x128xf32, #tpu.memory_space<vmem_shared>>
          %dma_start3A_32 = arith.constant 0 : i32
          %dma_start3A_33 = tpu.memref_slice %arg8[%add3A, %dma_start3A_32] : memref<5008x128xf32, #tpu.memory_space<vmem_shared>> -> memref<200x128xf32, #tpu.memory_space<vmem_shared>>
          tpu.enqueue_dma source(%arg7 : memref<200x128xf32, #tpu.memory_space<vmem>>) target(%dma_start3A_33 : memref<200x128xf32, #tpu.memory_space<vmem_shared>>) target_semaphore(%run_scoped3A : memref<!tpu.dma_semaphore, #tpu.memory_space<semaphore_mem>>)
          %dma_wait3A = arith.constant 0 : i32
          %dma_wait3A_34 = tpu.memref_slice %arg8[%add3A, %dma_wait3A] : memref<5008x128xf32, #tpu.memory_space<vmem_shared>> -> memref<200x128xf32, #tpu.memory_space<vmem_shared>>
          %dma_wait3A_35 = arith.constant 0 : i32
          %dma_wait3A_36 = tpu.memref_slice %arg8[%add3A, %dma_wait3A_35] : memref<5008x128xf32, #tpu.memory_space<vmem_shared>> -> memref<200x128xf32, #tpu.memory_space<vmem_shared>>
          tpu.wait_dma2 semaphore(%run_scoped3A : memref<!tpu.dma_semaphore, #tpu.memory_space<semaphore_mem>>) src(%arg7 : memref<200x128xf32, #tpu.memory_space<vmem>>) dst(%dma_wait3A_36 : memref<200x128xf32, #tpu.memory_space<vmem_shared>>)
          tpu.yield
        }) : () -> ()
      }
      %scan3A_25 = arith.constant 5 : i32
    } else {
    }
    %barrier3A = arith.constant 0 : index
    tpu.barrier barrier_id(%barrier3A)
    %scan3A_8 = arith.constant 0 : i32
    %scan3A_9 = arith.constant 0 : i32
    %scan3A_10 = arith.constant 250 : i32
    %scan3A_11 = arith.addi %scan3A_9, %scan3A_10 : i32
    %scan3A_12 = arith.constant 1 : i32
    scf.for %scan3A_20 = %scan3A_9 to %scan3A_11 step %scan3A_12  : i32 {
      %mul3A_21 = arith.constant 20000 : i32
      %mul3A_22 = arith.muli %arg1, %mul3A_21 : i32
      %mul3A_23 = arith.constant 80 : i32
      %mul3A_24 = arith.muli %scan3A_20, %mul3A_23 : i32
      %add3A = arith.addi %mul3A_22, %mul3A_24 : i32
      "tpu.region"() ({
        %run_scoped3A = tpu.sem_alloc : memref<!tpu.dma_semaphore, #tpu.memory_space<semaphore_mem>>
        %dma_start3A = tpu.memref_slice %arg3[%add3A] : memref<320000xi32, #tpu.memory_space<hbm>> -> memref<80xi32, #tpu.memory_space<hbm>>
        %dma_start3A_112 = tpu.memref_slice %arg3[%add3A] : memref<320000xi32, #tpu.memory_space<hbm>> -> memref<80xi32, #tpu.memory_space<hbm>>
        tpu.enqueue_dma source(%dma_start3A_112 : memref<80xi32, #tpu.memory_space<hbm>>) target(%arg5 : memref<80xi32, #tpu.memory_space<vmem>>) target_semaphore(%run_scoped3A : memref<!tpu.dma_semaphore, #tpu.memory_space<semaphore_mem>>)
        %dma_wait3A = tpu.memref_slice %arg3[%add3A] : memref<320000xi32, #tpu.memory_space<hbm>> -> memref<80xi32, #tpu.memory_space<hbm>>
        %dma_wait3A_113 = tpu.memref_slice %arg3[%add3A] : memref<320000xi32, #tpu.memory_space<hbm>> -> memref<80xi32, #tpu.memory_space<hbm>>
        tpu.wait_dma2 semaphore(%run_scoped3A : memref<!tpu.dma_semaphore, #tpu.memory_space<semaphore_mem>>) src(%dma_wait3A_113 : memref<80xi32, #tpu.memory_space<hbm>>) dst(%arg5 : memref<80xi32, #tpu.memory_space<vmem>>)
        tpu.yield
      }) : () -> ()
      "tpu.region"() ({
        %run_scoped3A = tpu.sem_alloc : memref<!tpu.dma_semaphore, #tpu.memory_space<semaphore_mem>>
        %dma_start3A = arith.constant 0 : i32
        %dma_start3A_112 = tpu.memref_slice %arg2[%add3A, %dma_start3A] : memref<320000x128xf32, #tpu.memory_space<hbm>> -> memref<80x128xf32, #tpu.memory_space<hbm>>
        %dma_start3A_113 = arith.constant 0 : i32
        %dma_start3A_114 = tpu.memref_slice %arg2[%add3A, %dma_start3A_113] : memref<320000x128xf32, #tpu.memory_space<hbm>> -> memref<80x128xf32, #tpu.memory_space<hbm>>
        tpu.enqueue_dma source(%dma_start3A_114 : memref<80x128xf32, #tpu.memory_space<hbm>>) target(%arg6 : memref<80x128xf32, #tpu.memory_space<vmem>>) target_semaphore(%run_scoped3A : memref<!tpu.dma_semaphore, #tpu.memory_space<semaphore_mem>>)
        %dma_wait3A = arith.constant 0 : i32
        %dma_wait3A_115 = tpu.memref_slice %arg2[%add3A, %dma_wait3A] : memref<320000x128xf32, #tpu.memory_space<hbm>> -> memref<80x128xf32, #tpu.memory_space<hbm>>
        %dma_wait3A_116 = arith.constant 0 : i32
        %dma_wait3A_117 = tpu.memref_slice %arg2[%add3A, %dma_wait3A_116] : memref<320000x128xf32, #tpu.memory_space<hbm>> -> memref<80x128xf32, #tpu.memory_space<hbm>>
        tpu.wait_dma2 semaphore(%run_scoped3A : memref<!tpu.dma_semaphore, #tpu.memory_space<semaphore_mem>>) src(%dma_wait3A_117 : memref<80x128xf32, #tpu.memory_space<hbm>>) dst(%arg6 : memref<80x128xf32, #tpu.memory_space<vmem>>)
        tpu.yield
      }) : () -> ()
      %get3A = arith.constant 0 : index
      %get3A_25 = tpu.vector_load %arg5[%get3A] {strides = array<i32>} : memref<80xi32, #tpu.memory_space<vmem>>, vector<16xi32>,
      %get3A_26 = vector.shape_cast %get3A_25 : vector<16xi32> to vector<16xi32>
      %sub3A = vector.broadcast %mul3A_0 : i32 to vector<16xi32>
      %sub3A_27 = arith.subi %get3A_26, %sub3A : vector<16xi32>
      %ge3A = arith.constant 0 : i32
      %ge3A_28 = vector.broadcast %ge3A : i32 to vector<16xi32>
      %ge3A_29 = arith.cmpi sge, %sub3A_27, %ge3A_28 : vector<16xi32>
      %lt3A_30 = arith.constant 5000 : i32
      %lt3A_31 = vector.broadcast %lt3A_30 : i32 to vector<16xi32>
      %lt3A_32 = arith.cmpi slt, %sub3A_27, %lt3A_31 : vector<16xi32>
      %and3A = arith.andi %ge3A_29, %lt3A_32 : vector<16xi1>
      %jit3A = arith.constant 5000 : i32
      %broadcast_in_dim3A = vector.broadcast %jit3A : i32 to vector<16xi32>
      %select_n3A = arith.select %and3A, %sub3A_27, %broadcast_in_dim3A : vector<16xi1>, vector<16xi32>
      %swap3A = arith.constant 0 : index
      %swap3A_33 = tpu.vector_load %arg5[%swap3A] {strides = array<i32>} : memref<80xi32, #tpu.memory_space<vmem>>, vector<16xi32>,
      %swap3A_34 = vector.shape_cast %swap3A_33 : vector<16xi32> to vector<16xi32>
      %swap3A_35 = vector.shape_cast %select_n3A : vector<16xi32> to vector<16xi32>
      tpu.vector_store %arg5[%swap3A], %swap3A_35 {strides = array<i32>} : memref<80xi32, #tpu.memory_space<vmem>>, vector<16xi32>,
      %get3A_36 = arith.constant 16 : index
      %get3A_37 = tpu.vector_load %arg5[%get3A_36] {strides = array<i32>} : memref<80xi32, #tpu.memory_space<vmem>>, vector<16xi32>,
      %get3A_38 = vector.shape_cast %get3A_37 : vector<16xi32> to vector<16xi32>
      %sub3A_39 = vector.broadcast %mul3A_0 : i32 to vector<16xi32>
      %sub3A_40 = arith.subi %get3A_38, %sub3A_39 : vector<16xi32>
      %ge3A_41 = arith.constant 0 : i32
      %ge3A_42 = vector.broadcast %ge3A_41 : i32 to vector<16xi32>
      %ge3A_43 = arith.cmpi sge, %sub3A_40, %ge3A_42 : vector<16xi32>
      %lt3A_44 = arith.constant 5000 : i32
      %lt3A_45 = vector.broadcast %lt3A_44 : i32 to vector<16xi32>
      %lt3A_46 = arith.cmpi slt, %sub3A_40, %lt3A_45 : vector<16xi32>
      %and3A_47 = arith.andi %ge3A_43, %lt3A_46 : vector<16xi1>
      %jit3A_48 = arith.constant 5000 : i32
      %broadcast_in_dim3A_49 = vector.broadcast %jit3A_48 : i32 to vector<16xi32>
      %select_n3A_50 = arith.select %and3A_47, %sub3A_40, %broadcast_in_dim3A_49 : vector<16xi1>, vector<16xi32>
      %swap3A_51 = arith.constant 16 : index
      %swap3A_52 = tpu.vector_load %arg5[%swap3A_51] {strides = array<i32>} : memref<80xi32, #tpu.memory_space<vmem>>, vector<16xi32>,
      %swap3A_53 = vector.shape_cast %swap3A_52 : vector<16xi32> to vector<16xi32>
      %swap3A_54 = vector.shape_cast %select_n3A_50 : vector<16xi32> to vector<16xi32>
      tpu.vector_store %arg5[%swap3A_51], %swap3A_54 {strides = array<i32>} : memref<80xi32, #tpu.memory_space<vmem>>, vector<16xi32>,
      %get3A_55 = arith.constant 32 : index
      %get3A_56 = tpu.vector_load %arg5[%get3A_55] {strides = array<i32>} : memref<80xi32, #tpu.memory_space<vmem>>, vector<16xi32>,
      %get3A_57 = vector.shape_cast %get3A_56 : vector<16xi32> to vector<16xi32>
      %sub3A_58 = vector.broadcast %mul3A_0 : i32 to vector<16xi32>
      %sub3A_59 = arith.subi %get3A_57, %sub3A_58 : vector<16xi32>
      %ge3A_60 = arith.constant 0 : i32
      %ge3A_61 = vector.broadcast %ge3A_60 : i32 to vector<16xi32>
      %ge3A_62 = arith.cmpi sge, %sub3A_59, %ge3A_61 : vector<16xi32>
      %lt3A_63 = arith.constant 5000 : i32
      %lt3A_64 = vector.broadcast %lt3A_63 : i32 to vector<16xi32>
      %lt3A_65 = arith.cmpi slt, %sub3A_59, %lt3A_64 : vector<16xi32>
      %and3A_66 = arith.andi %ge3A_62, %lt3A_65 : vector<16xi1>
      %jit3A_67 = arith.constant 5000 : i32
      %broadcast_in_dim3A_68 = vector.broadcast %jit3A_67 : i32 to vector<16xi32>
      %select_n3A_69 = arith.select %and3A_66, %sub3A_59, %broadcast_in_dim3A_68 : vector<16xi1>, vector<16xi32>
      %swap3A_70 = arith.constant 32 : index
      %swap3A_71 = tpu.vector_load %arg5[%swap3A_70] {strides = array<i32>} : memref<80xi32, #tpu.memory_space<vmem>>, vector<16xi32>,
      %swap3A_72 = vector.shape_cast %swap3A_71 : vector<16xi32> to vector<16xi32>
      %swap3A_73 = vector.shape_cast %select_n3A_69 : vector<16xi32> to vector<16xi32>
      tpu.vector_store %arg5[%swap3A_70], %swap3A_73 {strides = array<i32>} : memref<80xi32, #tpu.memory_space<vmem>>, vector<16xi32>,
      %get3A_74 = arith.constant 48 : index
      %get3A_75 = tpu.vector_load %arg5[%get3A_74] {strides = array<i32>} : memref<80xi32, #tpu.memory_space<vmem>>, vector<16xi32>,
      %get3A_76 = vector.shape_cast %get3A_75 : vector<16xi32> to vector<16xi32>
      %sub3A_77 = vector.broadcast %mul3A_0 : i32 to vector<16xi32>
      %sub3A_78 = arith.subi %get3A_76, %sub3A_77 : vector<16xi32>
      %ge3A_79 = arith.constant 0 : i32
      %ge3A_80 = vector.broadcast %ge3A_79 : i32 to vector<16xi32>
      %ge3A_81 = arith.cmpi sge, %sub3A_78, %ge3A_80 : vector<16xi32>
      %lt3A_82 = arith.constant 5000 : i32
      %lt3A_83 = vector.broadcast %lt3A_82 : i32 to vector<16xi32>
      %lt3A_84 = arith.cmpi slt, %sub3A_78, %lt3A_83 : vector<16xi32>
      %and3A_85 = arith.andi %ge3A_81, %lt3A_84 : vector<16xi1>
      %jit3A_86 = arith.constant 5000 : i32
      %broadcast_in_dim3A_87 = vector.broadcast %jit3A_86 : i32 to vector<16xi32>
      %select_n3A_88 = arith.select %and3A_85, %sub3A_78, %broadcast_in_dim3A_87 : vector<16xi1>, vector<16xi32>
      %swap3A_89 = arith.constant 48 : index
      %swap3A_90 = tpu.vector_load %arg5[%swap3A_89] {strides = array<i32>} : memref<80xi32, #tpu.memory_space<vmem>>, vector<16xi32>,
      %swap3A_91 = vector.shape_cast %swap3A_90 : vector<16xi32> to vector<16xi32>
      %swap3A_92 = vector.shape_cast %select_n3A_88 : vector<16xi32> to vector<16xi32>
      tpu.vector_store %arg5[%swap3A_89], %swap3A_92 {strides = array<i32>} : memref<80xi32, #tpu.memory_space<vmem>>, vector<16xi32>,
      %get3A_93 = arith.constant 64 : index
      %get3A_94 = tpu.vector_load %arg5[%get3A_93] {strides = array<i32>} : memref<80xi32, #tpu.memory_space<vmem>>, vector<16xi32>,
      %get3A_95 = vector.shape_cast %get3A_94 : vector<16xi32> to vector<16xi32>
      %sub3A_96 = vector.broadcast %mul3A_0 : i32 to vector<16xi32>
      %sub3A_97 = arith.subi %get3A_95, %sub3A_96 : vector<16xi32>
      %ge3A_98 = arith.constant 0 : i32
      %ge3A_99 = vector.broadcast %ge3A_98 : i32 to vector<16xi32>
      %ge3A_100 = arith.cmpi sge, %sub3A_97, %ge3A_99 : vector<16xi32>
      %lt3A_101 = arith.constant 5000 : i32
      %lt3A_102 = vector.broadcast %lt3A_101 : i32 to vector<16xi32>
      %lt3A_103 = arith.cmpi slt, %sub3A_97, %lt3A_102 : vector<16xi32>
      %and3A_104 = arith.andi %ge3A_100, %lt3A_103 : vector<16xi1>
      %jit3A_105 = arith.constant 5000 : i32
      %broadcast_in_dim3A_106 = vector.broadcast %jit3A_105 : i32 to vector<16xi32>
      %select_n3A_107 = arith.select %and3A_104, %sub3A_97, %broadcast_in_dim3A_106 : vector<16xi1>, vector<16xi32>
      %swap3A_108 = arith.constant 64 : index
      %swap3A_109 = tpu.vector_load %arg5[%swap3A_108] {strides = array<i32>} : memref<80xi32, #tpu.memory_space<vmem>>, vector<16xi32>,
      %swap3A_110 = vector.shape_cast %swap3A_109 : vector<16xi32> to vector<16xi32>
      %swap3A_111 = vector.shape_cast %select_n3A_107 : vector<16xi32> to vector<16xi32>
      tpu.vector_store %arg5[%swap3A_108], %swap3A_111 {strides = array<i32>} : memref<80xi32, #tpu.memory_space<vmem>>, vector<16xi32>,
      "tpu.region"() ({
        %run_scoped3A = tpu.sem_alloc : memref<!tpu.dma_semaphore, #tpu.memory_space<semaphore_mem>>
        %dma_start3A = arith.constant 0 : i32
        %dma_start3A_112 = arith.constant 0 : i32
        %dma_start3A_113 = tpu.memref_slice %arg8[%dma_start3A, %dma_start3A_112] : memref<5008x128xf32, #tpu.memory_space<vmem_shared>> -> memref<5008x128xf32, #tpu.memory_space<vmem_shared>>
        tpu.enqueue_indirect_dma source(%arg6 : memref<80x128xf32, #tpu.memory_space<vmem>>) target(%dma_start3A_113 : memref<5008x128xf32, #tpu.memory_space<vmem_shared>>) offsets(%arg5 : memref<80xi32, #tpu.memory_space<vmem>>) semaphore(%run_scoped3A : memref<!tpu.dma_semaphore, #tpu.memory_space<semaphore_mem>>) {add = true}
        %dma_wait3A = arith.constant 0 : i32
        %dma_wait3A_114 = arith.constant 0 : i32
        %dma_wait3A_115 = tpu.memref_slice %arg8[%dma_wait3A, %dma_wait3A_114] : memref<5008x128xf32, #tpu.memory_space<vmem_shared>> -> memref<5008x128xf32, #tpu.memory_space<vmem_shared>>
        tpu.wait_indirect_dma semaphore(%run_scoped3A : memref<!tpu.dma_semaphore, #tpu.memory_space<semaphore_mem>>) src(%arg6 : memref<80x128xf32, #tpu.memory_space<vmem>>) dst(%dma_wait3A_115 : memref<5008x128xf32, #tpu.memory_space<vmem_shared>>)
        tpu.yield
      }) : () -> ()
    }
    %scan3A_13 = arith.constant 250 : i32
    %barrier3A_14 = arith.constant 0 : index
    tpu.barrier barrier_id(%barrier3A_14)
    %lt3A_15 = arith.constant 5 : i32
    %lt3A_16 = arith.cmpi slt, %arg1, %lt3A_15 : i32
    %convert_element_type3A_17 = arith.extui %lt3A_16 : i1 to i32
    %cond3A_18 = arith.constant 0 : i32
    %cond3A_19 = arith.cmpi ne, %convert_element_type3A_17, %cond3A_18 : i32
    scf.if %cond3A_19 {
      %mul3A_20 = arith.constant 1000 : i32
      %mul3A_21 = arith.muli %arg1, %mul3A_20 : i32
      %add3A = arith.addi %mul3A_0, %mul3A_21 : i32
      "tpu.region"() ({
        %run_scoped3A = tpu.sem_alloc : memref<!tpu.dma_semaphore, #tpu.memory_space<semaphore_mem>>
        %dma_start3A = arith.constant 0 : i32
        %dma_start3A_22 = tpu.memref_slice %arg4[%add3A, %dma_start3A] : memref<10000x128xf32, #tpu.memory_space<hbm>> -> memref<1000x128xf32, #tpu.memory_space<hbm>>
        %dma_start3A_23 = arith.constant 0 : i32
        %dma_start3A_24 = tpu.memref_slice %arg8[%mul3A_21, %dma_start3A_23] : memref<5008x128xf32, #tpu.memory_space<vmem_shared>> -> memref<1000x128xf32, #tpu.memory_space<vmem_shared>>
        tpu.enqueue_dma source(%dma_start3A_24 : memref<1000x128xf32, #tpu.memory_space<vmem_shared>>) target(%dma_start3A_22 : memref<1000x128xf32, #tpu.memory_space<hbm>>) target_semaphore(%run_scoped3A : memref<!tpu.dma_semaphore, #tpu.memory_space<semaphore_mem>>)
        %dma_wait3A = arith.constant 0 : i32
        %dma_wait3A_25 = tpu.memref_slice %arg4[%add3A, %dma_wait3A] : memref<10000x128xf32, #tpu.memory_space<hbm>> -> memref<1000x128xf32, #tpu.memory_space<hbm>>
        %dma_wait3A_26 = arith.constant 0 : i32
        %dma_wait3A_27 = tpu.memref_slice %arg8[%mul3A_21, %dma_wait3A_26] : memref<5008x128xf32, #tpu.memory_space<vmem_shared>> -> memref<1000x128xf32, #tpu.memory_space<vmem_shared>>
        tpu.wait_dma2 semaphore(%run_scoped3A : memref<!tpu.dma_semaphore, #tpu.memory_space<semaphore_mem>>) src(%dma_wait3A_27 : memref<1000x128xf32, #tpu.memory_space<vmem_shared>>) dst(%dma_wait3A_25 : memref<1000x128xf32, #tpu.memory_space<hbm>>)
        tpu.yield
      }) : () -> ()
    } else {
    }
    return
  }
}

module attributes {stable_mosaic.version = 14 : i64} {
  func.func @_proj_body(%arg0: i32, %arg1: memref<2000x128xf32, #tpu.memory_space<vmem>>, %arg2: memref<128x256xf32, #tpu.memory_space<vmem>>, %arg3: memref<2000x128xf32, #tpu.memory_space<vmem>>, %arg4: memref<2000x128xf32, #tpu.memory_space<vmem>>) attributes {dimension_semantics = [#tpu.dimension_semantics<arbitrary>], iteration_bounds = array<i64: 5>, scalar_prefetch = 0 : i64, scratch_operands = 0 : i64, tpu.core_type = #tpu.core_type<tc>, window_params = [{transform_indices = @transform_0, window_bounds = array<i64: 2000, 128>}, {pipeline_mode = #tpu.pipeline_mode<synchronous>, transform_indices = @transform_1, window_bounds = array<i64: 128, 256>}, {transform_indices = @transform_2, window_bounds = array<i64: 2000, 128>}, {transform_indices = @transform_3, window_bounds = array<i64: 2000, 128>}]} {
    %get3A = arith.constant 0 : index
    %get3A_0 = arith.constant 0 : index
    %get3A_1 = vector.load %arg1[%get3A, %get3A_0] : memref<2000x128xf32, #tpu.memory_space<vmem>>, vector<2000x128xf32>
    %get3A_2 = arith.constant 0 : index
    %get3A_3 = arith.constant 0 : index
    %get3A_4 = vector.load %arg2[%get3A_2, %get3A_3] : memref<128x256xf32, #tpu.memory_space<vmem>>, vector<128x256xf32>
    %dot_general3A = arith.constant dense<0.000000e+00> : vector<2000x256xf32>
    %dot_general3A_5 = tpu.matmul %get3A_1, %get3A_4, %dot_general3A {dimension_numbers = #tpu.dot_dimension_numbers<[1], [0], [0], [1], [0, 0, 1, 1], [], []>, transpose_lhs_hint = false} : vector<2000x128xf32>, vector<128x256xf32>, vector<2000x256xf32> -> vector<2000x256xf32>
    %slice3A = vector.extract_strided_slice %dot_general3A_5 {offsets = [0, 0], sizes = [2000, 128], strides = [1, 1]} : vector<2000x256xf32> to vector<2000x128xf32>
    %swap3A = arith.constant 0 : index
    %swap3A_6 = arith.constant 0 : index
    %swap3A_7 = vector.load %arg3[%swap3A, %swap3A_6] : memref<2000x128xf32, #tpu.memory_space<vmem>>, vector<2000x128xf32>
    tpu.vector_store %arg3[%swap3A, %swap3A_6], %slice3A {strides = array<i32>} : memref<2000x128xf32, #tpu.memory_space<vmem>>, vector<2000x128xf32>,
    %slice3A_8 = vector.extract_strided_slice %dot_general3A_5 {offsets = [0, 128], sizes = [2000, 128], strides = [1, 1]} : vector<2000x256xf32> to vector<2000x128xf32>
    %swap3A_9 = arith.constant 0 : index
    %swap3A_10 = arith.constant 0 : index
    %swap3A_11 = vector.load %arg4[%swap3A_9, %swap3A_10] : memref<2000x128xf32, #tpu.memory_space<vmem>>, vector<2000x128xf32>
    tpu.vector_store %arg4[%swap3A_9, %swap3A_10], %slice3A_8 {strides = array<i32>} : memref<2000x128xf32, #tpu.memory_space<vmem>>, vector<2000x128xf32>,
    return
  }
  func.func @transform_0(%arg0: i32) -> (i32, i32) {
    %c0_i32 = arith.constant 0 : i32
    %c0_i32_0 = arith.constant 0 : i32
    return %arg0, %c0_i32 : i32, i32
  }
  func.func @transform_1(%arg0: i32) -> (i32, i32) {
    %c0_i32 = arith.constant 0 : i32
    %c0_i32_0 = arith.constant 0 : i32
    %c0_i32_1 = arith.constant 0 : i32
    return %c0_i32, %c0_i32_0 : i32, i32
  }
  func.func @transform_2(%arg0: i32) -> (i32, i32) {
    %c0_i32 = arith.constant 0 : i32
    %c0_i32_0 = arith.constant 0 : i32
    return %arg0, %c0_i32 : i32, i32
  }
  func.func @transform_3(%arg0: i32) -> (i32, i32) {
    %c0_i32 = arith.constant 0 : i32
    %c0_i32_0 = arith.constant 0 : i32
    return %arg0, %c0_i32 : i32, i32
  }
}

module attributes {stable_mosaic.version = 14 : i64} {
  func.func @_msg_body(%arg0: i32, %arg1: memref<3200x128xf32, #tpu.memory_space<vmem>>, %arg2: memref<3200x16xf32, #tpu.memory_space<vmem>>, %arg3: memref<16x64xf32, #tpu.memory_space<vmem>>, %arg4: memref<1x64xf32, #tpu.memory_space<vmem>>, %arg5: memref<64x64xf32, #tpu.memory_space<vmem>>, %arg6: memref<1x64xf32, #tpu.memory_space<vmem>>, %arg7: memref<64x64xf32, #tpu.memory_space<vmem>>, %arg8: memref<1x64xf32, #tpu.memory_space<vmem>>, %arg9: memref<64x65xf32, #tpu.memory_space<vmem>>, %arg10: memref<1x65xf32, #tpu.memory_space<vmem>>, %arg11: memref<3200x128xf32, #tpu.memory_space<vmem>>, %arg12: memref<3200x32xf32, #tpu.memory_space<vmem>>) attributes {dimension_semantics = [#tpu.dimension_semantics<arbitrary>], iteration_bounds = array<i64: 100>, scalar_prefetch = 0 : i64, scratch_operands = 0 : i64, tpu.core_type = #tpu.core_type<tc>, window_params = [{transform_indices = @transform_0, window_bounds = array<i64: 3200, 128>}, {transform_indices = @transform_1, window_bounds = array<i64: 3200, 16>}, {pipeline_mode = #tpu.pipeline_mode<synchronous>, transform_indices = @transform_2, window_bounds = array<i64: 16, 64>}, {pipeline_mode = #tpu.pipeline_mode<synchronous>, transform_indices = @transform_3, window_bounds = array<i64: 1, 64>}, {pipeline_mode = #tpu.pipeline_mode<synchronous>, transform_indices = @transform_4, window_bounds = array<i64: 64, 64>}, {pipeline_mode = #tpu.pipeline_mode<synchronous>, transform_indices = @transform_5, window_bounds = array<i64: 1, 64>}, {pipeline_mode = #tpu.pipeline_mode<synchronous>, transform_indices = @transform_6, window_bounds = array<i64: 64, 64>}, {pipeline_mode = #tpu.pipeline_mode<synchronous>, transform_indices = @transform_7, window_bounds = array<i64: 1, 64>}, {pipeline_mode = #tpu.pipeline_mode<synchronous>, transform_indices = @transform_8, window_bounds = array<i64: 64, 65>}, {pipeline_mode = #tpu.pipeline_mode<synchronous>, transform_indices = @transform_9, window_bounds = array<i64: 1, 65>}, {transform_indices = @transform_10, window_bounds = array<i64: 3200, 128>}, {transform_indices = @transform_11, window_bounds = array<i64: 3200, 32>}]} {
    %get3A = arith.constant 0 : index
    %get3A_0 = arith.constant 64 : index
    %get3A_1 = vector.load %arg1[%get3A, %get3A_0] : memref<3200x128xf32, #tpu.memory_space<vmem>>, vector<3200x64xf32>
    %get3A_2 = arith.constant 0 : index
    %get3A_3 = arith.constant 0 : index
    %get3A_4 = vector.load %arg2[%get3A_2, %get3A_3] : memref<3200x16xf32, #tpu.memory_space<vmem>>, vector<3200x16xf32>
    %get3A_5 = arith.constant 0 : index
    %get3A_6 = arith.constant 0 : index
    %get3A_7 = vector.load %arg3[%get3A_5, %get3A_6] : memref<16x64xf32, #tpu.memory_space<vmem>>, vector<16x64xf32>
    %dot_general3A = arith.constant dense<0.000000e+00> : vector<3200x64xf32>
    %dot_general3A_8 = tpu.matmul %get3A_4, %get3A_7, %dot_general3A {dimension_numbers = #tpu.dot_dimension_numbers<[1], [0], [0], [1], [0, 0, 1, 1], [], []>, transpose_lhs_hint = false} : vector<3200x16xf32>, vector<16x64xf32>, vector<3200x64xf32> -> vector<3200x64xf32>
    %add3A = arith.addf %get3A_1, %dot_general3A_8 : vector<3200x64xf32>
    %get3A_9 = arith.constant 0 : index
    %get3A_10 = arith.constant 0 : index
    %get3A_11 = vector.load %arg4[%get3A_9, %get3A_10] : memref<1x64xf32, #tpu.memory_space<vmem>>, vector<1x64xf32>
    %add3A_12 = vector.broadcast %get3A_11 : vector<1x64xf32> to vector<3200x64xf32>
    %add3A_13 = arith.addf %add3A, %add3A_12 : vector<3200x64xf32>
    %ge3A = arith.constant 0.000000e+00 : f32
    %ge3A_14 = vector.broadcast %ge3A : f32 to vector<3200x64xf32>
    %ge3A_15 = arith.cmpf oge, %add3A_13, %ge3A_14 : vector<3200x64xf32>
    %mul3A = arith.constant 2.000000e-01 : f32
    %mul3A_16 = vector.broadcast %mul3A : f32 to vector<3200x64xf32>
    %mul3A_17 = arith.mulf %mul3A_16, %add3A_13 : vector<3200x64xf32>
    %select_n3A = arith.select %ge3A_15, %add3A_13, %mul3A_17 : vector<3200x64xi1>, vector<3200x64xf32>
    %get3A_18 = arith.constant 0 : index
    %get3A_19 = arith.constant 0 : index
    %get3A_20 = vector.load %arg5[%get3A_18, %get3A_19] : memref<64x64xf32, #tpu.memory_space<vmem>>, vector<64x64xf32>
    %dot_general3A_21 = arith.constant dense<0.000000e+00> : vector<3200x64xf32>
    %dot_general3A_22 = tpu.matmul %select_n3A, %get3A_20, %dot_general3A_21 {dimension_numbers = #tpu.dot_dimension_numbers<[1], [0], [0], [1], [0, 0, 1, 1], [], []>, transpose_lhs_hint = false} : vector<3200x64xf32>, vector<64x64xf32>, vector<3200x64xf32> -> vector<3200x64xf32>
    %get3A_23 = arith.constant 0 : index
    %get3A_24 = arith.constant 0 : index
    %get3A_25 = vector.load %arg6[%get3A_23, %get3A_24] : memref<1x64xf32, #tpu.memory_space<vmem>>, vector<1x64xf32>
    %add3A_26 = vector.broadcast %get3A_25 : vector<1x64xf32> to vector<3200x64xf32>
    %add3A_27 = arith.addf %dot_general3A_22, %add3A_26 : vector<3200x64xf32>
    %ge3A_28 = arith.constant 0.000000e+00 : f32
    %ge3A_29 = vector.broadcast %ge3A_28 : f32 to vector<3200x64xf32>
    %ge3A_30 = arith.cmpf oge, %add3A_27, %ge3A_29 : vector<3200x64xf32>
    %mul3A_31 = arith.constant 2.000000e-01 : f32
    %mul3A_32 = vector.broadcast %mul3A_31 : f32 to vector<3200x64xf32>
    %mul3A_33 = arith.mulf %mul3A_32, %add3A_27 : vector<3200x64xf32>
    %select_n3A_34 = arith.select %ge3A_30, %add3A_27, %mul3A_33 : vector<3200x64xi1>, vector<3200x64xf32>
    %get3A_35 = arith.constant 0 : index
    %get3A_36 = arith.constant 0 : index
    %get3A_37 = vector.load %arg7[%get3A_35, %get3A_36] : memref<64x64xf32, #tpu.memory_space<vmem>>, vector<64x64xf32>
    %dot_general3A_38 = arith.constant dense<0.000000e+00> : vector<3200x64xf32>
    %dot_general3A_39 = tpu.matmul %select_n3A_34, %get3A_37, %dot_general3A_38 {dimension_numbers = #tpu.dot_dimension_numbers<[1], [0], [0], [1], [0, 0, 1, 1], [], []>, transpose_lhs_hint = false} : vector<3200x64xf32>, vector<64x64xf32>, vector<3200x64xf32> -> vector<3200x64xf32>
    %get3A_40 = arith.constant 0 : index
    %get3A_41 = arith.constant 0 : index
    %get3A_42 = vector.load %arg8[%get3A_40, %get3A_41] : memref<1x64xf32, #tpu.memory_space<vmem>>, vector<1x64xf32>
    %add3A_43 = vector.broadcast %get3A_42 : vector<1x64xf32> to vector<3200x64xf32>
    %add3A_44 = arith.addf %dot_general3A_39, %add3A_43 : vector<3200x64xf32>
    %ge3A_45 = arith.constant 0.000000e+00 : f32
    %ge3A_46 = vector.broadcast %ge3A_45 : f32 to vector<3200x64xf32>
    %ge3A_47 = arith.cmpf oge, %add3A_44, %ge3A_46 : vector<3200x64xf32>
    %mul3A_48 = arith.constant 2.000000e-01 : f32
    %mul3A_49 = vector.broadcast %mul3A_48 : f32 to vector<3200x64xf32>
    %mul3A_50 = arith.mulf %mul3A_49, %add3A_44 : vector<3200x64xf32>
    %select_n3A_51 = arith.select %ge3A_47, %add3A_44, %mul3A_50 : vector<3200x64xi1>, vector<3200x64xf32>
    %get3A_52 = arith.constant 0 : index
    %get3A_53 = arith.constant 0 : index
    %get3A_54 = vector.load %arg9[%get3A_52, %get3A_53] : memref<64x65xf32, #tpu.memory_space<vmem>>, vector<64x65xf32>
    %dot_general3A_55 = arith.constant dense<0.000000e+00> : vector<3200x65xf32>
    %dot_general3A_56 = tpu.matmul %select_n3A_51, %get3A_54, %dot_general3A_55 {dimension_numbers = #tpu.dot_dimension_numbers<[1], [0], [0], [1], [0, 0, 1, 1], [], []>, transpose_lhs_hint = false} : vector<3200x64xf32>, vector<64x65xf32>, vector<3200x65xf32> -> vector<3200x65xf32>
    %get3A_57 = arith.constant 0 : index
    %get3A_58 = arith.constant 0 : index
    %get3A_59 = vector.load %arg10[%get3A_57, %get3A_58] : memref<1x65xf32, #tpu.memory_space<vmem>>, vector<1x65xf32>
    %add3A_60 = vector.broadcast %get3A_59 : vector<1x65xf32> to vector<3200x65xf32>
    %add3A_61 = arith.addf %dot_general3A_56, %add3A_60 : vector<3200x65xf32>
    %slice3A = vector.extract_strided_slice %add3A_61 {offsets = [0, 0], sizes = [3200, 1], strides = [1, 1]} : vector<3200x65xf32> to vector<3200x1xf32>
    %logistic3A = arith.negf %slice3A : vector<3200x1xf32>
    %logistic3A_62 = math.exp %logistic3A : vector<3200x1xf32>
    %logistic3A_63 = arith.constant 1.000000e+00 : f32
    %logistic3A_64 = vector.broadcast %logistic3A_63 : f32 to vector<3200x1xf32>
    %logistic3A_65 = arith.addf %logistic3A_64, %logistic3A_62 : vector<3200x1xf32>
    %logistic3A_66 = arith.divf %logistic3A_64, %logistic3A_65 : vector<3200x1xf32>
    %slice3A_67 = vector.extract_strided_slice %add3A_61 {offsets = [0, 1], sizes = [3200, 64], strides = [1, 1]} : vector<3200x65xf32> to vector<3200x64xf32>
    %mul3A_68 = vector.broadcast %logistic3A_66 : vector<3200x1xf32> to vector<3200x64xf32>
    %mul3A_69 = arith.mulf %slice3A_67, %mul3A_68 : vector<3200x64xf32>
    %slice3A_70 = vector.extract_strided_slice %mul3A_69 {offsets = [0, 0], sizes = [3200, 32], strides = [1, 1]} : vector<3200x64xf32> to vector<3200x32xf32>
    %broadcast_in_dim3A = arith.constant 0.000000e+00 : f32
    %broadcast_in_dim3A_71 = vector.broadcast %broadcast_in_dim3A : f32 to vector<3200x96xf32>
    %concatenate3A = tpu.concatenate %slice3A_70, %broadcast_in_dim3A_71 in 1 : vector<3200x32xf32>, vector<3200x96xf32> -> vector<3200x128xf32>
    %swap3A = arith.constant 0 : index
    %swap3A_72 = arith.constant 0 : index
    %swap3A_73 = vector.load %arg11[%swap3A, %swap3A_72] : memref<3200x128xf32, #tpu.memory_space<vmem>>, vector<3200x128xf32>
    tpu.vector_store %arg11[%swap3A, %swap3A_72], %concatenate3A {strides = array<i32>} : memref<3200x128xf32, #tpu.memory_space<vmem>>, vector<3200x128xf32>,
    %slice3A_74 = vector.extract_strided_slice %mul3A_69 {offsets = [0, 32], sizes = [3200, 32], strides = [1, 1]} : vector<3200x64xf32> to vector<3200x32xf32>
    %swap3A_75 = arith.constant 0 : index
    %swap3A_76 = arith.constant 0 : index
    %swap3A_77 = vector.load %arg12[%swap3A_75, %swap3A_76] : memref<3200x32xf32, #tpu.memory_space<vmem>>, vector<3200x32xf32>
    tpu.vector_store %arg12[%swap3A_75, %swap3A_76], %slice3A_74 {strides = array<i32>} : memref<3200x32xf32, #tpu.memory_space<vmem>>, vector<3200x32xf32>,
    return
  }
  func.func @transform_0(%arg0: i32) -> (i32, i32) {
    %c0_i32 = arith.constant 0 : i32
    %c0_i32_0 = arith.constant 0 : i32
    return %arg0, %c0_i32 : i32, i32
  }
  func.func @transform_1(%arg0: i32) -> (i32, i32) {
    %c0_i32 = arith.constant 0 : i32
    %c0_i32_0 = arith.constant 0 : i32
    return %arg0, %c0_i32 : i32, i32
  }
  func.func @transform_2(%arg0: i32) -> (i32, i32) {
    %c0_i32 = arith.constant 0 : i32
    %c0_i32_0 = arith.constant 0 : i32
    %c0_i32_1 = arith.constant 0 : i32
    return %c0_i32, %c0_i32_0 : i32, i32
  }
  func.func @transform_3(%arg0: i32) -> (i32, i32) {
    %c0_i32 = arith.constant 0 : i32
    %c0_i32_0 = arith.constant 0 : i32
    %c0_i32_1 = arith.constant 0 : i32
    return %c0_i32, %c0_i32_0 : i32, i32
  }
  func.func @transform_4(%arg0: i32) -> (i32, i32) {
    %c0_i32 = arith.constant 0 : i32
    %c0_i32_0 = arith.constant 0 : i32
    %c0_i32_1 = arith.constant 0 : i32
    return %c0_i32, %c0_i32_0 : i32, i32
  }
  func.func @transform_5(%arg0: i32) -> (i32, i32) {
    %c0_i32 = arith.constant 0 : i32
    %c0_i32_0 = arith.constant 0 : i32
    %c0_i32_1 = arith.constant 0 : i32
    return %c0_i32, %c0_i32_0 : i32, i32
  }
  func.func @transform_6(%arg0: i32) -> (i32, i32) {
    %c0_i32 = arith.constant 0 : i32
    %c0_i32_0 = arith.constant 0 : i32
    %c0_i32_1 = arith.constant 0 : i32
    return %c0_i32, %c0_i32_0 : i32, i32
  }
  func.func @transform_7(%arg0: i32) -> (i32, i32) {
    %c0_i32 = arith.constant 0 : i32
    %c0_i32_0 = arith.constant 0 : i32
    %c0_i32_1 = arith.constant 0 : i32
    return %c0_i32, %c0_i32_0 : i32, i32
  }
  func.func @transform_8(%arg0: i32) -> (i32, i32) {
    %c0_i32 = arith.constant 0 : i32
    %c0_i32_0 = arith.constant 0 : i32
    %c0_i32_1 = arith.constant 0 : i32
    return %c0_i32, %c0_i32_0 : i32, i32
  }
  func.func @transform_9(%arg0: i32) -> (i32, i32) {
    %c0_i32 = arith.constant 0 : i32
    %c0_i32_0 = arith.constant 0 : i32
    %c0_i32_1 = arith.constant 0 : i32
    return %c0_i32, %c0_i32_0 : i32, i32
  }
  func.func @transform_10(%arg0: i32) -> (i32, i32) {
    %c0_i32 = arith.constant 0 : i32
    %c0_i32_0 = arith.constant 0 : i32
    return %arg0, %c0_i32 : i32, i32
  }
  func.func @transform_11(%arg0: i32) -> (i32, i32) {
    %c0_i32 = arith.constant 0 : i32
    %c0_i32_0 = arith.constant 0 : i32
    return %arg0, %c0_i32 : i32, i32
  }
}

module attributes {stable_mosaic.version = 14 : i64} {
  func.func @_bro_body(%arg0: i32, %arg1: memref<3200x128xf32, #tpu.memory_space<vmem>>, %arg2: memref<3200x16xf32, #tpu.memory_space<vmem>>, %arg3: memref<16x64xf32, #tpu.memory_space<vmem>>, %arg4: memref<1x64xf32, #tpu.memory_space<vmem>>, %arg5: memref<64x64xf32, #tpu.memory_space<vmem>>, %arg6: memref<1x64xf32, #tpu.memory_space<vmem>>, %arg7: memref<64x64xf32, #tpu.memory_space<vmem>>, %arg8: memref<1x64xf32, #tpu.memory_space<vmem>>, %arg9: memref<64x64xf32, #tpu.memory_space<vmem>>, %arg10: memref<1x64xf32, #tpu.memory_space<vmem>>, %arg11: memref<64x128xf32, #tpu.memory_space<vmem>>, %arg12: memref<1x128xf32, #tpu.memory_space<vmem>>, %arg13: memref<3200x128xf32, #tpu.memory_space<vmem>>) attributes {dimension_semantics = [#tpu.dimension_semantics<arbitrary>], iteration_bounds = array<i64: 100>, scalar_prefetch = 0 : i64, scratch_operands = 0 : i64, tpu.core_type = #tpu.core_type<tc>, window_params = [{transform_indices = @transform_0, window_bounds = array<i64: 3200, 128>}, {transform_indices = @transform_1, window_bounds = array<i64: 3200, 16>}, {pipeline_mode = #tpu.pipeline_mode<synchronous>, transform_indices = @transform_2, window_bounds = array<i64: 16, 64>}, {pipeline_mode = #tpu.pipeline_mode<synchronous>, transform_indices = @transform_3, window_bounds = array<i64: 1, 64>}, {pipeline_mode = #tpu.pipeline_mode<synchronous>, transform_indices = @transform_4, window_bounds = array<i64: 64, 64>}, {pipeline_mode = #tpu.pipeline_mode<synchronous>, transform_indices = @transform_5, window_bounds = array<i64: 1, 64>}, {pipeline_mode = #tpu.pipeline_mode<synchronous>, transform_indices = @transform_6, window_bounds = array<i64: 64, 64>}, {pipeline_mode = #tpu.pipeline_mode<synchronous>, transform_indices = @transform_7, window_bounds = array<i64: 1, 64>}, {pipeline_mode = #tpu.pipeline_mode<synchronous>, transform_indices = @transform_8, window_bounds = array<i64: 64, 64>}, {pipeline_mode = #tpu.pipeline_mode<synchronous>, transform_indices = @transform_9, window_bounds = array<i64: 1, 64>}, {pipeline_mode = #tpu.pipeline_mode<synchronous>, transform_indices = @transform_10, window_bounds = array<i64: 64, 128>}, {pipeline_mode = #tpu.pipeline_mode<synchronous>, transform_indices = @transform_11, window_bounds = array<i64: 1, 128>}, {transform_indices = @transform_12, window_bounds = array<i64: 3200, 128>}]} {
    %get3A = arith.constant 0 : index
    %get3A_0 = arith.constant 0 : index
    %get3A_1 = vector.load %arg1[%get3A, %get3A_0] : memref<3200x128xf32, #tpu.memory_space<vmem>>, vector<3200x64xf32>
    %get3A_2 = arith.constant 0 : index
    %get3A_3 = arith.constant 0 : index
    %get3A_4 = vector.load %arg2[%get3A_2, %get3A_3] : memref<3200x16xf32, #tpu.memory_space<vmem>>, vector<3200x16xf32>
    %get3A_5 = arith.constant 0 : index
    %get3A_6 = arith.constant 0 : index
    %get3A_7 = vector.load %arg3[%get3A_5, %get3A_6] : memref<16x64xf32, #tpu.memory_space<vmem>>, vector<16x64xf32>
    %dot_general3A = arith.constant dense<0.000000e+00> : vector<3200x64xf32>
    %dot_general3A_8 = tpu.matmul %get3A_4, %get3A_7, %dot_general3A {dimension_numbers = #tpu.dot_dimension_numbers<[1], [0], [0], [1], [0, 0, 1, 1], [], []>, transpose_lhs_hint = false} : vector<3200x16xf32>, vector<16x64xf32>, vector<3200x64xf32> -> vector<3200x64xf32>
    %add3A = arith.addf %get3A_1, %dot_general3A_8 : vector<3200x64xf32>
    %get3A_9 = arith.constant 0 : index
    %get3A_10 = arith.constant 0 : index
    %get3A_11 = vector.load %arg4[%get3A_9, %get3A_10] : memref<1x64xf32, #tpu.memory_space<vmem>>, vector<1x64xf32>
    %add3A_12 = vector.broadcast %get3A_11 : vector<1x64xf32> to vector<3200x64xf32>
    %add3A_13 = arith.addf %add3A, %add3A_12 : vector<3200x64xf32>
    %ge3A = arith.constant 0.000000e+00 : f32
    %ge3A_14 = vector.broadcast %ge3A : f32 to vector<3200x64xf32>
    %ge3A_15 = arith.cmpf oge, %add3A_13, %ge3A_14 : vector<3200x64xf32>
    %mul3A = arith.constant 2.000000e-01 : f32
    %mul3A_16 = vector.broadcast %mul3A : f32 to vector<3200x64xf32>
    %mul3A_17 = arith.mulf %mul3A_16, %add3A_13 : vector<3200x64xf32>
    %select_n3A = arith.select %ge3A_15, %add3A_13, %mul3A_17 : vector<3200x64xi1>, vector<3200x64xf32>
    %get3A_18 = arith.constant 0 : index
    %get3A_19 = arith.constant 0 : index
    %get3A_20 = vector.load %arg5[%get3A_18, %get3A_19] : memref<64x64xf32, #tpu.memory_space<vmem>>, vector<64x64xf32>
    %dot_general3A_21 = arith.constant dense<0.000000e+00> : vector<3200x64xf32>
    %dot_general3A_22 = tpu.matmul %select_n3A, %get3A_20, %dot_general3A_21 {dimension_numbers = #tpu.dot_dimension_numbers<[1], [0], [0], [1], [0, 0, 1, 1], [], []>, transpose_lhs_hint = false} : vector<3200x64xf32>, vector<64x64xf32>, vector<3200x64xf32> -> vector<3200x64xf32>
    %get3A_23 = arith.constant 0 : index
    %get3A_24 = arith.constant 0 : index
    %get3A_25 = vector.load %arg6[%get3A_23, %get3A_24] : memref<1x64xf32, #tpu.memory_space<vmem>>, vector<1x64xf32>
    %add3A_26 = vector.broadcast %get3A_25 : vector<1x64xf32> to vector<3200x64xf32>
    %add3A_27 = arith.addf %dot_general3A_22, %add3A_26 : vector<3200x64xf32>
    %ge3A_28 = arith.constant 0.000000e+00 : f32
    %ge3A_29 = vector.broadcast %ge3A_28 : f32 to vector<3200x64xf32>
    %ge3A_30 = arith.cmpf oge, %add3A_27, %ge3A_29 : vector<3200x64xf32>
    %mul3A_31 = arith.constant 2.000000e-01 : f32
    %mul3A_32 = vector.broadcast %mul3A_31 : f32 to vector<3200x64xf32>
    %mul3A_33 = arith.mulf %mul3A_32, %add3A_27 : vector<3200x64xf32>
    %select_n3A_34 = arith.select %ge3A_30, %add3A_27, %mul3A_33 : vector<3200x64xi1>, vector<3200x64xf32>
    %get3A_35 = arith.constant 0 : index
    %get3A_36 = arith.constant 0 : index
    %get3A_37 = vector.load %arg7[%get3A_35, %get3A_36] : memref<64x64xf32, #tpu.memory_space<vmem>>, vector<64x64xf32>
    %dot_general3A_38 = arith.constant dense<0.000000e+00> : vector<3200x64xf32>
    %dot_general3A_39 = tpu.matmul %select_n3A_34, %get3A_37, %dot_general3A_38 {dimension_numbers = #tpu.dot_dimension_numbers<[1], [0], [0], [1], [0, 0, 1, 1], [], []>, transpose_lhs_hint = false} : vector<3200x64xf32>, vector<64x64xf32>, vector<3200x64xf32> -> vector<3200x64xf32>
    %get3A_40 = arith.constant 0 : index
    %get3A_41 = arith.constant 0 : index
    %get3A_42 = vector.load %arg8[%get3A_40, %get3A_41] : memref<1x64xf32, #tpu.memory_space<vmem>>, vector<1x64xf32>
    %add3A_43 = vector.broadcast %get3A_42 : vector<1x64xf32> to vector<3200x64xf32>
    %add3A_44 = arith.addf %dot_general3A_39, %add3A_43 : vector<3200x64xf32>
    %ge3A_45 = arith.constant 0.000000e+00 : f32
    %ge3A_46 = vector.broadcast %ge3A_45 : f32 to vector<3200x64xf32>
    %ge3A_47 = arith.cmpf oge, %add3A_44, %ge3A_46 : vector<3200x64xf32>
    %mul3A_48 = arith.constant 2.000000e-01 : f32
    %mul3A_49 = vector.broadcast %mul3A_48 : f32 to vector<3200x64xf32>
    %mul3A_50 = arith.mulf %mul3A_49, %add3A_44 : vector<3200x64xf32>
    %select_n3A_51 = arith.select %ge3A_47, %add3A_44, %mul3A_50 : vector<3200x64xi1>, vector<3200x64xf32>
    %get3A_52 = arith.constant 0 : index
    %get3A_53 = arith.constant 0 : index
    %get3A_54 = vector.load %arg9[%get3A_52, %get3A_53] : memref<64x64xf32, #tpu.memory_space<vmem>>, vector<64x64xf32>
    %dot_general3A_55 = arith.constant dense<0.000000e+00> : vector<3200x64xf32>
    %dot_general3A_56 = tpu.matmul %select_n3A_51, %get3A_54, %dot_general3A_55 {dimension_numbers = #tpu.dot_dimension_numbers<[1], [0], [0], [1], [0, 0, 1, 1], [], []>, transpose_lhs_hint = false} : vector<3200x64xf32>, vector<64x64xf32>, vector<3200x64xf32> -> vector<3200x64xf32>
    %get3A_57 = arith.constant 0 : index
    %get3A_58 = arith.constant 0 : index
    %get3A_59 = vector.load %arg10[%get3A_57, %get3A_58] : memref<1x64xf32, #tpu.memory_space<vmem>>, vector<1x64xf32>
    %add3A_60 = vector.broadcast %get3A_59 : vector<1x64xf32> to vector<3200x64xf32>
    %add3A_61 = arith.addf %dot_general3A_56, %add3A_60 : vector<3200x64xf32>
    %ge3A_62 = arith.constant 0.000000e+00 : f32
    %ge3A_63 = vector.broadcast %ge3A_62 : f32 to vector<3200x64xf32>
    %ge3A_64 = arith.cmpf oge, %add3A_61, %ge3A_63 : vector<3200x64xf32>
    %mul3A_65 = arith.constant 2.000000e-01 : f32
    %mul3A_66 = vector.broadcast %mul3A_65 : f32 to vector<3200x64xf32>
    %mul3A_67 = arith.mulf %mul3A_66, %add3A_61 : vector<3200x64xf32>
    %select_n3A_68 = arith.select %ge3A_64, %add3A_61, %mul3A_67 : vector<3200x64xi1>, vector<3200x64xf32>
    %get3A_69 = arith.constant 0 : index
    %get3A_70 = arith.constant 0 : index
    %get3A_71 = vector.load %arg11[%get3A_69, %get3A_70] : memref<64x128xf32, #tpu.memory_space<vmem>>, vector<64x128xf32>
    %dot_general3A_72 = arith.constant dense<0.000000e+00> : vector<3200x128xf32>
    %dot_general3A_73 = tpu.matmul %select_n3A_68, %get3A_71, %dot_general3A_72 {dimension_numbers = #tpu.dot_dimension_numbers<[1], [0], [0], [1], [0, 0, 1, 1], [], []>, transpose_lhs_hint = false} : vector<3200x64xf32>, vector<64x128xf32>, vector<3200x128xf32> -> vector<3200x128xf32>
    %get3A_74 = arith.constant 0 : index
    %get3A_75 = arith.constant 0 : index
    %get3A_76 = vector.load %arg12[%get3A_74, %get3A_75] : memref<1x128xf32, #tpu.memory_space<vmem>>, vector<1x128xf32>
    %add3A_77 = vector.broadcast %get3A_76 : vector<1x128xf32> to vector<3200x128xf32>
    %add3A_78 = arith.addf %dot_general3A_73, %add3A_77 : vector<3200x128xf32>
    %swap3A = arith.constant 0 : index
    %swap3A_79 = arith.constant 0 : index
    %swap3A_80 = vector.load %arg13[%swap3A, %swap3A_79] : memref<3200x128xf32, #tpu.memory_space<vmem>>, vector<3200x128xf32>
    tpu.vector_store %arg13[%swap3A, %swap3A_79], %add3A_78 {strides = array<i32>} : memref<3200x128xf32, #tpu.memory_space<vmem>>, vector<3200x128xf32>,
    return
  }
  func.func @transform_0(%arg0: i32) -> (i32, i32) {
    %c0_i32 = arith.constant 0 : i32
    %c0_i32_0 = arith.constant 0 : i32
    return %arg0, %c0_i32 : i32, i32
  }
  func.func @transform_1(%arg0: i32) -> (i32, i32) {
    %c0_i32 = arith.constant 0 : i32
    %c0_i32_0 = arith.constant 0 : i32
    return %arg0, %c0_i32 : i32, i32
  }
  func.func @transform_2(%arg0: i32) -> (i32, i32) {
    %c0_i32 = arith.constant 0 : i32
    %c0_i32_0 = arith.constant 0 : i32
    %c0_i32_1 = arith.constant 0 : i32
    return %c0_i32, %c0_i32_0 : i32, i32
  }
  func.func @transform_3(%arg0: i32) -> (i32, i32) {
    %c0_i32 = arith.constant 0 : i32
    %c0_i32_0 = arith.constant 0 : i32
    %c0_i32_1 = arith.constant 0 : i32
    return %c0_i32, %c0_i32_0 : i32, i32
  }
  func.func @transform_4(%arg0: i32) -> (i32, i32) {
    %c0_i32 = arith.constant 0 : i32
    %c0_i32_0 = arith.constant 0 : i32
    %c0_i32_1 = arith.constant 0 : i32
    return %c0_i32, %c0_i32_0 : i32, i32
  }
  func.func @transform_5(%arg0: i32) -> (i32, i32) {
    %c0_i32 = arith.constant 0 : i32
    %c0_i32_0 = arith.constant 0 : i32
    %c0_i32_1 = arith.constant 0 : i32
    return %c0_i32, %c0_i32_0 : i32, i32
  }
  func.func @transform_6(%arg0: i32) -> (i32, i32) {
    %c0_i32 = arith.constant 0 : i32
    %c0_i32_0 = arith.constant 0 : i32
    %c0_i32_1 = arith.constant 0 : i32
    return %c0_i32, %c0_i32_0 : i32, i32
  }
  func.func @transform_7(%arg0: i32) -> (i32, i32) {
    %c0_i32 = arith.constant 0 : i32
    %c0_i32_0 = arith.constant 0 : i32
    %c0_i32_1 = arith.constant 0 : i32
    return %c0_i32, %c0_i32_0 : i32, i32
  }
  func.func @transform_8(%arg0: i32) -> (i32, i32) {
    %c0_i32 = arith.constant 0 : i32
    %c0_i32_0 = arith.constant 0 : i32
    %c0_i32_1 = arith.constant 0 : i32
    return %c0_i32, %c0_i32_0 : i32, i32
  }
  func.func @transform_9(%arg0: i32) -> (i32, i32) {
    %c0_i32 = arith.constant 0 : i32
    %c0_i32_0 = arith.constant 0 : i32
    %c0_i32_1 = arith.constant 0 : i32
    return %c0_i32, %c0_i32_0 : i32, i32
  }
  func.func @transform_10(%arg0: i32) -> (i32, i32) {
    %c0_i32 = arith.constant 0 : i32
    %c0_i32_0 = arith.constant 0 : i32
    %c0_i32_1 = arith.constant 0 : i32
    return %c0_i32, %c0_i32_0 : i32, i32
  }
  func.func @transform_11(%arg0: i32) -> (i32, i32) {
    %c0_i32 = arith.constant 0 : i32
    %c0_i32_0 = arith.constant 0 : i32
    %c0_i32_1 = arith.constant 0 : i32
    return %c0_i32, %c0_i32_0 : i32, i32
  }
  func.func @transform_12(%arg0: i32) -> (i32, i32) {
    %c0_i32 = arith.constant 0 : i32
    %c0_i32_0 = arith.constant 0 : i32
    return %arg0, %c0_i32 : i32, i32
  }
}

module attributes {stable_mosaic.version = 14 : i64} {
  func.func @_red_body(%arg0: i32, %arg1: memref<1000x192xf32, #tpu.memory_space<vmem>>, %arg2: memref<192x64xf32, #tpu.memory_space<vmem>>, %arg3: memref<1x64xf32, #tpu.memory_space<vmem>>, %arg4: memref<64x64xf32, #tpu.memory_space<vmem>>, %arg5: memref<1x64xf32, #tpu.memory_space<vmem>>, %arg6: memref<64x64xf32, #tpu.memory_space<vmem>>, %arg7: memref<1x64xf32, #tpu.memory_space<vmem>>, %arg8: memref<64x128xf32, #tpu.memory_space<vmem>>, %arg9: memref<1x128xf32, #tpu.memory_space<vmem>>, %arg10: memref<1000x128xf32, #tpu.memory_space<vmem>>) attributes {dimension_semantics = [#tpu.dimension_semantics<arbitrary>], iteration_bounds = array<i64: 5>, scalar_prefetch = 0 : i64, scratch_operands = 0 : i64, tpu.core_type = #tpu.core_type<tc>, window_params = [{transform_indices = @transform_0, window_bounds = array<i64: 1000, 192>}, {pipeline_mode = #tpu.pipeline_mode<synchronous>, transform_indices = @transform_1, window_bounds = array<i64: 192, 64>}, {pipeline_mode = #tpu.pipeline_mode<synchronous>, transform_indices = @transform_2, window_bounds = array<i64: 1, 64>}, {pipeline_mode = #tpu.pipeline_mode<synchronous>, transform_indices = @transform_3, window_bounds = array<i64: 64, 64>}, {pipeline_mode = #tpu.pipeline_mode<synchronous>, transform_indices = @transform_4, window_bounds = array<i64: 1, 64>}, {pipeline_mode = #tpu.pipeline_mode<synchronous>, transform_indices = @transform_5, window_bounds = array<i64: 64, 64>}, {pipeline_mode = #tpu.pipeline_mode<synchronous>, transform_indices = @transform_6, window_bounds = array<i64: 1, 64>}, {pipeline_mode = #tpu.pipeline_mode<synchronous>, transform_indices = @transform_7, window_bounds = array<i64: 64, 128>}, {pipeline_mode = #tpu.pipeline_mode<synchronous>, transform_indices = @transform_8, window_bounds = array<i64: 1, 128>}, {transform_indices = @transform_9, window_bounds = array<i64: 1000, 128>}]} {
    %get3A = arith.constant 0 : index
    %get3A_0 = arith.constant 0 : index
    %get3A_1 = vector.load %arg1[%get3A, %get3A_0] : memref<1000x192xf32, #tpu.memory_space<vmem>>, vector<1000x192xf32>
    %get3A_2 = arith.constant 0 : index
    %get3A_3 = arith.constant 0 : index
    %get3A_4 = vector.load %arg2[%get3A_2, %get3A_3] : memref<192x64xf32, #tpu.memory_space<vmem>>, vector<192x64xf32>
    %dot_general3A = arith.constant dense<0.000000e+00> : vector<1000x64xf32>
    %dot_general3A_5 = tpu.matmul %get3A_1, %get3A_4, %dot_general3A {dimension_numbers = #tpu.dot_dimension_numbers<[1], [0], [0], [1], [0, 0, 1, 1], [], []>, transpose_lhs_hint = false} : vector<1000x192xf32>, vector<192x64xf32>, vector<1000x64xf32> -> vector<1000x64xf32>
    %get3A_6 = arith.constant 0 : index
    %get3A_7 = arith.constant 0 : index
    %get3A_8 = vector.load %arg3[%get3A_6, %get3A_7] : memref<1x64xf32, #tpu.memory_space<vmem>>, vector<1x64xf32>
    %add3A = vector.broadcast %get3A_8 : vector<1x64xf32> to vector<1000x64xf32>
    %add3A_9 = arith.addf %dot_general3A_5, %add3A : vector<1000x64xf32>
    %ge3A = arith.constant 0.000000e+00 : f32
    %ge3A_10 = vector.broadcast %ge3A : f32 to vector<1000x64xf32>
    %ge3A_11 = arith.cmpf oge, %add3A_9, %ge3A_10 : vector<1000x64xf32>
    %mul3A = arith.constant 2.000000e-01 : f32
    %mul3A_12 = vector.broadcast %mul3A : f32 to vector<1000x64xf32>
    %mul3A_13 = arith.mulf %mul3A_12, %add3A_9 : vector<1000x64xf32>
    %select_n3A = arith.select %ge3A_11, %add3A_9, %mul3A_13 : vector<1000x64xi1>, vector<1000x64xf32>
    %get3A_14 = arith.constant 0 : index
    %get3A_15 = arith.constant 0 : index
    %get3A_16 = vector.load %arg4[%get3A_14, %get3A_15] : memref<64x64xf32, #tpu.memory_space<vmem>>, vector<64x64xf32>
    %dot_general3A_17 = arith.constant dense<0.000000e+00> : vector<1000x64xf32>
    %dot_general3A_18 = tpu.matmul %select_n3A, %get3A_16, %dot_general3A_17 {dimension_numbers = #tpu.dot_dimension_numbers<[1], [0], [0], [1], [0, 0, 1, 1], [], []>, transpose_lhs_hint = false} : vector<1000x64xf32>, vector<64x64xf32>, vector<1000x64xf32> -> vector<1000x64xf32>
    %get3A_19 = arith.constant 0 : index
    %get3A_20 = arith.constant 0 : index
    %get3A_21 = vector.load %arg5[%get3A_19, %get3A_20] : memref<1x64xf32, #tpu.memory_space<vmem>>, vector<1x64xf32>
    %add3A_22 = vector.broadcast %get3A_21 : vector<1x64xf32> to vector<1000x64xf32>
    %add3A_23 = arith.addf %dot_general3A_18, %add3A_22 : vector<1000x64xf32>
    %ge3A_24 = arith.constant 0.000000e+00 : f32
    %ge3A_25 = vector.broadcast %ge3A_24 : f32 to vector<1000x64xf32>
    %ge3A_26 = arith.cmpf oge, %add3A_23, %ge3A_25 : vector<1000x64xf32>
    %mul3A_27 = arith.constant 2.000000e-01 : f32
    %mul3A_28 = vector.broadcast %mul3A_27 : f32 to vector<1000x64xf32>
    %mul3A_29 = arith.mulf %mul3A_28, %add3A_23 : vector<1000x64xf32>
    %select_n3A_30 = arith.select %ge3A_26, %add3A_23, %mul3A_29 : vector<1000x64xi1>, vector<1000x64xf32>
    %get3A_31 = arith.constant 0 : index
    %get3A_32 = arith.constant 0 : index
    %get3A_33 = vector.load %arg6[%get3A_31, %get3A_32] : memref<64x64xf32, #tpu.memory_space<vmem>>, vector<64x64xf32>
    %dot_general3A_34 = arith.constant dense<0.000000e+00> : vector<1000x64xf32>
    %dot_general3A_35 = tpu.matmul %select_n3A_30, %get3A_33, %dot_general3A_34 {dimension_numbers = #tpu.dot_dimension_numbers<[1], [0], [0], [1], [0, 0, 1, 1], [], []>, transpose_lhs_hint = false} : vector<1000x64xf32>, vector<64x64xf32>, vector<1000x64xf32> -> vector<1000x64xf32>
    %get3A_36 = arith.constant 0 : index
    %get3A_37 = arith.constant 0 : index
    %get3A_38 = vector.load %arg7[%get3A_36, %get3A_37] : memref<1x64xf32, #tpu.memory_space<vmem>>, vector<1x64xf32>
    %add3A_39 = vector.broadcast %get3A_38 : vector<1x64xf32> to vector<1000x64xf32>
    %add3A_40 = arith.addf %dot_general3A_35, %add3A_39 : vector<1000x64xf32>
    %ge3A_41 = arith.constant 0.000000e+00 : f32
    %ge3A_42 = vector.broadcast %ge3A_41 : f32 to vector<1000x64xf32>
    %ge3A_43 = arith.cmpf oge, %add3A_40, %ge3A_42 : vector<1000x64xf32>
    %mul3A_44 = arith.constant 2.000000e-01 : f32
    %mul3A_45 = vector.broadcast %mul3A_44 : f32 to vector<1000x64xf32>
    %mul3A_46 = arith.mulf %mul3A_45, %add3A_40 : vector<1000x64xf32>
    %select_n3A_47 = arith.select %ge3A_43, %add3A_40, %mul3A_46 : vector<1000x64xi1>, vector<1000x64xf32>
    %get3A_48 = arith.constant 0 : index
    %get3A_49 = arith.constant 0 : index
    %get3A_50 = vector.load %arg8[%get3A_48, %get3A_49] : memref<64x128xf32, #tpu.memory_space<vmem>>, vector<64x128xf32>
    %dot_general3A_51 = arith.constant dense<0.000000e+00> : vector<1000x128xf32>
    %dot_general3A_52 = tpu.matmul %select_n3A_47, %get3A_50, %dot_general3A_51 {dimension_numbers = #tpu.dot_dimension_numbers<[1], [0], [0], [1], [0, 0, 1, 1], [], []>, transpose_lhs_hint = false} : vector<1000x64xf32>, vector<64x128xf32>, vector<1000x128xf32> -> vector<1000x128xf32>
    %get3A_53 = arith.constant 0 : index
    %get3A_54 = arith.constant 0 : index
    %get3A_55 = vector.load %arg9[%get3A_53, %get3A_54] : memref<1x128xf32, #tpu.memory_space<vmem>>, vector<1x128xf32>
    %add3A_56 = vector.broadcast %get3A_55 : vector<1x128xf32> to vector<1000x128xf32>
    %add3A_57 = arith.addf %dot_general3A_52, %add3A_56 : vector<1000x128xf32>
    %swap3A = arith.constant 0 : index
    %swap3A_58 = arith.constant 0 : index
    %swap3A_59 = vector.load %arg10[%swap3A, %swap3A_58] : memref<1000x128xf32, #tpu.memory_space<vmem>>, vector<1000x128xf32>
    tpu.vector_store %arg10[%swap3A, %swap3A_58], %add3A_57 {strides = array<i32>} : memref<1000x128xf32, #tpu.memory_space<vmem>>, vector<1000x128xf32>,
    return
  }
  func.func @transform_0(%arg0: i32) -> (i32, i32) {
    %c0_i32 = arith.constant 0 : i32
    %c0_i32_0 = arith.constant 0 : i32
    return %arg0, %c0_i32 : i32, i32
  }
  func.func @transform_1(%arg0: i32) -> (i32, i32) {
    %c0_i32 = arith.constant 0 : i32
    %c0_i32_0 = arith.constant 0 : i32
    %c0_i32_1 = arith.constant 0 : i32
    return %c0_i32, %c0_i32_0 : i32, i32
  }
  func.func @transform_2(%arg0: i32) -> (i32, i32) {
    %c0_i32 = arith.constant 0 : i32
    %c0_i32_0 = arith.constant 0 : i32
    %c0_i32_1 = arith.constant 0 : i32
    return %c0_i32, %c0_i32_0 : i32, i32
  }
  func.func @transform_3(%arg0: i32) -> (i32, i32) {
    %c0_i32 = arith.constant 0 : i32
    %c0_i32_0 = arith.constant 0 : i32
    %c0_i32_1 = arith.constant 0 : i32
    return %c0_i32, %c0_i32_0 : i32, i32
  }
  func.func @transform_4(%arg0: i32) -> (i32, i32) {
    %c0_i32 = arith.constant 0 : i32
    %c0_i32_0 = arith.constant 0 : i32
    %c0_i32_1 = arith.constant 0 : i32
    return %c0_i32, %c0_i32_0 : i32, i32
  }
  func.func @transform_5(%arg0: i32) -> (i32, i32) {
    %c0_i32 = arith.constant 0 : i32
    %c0_i32_0 = arith.constant 0 : i32
    %c0_i32_1 = arith.constant 0 : i32
    return %c0_i32, %c0_i32_0 : i32, i32
  }
  func.func @transform_6(%arg0: i32) -> (i32, i32) {
    %c0_i32 = arith.constant 0 : i32
    %c0_i32_0 = arith.constant 0 : i32
    %c0_i32_1 = arith.constant 0 : i32
    return %c0_i32, %c0_i32_0 : i32, i32
  }
  func.func @transform_7(%arg0: i32) -> (i32, i32) {
    %c0_i32 = arith.constant 0 : i32
    %c0_i32_0 = arith.constant 0 : i32
    %c0_i32_1 = arith.constant 0 : i32
    return %c0_i32, %c0_i32_0 : i32, i32
  }
  func.func @transform_8(%arg0: i32) -> (i32, i32) {
    %c0_i32 = arith.constant 0 : i32
    %c0_i32_0 = arith.constant 0 : i32
    %c0_i32_1 = arith.constant 0 : i32
    return %c0_i32, %c0_i32_0 : i32, i32
  }
  func.func @transform_9(%arg0: i32) -> (i32, i32) {
    %c0_i32 = arith.constant 0 : i32
    %c0_i32_0 = arith.constant 0 : i32
    return %arg0, %c0_i32 : i32, i32
  }
}

</mosaic_0001>

<sc_bundles>
// kernel: gather_offload_async_start.1
scs
__scs_entry_jumppad:
0x0: {  	(pc) =	sbr.rel $0x88, $3  }
0x1: {  	(tag) =	ssettag $0x0;
	lr =	simm.s32 $0x1  }
0x2: {  	[smem:$0x3F81] =	sst lr;
	_ =	strace $0xD0000000  }
0x3: {  	_ = 	snop  }
0x4: {  	_ = 	snop  }
0x5: {  	_ = 	snop  }
0x6: {  	_ = 	snop  }
0x7: {  	_ = 	snop  }
__scs_overlays_trampoline_lowered:
0x8: {  	[smem:$0x3F90] =	sst s0  }
0x9: {  	[smem:$0x3F91] =	sst s1  }
0xa: {  	[smem:$0x3F92] =	sst s2  }
0xb: {  	[smem:$0x3F93] =	sst s3  }
0xc: {  	[smem:$0x3F94] =	sst s4  }
0xd: {  	[smem:$0x3F95] =	sst s5  }
0xe: {  	[smem:$0x3F96] =	sst s6  }
0xf: {  	[smem:$0x3F97] =	sst s7  }
0x10: {  	[smem:$0x3F98] =	sst s8  }
0x11: {  	[smem:$0x3F99] =	sst s9;
	s0 =	simm.s32 @!p0 $0x0  }
0x12: {  	s1 =	sld [smem:$0x3F7F];
	s0 =	simm.s32 @p0 $0x1  }
0x13: {  	[smem:$0x3F9A] =	sst s0;
	s0 =	simm.s32 @!p1 $0x0  }
0x14: {  	s2 =	sld [smem:$0x3F7E];
	s0 =	simm.s32 @p1 $0x1  }
0x15: {  	[smem:$0x3F9B] =	sst s0;
	s0 =	simm.s32 @!p2 $0x0  }
0x16: {  	s3 =	sld [smem:$0x3FDB];
	s0 =	simm.s32 @p2 $0x1  }
0x17: {  	s4 =	simm.s32 $0x1BF5;
	[smem:$0x3F9D] =	sst s0  }
0x18: {  	s0 =	sld [smem:$0x3F80];
	_ =	swait.ge [sflag:s4], $0x0  }
0x19: {  	s7 =	sld [smem:$0x3F81]  }
0x1a: {  	s8 =	sadd.s32 $0xFFFFE003, lr  }
0x1b: {  	s9 =	sadd.s32 $0xFFFFFEF7, lr;
	s5 =	simm.s32 $0xFFFFFFFF;
	p2 =	slt.u32 s8, $0xFFFFF086  }
0x1c: {  	p1 =	slt.u32 s9, $0xF7A;
	s5 =	simm.s32 @!p2 $0x0  }
0x1d: {  	s5 =	simm.s32 @p1 $0x1;
	p0 =	seq.s32 s7, s2  }
0x1e: {  	s7 =	smul.u32 @!p0 $0xF7A, s2;
	p2 =	seq.s32 @!p0 s5, $0x0  }
0x1f: {  	s9 =	smul.u32 $0xF7A, s1;
	s8 =	simm.s32 @!p0 $0x1BF5;
	p2 =	por !p2, p0  }
0x20: {  	[sflag:s8] =	ssyncset.s32 @!p0 $0xFFFFF086;
	s6 =	sadd.s32 @!p0 s3, s7;
	s7 =	simm.s32 @!p0 $0x108  }
0x21: {  	s3 =	sadd.s32 s3, s9;
	s6 =	sadd.s32 @!p0 $0x88, s6;
	s7 =	simm.s32 @p2 $0x1082  }
0x22: {  	[simem:s7], [sflag:s8] =	dma.local @!p0 [hbm:s6], $0xF7A  }
0x23: {  	s9 =	sor.u32 $0xD0000000, s2;
	s6 =	simm.s32 $0x108;
	_ =	swait.ge @!p0 [sflag:s8], $0x0  }
0x24: {  	s3 =	sadd.s32 $0x88, s3;
	s6 =	simm.s32 @!p1 $0x1082;
	[sflag:s4] =	ssyncset.s32 $0xFFFFF086  }
0x25: {  	[simem:s6], [sflag:s4] =	dma.local [hbm:s3], $0xF7A  }
0x26: {  	[smem:$0x3F81] =	sst s1;
	(tag) =	ssettag s2;
	_ =	strace s9  }
0x27: {  	s1 =	sld [smem:$0x3F91]  }
0x28: {  	s2 =	sld [smem:$0x3F92]  }
0x29: {  	s4 =	sld [smem:$0x3F94]  }
0x2a: {  	p0 =	seq.s32 s5, $0x0;
	s5 =	sld [smem:$0x3F95]  }
0x2b: {  	s6 =	sld [smem:$0x3F96]  }
0x2c: {  	s7 =	sld [smem:$0x3F97]  }
0x2d: {  	s3 =	simm.s32 $0x108;
	s8 =	sld [smem:$0x3F98]  }
0x2e: {  	s3 =	simm.s32 @!p0 $0x1082;
	s9 =	sld [smem:$0x3F99]  }
0x2f: {  	lr =	sadd.s32 s0, s3;
	s0 =	sld [smem:$0x3F90]  }
0x30: {  	s3 =	sld [smem:$0x3F93]  }
0x31: {  	[smem:$0x3F9C] =	sst s10  }
0x32: {  	s10 =	sld [smem:$0x3F9A];
	_ =	sdelay $0x3  }
0x33: {  	p0 =	seq.s32 s10, $0x1;
	s10 =	sld [smem:$0x3F9C];
	_ =	sdelay $0x3  }
0x34: {  	[smem:$0x3F9C] =	sst s10  }
0x35: {  	s10 =	sld [smem:$0x3F9B];
	_ =	sdelay $0x3  }
0x36: {  	p1 =	seq.s32 s10, $0x1;
	s10 =	sld [smem:$0x3F9C];
	_ =	sdelay $0x3  }
0x37: {  	[smem:$0x3F9C] =	sst s10  }
0x38: {  	s10 =	sld [smem:$0x3F9D]  }
0x39: {  	_ = 	snop;
	(pc) =	sbr.ind lr, $3  }
0x3a: {  	_ = 	snop  }
0x3b: {  	_ = 	snop  }
0x3c: {  	p2 =	seq.s32 s10, $0x1;
	s10 =	sld [smem:$0x3F9C]  }
0x3d: {  	_ =	shalt  }
0x3e: {  	_ =	shalt  }
0x3f: {  	_ =	shalt  }
0x40: {  	_ =	shalt  }
0x41: {  	_ =	shalt  }
0x42: {  	_ =	shalt  }
0x43: {  	_ =	shalt  }
0x44: {  	_ =	shalt  }
0x45: {  	_ =	shalt  }
0x46: {  	_ =	shalt  }
0x47: {  	_ =	shalt  }
0x48: {  	_ =	shalt  }
0x49: {  	_ =	shalt  }
0x4a: {  	_ =	shalt  }
0x4b: {  	_ =	shalt  }
0x4c: {  	_ =	shalt  }
0x4d: {  	_ =	shalt  }
0x4e: {  	_ =	shalt  }
0x4f: {  	_ =	shalt  }
0x50: {  	_ =	shalt  }
0x51: {  	_ =	shalt  }
0x52: {  	_ =	shalt  }
0x53: {  	_ =	shalt  }
0x54: {  	_ =	shalt  }
0x55: {  	_ =	shalt  }
0x56: {  	_ =	shalt  }
0x57: {  	_ =	shalt  }
0x58: {  	_ =	shalt  }
0x59: {  	_ =	shalt  }
0x5a: {  	_ =	shalt  }
0x5b: {  	_ =	shalt  }
0x5c: {  	_ =	shalt  }
0x5d: {  	_ =	shalt  }
0x5e: {  	_ =	shalt  }
0x5f: {  	_ =	shalt  }
0x60: {  	_ =	shalt  }
0x61: {  	_ =	shalt  }
0x62: {  	_ =	shalt  }
0x63: {  	_ =	shalt  }
0x64: {  	_ =	shalt  }
0x65: {  	_ =	shalt  }
0x66: {  	_ =	shalt  }
0x67: {  	_ =	shalt  }
0x68: {  	_ =	shalt  }
0x69: {  	_ =	shalt  }
0x6a: {  	_ =	shalt  }
0x6b: {  	_ =	shalt  }
0x6c: {  	_ =	shalt  }
0x6d: {  	_ =	shalt  }
0x6e: {  	_ =	shalt  }
0x6f: {  	_ =	shalt  }
0x70: {  	_ =	shalt  }
0x71: {  	_ =	shalt  }
0x72: {  	_ =	shalt  }
0x73: {  	_ =	shalt  }
0x74: {  	_ =	shalt  }
0x75: {  	_ =	shalt  }
0x76: {  	_ =	shalt  }
0x77: {  	_ =	shalt  }
0x78: {  	_ =	shalt  }
0x79: {  	_ =	shalt  }
0x7a: {  	_ =	shalt  }
0x7b: {  	_ =	shalt  }
0x7c: {  	_ =	shalt  }
0x7d: {  	_ =	shalt  }
0x7e: {  	_ =	shalt  }
0x7f: {  	_ =	shalt  }
0x80: {  	_ =	shalt  }
0x81: {  	_ =	shalt  }
0x82: {  	_ =	shalt  }
0x83: {  	_ =	shalt  }
0x84: {  	_ =	shalt  }
0x85: {  	_ =	shalt  }
0x86: {  	_ =	shalt  }
0x87: {  	_ =	shalt  }
.Lfunc_end0:
.L_simem_size_0:
called_computation.2_lowered:
.L_overlay_start_0:
0x88: {  	s0 =	sld [smem:$0x3FD9]  }
0x89: {  	s1 =	sld [smem:$0x3FFE];
	_ =	sdelay $0x3  }
0x8a: {  	s0 =	sadd.s32 s1, s0  }
0x8b: {  	[smem:$0x3FA8] =	sst s0  }
0x8c: {  	_ = 	snop  }
0x8d: {  	(tm) =	ssettm $0x1  }
0x8e: {  	s15 =	sld [smem:$0x3FFB];
	_ =	sdelay $0x3  }
0x8f: {  	_ =	strace s15  }
0x90: {  	s0 =	sld [smem:$0x3FFC];
	_ =	sdelay $0x3  }
0x91: {  	_ =	strace s0  }
0x92: {  	s0 =	sld [smem:$0x3FFD];
	_ =	sdelay $0x3  }
0x93: {  	_ =	strace s0  }
0x94: {  	_ =	strace $0x8FFFFFFF  }
0x95: {  	s16 =	sld [smem:$0x3FDB];
	_ =	sdelay $0x1  }
0x96: {  	s17 =	simm.s32 $_scs_section_size  }
0x97: {  	s2 =	simm.s32 $_size__tile_overlayer_lowered;
	s3 =	simm.s32 $_tile_overlayer_lowered  }
0x98: {  	s20 =	simm.s32 $0x1BFF;
	s19 =	sshll.u32 s3, $0x1;
	s0 =	sadd.s32 s17, s16  }
0x99: {  	s4 =	simm.s32 $0x0;
	s18 =	sshll.u32 s2, $0x1;
	s2 =	sadd.s32 s19, s0  }
0x9a: {  	[timem:s4], [sflag:s20] =	dma.local [hbm:s2], s18  }
0x9b: {  	_ =	swait.ge [sflag:s20], s18  }
0x9c: {  	s1 =	ssub.s32 $0x0, s18;
	[sflag:s20] =	ssyncset.done $0x0  }
0x9d: {  	[sflag:s20] =	ssyncadd.s32 s1;
	_ =	sdelay $0x1  }
0x9e: {  	s21 =	simm.s32 $0x1B8B  }
0x9f: {  	_ =	swait.ge [sflag:s21], $0x1  }
0xa0: {  	[sflag:s21] =	ssyncset.done $0x0  }
0xa1: {  	s23 =	simm.s32 $0x1B8E;
	s22 =	sld [smem:$0x3FFE];
	[sflag:s21] =	ssyncadd.s32 $0xFFFFFFFF  }
0xa2: {  	s24 =	simm.s32 $execute0_lowered;
	[smem:$0x3FD2] =	sst s23  }
0xa3: {  	s2 =	sshll.u32 s24, $0x1;
	_ =	strace $0x80000055;
	[dreg:$0x1] =	wrdreg $0xFFFFFFFF  }
0xa4: {  	s25 =	simm.s32 $_size_execute0_lowered;
	s0 =	sadd.s32 s0, s2;
	[dreg:$0x0] =	wrdreg $0x0  }
0xa5: {  	s2 =	sshll.u32 s25, $0x1;
	[dreg:$0x2] =	wrdreg s0  }
0xa6: {  	[dreg:$0x3] =	wrdreg s2  }
0xa7: {  	[dreg:$0x4] =	wrdreg $0xC0  }
0xa8: {  	_ =	task [dreg:s4], $0x5FFFF  }
0xa9: {  	[dreg:$0x1] =	wrdreg $0xFFFFFFFF  }
0xaa: {  	[dreg:$0x0] =	wrdreg $0x60  }
0xab: {  	[dreg:$0x2] =	wrdreg s22  }
0xac: {  	[dreg:$0x3] =	wrdreg $0xB  }
0xad: {  	_ =	task.clear_ibuf [dreg:s4], $0x4FFFF;
	_ =	strace $0x90000055  }
0xae: {  	s26 =	simm.s32 $0xB;
	_ =	strace $0x80000057  }
0xaf: {  	_ =	swait.ge [sflag:s26], $0x1  }
0xb0: {  	[sflag:s26] =	ssyncadd.s32 $0xFFFFFFFF  }
0xb1: {  	_ =	strace $0x90000057  }
0xb2: {  	_ =	sfence  }
0xb3: {  	s28 =	sld [smem:$0x0];
	_ =	sdelay $0x1  }
0xb4: {  	s29 =	srdreg.scid  }
0xb5: {  	s30 =	sshll.u32 s29, $0xD;
	s31 =	sshrl.u32 s29, $0x2  }
0xb6: {  	s1 =	sand.u32 $0x1, s29;
	s2 =	sand.u32 $0x4000, s30;
	s0 =	sadd.s32 s31, s28  }
0xb7: {  	s1 =	sor.u32 s2, s1;
	s0 =	sshll.u32 s0, $0x11  }
0xb8: {  	s0 =	sor.u32 s0, s1  }
0xb9: {  	s0 =	sadd.s32 $0x8F2B, s0  }
0xba: {  	[sflag:s0] =	ssyncadd.remote.s32 $0x1  }
0xbb: {  	_ =	sfence.sel $0xFFFF  }
0xbc: {  	[dreg:$0x0] =	wrdreg $0xFFFFFFFF;
	(pc) =	sbr.abs _section_cstart, $3  }
0xbd: {  	[dreg:$0x1] =	wrdreg $0xFFFFFFFF  }
0xbe: {  	_ =	task.clear_ibuf [dreg:s4], $0x2FFFF;
	_ =	strace $0x9FFFFFFF  }
0xbf: {  	(tm) =	ssettm $0x7FFFFFFF  }
tec
execute0_lowered:
.L_overlay_start_1:
0x0: {  	(tag) =	ssettag $0x1  }
0x1: {  	s0 =	stileid.u32  }
0x2: {  	s1 =	smin.u32 s0, $0x9  }
0x3: {  	s1 =	sadd.s32 s0, s1  }
0x4: {  	s2 =	simm.s32 $0x190;
	p0 =	slt.u32 s0, $0x9;
	s1 =	smul.u32 $0xC8, s1  }
0x5: {  	s2 =	simm.s32 @!p0 $0xC8  }
0x6: {  	s2 =	sadd.s32 s2, s1  }
0x7: {  	s3 =	smin.u32 s2, $0x1388  }
0x8: {  	s7 =	ssub.s32 s3, s1  }
0x9: {  	p0 =	sgt.s32 s7, $0x0  }
0xa: {  	s7 =	simm.s32 @!p0 $0x0  }
0xb: {  	s31 =	sand.u32 $0xFFF8, s7  }
0xc: {  	s2 =	sshrl.u32 s31, $0x3  }
0xd: {  	s2 =	smul.u32 $0x147B, s2  }
0xe: {  	s9 =	rddreg [dreg:$0x0];
	s6 =	simm.s32 $0x1;
	s11 =	simm.s32 $0x3  }
0xf: {  	s13 =	simm.s32 $0x0;
	s12 =	simm.s32 $0x0;
	s8 =	sshrl.u32 s2, $0x11  }
0x10: {  	s4 =	sadd.s32 $0x5600, s9;
	s5 =	sadd.s32 $0x2CC00, s9;
	s10 =	smul.u32 $0xC8, s8  }
.Ltmp0:
0x11: {  	s9 =	sadd.s32 $0x2D000, s9;
	s2 =	rddreg [dreg:$0x1];
	(pc) =	sbr.rel .LBB2_1-.Ltmp0, $4  }
0x12: {  	_ =	strace $0x80000056;
	p0 =	sne.s32 s7, s10;
	s10 =	simm.s32 $0x1  }
0x13: {  	[sflag:s6] =	ssyncpa.u1 $0x0;
	s7 =	simm.s32 $0x2;
	s10 =	simm.s32 @!p0 $0x0  }
0x14: {  	[sflag:s7] =	ssyncpa.u1 $0x0;
	p0 =	por $0x0, $0x0;
	s8 =	sadd.s32 s8, s10  }
0x15: {  	vm0 =	vmmov $0xff;
	vm1 =	vcmask $0x3F20;
	[sflag:s11] =	ssyncpa.u1 $0x0;
	s11 =	smov.u32 s1;
	s10 =	sadd.s32 $0x1, s8  }
.LBB2_6:
0x16: {  	[hbm:s17] =	stream.linear.scatter [tilespmem:s14], [sflag:$0x3], $0x400, $0x38;
	[tilespmem:$0xC990] =	vst v63  }
.LBB2_7:
0x17: {  	s13 =	sadd.s32 $0xC8, s11  }
0x18: {  	s15 =	smov.u32 s1;
	p2 =	slt.s32 s13, s3  }
0x19: {  	s15 =	smov.u32 @p2 s13;
	p2 =	sne.s32 s12, s10  }
.Ltmp1:
0x1a: {  	p1 =	slt.u32 s12, $0x2;
	(pc) =	sbr.rel @!p2 .LBB2_8-.Ltmp1, $4  }
0x1b: {  	s14 =	simm.s32 @!p1 $0x3  }
0x1c: {  	s16 =	sadd.s32 $0x1, s12;
	_ =	swait.ge @!p1 [sflag:s14], $0x6400  }
0x1d: {  	p0 =	por !p0, !p0;
	s13 =	smov.u32 s11;
	[sflag:s14] =	ssyncset.done @!p1 $0x0  }
0x1e: {  	s12 =	smov.u32 s16;
	s11 =	smov.u32 s15;
	[sflag:s14] =	ssyncadd.s32 @!p1 $0xFFFF9C00  }
.LBB2_1:
0x1f: {  	p1 =	sge.u32 s12, s8  }
0x20: {  	s14 =	sxor.u32 @!p1 $0xFFFFFFFF, s12  }
0x21: {  	s14 =	sand.u32 @!p1 $0x1, s14  }
0x22: {  	s14 =	smul.u32 @!p1 $0x320, s14  }
0x23: {  	s31 =	sadd.s32 $0xFFFFFFFF, s12;
	s15 =	sshrl.u32 @!p1 s11, $0x3  }
0x24: {  	s16 =	sand.u32 @!p1 $0x7, s11;
	s15 =	sadd.s32 @!p1 s5, s15;
	s14 =	sshrl.u32 @!p1 s14, $0x2  }
0x25: {  	[tilespmem:s14], [sflag:$0x2] =	stream.linear.gather @!p1 [hbm4b:s15+s16], $0xC8, $0x38;
	[tilespmem:$0xC990] =	vst v63  }
0x26: {  	p1 =	sge.u32 s31, s8  }
.Ltmp2:
0x27: {  	_ = 	snop;
	(pc) =	sbr.rel @p1 .LBB2_7-.Ltmp2, $1  }
0x28: {  	_ =	sdelay $0x3  }
0x29: {  	s14 =	simm.s32 $0x1  }
0x2a: {  	s14 =	simm.s32 @!p0 $0x0  }
0x2b: {  	s15 =	smul.u32 $0x320, s14  }
0x2c: {  	_ =	swait.ge [sflag:s7], $0xC8  }
0x2d: {  	[sflag:s7] =	ssyncset.done $0x0;
	s16 =	sshrl.u32 s15, $0x2  }
0x2e: {  	[sflag:s7] =	ssyncadd.s32 $0xFFFFFF38;
	s15 =	sadd.s32 $0x0, s16  }
0x2f: {  	v0 =	vld.msk [tilespmem:s15+$0x0 ss:$0x1], $0xffff;
	_ =	sdelay $0x4  }
0x30: {  	vm2 =	vgt.s32 v0, $0x0  }
0x31: {  	v0 =	vnsel vm2, $0x0, v0  }
0x32: {  	v0 =	vmin.u32 v0, $0x270F  }
0x33: {  	v0 =	vshll.u32 v0, $0x4  }
0x34: {  	s14 =	smul.u32 $0x19000, s14  }
0x35: {  	s31 =	sand.u32 $0x1, s12  }
0x36: {  	s17 =	smul.u32 $0x320, s31;
	s14 =	sshrl.u32 s14, $0x2  }
0x37: {  	s19 =	smul.u32 $0x19000, s31;
	s14 =	sor.u32 $0x190, s14  }
0x38: {  	[tilespmem:s14], [sflag:$0x1] =	stream.indirect_vreg.gather [hbm:s4], $0x80, v0, vm0, $0x38;
	[tilespmem:$0xC990] =	vst v63  }
0x39: {  	s18 =	sshrl.u32 s17, $0x2;
	s20 =	sadd.s32 $0x10, s16;
	s15 =	sadd.s32 $0x400, s14  }
0x3a: {  	[tilespmem:s15], [sflag:$0x1] =	stream.indirect_vreg.gather [hbm:s4], $0x80, v0, vm1, $0x38;
	[tilespmem:$0xC990] =	vst v63  }
0x3b: {  	s17 =	sshrl.u32 s19, $0x2;
	s19 =	smov.u32 s14;
	v0 =	vld.msk [tilespmem:s20+$0x0 ss:$0x1], $0xffff;
	s20 =	simm.s32 $0x80  }
.LBB2_3:
0x3c: {  	p1 =	sne.s32 s20, $0x2C0;
	_ =	sdelay $0x4  }
0x3d: {  	vm2 =	vgt.s32 v0, $0x0  }
0x3e: {  	v0 =	vnsel vm2, $0x0, v0  }
0x3f: {  	v0 =	vmin.u32 v0, $0x270F  }
0x40: {  	v0 =	vshll.u32 v0, $0x4;
	_ =	sdelay $0x3  }
.Ltmp3:
0x41: {  	s21 =	sshra.s32 s20, $0x2;
	s19 =	sadd.s32 $0x800, s19;
	(pc) =	sbr.rel @p1 .LBB2_3-.Ltmp3, $4  }
0x42: {  	[tilespmem:s19], [sflag:$0x1] =	stream.indirect_vreg.gather [hbm:s4], $0x80, v0, vm0, $0x38;
	[tilespmem:$0xC990] =	vst v63  }
0x43: {  	s21 =	sadd.s32 s21, s16;
	s22 =	sadd.s32 $0x400, s19  }
0x44: {  	[tilespmem:s22], [sflag:$0x1] =	stream.indirect_vreg.gather [hbm:s4], $0x80, v0, vm1, $0x38;
	[tilespmem:$0xC990] =	vst v63  }
0x45: {  	s20 =	sadd.s32 $0x40, s20;
	v0 =	vld.msk [tilespmem:s21+$0x0 ss:$0x1], $0xffff  }
0x46: {  	_ =	sdelay $0x3  }
0x47: {  	vm2 =	vgt.s32 v0, $0x0  }
0x48: {  	v0 =	vnsel vm2, $0x0, v0  }
0x49: {  	v0 =	vmin.u32 v0, $0x270F  }
0x4a: {  	v0 =	vshll.u32 v0, $0x4;
	_ =	sdelay $0x3  }
0x4b: {  	s16 =	sadd.s32 $0x800, s19  }
0x4c: {  	[tilespmem:s16], [sflag:$0x1] =	stream.indirect_vreg.gather [hbm:s4], $0x80, v0, vm0, $0x38;
	[tilespmem:$0xC990] =	vst v63  }
0x4d: {  	s16 =	sadd.s32 $0x400, s16  }
0x4e: {  	[tilespmem:s16], [sflag:$0x1] =	stream.indirect_vreg.gather [hbm:s4], $0x80, v0, vm1, $0x38;
	[tilespmem:$0xC990] =	vst v63  }
0x4f: {  	v0 =	vld.msk [tilespmem:s18+$0xC0 ss:$0x1], $0xff;
	_ =	sdelay $0x4  }
0x50: {  	vm2 =	vgt.s32 v0, $0x0  }
0x51: {  	v0 =	vnsel vm2, $0x0, v0  }
0x52: {  	v0 =	vmin.u32 v0, $0x270F  }
0x53: {  	v0 =	vshll.u32 v0, $0x4;
	_ =	sdelay $0x3  }
0x54: {  	s31 =	sadd.s32 $0x6190, s17  }
0x55: {  	[tilespmem:s31], [sflag:$0x1] =	stream.indirect_vreg.gather [hbm:s4], $0x80, v0, vm0, $0x38;
	[tilespmem:$0xC990] =	vst v63  }
0x56: {  	s13 =	sshll.u32 s13, $0x4;
	_ =	swait.ge [sflag:s6], $0x6400  }
0x57: {  	s13 =	sadd.s32 s13, s9;
	[sflag:s6] =	ssyncset.done $0x0  }
0x58: {  	s17 =	sadd.s32 $0x0, s13;
	s16 =	simm.s32 $0x80;
	[sflag:s6] =	ssyncadd.s32 $0xFFFF9C00  }
.LBB2_5:
0x59: {  	[hbm:s17] =	stream.linear.scatter [tilespmem:s14], [sflag:$0x3], $0x400, $0x38;
	[tilespmem:$0xC990] =	vst v63  }
0x5a: {  	s17 =	smov.u32 s16;
	s14 =	smov.u32 s15;
	p1 =	sne.s32 s16, $0xC00  }
.Ltmp4:
0x5b: {  	s16 =	sadd.s32 $0x80, s16;
	(pc) =	sbr.rel @p1 .LBB2_5-.Ltmp4, $2  }
0x5c: {  	_ =	sdelay $0x2  }
0x5d: {  	s15 =	sadd.s32 $0x400, s15;
	s17 =	sadd.s32 s17, s13  }
.Ltmp5:
0x5e: {  	_ = 	snop;
	(pc) =	sbr.rel .LBB2_6-.Ltmp5, $1  }
0x5f: {  	_ =	sdelay $0x3  }
.LBB2_8:
0x60: {  	_ =	sfence.sel $0x180000  }
0x61: {  	s1 =	simm.s32 $0x2;
	[bflag:$0x0] =	sbarrier.arrive $0xFFFF  }
0x62: {  	s30 =	simm.s32 $0x3;
	[sflag:s1] =	ssyncpa.u1 $0x1  }
0x63: {  	s31 =	simm.s32 $0x1;
	[sflag:s30] =	ssyncpa.u1 $0x1  }
0x64: {  	[sflag:s31] =	ssyncpa.u1 $0x1  }
0x65: {  	p0 =	sne.s32 s0, $0x0;
	_ =	strace $0x90000056  }
0x66: {  	s0 =	sadd.s32 @!p0 $0x100000, s2;
	[bflag:$0x2] =	sbarrier.arrive $0xFFFF  }
0x67: {  	[sflag:s0] =	ssyncadd.tile.s32 @!p0 $0x1;
	_ =	shalt  }
.Lfunc_end2:
_tile_overlayer_lowered:
.L_overlay_start_2:
0x68: {  	(tag) =	ssettag $0x2  }
0x69: {  	s0 =	rddreg [dreg:$0x0];
	s2 =	stileid.u32  }
0x6a: {  	s1 =	rddreg [dreg:$0x1];
	p0 =	sne.s32 s2, $0x0  }
0x6b: {  	s3 =	rddreg [dreg:$0x2];
	[bflag:$0x3] =	sbarrier.arrive $0xFFFF;
	s2 =	simm.s32 @!p0 $0x1C01  }
0x6c: {  	[timem:s3], [sflag:s2] =	dma.local @!p0 [hbm:s0], s1  }
0x6d: {  	s0 =	simm.s32 @!p0 $0x1  }
0x6e: {  	_ =	swait.ge @!p0 [sflag:s0], s1  }
0x6f: {  	s1 =	ssub.s32 @!p0 $0x0, s1;
	[sflag:s0] =	ssyncset.done @!p0 $0x0  }
0x70: {  	[sflag:s0] =	ssyncadd.s32 @!p0 s1  }
0x71: {  	[bflag:$0x3] =	sbarrier.arrive $0xFFFF  }
0x72: {  	_ =	shalt  }

// kernel: gather_offload_async_start.2
scs
__scs_entry_jumppad:
0x0: {  	(pc) =	sbr.rel $0x88, $3  }
0x1: {  	(tag) =	ssettag $0x0;
	lr =	simm.s32 $0x1  }
0x2: {  	[smem:$0x3F81] =	sst lr;
	_ =	strace $0xD0000000  }
0x3: {  	_ = 	snop  }
0x4: {  	_ = 	snop  }
0x5: {  	_ = 	snop  }
0x6: {  	_ = 	snop  }
0x7: {  	_ = 	snop  }
__scs_overlays_trampoline_lowered:
0x8: {  	[smem:$0x3F90] =	sst s0  }
0x9: {  	[smem:$0x3F91] =	sst s1  }
0xa: {  	[smem:$0x3F92] =	sst s2  }
0xb: {  	[smem:$0x3F93] =	sst s3  }
0xc: {  	[smem:$0x3F94] =	sst s4  }
0xd: {  	[smem:$0x3F95] =	sst s5  }
0xe: {  	[smem:$0x3F96] =	sst s6  }
0xf: {  	[smem:$0x3F97] =	sst s7  }
0x10: {  	[smem:$0x3F98] =	sst s8  }
0x11: {  	[smem:$0x3F99] =	sst s9;
	s0 =	simm.s32 @!p0 $0x0  }
0x12: {  	s1 =	sld [smem:$0x3F7F];
	s0 =	simm.s32 @p0 $0x1  }
0x13: {  	[smem:$0x3F9A] =	sst s0;
	s0 =	simm.s32 @!p1 $0x0  }
0x14: {  	s2 =	sld [smem:$0x3F7E];
	s0 =	simm.s32 @p1 $0x1  }
0x15: {  	[smem:$0x3F9B] =	sst s0;
	s0 =	simm.s32 @!p2 $0x0  }
0x16: {  	s3 =	sld [smem:$0x3FDB];
	s0 =	simm.s32 @p2 $0x1  }
0x17: {  	s4 =	simm.s32 $0x1BF5;
	[smem:$0x3F9D] =	sst s0  }
0x18: {  	s0 =	sld [smem:$0x3F80];
	_ =	swait.ge [sflag:s4], $0x0  }
0x19: {  	s7 =	sld [smem:$0x3F81]  }
0x1a: {  	s8 =	sadd.s32 $0xFFFFE003, lr  }
0x1b: {  	s9 =	sadd.s32 $0xFFFFFEF7, lr;
	s5 =	simm.s32 $0xFFFFFFFF;
	p2 =	slt.u32 s8, $0xFFFFF086  }
0x1c: {  	p1 =	slt.u32 s9, $0xF7A;
	s5 =	simm.s32 @!p2 $0x0  }
0x1d: {  	s5 =	simm.s32 @p1 $0x1;
	p0 =	seq.s32 s7, s2  }
0x1e: {  	s7 =	smul.u32 @!p0 $0xF7A, s2;
	p2 =	seq.s32 @!p0 s5, $0x0  }
0x1f: {  	s9 =	smul.u32 $0xF7A, s1;
	s8 =	simm.s32 @!p0 $0x1BF5;
	p2 =	por !p2, p0  }
0x20: {  	[sflag:s8] =	ssyncset.s32 @!p0 $0xFFFFF086;
	s6 =	sadd.s32 @!p0 s3, s7;
	s7 =	simm.s32 @!p0 $0x108  }
0x21: {  	s3 =	sadd.s32 s3, s9;
	s6 =	sadd.s32 @!p0 $0x88, s6;
	s7 =	simm.s32 @p2 $0x1082  }
0x22: {  	[simem:s7], [sflag:s8] =	dma.local @!p0 [hbm:s6], $0xF7A  }
0x23: {  	s9 =	sor.u32 $0xD0000000, s2;
	s6 =	simm.s32 $0x108;
	_ =	swait.ge @!p0 [sflag:s8], $0x0  }
0x24: {  	s3 =	sadd.s32 $0x88, s3;
	s6 =	simm.s32 @!p1 $0x1082;
	[sflag:s4] =	ssyncset.s32 $0xFFFFF086  }
0x25: {  	[simem:s6], [sflag:s4] =	dma.local [hbm:s3], $0xF7A  }
0x26: {  	[smem:$0x3F81] =	sst s1;
	(tag) =	ssettag s2;
	_ =	strace s9  }
0x27: {  	s1 =	sld [smem:$0x3F91]  }
0x28: {  	s2 =	sld [smem:$0x3F92]  }
0x29: {  	s4 =	sld [smem:$0x3F94]  }
0x2a: {  	p0 =	seq.s32 s5, $0x0;
	s5 =	sld [smem:$0x3F95]  }
0x2b: {  	s6 =	sld [smem:$0x3F96]  }
0x2c: {  	s7 =	sld [smem:$0x3F97]  }
0x2d: {  	s3 =	simm.s32 $0x108;
	s8 =	sld [smem:$0x3F98]  }
0x2e: {  	s3 =	simm.s32 @!p0 $0x1082;
	s9 =	sld [smem:$0x3F99]  }
0x2f: {  	lr =	sadd.s32 s0, s3;
	s0 =	sld [smem:$0x3F90]  }
0x30: {  	s3 =	sld [smem:$0x3F93]  }
0x31: {  	[smem:$0x3F9C] =	sst s10  }
0x32: {  	s10 =	sld [smem:$0x3F9A];
	_ =	sdelay $0x3  }
0x33: {  	p0 =	seq.s32 s10, $0x1;
	s10 =	sld [smem:$0x3F9C];
	_ =	sdelay $0x3  }
0x34: {  	[smem:$0x3F9C] =	sst s10  }
0x35: {  	s10 =	sld [smem:$0x3F9B];
	_ =	sdelay $0x3  }
0x36: {  	p1 =	seq.s32 s10, $0x1;
	s10 =	sld [smem:$0x3F9C];
	_ =	sdelay $0x3  }
0x37: {  	[smem:$0x3F9C] =	sst s10  }
0x38: {  	s10 =	sld [smem:$0x3F9D]  }
0x39: {  	_ = 	snop;
	(pc) =	sbr.ind lr, $3  }
0x3a: {  	_ = 	snop  }
0x3b: {  	_ = 	snop  }
0x3c: {  	p2 =	seq.s32 s10, $0x1;
	s10 =	sld [smem:$0x3F9C]  }
0x3d: {  	_ =	shalt  }
0x3e: {  	_ =	shalt  }
0x3f: {  	_ =	shalt  }
0x40: {  	_ =	shalt  }
0x41: {  	_ =	shalt  }
0x42: {  	_ =	shalt  }
0x43: {  	_ =	shalt  }
0x44: {  	_ =	shalt  }
0x45: {  	_ =	shalt  }
0x46: {  	_ =	shalt  }
0x47: {  	_ =	shalt  }
0x48: {  	_ =	shalt  }
0x49: {  	_ =	shalt  }
0x4a: {  	_ =	shalt  }
0x4b: {  	_ =	shalt  }
0x4c: {  	_ =	shalt  }
0x4d: {  	_ =	shalt  }
0x4e: {  	_ =	shalt  }
0x4f: {  	_ =	shalt  }
0x50: {  	_ =	shalt  }
0x51: {  	_ =	shalt  }
0x52: {  	_ =	shalt  }
0x53: {  	_ =	shalt  }
0x54: {  	_ =	shalt  }
0x55: {  	_ =	shalt  }
0x56: {  	_ =	shalt  }
0x57: {  	_ =	shalt  }
0x58: {  	_ =	shalt  }
0x59: {  	_ =	shalt  }
0x5a: {  	_ =	shalt  }
0x5b: {  	_ =	shalt  }
0x5c: {  	_ =	shalt  }
0x5d: {  	_ =	shalt  }
0x5e: {  	_ =	shalt  }
0x5f: {  	_ =	shalt  }
0x60: {  	_ =	shalt  }
0x61: {  	_ =	shalt  }
0x62: {  	_ =	shalt  }
0x63: {  	_ =	shalt  }
0x64: {  	_ =	shalt  }
0x65: {  	_ =	shalt  }
0x66: {  	_ =	shalt  }
0x67: {  	_ =	shalt  }
0x68: {  	_ =	shalt  }
0x69: {  	_ =	shalt  }
0x6a: {  	_ =	shalt  }
0x6b: {  	_ =	shalt  }
0x6c: {  	_ =	shalt  }
0x6d: {  	_ =	shalt  }
0x6e: {  	_ =	shalt  }
0x6f: {  	_ =	shalt  }
0x70: {  	_ =	shalt  }
0x71: {  	_ =	shalt  }
0x72: {  	_ =	shalt  }
0x73: {  	_ =	shalt  }
0x74: {  	_ =	shalt  }
0x75: {  	_ =	shalt  }
0x76: {  	_ =	shalt  }
0x77: {  	_ =	shalt  }
0x78: {  	_ =	shalt  }
0x79: {  	_ =	shalt  }
0x7a: {  	_ =	shalt  }
0x7b: {  	_ =	shalt  }
0x7c: {  	_ =	shalt  }
0x7d: {  	_ =	shalt  }
0x7e: {  	_ =	shalt  }
0x7f: {  	_ =	shalt  }
0x80: {  	_ =	shalt  }
0x81: {  	_ =	shalt  }
0x82: {  	_ =	shalt  }
0x83: {  	_ =	shalt  }
0x84: {  	_ =	shalt  }
0x85: {  	_ =	shalt  }
0x86: {  	_ =	shalt  }
0x87: {  	_ =	shalt  }
.Lfunc_end0:
.L_simem_size_0:
called_computation.3_lowered:
.L_overlay_start_0:
0x88: {  	s0 =	sld [smem:$0x3FD9]  }
0x89: {  	s1 =	sld [smem:$0x3FFE];
	_ =	sdelay $0x3  }
0x8a: {  	s0 =	sadd.s32 s1, s0  }
0x8b: {  	[smem:$0x3FA8] =	sst s0  }
0x8c: {  	_ = 	snop  }
0x8d: {  	(tm) =	ssettm $0x1  }
0x8e: {  	s15 =	sld [smem:$0x3FFB];
	_ =	sdelay $0x3  }
0x8f: {  	_ =	strace s15  }
0x90: {  	s0 =	sld [smem:$0x3FFC];
	_ =	sdelay $0x3  }
0x91: {  	_ =	strace s0  }
0x92: {  	s0 =	sld [smem:$0x3FFD];
	_ =	sdelay $0x3  }
0x93: {  	_ =	strace s0  }
0x94: {  	_ =	strace $0x8FFFFFFF  }
0x95: {  	s16 =	sld [smem:$0x3FDB];
	_ =	sdelay $0x1  }
0x96: {  	s17 =	simm.s32 $_scs_section_size  }
0x97: {  	s2 =	simm.s32 $_size__tile_overlayer_lowered;
	s3 =	simm.s32 $_tile_overlayer_lowered  }
0x98: {  	s20 =	simm.s32 $0x1BFF;
	s19 =	sshll.u32 s3, $0x1;
	s0 =	sadd.s32 s17, s16  }
0x99: {  	s4 =	simm.s32 $0x0;
	s18 =	sshll.u32 s2, $0x1;
	s2 =	sadd.s32 s19, s0  }
0x9a: {  	[timem:s4], [sflag:s20] =	dma.local [hbm:s2], s18  }
0x9b: {  	_ =	swait.ge [sflag:s20], s18  }
0x9c: {  	s1 =	ssub.s32 $0x0, s18;
	[sflag:s20] =	ssyncset.done $0x0  }
0x9d: {  	[sflag:s20] =	ssyncadd.s32 s1;
	_ =	sdelay $0x1  }
0x9e: {  	s21 =	simm.s32 $0x1B8B  }
0x9f: {  	_ =	swait.ge [sflag:s21], $0x1  }
0xa0: {  	[sflag:s21] =	ssyncset.done $0x0  }
0xa1: {  	s23 =	simm.s32 $0x1B8E;
	s22 =	sld [smem:$0x3FFE];
	[sflag:s21] =	ssyncadd.s32 $0xFFFFFFFF  }
0xa2: {  	s24 =	simm.s32 $execute0_lowered;
	[smem:$0x3FD2] =	sst s23  }
0xa3: {  	s2 =	sshll.u32 s24, $0x1;
	_ =	strace $0x80000052;
	[dreg:$0x1] =	wrdreg $0xFFFFFFFF  }
0xa4: {  	s25 =	simm.s32 $_size_execute0_lowered;
	s0 =	sadd.s32 s0, s2;
	[dreg:$0x0] =	wrdreg $0x0  }
0xa5: {  	s2 =	sshll.u32 s25, $0x1;
	[dreg:$0x2] =	wrdreg s0  }
0xa6: {  	[dreg:$0x3] =	wrdreg s2  }
0xa7: {  	[dreg:$0x4] =	wrdreg $0xC0  }
0xa8: {  	_ =	task [dreg:s4], $0x5FFFF  }
0xa9: {  	[dreg:$0x1] =	wrdreg $0xFFFFFFFF  }
0xaa: {  	[dreg:$0x0] =	wrdreg $0x60  }
0xab: {  	[dreg:$0x2] =	wrdreg s22  }
0xac: {  	[dreg:$0x3] =	wrdreg $0xA  }
0xad: {  	_ =	task.clear_ibuf [dreg:s4], $0x4FFFF;
	_ =	strace $0x90000052  }
0xae: {  	s26 =	simm.s32 $0xA;
	_ =	strace $0x80000054  }
0xaf: {  	_ =	swait.ge [sflag:s26], $0x1  }
0xb0: {  	[sflag:s26] =	ssyncadd.s32 $0xFFFFFFFF  }
0xb1: {  	_ =	strace $0x90000054  }
0xb2: {  	_ =	sfence  }
0xb3: {  	s28 =	sld [smem:$0x0];
	_ =	sdelay $0x1  }
0xb4: {  	s29 =	srdreg.scid  }
0xb5: {  	s30 =	sshll.u32 s29, $0xD;
	s31 =	sshrl.u32 s29, $0x2  }
0xb6: {  	s1 =	sand.u32 $0x1, s29;
	s2 =	sand.u32 $0x4000, s30;
	s0 =	sadd.s32 s31, s28  }
0xb7: {  	s1 =	sor.u32 s2, s1;
	s0 =	sshll.u32 s0, $0x11  }
0xb8: {  	s0 =	sor.u32 s0, s1  }
0xb9: {  	s0 =	sadd.s32 $0x8F2B, s0  }
0xba: {  	[sflag:s0] =	ssyncadd.remote.s32 $0x1  }
0xbb: {  	_ =	sfence.sel $0xFFFF  }
0xbc: {  	[dreg:$0x0] =	wrdreg $0xFFFFFFFF;
	(pc) =	sbr.abs _section_cstart, $3  }
0xbd: {  	[dreg:$0x1] =	wrdreg $0xFFFFFFFF  }
0xbe: {  	_ =	task.clear_ibuf [dreg:s4], $0x2FFFF;
	_ =	strace $0x9FFFFFFF  }
0xbf: {  	(tm) =	ssettm $0x7FFFFFFF  }
tec
execute0_lowered:
.L_overlay_start_1:
0x0: {  	(tag) =	ssettag $0x1  }
0x1: {  	s0 =	stileid.u32  }
0x2: {  	s1 =	smin.u32 s0, $0x9  }
0x3: {  	s1 =	sadd.s32 s0, s1  }
0x4: {  	s2 =	simm.s32 $0x190;
	p0 =	slt.u32 s0, $0x9;
	s1 =	smul.u32 $0xC8, s1  }
0x5: {  	s2 =	simm.s32 @!p0 $0xC8  }
0x6: {  	s2 =	sadd.s32 s2, s1  }
0x7: {  	s3 =	smin.u32 s2, $0x1388  }
0x8: {  	s7 =	ssub.s32 s3, s1  }
0x9: {  	p0 =	sgt.s32 s7, $0x0  }
0xa: {  	s7 =	simm.s32 @!p0 $0x0  }
0xb: {  	s31 =	sand.u32 $0xFFF8, s7  }
0xc: {  	s2 =	sshrl.u32 s31, $0x3  }
0xd: {  	s4 =	smul.u32 $0x147B, s2  }
0xe: {  	s9 =	rddreg [dreg:$0x0];
	s6 =	simm.s32 $0x1;
	s11 =	simm.s32 $0x3  }
0xf: {  	s13 =	simm.s32 $0x0;
	s12 =	simm.s32 $0x0;
	s8 =	sshrl.u32 s4, $0x11  }
0x10: {  	s2 =	rddreg [dreg:$0x1];
	_ =	strace $0x80000053;
	s10 =	smul.u32 $0xC8, s8  }
.Ltmp0:
0x11: {  	s5 =	sadd.s32 $0x2CC00, s9;
	[sflag:s6] =	ssyncpa.u1 $0x0;
	(pc) =	sbr.rel .LBB2_1-.Ltmp0, $4  }
0x12: {  	s4 =	sadd.s32 $0x549A00, s9;
	p0 =	sne.s32 s7, s10;
	s10 =	simm.s32 $0x1  }
0x13: {  	s9 =	sadd.s32 $0x570C00, s9;
	s7 =	simm.s32 $0x2;
	s10 =	simm.s32 @!p0 $0x0  }
0x14: {  	[sflag:s7] =	ssyncpa.u1 $0x0;
	p0 =	por $0x0, $0x0;
	s8 =	sadd.s32 s8, s10  }
0x15: {  	vm0 =	vmmov $0xff;
	vm1 =	vcmask $0x3F20;
	[sflag:s11] =	ssyncpa.u1 $0x0;
	s11 =	smov.u32 s1;
	s10 =	sadd.s32 $0x1, s8  }
.LBB2_6:
0x16: {  	[hbm:s17] =	stream.linear.scatter [tilespmem:s14], [sflag:$0x3], $0x400, $0x38;
	[tilespmem:$0xC990] =	vst v63  }
.LBB2_7:
0x17: {  	s13 =	sadd.s32 $0xC8, s11  }
0x18: {  	s15 =	smov.u32 s1;
	p2 =	slt.s32 s13, s3  }
0x19: {  	s15 =	smov.u32 @p2 s13;
	p2 =	sne.s32 s12, s10  }
.Ltmp1:
0x1a: {  	p1 =	slt.u32 s12, $0x2;
	(pc) =	sbr.rel @!p2 .LBB2_8-.Ltmp1, $4  }
0x1b: {  	s14 =	simm.s32 @!p1 $0x3  }
0x1c: {  	s16 =	sadd.s32 $0x1, s12;
	_ =	swait.ge @!p1 [sflag:s14], $0x6400  }
0x1d: {  	p0 =	por !p0, !p0;
	s13 =	smov.u32 s11;
	[sflag:s14] =	ssyncset.done @!p1 $0x0  }
0x1e: {  	s12 =	smov.u32 s16;
	s11 =	smov.u32 s15;
	[sflag:s14] =	ssyncadd.s32 @!p1 $0xFFFF9C00  }
.LBB2_1:
0x1f: {  	p1 =	sge.u32 s12, s8  }
0x20: {  	s14 =	sxor.u32 @!p1 $0xFFFFFFFF, s12  }
0x21: {  	s14 =	sand.u32 @!p1 $0x1, s14  }
0x22: {  	s14 =	smul.u32 @!p1 $0x320, s14  }
0x23: {  	s31 =	sadd.s32 $0xFFFFFFFF, s12;
	s15 =	sshrl.u32 @!p1 s11, $0x3  }
0x24: {  	s16 =	sand.u32 @!p1 $0x7, s11;
	s15 =	sadd.s32 @!p1 s5, s15;
	s14 =	sshrl.u32 @!p1 s14, $0x2  }
0x25: {  	[tilespmem:s14], [sflag:$0x2] =	stream.linear.gather @!p1 [hbm4b:s15+s16], $0xC8, $0x38;
	[tilespmem:$0xC990] =	vst v63  }
0x26: {  	p1 =	sge.u32 s31, s8  }
.Ltmp2:
0x27: {  	_ = 	snop;
	(pc) =	sbr.rel @p1 .LBB2_7-.Ltmp2, $1  }
0x28: {  	_ =	sdelay $0x3  }
0x29: {  	s14 =	simm.s32 $0x1  }
0x2a: {  	s14 =	simm.s32 @!p0 $0x0  }
0x2b: {  	s15 =	smul.u32 $0x320, s14  }
0x2c: {  	_ =	swait.ge [sflag:s7], $0xC8  }
0x2d: {  	[sflag:s7] =	ssyncset.done $0x0;
	s16 =	sshrl.u32 s15, $0x2  }
0x2e: {  	[sflag:s7] =	ssyncadd.s32 $0xFFFFFF38;
	s15 =	sadd.s32 $0x0, s16  }
0x2f: {  	v0 =	vld.msk [tilespmem:s15+$0x0 ss:$0x1], $0xffff;
	_ =	sdelay $0x4  }
0x30: {  	vm2 =	vgt.s32 v0, $0x0  }
0x31: {  	v0 =	vnsel vm2, $0x0, v0  }
0x32: {  	v0 =	vmin.u32 v0, $0x270F  }
0x33: {  	v0 =	vshll.u32 v0, $0x4  }
0x34: {  	s14 =	smul.u32 $0x19000, s14  }
0x35: {  	s31 =	sand.u32 $0x1, s12  }
0x36: {  	s17 =	smul.u32 $0x320, s31;
	s14 =	sshrl.u32 s14, $0x2  }
0x37: {  	s19 =	smul.u32 $0x19000, s31;
	s14 =	sor.u32 $0x190, s14  }
0x38: {  	[tilespmem:s14], [sflag:$0x1] =	stream.indirect_vreg.gather [hbm:s4], $0x80, v0, vm0, $0x38;
	[tilespmem:$0xC990] =	vst v63  }
0x39: {  	s18 =	sshrl.u32 s17, $0x2;
	s20 =	sadd.s32 $0x10, s16;
	s15 =	sadd.s32 $0x400, s14  }
0x3a: {  	[tilespmem:s15], [sflag:$0x1] =	stream.indirect_vreg.gather [hbm:s4], $0x80, v0, vm1, $0x38;
	[tilespmem:$0xC990] =	vst v63  }
0x3b: {  	s17 =	sshrl.u32 s19, $0x2;
	s19 =	smov.u32 s14;
	v0 =	vld.msk [tilespmem:s20+$0x0 ss:$0x1], $0xffff;
	s20 =	simm.s32 $0x80  }
.LBB2_3:
0x3c: {  	p1 =	sne.s32 s20, $0x2C0;
	_ =	sdelay $0x4  }
0x3d: {  	vm2 =	vgt.s32 v0, $0x0  }
0x3e: {  	v0 =	vnsel vm2, $0x0, v0  }
0x3f: {  	v0 =	vmin.u32 v0, $0x270F  }
0x40: {  	v0 =	vshll.u32 v0, $0x4;
	_ =	sdelay $0x3  }
.Ltmp3:
0x41: {  	s21 =	sshra.s32 s20, $0x2;
	s19 =	sadd.s32 $0x800, s19;
	(pc) =	sbr.rel @p1 .LBB2_3-.Ltmp3, $4  }
0x42: {  	[tilespmem:s19], [sflag:$0x1] =	stream.indirect_vreg.gather [hbm:s4], $0x80, v0, vm0, $0x38;
	[tilespmem:$0xC990] =	vst v63  }
0x43: {  	s21 =	sadd.s32 s21, s16;
	s22 =	sadd.s32 $0x400, s19  }
0x44: {  	[tilespmem:s22], [sflag:$0x1] =	stream.indirect_vreg.gather [hbm:s4], $0x80, v0, vm1, $0x38;
	[tilespmem:$0xC990] =	vst v63  }
0x45: {  	s20 =	sadd.s32 $0x40, s20;
	v0 =	vld.msk [tilespmem:s21+$0x0 ss:$0x1], $0xffff  }
0x46: {  	_ =	sdelay $0x3  }
0x47: {  	vm2 =	vgt.s32 v0, $0x0  }
0x48: {  	v0 =	vnsel vm2, $0x0, v0  }
0x49: {  	v0 =	vmin.u32 v0, $0x270F  }
0x4a: {  	v0 =	vshll.u32 v0, $0x4;
	_ =	sdelay $0x3  }
0x4b: {  	s16 =	sadd.s32 $0x800, s19  }
0x4c: {  	[tilespmem:s16], [sflag:$0x1] =	stream.indirect_vreg.gather [hbm:s4], $0x80, v0, vm0, $0x38;
	[tilespmem:$0xC990] =	vst v63  }
0x4d: {  	s16 =	sadd.s32 $0x400, s16  }
0x4e: {  	[tilespmem:s16], [sflag:$0x1] =	stream.indirect_vreg.gather [hbm:s4], $0x80, v0, vm1, $0x38;
	[tilespmem:$0xC990] =	vst v63  }
0x4f: {  	v0 =	vld.msk [tilespmem:s18+$0xC0 ss:$0x1], $0xff;
	_ =	sdelay $0x4  }
0x50: {  	vm2 =	vgt.s32 v0, $0x0  }
0x51: {  	v0 =	vnsel vm2, $0x0, v0  }
0x52: {  	v0 =	vmin.u32 v0, $0x270F  }
0x53: {  	v0 =	vshll.u32 v0, $0x4;
	_ =	sdelay $0x3  }
0x54: {  	s31 =	sadd.s32 $0x6190, s17  }
0x55: {  	[tilespmem:s31], [sflag:$0x1] =	stream.indirect_vreg.gather [hbm:s4], $0x80, v0, vm0, $0x38;
	[tilespmem:$0xC990] =	vst v63  }
0x56: {  	s13 =	sshll.u32 s13, $0x4;
	_ =	swait.ge [sflag:s6], $0x6400  }
0x57: {  	s13 =	sadd.s32 s13, s9;
	[sflag:s6] =	ssyncset.done $0x0  }
0x58: {  	s17 =	sadd.s32 $0x0, s13;
	s16 =	simm.s32 $0x80;
	[sflag:s6] =	ssyncadd.s32 $0xFFFF9C00  }
.LBB2_5:
0x59: {  	[hbm:s17] =	stream.linear.scatter [tilespmem:s14], [sflag:$0x3], $0x400, $0x38;
	[tilespmem:$0xC990] =	vst v63  }
0x5a: {  	s17 =	smov.u32 s16;
	s14 =	smov.u32 s15;
	p1 =	sne.s32 s16, $0xC00  }
.Ltmp4:
0x5b: {  	s16 =	sadd.s32 $0x80, s16;
	(pc) =	sbr.rel @p1 .LBB2_5-.Ltmp4, $2  }
0x5c: {  	_ =	sdelay $0x2  }
0x5d: {  	s15 =	sadd.s32 $0x400, s15;
	s17 =	sadd.s32 s17, s13  }
.Ltmp5:
0x5e: {  	_ = 	snop;
	(pc) =	sbr.rel .LBB2_6-.Ltmp5, $1  }
0x5f: {  	_ =	sdelay $0x3  }
.LBB2_8:
0x60: {  	_ =	sfence.sel $0x180000  }
0x61: {  	s1 =	simm.s32 $0x2;
	[bflag:$0x0] =	sbarrier.arrive $0xFFFF  }
0x62: {  	s30 =	simm.s32 $0x3;
	[sflag:s1] =	ssyncpa.u1 $0x1  }
0x63: {  	s31 =	simm.s32 $0x1;
	[sflag:s30] =	ssyncpa.u1 $0x1  }
0x64: {  	[sflag:s31] =	ssyncpa.u1 $0x1  }
0x65: {  	p0 =	sne.s32 s0, $0x0;
	_ =	strace $0x90000053  }
0x66: {  	s0 =	sadd.s32 @!p0 $0x100000, s2;
	[bflag:$0x2] =	sbarrier.arrive $0xFFFF  }
0x67: {  	[sflag:s0] =	ssyncadd.tile.s32 @!p0 $0x1;
	_ =	shalt  }
.Lfunc_end2:
_tile_overlayer_lowered:
.L_overlay_start_2:
0x68: {  	(tag) =	ssettag $0x2  }
0x69: {  	s0 =	rddreg [dreg:$0x0];
	s2 =	stileid.u32  }
0x6a: {  	s1 =	rddreg [dreg:$0x1];
	p0 =	sne.s32 s2, $0x0  }
0x6b: {  	s3 =	rddreg [dreg:$0x2];
	[bflag:$0x3] =	sbarrier.arrive $0xFFFF;
	s2 =	simm.s32 @!p0 $0x1C01  }
0x6c: {  	[timem:s3], [sflag:s2] =	dma.local @!p0 [hbm:s0], s1  }
0x6d: {  	s0 =	simm.s32 @!p0 $0x1  }
0x6e: {  	_ =	swait.ge @!p0 [sflag:s0], s1  }
0x6f: {  	s1 =	ssub.s32 @!p0 $0x0, s1;
	[sflag:s0] =	ssyncset.done @!p0 $0x0  }
0x70: {  	[sflag:s0] =	ssyncadd.s32 @!p0 s1  }
0x71: {  	[bflag:$0x3] =	sbarrier.arrive $0xFFFF  }
0x72: {  	_ =	shalt  }

// kernel: gather_offload_async_start
scs
__scs_entry_jumppad:
0x0: {  	(pc) =	sbr.rel $0x88, $3  }
0x1: {  	(tag) =	ssettag $0x0;
	lr =	simm.s32 $0x1  }
0x2: {  	[smem:$0x3F81] =	sst lr;
	_ =	strace $0xD0000000  }
0x3: {  	_ = 	snop  }
0x4: {  	_ = 	snop  }
0x5: {  	_ = 	snop  }
0x6: {  	_ = 	snop  }
0x7: {  	_ = 	snop  }
__scs_overlays_trampoline_lowered:
0x8: {  	[smem:$0x3F90] =	sst s0  }
0x9: {  	[smem:$0x3F91] =	sst s1  }
0xa: {  	[smem:$0x3F92] =	sst s2  }
0xb: {  	[smem:$0x3F93] =	sst s3  }
0xc: {  	[smem:$0x3F94] =	sst s4  }
0xd: {  	[smem:$0x3F95] =	sst s5  }
0xe: {  	[smem:$0x3F96] =	sst s6  }
0xf: {  	[smem:$0x3F97] =	sst s7  }
0x10: {  	[smem:$0x3F98] =	sst s8  }
0x11: {  	[smem:$0x3F99] =	sst s9;
	s0 =	simm.s32 @!p0 $0x0  }
0x12: {  	s1 =	sld [smem:$0x3F7F];
	s0 =	simm.s32 @p0 $0x1  }
0x13: {  	[smem:$0x3F9A] =	sst s0;
	s0 =	simm.s32 @!p1 $0x0  }
0x14: {  	s2 =	sld [smem:$0x3F7E];
	s0 =	simm.s32 @p1 $0x1  }
0x15: {  	[smem:$0x3F9B] =	sst s0;
	s0 =	simm.s32 @!p2 $0x0  }
0x16: {  	s3 =	sld [smem:$0x3FDB];
	s0 =	simm.s32 @p2 $0x1  }
0x17: {  	s4 =	simm.s32 $0x1BF5;
	[smem:$0x3F9D] =	sst s0  }
0x18: {  	s0 =	sld [smem:$0x3F80];
	_ =	swait.ge [sflag:s4], $0x0  }
0x19: {  	s7 =	sld [smem:$0x3F81]  }
0x1a: {  	s8 =	sadd.s32 $0xFFFFE003, lr  }
0x1b: {  	s9 =	sadd.s32 $0xFFFFFEF7, lr;
	s5 =	simm.s32 $0xFFFFFFFF;
	p2 =	slt.u32 s8, $0xFFFFF086  }
0x1c: {  	p1 =	slt.u32 s9, $0xF7A;
	s5 =	simm.s32 @!p2 $0x0  }
0x1d: {  	s5 =	simm.s32 @p1 $0x1;
	p0 =	seq.s32 s7, s2  }
0x1e: {  	s7 =	smul.u32 @!p0 $0xF7A, s2;
	p2 =	seq.s32 @!p0 s5, $0x0  }
0x1f: {  	s9 =	smul.u32 $0xF7A, s1;
	s8 =	simm.s32 @!p0 $0x1BF5;
	p2 =	por !p2, p0  }
0x20: {  	[sflag:s8] =	ssyncset.s32 @!p0 $0xFFFFF086;
	s6 =	sadd.s32 @!p0 s3, s7;
	s7 =	simm.s32 @!p0 $0x108  }
0x21: {  	s3 =	sadd.s32 s3, s9;
	s6 =	sadd.s32 @!p0 $0x88, s6;
	s7 =	simm.s32 @p2 $0x1082  }
0x22: {  	[simem:s7], [sflag:s8] =	dma.local @!p0 [hbm:s6], $0xF7A  }
0x23: {  	s9 =	sor.u32 $0xD0000000, s2;
	s6 =	simm.s32 $0x108;
	_ =	swait.ge @!p0 [sflag:s8], $0x0  }
0x24: {  	s3 =	sadd.s32 $0x88, s3;
	s6 =	simm.s32 @!p1 $0x1082;
	[sflag:s4] =	ssyncset.s32 $0xFFFFF086  }
0x25: {  	[simem:s6], [sflag:s4] =	dma.local [hbm:s3], $0xF7A  }
0x26: {  	[smem:$0x3F81] =	sst s1;
	(tag) =	ssettag s2;
	_ =	strace s9  }
0x27: {  	s1 =	sld [smem:$0x3F91]  }
0x28: {  	s2 =	sld [smem:$0x3F92]  }
0x29: {  	s4 =	sld [smem:$0x3F94]  }
0x2a: {  	p0 =	seq.s32 s5, $0x0;
	s5 =	sld [smem:$0x3F95]  }
0x2b: {  	s6 =	sld [smem:$0x3F96]  }
0x2c: {  	s7 =	sld [smem:$0x3F97]  }
0x2d: {  	s3 =	simm.s32 $0x108;
	s8 =	sld [smem:$0x3F98]  }
0x2e: {  	s3 =	simm.s32 @!p0 $0x1082;
	s9 =	sld [smem:$0x3F99]  }
0x2f: {  	lr =	sadd.s32 s0, s3;
	s0 =	sld [smem:$0x3F90]  }
0x30: {  	s3 =	sld [smem:$0x3F93]  }
0x31: {  	[smem:$0x3F9C] =	sst s10  }
0x32: {  	s10 =	sld [smem:$0x3F9A];
	_ =	sdelay $0x3  }
0x33: {  	p0 =	seq.s32 s10, $0x1;
	s10 =	sld [smem:$0x3F9C];
	_ =	sdelay $0x3  }
0x34: {  	[smem:$0x3F9C] =	sst s10  }
0x35: {  	s10 =	sld [smem:$0x3F9B];
	_ =	sdelay $0x3  }
0x36: {  	p1 =	seq.s32 s10, $0x1;
	s10 =	sld [smem:$0x3F9C];
	_ =	sdelay $0x3  }
0x37: {  	[smem:$0x3F9C] =	sst s10  }
0x38: {  	s10 =	sld [smem:$0x3F9D]  }
0x39: {  	_ = 	snop;
	(pc) =	sbr.ind lr, $3  }
0x3a: {  	_ = 	snop  }
0x3b: {  	_ = 	snop  }
0x3c: {  	p2 =	seq.s32 s10, $0x1;
	s10 =	sld [smem:$0x3F9C]  }
0x3d: {  	_ =	shalt  }
0x3e: {  	_ =	shalt  }
0x3f: {  	_ =	shalt  }
0x40: {  	_ =	shalt  }
0x41: {  	_ =	shalt  }
0x42: {  	_ =	shalt  }
0x43: {  	_ =	shalt  }
0x44: {  	_ =	shalt  }
0x45: {  	_ =	shalt  }
0x46: {  	_ =	shalt  }
0x47: {  	_ =	shalt  }
0x48: {  	_ =	shalt  }
0x49: {  	_ =	shalt  }
0x4a: {  	_ =	shalt  }
0x4b: {  	_ =	shalt  }
0x4c: {  	_ =	shalt  }
0x4d: {  	_ =	shalt  }
0x4e: {  	_ =	shalt  }
0x4f: {  	_ =	shalt  }
0x50: {  	_ =	shalt  }
0x51: {  	_ =	shalt  }
0x52: {  	_ =	shalt  }
0x53: {  	_ =	shalt  }
0x54: {  	_ =	shalt  }
0x55: {  	_ =	shalt  }
0x56: {  	_ =	shalt  }
0x57: {  	_ =	shalt  }
0x58: {  	_ =	shalt  }
0x59: {  	_ =	shalt  }
0x5a: {  	_ =	shalt  }
0x5b: {  	_ =	shalt  }
0x5c: {  	_ =	shalt  }
0x5d: {  	_ =	shalt  }
0x5e: {  	_ =	shalt  }
0x5f: {  	_ =	shalt  }
0x60: {  	_ =	shalt  }
0x61: {  	_ =	shalt  }
0x62: {  	_ =	shalt  }
0x63: {  	_ =	shalt  }
0x64: {  	_ =	shalt  }
0x65: {  	_ =	shalt  }
0x66: {  	_ =	shalt  }
0x67: {  	_ =	shalt  }
0x68: {  	_ =	shalt  }
0x69: {  	_ =	shalt  }
0x6a: {  	_ =	shalt  }
0x6b: {  	_ =	shalt  }
0x6c: {  	_ =	shalt  }
0x6d: {  	_ =	shalt  }
0x6e: {  	_ =	shalt  }
0x6f: {  	_ =	shalt  }
0x70: {  	_ =	shalt  }
0x71: {  	_ =	shalt  }
0x72: {  	_ =	shalt  }
0x73: {  	_ =	shalt  }
0x74: {  	_ =	shalt  }
0x75: {  	_ =	shalt  }
0x76: {  	_ =	shalt  }
0x77: {  	_ =	shalt  }
0x78: {  	_ =	shalt  }
0x79: {  	_ =	shalt  }
0x7a: {  	_ =	shalt  }
0x7b: {  	_ =	shalt  }
0x7c: {  	_ =	shalt  }
0x7d: {  	_ =	shalt  }
0x7e: {  	_ =	shalt  }
0x7f: {  	_ =	shalt  }
0x80: {  	_ =	shalt  }
0x81: {  	_ =	shalt  }
0x82: {  	_ =	shalt  }
0x83: {  	_ =	shalt  }
0x84: {  	_ =	shalt  }
0x85: {  	_ =	shalt  }
0x86: {  	_ =	shalt  }
0x87: {  	_ =	shalt  }
.Lfunc_end0:
.L_simem_size_0:
called_computation.1_lowered:
.L_overlay_start_0:
0x88: {  	s0 =	sld [smem:$0x3FD9]  }
0x89: {  	s1 =	sld [smem:$0x3FFE];
	_ =	sdelay $0x3  }
0x8a: {  	s0 =	sadd.s32 s1, s0  }
0x8b: {  	[smem:$0x3FA8] =	sst s0  }
0x8c: {  	_ = 	snop  }
0x8d: {  	s0 =	sld [smem:$0x3FC9];
	(tm) =	ssettm $0x1  }
0x8e: {  	s16 =	sld [smem:$0x3FFB];
	_ =	sdelay $0x3  }
0x8f: {  	_ =	strace s16  }
0x90: {  	s1 =	sld [smem:$0x3FFC];
	_ =	sdelay $0x3  }
0x91: {  	_ =	strace s1  }
0x92: {  	s1 =	sld [smem:$0x3FFD];
	_ =	sdelay $0x3  }
0x93: {  	_ =	strace s1  }
0x94: {  	_ =	strace $0x8FFFFFFF  }
0x95: {  	s17 =	sld [smem:$0x3FDB];
	_ =	sdelay $0x1  }
0x96: {  	s2 =	simm.s32 $_scs_section_size  }
0x97: {  	s3 =	simm.s32 $_size__tile_overlayer_lowered;
	s4 =	simm.s32 $_tile_overlayer_lowered  }
0x98: {  	s20 =	simm.s32 $0x1BFF;
	s19 =	sshll.u32 s4, $0x1;
	s1 =	sadd.s32 s2, s17  }
0x99: {  	s5 =	simm.s32 $0x0;
	s18 =	sshll.u32 s3, $0x1;
	s3 =	sadd.s32 s19, s1  }
0x9a: {  	[timem:s5], [sflag:s20] =	dma.local [hbm:s3], s18  }
0x9b: {  	_ =	swait.ge [sflag:s20], s18  }
0x9c: {  	s2 =	ssub.s32 $0x0, s18;
	[sflag:s20] =	ssyncset.done $0x0  }
0x9d: {  	[sflag:s20] =	ssyncadd.s32 s2;
	_ =	sdelay $0x1  }
0x9e: {  	s21 =	simm.s32 $0x1B8B  }
0x9f: {  	_ =	swait.ge [sflag:s21], $0x1  }
0xa0: {  	[sflag:s21] =	ssyncset.done $0x0  }
0xa1: {  	s23 =	simm.s32 $0x1B8E;
	s22 =	sld [smem:$0x3FFE];
	[sflag:s21] =	ssyncadd.s32 $0xFFFFFFFF  }
0xa2: {  	s24 =	simm.s32 $execute0_lowered;
	[smem:$0x3FD2] =	sst s23  }
0xa3: {  	s3 =	sshll.u32 s24, $0x1;
	_ =	strace $0x8000004F;
	[dreg:$0x1] =	wrdreg $0xFFFFFFFF  }
0xa4: {  	s25 =	simm.s32 $_size_execute0_lowered;
	s1 =	sadd.s32 s1, s3;
	[dreg:$0x0] =	wrdreg $0x0  }
0xa5: {  	s3 =	sshll.u32 s25, $0x1;
	[dreg:$0x2] =	wrdreg s1  }
0xa6: {  	[dreg:$0x3] =	wrdreg s3  }
0xa7: {  	[dreg:$0x4] =	wrdreg $0xC0  }
0xa8: {  	_ =	task [dreg:s5], $0x5FFFF  }
0xa9: {  	[dreg:$0x1] =	wrdreg $0xFFFFFFFF  }
0xaa: {  	[dreg:$0x0] =	wrdreg $0x60  }
0xab: {  	[dreg:$0x2] =	wrdreg s0  }
0xac: {  	[dreg:$0x3] =	wrdreg s22  }
0xad: {  	[dreg:$0x4] =	wrdreg $0x9  }
0xae: {  	_ =	task.clear_ibuf [dreg:s5], $0x5FFFF;
	_ =	strace $0x9000004F  }
0xaf: {  	s26 =	simm.s32 $0x9;
	_ =	strace $0x80000051  }
0xb0: {  	_ =	swait.ge [sflag:s26], $0x1  }
0xb1: {  	[sflag:s26] =	ssyncadd.s32 $0xFFFFFFFF  }
0xb2: {  	_ =	strace $0x90000051  }
0xb3: {  	_ =	sfence  }
0xb4: {  	s28 =	sld [smem:$0x0];
	_ =	sdelay $0x1  }
0xb5: {  	s29 =	srdreg.scid  }
0xb6: {  	s30 =	sshll.u32 s29, $0xD;
	s31 =	sshrl.u32 s29, $0x2  }
0xb7: {  	s2 =	sand.u32 $0x4000, s30;
	s1 =	sand.u32 $0x1, s29;
	s0 =	sadd.s32 s31, s28  }
0xb8: {  	s1 =	sor.u32 s2, s1;
	s0 =	sshll.u32 s0, $0x11  }
0xb9: {  	s0 =	sor.u32 s0, s1  }
0xba: {  	s0 =	sadd.s32 $0x8F2B, s0  }
0xbb: {  	[sflag:s0] =	ssyncadd.remote.s32 $0x1  }
0xbc: {  	_ =	sfence.sel $0xFFFF  }
0xbd: {  	[dreg:$0x0] =	wrdreg $0xFFFFFFFF;
	(pc) =	sbr.abs _section_cstart, $3  }
0xbe: {  	[dreg:$0x1] =	wrdreg $0xFFFFFFFF  }
0xbf: {  	_ =	task.clear_ibuf [dreg:s5], $0x2FFFF;
	_ =	strace $0x9FFFFFFF  }
0xc0: {  	(tm) =	ssettm $0x7FFFFFFF  }
0xc1: {  	_ =	shalt  }
tec
execute0_lowered:
.L_overlay_start_1:
0x0: {  	(tag) =	ssettag $0x1  }
0x1: {  	s0 =	stileid.u32  }
0x2: {  	s1 =	smin.u32 s0, $0x9  }
0x3: {  	s1 =	sadd.s32 s0, s1  }
0x4: {  	s2 =	simm.s32 $0x190;
	p0 =	slt.u32 s0, $0x9;
	s1 =	smul.u32 $0xC8, s1  }
0x5: {  	s2 =	simm.s32 @!p0 $0xC8  }
0x6: {  	s2 =	sadd.s32 s2, s1  }
0x7: {  	s3 =	smin.u32 s2, $0x1388  }
0x8: {  	s7 =	ssub.s32 s3, s1  }
0x9: {  	p0 =	sgt.s32 s7, $0x0  }
0xa: {  	s7 =	simm.s32 @!p0 $0x0  }
0xb: {  	s31 =	sand.u32 $0xFFF8, s7  }
0xc: {  	s2 =	sshrl.u32 s31, $0x3  }
0xd: {  	s4 =	rddreg [dreg:$0x0];
	s2 =	smul.u32 $0x147B, s2  }
0xe: {  	s9 =	rddreg [dreg:$0x1];
	s6 =	simm.s32 $0x1  }
0xf: {  	s11 =	simm.s32 $0x3;
	s13 =	simm.s32 $0x0;
	s8 =	sshrl.u32 s2, $0x11  }
0x10: {  	s12 =	simm.s32 $0x0;
	s5 =	sadd.s32 $0x2CC00, s9;
	s10 =	smul.u32 $0xC8, s8  }
.Ltmp0:
0x11: {  	s9 =	sadd.s32 $0x536000, s9;
	s2 =	rddreg [dreg:$0x2];
	(pc) =	sbr.rel .LBB2_1-.Ltmp0, $4  }
0x12: {  	_ =	strace $0x80000050;
	p0 =	sne.s32 s7, s10;
	s10 =	simm.s32 $0x1  }
0x13: {  	[sflag:s6] =	ssyncpa.u1 $0x0;
	s7 =	simm.s32 $0x2;
	s10 =	simm.s32 @!p0 $0x0  }
0x14: {  	[sflag:s7] =	ssyncpa.u1 $0x0;
	p0 =	por $0x0, $0x0;
	s8 =	sadd.s32 s8, s10  }
0x15: {  	vm0 =	vmmov $0xff;
	vm1 =	vcmask $0x3F20;
	[sflag:s11] =	ssyncpa.u1 $0x0;
	s11 =	smov.u32 s1;
	s10 =	sadd.s32 $0x1, s8  }
.LBB2_6:
0x16: {  	[hbm:s17] =	stream.linear.scatter [tilespmem:s14], [sflag:$0x3], $0x400, $0x38;
	[tilespmem:$0xC990] =	vst v63  }
.LBB2_7:
0x17: {  	s13 =	sadd.s32 $0xC8, s11  }
0x18: {  	s15 =	smov.u32 s1;
	p2 =	slt.s32 s13, s3  }
0x19: {  	s15 =	smov.u32 @p2 s13;
	p2 =	sne.s32 s12, s10  }
.Ltmp1:
0x1a: {  	p1 =	slt.u32 s12, $0x2;
	(pc) =	sbr.rel @!p2 .LBB2_8-.Ltmp1, $4  }
0x1b: {  	s14 =	simm.s32 @!p1 $0x3  }
0x1c: {  	s16 =	sadd.s32 $0x1, s12;
	_ =	swait.ge @!p1 [sflag:s14], $0x6400  }
0x1d: {  	p0 =	por !p0, !p0;
	s13 =	smov.u32 s11;
	[sflag:s14] =	ssyncset.done @!p1 $0x0  }
0x1e: {  	s12 =	smov.u32 s16;
	s11 =	smov.u32 s15;
	[sflag:s14] =	ssyncadd.s32 @!p1 $0xFFFF9C00  }
.LBB2_1:
0x1f: {  	p1 =	sge.u32 s12, s8  }
0x20: {  	s14 =	sxor.u32 @!p1 $0xFFFFFFFF, s12  }
0x21: {  	s14 =	sand.u32 @!p1 $0x1, s14  }
0x22: {  	s14 =	smul.u32 @!p1 $0x320, s14  }
0x23: {  	s31 =	sadd.s32 $0xFFFFFFFF, s12;
	s15 =	sshrl.u32 @!p1 s11, $0x3  }
0x24: {  	s16 =	sand.u32 @!p1 $0x7, s11;
	s15 =	sadd.s32 @!p1 s5, s15;
	s14 =	sshrl.u32 @!p1 s14, $0x2  }
0x25: {  	[tilespmem:s14], [sflag:$0x2] =	stream.linear.gather @!p1 [hbm4b:s15+s16], $0xC8, $0x38;
	[tilespmem:$0xC990] =	vst v63  }
0x26: {  	p1 =	sge.u32 s31, s8  }
.Ltmp2:
0x27: {  	_ = 	snop;
	(pc) =	sbr.rel @p1 .LBB2_7-.Ltmp2, $1  }
0x28: {  	_ =	sdelay $0x3  }
0x29: {  	s14 =	simm.s32 $0x1  }
0x2a: {  	s14 =	simm.s32 @!p0 $0x0  }
0x2b: {  	s15 =	smul.u32 $0x320, s14  }
0x2c: {  	_ =	swait.ge [sflag:s7], $0xC8  }
0x2d: {  	[sflag:s7] =	ssyncset.done $0x0;
	s16 =	sshrl.u32 s15, $0x2  }
0x2e: {  	[sflag:s7] =	ssyncadd.s32 $0xFFFFFF38;
	s15 =	sadd.s32 $0x0, s16  }
0x2f: {  	v0 =	vld.msk [tilespmem:s15+$0x0 ss:$0x1], $0xffff;
	_ =	sdelay $0x4  }
0x30: {  	vm2 =	vgt.s32 v0, $0x0  }
0x31: {  	v0 =	vnsel vm2, $0x0, v0  }
0x32: {  	v0 =	vmin.u32 v0, $0x270F  }
0x33: {  	v0 =	vshll.u32 v0, $0x4  }
0x34: {  	s14 =	smul.u32 $0x19000, s14  }
0x35: {  	s31 =	sand.u32 $0x1, s12  }
0x36: {  	s17 =	smul.u32 $0x320, s31;
	s14 =	sshrl.u32 s14, $0x2  }
0x37: {  	s19 =	smul.u32 $0x19000, s31;
	s14 =	sor.u32 $0x190, s14  }
0x38: {  	[tilespmem:s14], [sflag:$0x1] =	stream.indirect_vreg.gather [hbm:s4], $0x80, v0, vm0, $0x38;
	[tilespmem:$0xC990] =	vst v63  }
0x39: {  	s18 =	sshrl.u32 s17, $0x2;
	s20 =	sadd.s32 $0x10, s16;
	s15 =	sadd.s32 $0x400, s14  }
0x3a: {  	[tilespmem:s15], [sflag:$0x1] =	stream.indirect_vreg.gather [hbm:s4], $0x80, v0, vm1, $0x38;
	[tilespmem:$0xC990] =	vst v63  }
0x3b: {  	s17 =	sshrl.u32 s19, $0x2;
	s19 =	smov.u32 s14;
	v0 =	vld.msk [tilespmem:s20+$0x0 ss:$0x1], $0xffff;
	s20 =	simm.s32 $0x80  }
.LBB2_3:
0x3c: {  	p1 =	sne.s32 s20, $0x2C0;
	_ =	sdelay $0x4  }
0x3d: {  	vm2 =	vgt.s32 v0, $0x0  }
0x3e: {  	v0 =	vnsel vm2, $0x0, v0  }
0x3f: {  	v0 =	vmin.u32 v0, $0x270F  }
0x40: {  	v0 =	vshll.u32 v0, $0x4;
	_ =	sdelay $0x3  }
.Ltmp3:
0x41: {  	s21 =	sshra.s32 s20, $0x2;
	s19 =	sadd.s32 $0x800, s19;
	(pc) =	sbr.rel @p1 .LBB2_3-.Ltmp3, $4  }
0x42: {  	[tilespmem:s19], [sflag:$0x1] =	stream.indirect_vreg.gather [hbm:s4], $0x80, v0, vm0, $0x38;
	[tilespmem:$0xC990] =	vst v63  }
0x43: {  	s21 =	sadd.s32 s21, s16;
	s22 =	sadd.s32 $0x400, s19  }
0x44: {  	[tilespmem:s22], [sflag:$0x1] =	stream.indirect_vreg.gather [hbm:s4], $0x80, v0, vm1, $0x38;
	[tilespmem:$0xC990] =	vst v63  }
0x45: {  	s20 =	sadd.s32 $0x40, s20;
	v0 =	vld.msk [tilespmem:s21+$0x0 ss:$0x1], $0xffff  }
0x46: {  	_ =	sdelay $0x3  }
0x47: {  	vm2 =	vgt.s32 v0, $0x0  }
0x48: {  	v0 =	vnsel vm2, $0x0, v0  }
0x49: {  	v0 =	vmin.u32 v0, $0x270F  }
0x4a: {  	v0 =	vshll.u32 v0, $0x4;
	_ =	sdelay $0x3  }
0x4b: {  	s16 =	sadd.s32 $0x800, s19  }
0x4c: {  	[tilespmem:s16], [sflag:$0x1] =	stream.indirect_vreg.gather [hbm:s4], $0x80, v0, vm0, $0x38;
	[tilespmem:$0xC990] =	vst v63  }
0x4d: {  	s16 =	sadd.s32 $0x400, s16  }
0x4e: {  	[tilespmem:s16], [sflag:$0x1] =	stream.indirect_vreg.gather [hbm:s4], $0x80, v0, vm1, $0x38;
	[tilespmem:$0xC990] =	vst v63  }
0x4f: {  	v0 =	vld.msk [tilespmem:s18+$0xC0 ss:$0x1], $0xff;
	_ =	sdelay $0x4  }
0x50: {  	vm2 =	vgt.s32 v0, $0x0  }
0x51: {  	v0 =	vnsel vm2, $0x0, v0  }
0x52: {  	v0 =	vmin.u32 v0, $0x270F  }
0x53: {  	v0 =	vshll.u32 v0, $0x4;
	_ =	sdelay $0x3  }
0x54: {  	s31 =	sadd.s32 $0x6190, s17  }
0x55: {  	[tilespmem:s31], [sflag:$0x1] =	stream.indirect_vreg.gather [hbm:s4], $0x80, v0, vm0, $0x38;
	[tilespmem:$0xC990] =	vst v63  }
0x56: {  	s13 =	sshll.u32 s13, $0x4;
	_ =	swait.ge [sflag:s6], $0x6400  }
0x57: {  	s13 =	sadd.s32 s13, s9;
	[sflag:s6] =	ssyncset.done $0x0  }
0x58: {  	s17 =	sadd.s32 $0x0, s13;
	s16 =	simm.s32 $0x80;
	[sflag:s6] =	ssyncadd.s32 $0xFFFF9C00  }
.LBB2_5:
0x59: {  	[hbm:s17] =	stream.linear.scatter [tilespmem:s14], [sflag:$0x3], $0x400, $0x38;
	[tilespmem:$0xC990] =	vst v63  }
0x5a: {  	s17 =	smov.u32 s16;
	s14 =	smov.u32 s15;
	p1 =	sne.s32 s16, $0xC00  }
.Ltmp4:
0x5b: {  	s16 =	sadd.s32 $0x80, s16;
	(pc) =	sbr.rel @p1 .LBB2_5-.Ltmp4, $2  }
0x5c: {  	_ =	sdelay $0x2  }
0x5d: {  	s15 =	sadd.s32 $0x400, s15;
	s17 =	sadd.s32 s17, s13  }
.Ltmp5:
0x5e: {  	_ = 	snop;
	(pc) =	sbr.rel .LBB2_6-.Ltmp5, $1  }
0x5f: {  	_ =	sdelay $0x3  }
.LBB2_8:
0x60: {  	_ =	sfence.sel $0x180000  }
0x61: {  	s1 =	simm.s32 $0x2;
	[bflag:$0x0] =	sbarrier.arrive $0xFFFF  }
0x62: {  	s30 =	simm.s32 $0x3;
	[sflag:s1] =	ssyncpa.u1 $0x1  }
0x63: {  	s31 =	simm.s32 $0x1;
	[sflag:s30] =	ssyncpa.u1 $0x1  }
0x64: {  	[sflag:s31] =	ssyncpa.u1 $0x1  }
0x65: {  	p0 =	sne.s32 s0, $0x0;
	_ =	strace $0x90000050  }
0x66: {  	s0 =	sadd.s32 @!p0 $0x100000, s2;
	[bflag:$0x2] =	sbarrier.arrive $0xFFFF  }
0x67: {  	[sflag:s0] =	ssyncadd.tile.s32 @!p0 $0x1;
	_ =	shalt  }
.Lfunc_end2:
_tile_overlayer_lowered:
.L_overlay_start_2:
0x68: {  	(tag) =	ssettag $0x2  }
0x69: {  	s0 =	rddreg [dreg:$0x0];
	s2 =	stileid.u32  }
0x6a: {  	s1 =	rddreg [dreg:$0x1];
	p0 =	sne.s32 s2, $0x0  }
0x6b: {  	s3 =	rddreg [dreg:$0x2];
	[bflag:$0x3] =	sbarrier.arrive $0xFFFF;
	s2 =	simm.s32 @!p0 $0x1C01  }
0x6c: {  	[timem:s3], [sflag:s2] =	dma.local @!p0 [hbm:s0], s1  }
0x6d: {  	s0 =	simm.s32 @!p0 $0x1  }
0x6e: {  	_ =	swait.ge @!p0 [sflag:s0], s1  }
0x6f: {  	s1 =	ssub.s32 @!p0 $0x0, s1;
	[sflag:s0] =	ssyncset.done @!p0 $0x0  }
0x70: {  	[sflag:s0] =	ssyncadd.s32 @!p0 s1  }
0x71: {  	[bflag:$0x3] =	sbarrier.arrive $0xFFFF  }
0x72: {  	_ =	shalt  }

// kernel: kernel.12.cloned.1.call-start
scs
__scs_entry_jumppad:
0x0: {  	(pc) =	sbr.rel $0x88, $3  }
0x1: {  	(tag) =	ssettag $0x0;
	lr =	simm.s32 $0x1  }
0x2: {  	[smem:$0x3F81] =	sst lr;
	_ =	strace $0xD0000000  }
0x3: {  	_ = 	snop  }
0x4: {  	_ = 	snop  }
0x5: {  	_ = 	snop  }
0x6: {  	_ = 	snop  }
0x7: {  	_ = 	snop  }
__scs_overlays_trampoline_lowered:
0x8: {  	[smem:$0x3F90] =	sst s0  }
0x9: {  	[smem:$0x3F91] =	sst s1  }
0xa: {  	[smem:$0x3F92] =	sst s2  }
0xb: {  	[smem:$0x3F93] =	sst s3  }
0xc: {  	[smem:$0x3F94] =	sst s4  }
0xd: {  	[smem:$0x3F95] =	sst s5  }
0xe: {  	[smem:$0x3F96] =	sst s6  }
0xf: {  	[smem:$0x3F97] =	sst s7  }
0x10: {  	[smem:$0x3F98] =	sst s8  }
0x11: {  	[smem:$0x3F99] =	sst s9;
	s0 =	simm.s32 @!p0 $0x0  }
0x12: {  	s1 =	sld [smem:$0x3F7F];
	s0 =	simm.s32 @p0 $0x1  }
0x13: {  	[smem:$0x3F9A] =	sst s0;
	s0 =	simm.s32 @!p1 $0x0  }
0x14: {  	s2 =	sld [smem:$0x3F7E];
	s0 =	simm.s32 @p1 $0x1  }
0x15: {  	[smem:$0x3F9B] =	sst s0;
	s0 =	simm.s32 @!p2 $0x0  }
0x16: {  	s3 =	sld [smem:$0x3FDB];
	s0 =	simm.s32 @p2 $0x1  }
0x17: {  	s4 =	simm.s32 $0x1BF5;
	[smem:$0x3F9D] =	sst s0  }
0x18: {  	s0 =	sld [smem:$0x3F80];
	_ =	swait.ge [sflag:s4], $0x0  }
0x19: {  	s7 =	sld [smem:$0x3F81]  }
0x1a: {  	s8 =	sadd.s32 $0xFFFFE003, lr  }
0x1b: {  	s9 =	sadd.s32 $0xFFFFFEF7, lr;
	s5 =	simm.s32 $0xFFFFFFFF;
	p2 =	slt.u32 s8, $0xFFFFF086  }
0x1c: {  	p1 =	slt.u32 s9, $0xF7A;
	s5 =	simm.s32 @!p2 $0x0  }
0x1d: {  	s5 =	simm.s32 @p1 $0x1;
	p0 =	seq.s32 s7, s2  }
0x1e: {  	s7 =	smul.u32 @!p0 $0xF7A, s2;
	p2 =	seq.s32 @!p0 s5, $0x0  }
0x1f: {  	s9 =	smul.u32 $0xF7A, s1;
	s8 =	simm.s32 @!p0 $0x1BF5;
	p2 =	por !p2, p0  }
0x20: {  	[sflag:s8] =	ssyncset.s32 @!p0 $0xFFFFF086;
	s6 =	sadd.s32 @!p0 s3, s7;
	s7 =	simm.s32 @!p0 $0x108  }
0x21: {  	s3 =	sadd.s32 s3, s9;
	s6 =	sadd.s32 @!p0 $0x88, s6;
	s7 =	simm.s32 @p2 $0x1082  }
0x22: {  	[simem:s7], [sflag:s8] =	dma.local @!p0 [hbm:s6], $0xF7A  }
0x23: {  	s9 =	sor.u32 $0xD0000000, s2;
	s6 =	simm.s32 $0x108;
	_ =	swait.ge @!p0 [sflag:s8], $0x0  }
0x24: {  	s3 =	sadd.s32 $0x88, s3;
	s6 =	simm.s32 @!p1 $0x1082;
	[sflag:s4] =	ssyncset.s32 $0xFFFFF086  }
0x25: {  	[simem:s6], [sflag:s4] =	dma.local [hbm:s3], $0xF7A  }
0x26: {  	[smem:$0x3F81] =	sst s1;
	(tag) =	ssettag s2;
	_ =	strace s9  }
0x27: {  	s1 =	sld [smem:$0x3F91]  }
0x28: {  	s2 =	sld [smem:$0x3F92]  }
0x29: {  	s4 =	sld [smem:$0x3F94]  }
0x2a: {  	p0 =	seq.s32 s5, $0x0;
	s5 =	sld [smem:$0x3F95]  }
0x2b: {  	s6 =	sld [smem:$0x3F96]  }
0x2c: {  	s7 =	sld [smem:$0x3F97]  }
0x2d: {  	s3 =	simm.s32 $0x108;
	s8 =	sld [smem:$0x3F98]  }
0x2e: {  	s3 =	simm.s32 @!p0 $0x1082;
	s9 =	sld [smem:$0x3F99]  }
0x2f: {  	lr =	sadd.s32 s0, s3;
	s0 =	sld [smem:$0x3F90]  }
0x30: {  	s3 =	sld [smem:$0x3F93]  }
0x31: {  	[smem:$0x3F9C] =	sst s10  }
0x32: {  	s10 =	sld [smem:$0x3F9A];
	_ =	sdelay $0x3  }
0x33: {  	p0 =	seq.s32 s10, $0x1;
	s10 =	sld [smem:$0x3F9C];
	_ =	sdelay $0x3  }
0x34: {  	[smem:$0x3F9C] =	sst s10  }
0x35: {  	s10 =	sld [smem:$0x3F9B];
	_ =	sdelay $0x3  }
0x36: {  	p1 =	seq.s32 s10, $0x1;
	s10 =	sld [smem:$0x3F9C];
	_ =	sdelay $0x3  }
0x37: {  	[smem:$0x3F9C] =	sst s10  }
0x38: {  	s10 =	sld [smem:$0x3F9D]  }
0x39: {  	_ = 	snop;
	(pc) =	sbr.ind lr, $3  }
0x3a: {  	_ = 	snop  }
0x3b: {  	_ = 	snop  }
0x3c: {  	p2 =	seq.s32 s10, $0x1;
	s10 =	sld [smem:$0x3F9C]  }
0x3d: {  	_ =	shalt  }
0x3e: {  	_ =	shalt  }
0x3f: {  	_ =	shalt  }
0x40: {  	_ =	shalt  }
0x41: {  	_ =	shalt  }
0x42: {  	_ =	shalt  }
0x43: {  	_ =	shalt  }
0x44: {  	_ =	shalt  }
0x45: {  	_ =	shalt  }
0x46: {  	_ =	shalt  }
0x47: {  	_ =	shalt  }
0x48: {  	_ =	shalt  }
0x49: {  	_ =	shalt  }
0x4a: {  	_ =	shalt  }
0x4b: {  	_ =	shalt  }
0x4c: {  	_ =	shalt  }
0x4d: {  	_ =	shalt  }
0x4e: {  	_ =	shalt  }
0x4f: {  	_ =	shalt  }
0x50: {  	_ =	shalt  }
0x51: {  	_ =	shalt  }
0x52: {  	_ =	shalt  }
0x53: {  	_ =	shalt  }
0x54: {  	_ =	shalt  }
0x55: {  	_ =	shalt  }
0x56: {  	_ =	shalt  }
0x57: {  	_ =	shalt  }
0x58: {  	_ =	shalt  }
0x59: {  	_ =	shalt  }
0x5a: {  	_ =	shalt  }
0x5b: {  	_ =	shalt  }
0x5c: {  	_ =	shalt  }
0x5d: {  	_ =	shalt  }
0x5e: {  	_ =	shalt  }
0x5f: {  	_ =	shalt  }
0x60: {  	_ =	shalt  }
0x61: {  	_ =	shalt  }
0x62: {  	_ =	shalt  }
0x63: {  	_ =	shalt  }
0x64: {  	_ =	shalt  }
0x65: {  	_ =	shalt  }
0x66: {  	_ =	shalt  }
0x67: {  	_ =	shalt  }
0x68: {  	_ =	shalt  }
0x69: {  	_ =	shalt  }
0x6a: {  	_ =	shalt  }
0x6b: {  	_ =	shalt  }
0x6c: {  	_ =	shalt  }
0x6d: {  	_ =	shalt  }
0x6e: {  	_ =	shalt  }
0x6f: {  	_ =	shalt  }
0x70: {  	_ =	shalt  }
0x71: {  	_ =	shalt  }
0x72: {  	_ =	shalt  }
0x73: {  	_ =	shalt  }
0x74: {  	_ =	shalt  }
0x75: {  	_ =	shalt  }
0x76: {  	_ =	shalt  }
0x77: {  	_ =	shalt  }
0x78: {  	_ =	shalt  }
0x79: {  	_ =	shalt  }
0x7a: {  	_ =	shalt  }
0x7b: {  	_ =	shalt  }
0x7c: {  	_ =	shalt  }
0x7d: {  	_ =	shalt  }
0x7e: {  	_ =	shalt  }
0x7f: {  	_ =	shalt  }
0x80: {  	_ =	shalt  }
0x81: {  	_ =	shalt  }
0x82: {  	_ =	shalt  }
0x83: {  	_ =	shalt  }
0x84: {  	_ =	shalt  }
0x85: {  	_ =	shalt  }
0x86: {  	_ =	shalt  }
0x87: {  	_ =	shalt  }
.Lfunc_end0:
.L_simem_size_0:
called_computation.5_lowered:
.L_overlay_start_0:
0x88: {  	s2 =	sld [smem:$0x3FD9]  }
0x89: {  	s3 =	sld [smem:$0x3FFE];
	_ =	sdelay $0x1  }
0x8a: {  	s1 =	srdreg.scid  }
0x8b: {  	s0 =	sand.u32 $0x1, s1  }
0x8c: {  	s17 =	sshll.u32 s0, $0xA;
	s2 =	sadd.s32 s3, s2  }
0x8d: {  	s2 =	sadd.s32 s2, s17  }
0x8e: {  	[smem:$0x3FA8] =	sst s2  }
0x8f: {  	_ = 	snop  }
0x90: {  	s18 =	sld [smem:$0x3FD0];
	(tm) =	ssettm $0x1  }
0x91: {  	s19 =	sld [smem:$0x3FFB];
	_ =	sdelay $0x3  }
0x92: {  	_ =	strace s19  }
0x93: {  	s2 =	sld [smem:$0x3FFC];
	_ =	sdelay $0x3  }
0x94: {  	_ =	strace s2  }
0x95: {  	s2 =	sld [smem:$0x3FFD];
	_ =	sdelay $0x3  }
0x96: {  	_ =	strace s2  }
0x97: {  	_ =	strace $0x8FFFFFFF  }
0x98: {  	s20 =	sld [smem:$0x3FDB];
	_ =	sdelay $0x1  }
0x99: {  	s4 =	simm.s32 $_scs_section_size  }
0x9a: {  	s5 =	simm.s32 $_size__tile_overlayer_lowered;
	s6 =	simm.s32 $_tile_overlayer_lowered  }
0x9b: {  	s7 =	simm.s32 $0x1BFF;
	s21 =	sshll.u32 s6, $0x1;
	s4 =	sadd.s32 s4, s20  }
0x9c: {  	s22 =	simm.s32 $0x0;
	s5 =	sshll.u32 s5, $0x1;
	s6 =	sadd.s32 s21, s4  }
0x9d: {  	[timem:s22], [sflag:s7] =	dma.local [hbm:s6], s5  }
0x9e: {  	_ =	swait.ge [sflag:s7], s5  }
0x9f: {  	s5 =	ssub.s32 $0x0, s5;
	[sflag:s7] =	ssyncset.done $0x0  }
0xa0: {  	[sflag:s7] =	ssyncadd.s32 s5;
	_ =	sdelay $0x1  }
0xa1: {  	s23 =	simm.s32 $0x1B8B  }
0xa2: {  	_ =	swait.ge [sflag:s23], $0x1  }
0xa3: {  	[sflag:s23] =	ssyncset.done $0x0  }
0xa4: {  	[sflag:s23] =	ssyncadd.s32 $0xFFFFFFFF  }
0xa5: {  	s5 =	sld [smem:$0x0]  }
0xa6: {  	s6 =	sand.u32 $0xFFFFFFFE, s1  }
0xa7: {  	p0 =	sne.s32 s1, s6  }
0xa8: {  	s6 =	sshll.u32 @p0 s6, $0xE  }
0xa9: {  	s6 =	sadd.s32 @p0 $0x11B8D, s6;
	s7 =	sshll.u32 @p0 s5, $0x11  }
0xaa: {  	s6 =	sor.u32 @p0 s7, s6  }
0xab: {  	[sflag:s6] =	ssyncadd.remote.s32 @p0 $0x1;
	_ =	sdelay $0x1  }
0xac: {  	s6 =	simm.s32 @p0 $0x1B8D  }
0xad: {  	_ =	swait.eq @p0 [sflag:s6], $0x1  }
0xae: {  	[sflag:s6] =	ssyncadd.s32 @p0 $0xFFFFFFFF  }
0xaf: {  	s7 =	sshll.u32 @!p0 s1, $0xE  }
0xb0: {  	s7 =	sor.u32 @!p0 $0x4000, s7;
	s6 =	simm.s32 @!p0 $0x1B8D  }
0xb1: {  	s5 =	sshll.u32 @!p0 s5, $0x11;
	s7 =	sadd.s32 @!p0 $0x11B8D, s7;
	_ =	swait.eq @!p0 [sflag:s6], $0x1  }
0xb2: {  	s5 =	sor.u32 @!p0 s5, s7;
	[sflag:s6] =	ssyncadd.s32 @!p0 $0xFFFFFFFF  }
0xb3: {  	s25 =	simm.s32 $0x1B8E;
	s24 =	sld [smem:$0x3FFE];
	[sflag:s5] =	ssyncadd.remote.s32 @!p0 $0x1  }
0xb4: {  	s26 =	simm.s32 $execute0_lowered;
	[smem:$0x3FD2] =	sst s25  }
0xb5: {  	s6 =	sshll.u32 s26, $0x1;
	_ =	strace $0x80000058;
	[dreg:$0x1] =	wrdreg $0xFFFFFFFF  }
0xb6: {  	s28 =	simm.s32 $_size_execute0_lowered;
	s4 =	sadd.s32 s4, s6;
	[dreg:$0x0] =	wrdreg $0x0  }
0xb7: {  	s6 =	sshll.u32 s28, $0x1;
	[dreg:$0x2] =	wrdreg s4  }
0xb8: {  	[dreg:$0x3] =	wrdreg s6  }
0xb9: {  	[dreg:$0x4] =	wrdreg $0xC0  }
0xba: {  	_ =	task [dreg:s22], $0x5FFFF  }
0xbb: {  	[dreg:$0x1] =	wrdreg $0xFFFFFFFF  }
0xbc: {  	[dreg:$0x0] =	wrdreg $0x60  }
0xbd: {  	[dreg:$0x2] =	wrdreg s24  }
0xbe: {  	[dreg:$0x3] =	wrdreg s18  }
0xbf: {  	[dreg:$0x4] =	wrdreg $0x8C800  }
0xc0: {  	[dreg:$0x5] =	wrdreg $0xC  }
0xc1: {  	_ =	task.clear_ibuf [dreg:s22], $0x6FFFF;
	_ =	strace $0x90000058  }
0xc2: {  	s29 =	simm.s32 $0xC;
	_ =	strace $0x8000005A  }
0xc3: {  	_ =	swait.ge [sflag:s29], $0x1  }
0xc4: {  	[sflag:s29] =	ssyncadd.s32 $0xFFFFFFFF  }
0xc5: {  	_ =	strace $0x9000005A  }
0xc6: {  	_ =	sfence  }
0xc7: {  	s30 =	sld [smem:$0x0];
	_ =	sdelay $0x2  }
0xc8: {  	s31 =	sshll.u32 s1, $0xD;
	s1 =	sshrl.u32 s1, $0x2  }
0xc9: {  	s4 =	sand.u32 $0x4000, s31;
	s1 =	sadd.s32 s1, s30  }
0xca: {  	s0 =	sor.u32 s4, s0;
	s1 =	sshll.u32 s1, $0x11  }
0xcb: {  	s0 =	sor.u32 s1, s0  }
0xcc: {  	s0 =	sadd.s32 $0x8F2B, s0  }
0xcd: {  	[sflag:s0] =	ssyncadd.remote.s32 $0x1  }
0xce: {  	_ =	sfence.sel $0xFFFF  }
0xcf: {  	[dreg:$0x0] =	wrdreg $0xFFFFFFFF;
	(pc) =	sbr.abs _section_cstart, $3  }
0xd0: {  	[dreg:$0x1] =	wrdreg $0xFFFFFFFF  }
0xd1: {  	_ =	task.clear_ibuf [dreg:s22], $0x2FFFF;
	_ =	strace $0x9FFFFFFF  }
0xd2: {  	(tm) =	ssettm $0x7FFFFFFF  }
0xd3: {  	_ =	shalt  }
tec
execute0_lowered:
.L_overlay_start_1:
0x0: {  	(tag) =	ssettag $0x1  }
0x1: {  	s4 =	rddreg [dreg:$0x0]  }
0x2: {  	s5 =	rddreg [dreg:$0x1]  }
0x3: {  	s0 =	stileid.u32;
	s1 =	srdreg.scid  }
0x4: {  	s2 =	rddreg [dreg:$0x2];
	s3 =	simm.s32 $0x0;
	s6 =	smul.u32 $0x4E200, s0  }
0x5: {  	s13 =	simm.s32 $0x1;
	s14 =	simm.s32 $0x80;
	s7 =	smul.u32 $0x9C4, s0  }
0x6: {  	s15 =	simm.s32 $0x50;
	s18 =	simm.s32 $0x0;
	s9 =	smul.u32 $0x3E8, s0  }
0x7: {  	s8 =	sand.u32 $0x1, s1;
	s1 =	rddreg [dreg:$0x3];
	s29 =	smul.u32 $0x7D000, s0  }
0x8: {  	[smem:$0x7FF] =	sst s3;
	p0 =	sgt.u32 s0, $0x4;
	s16 =	smul.u32 $0x1388, s8  }
0x9: {  	_ =	strace $0x80000059;
	s30 =	ssub.s32 $0x2, s8;
	s17 =	sshll.u32 @!p0 s0, $0x6  }
0xa: {  	s11 =	sadd.s32 s6, s4;
	s12 =	sadd.s32 s7, s4;
	s8 =	sshrl.u32 s30, $0x1  }
0xb: {  	s6 =	sshrl.u32 s29, $0x2;
	s31 =	sadd.s32 s9, s16;
	s8 =	ssub.s32 s30, s8  }
0xc: {  	s4 =	sadd.s32 s6, s2;
	s11 =	sadd.s32 $0xA66600, s11;
	s12 =	sadd.s32 $0x4A200, s12  }
0xd: {  	v0 =	vmov s16;
	s16 =	sor.u32 @!p0 $0x1C01, s17;
	s7 =	sshll.u32 s31, $0x4;
	s6 =	smax.u32 s8, $0x1  }
0xe: {  	s8 =	sadd.s32 $0xC800, s4;
	s9 =	sadd.s32 $0x12C00, s4;
	s10 =	sadd.s32 $0x19000, s4  }
0xf: {  	v1 =	vimm.f32 $0.0e+00;
	s17 =	sshrl.u32 @!p0 s4, $0x3;
	s5 =	sadd.s32 s5, s7;
	s7 =	sadd.s32 $0x6400, s4  }
.LBB2_1:
0x10: {  	s19 =	simm.s32 $0x0;
	s20 =	simm.s32 $0x200  }
.LBB2_2:
0x11: {  	p1 =	sne.s32 s20, $0x18E00;
	[tilespmem:s19+$0x28F0] =	vst v1  }
0x12: {  	[tilespmem:s19+$0x2880] =	vst v1  }
0x13: {  	[tilespmem:s19+$0x2890] =	vst v1  }
.Ltmp0:
0x14: {  	[tilespmem:s19+$0x28A0] =	vst v1;
	(pc) =	sbr.rel @p1 .LBB2_2-.Ltmp0, $4  }
0x15: {  	[tilespmem:s19+$0x28B0] =	vst v1  }
0x16: {  	[tilespmem:s19+$0x28C0] =	vst v1  }
0x17: {  	[tilespmem:s19+$0x28D0] =	vst v1  }
0x18: {  	[tilespmem:s19+$0x28E0] =	vst v1;
	s19 =	sshra.s32 s20, $0x2;
	s20 =	sadd.s32 $0x200, s20  }
0x19: {  	[tilespmem:s19+$0x28F0] =	vst v1  }
0x1a: {  	[tilespmem:s19+$0x2880] =	vst v1  }
0x1b: {  	[tilespmem:s19+$0x2890] =	vst v1  }
0x1c: {  	[tilespmem:s19+$0x28A0] =	vst v1  }
0x1d: {  	[tilespmem:s19+$0x28B0] =	vst v1  }
0x1e: {  	[tilespmem:s19+$0x28C0] =	vst v1  }
0x1f: {  	[tilespmem:s19+$0x28D0] =	vst v1  }
0x20: {  	[tilespmem:s19+$0x28E0] =	vst v1;
	s19 =	simm.s32 @!p0 $0x2880;
	s20 =	simm.s32 @!p0 $0x1  }
0x21: {  	[spmem:s4] =	stream.linear.scatter @!p0 [tilespmem:s19], [sflag:$0x1], $0x6400, $0x38;
	[tilespmem:$0x12900] =	vst v63  }
0x22: {  	_ =	swait.ge @!p0 [sflag:s20], $0x6400  }
0x23: {  	[sflag:s20] =	ssyncset.done @!p0 $0x0  }
0x24: {  	[sflag:s20] =	ssyncadd.s32 @!p0 $0xFFFF9C00  }
0x25: {  	[spmem:s7] =	stream.linear.scatter @!p0 [tilespmem:s19], [sflag:$0x1], $0x6400, $0x38;
	[tilespmem:$0x12900] =	vst v63  }
0x26: {  	_ =	swait.ge @!p0 [sflag:s20], $0x6400  }
0x27: {  	[sflag:s20] =	ssyncset.done @!p0 $0x0  }
0x28: {  	[sflag:s20] =	ssyncadd.s32 @!p0 $0xFFFF9C00  }
0x29: {  	[spmem:s8] =	stream.linear.scatter @!p0 [tilespmem:s19], [sflag:$0x1], $0x6400, $0x38;
	[tilespmem:$0x12900] =	vst v63  }
0x2a: {  	_ =	swait.ge @!p0 [sflag:s20], $0x6400  }
0x2b: {  	[sflag:s20] =	ssyncset.done @!p0 $0x0  }
0x2c: {  	[sflag:s20] =	ssyncadd.s32 @!p0 $0xFFFF9C00  }
0x2d: {  	[spmem:s9] =	stream.linear.scatter @!p0 [tilespmem:s19], [sflag:$0x1], $0x6400, $0x38;
	[tilespmem:$0x12900] =	vst v63  }
0x2e: {  	_ =	swait.ge @!p0 [sflag:s20], $0x6400  }
0x2f: {  	[sflag:s20] =	ssyncset.done @!p0 $0x0  }
0x30: {  	[sflag:s20] =	ssyncadd.s32 @!p0 $0xFFFF9C00  }
0x31: {  	[spmem:s10] =	stream.linear.scatter @!p0 [tilespmem:s19], [sflag:$0x1], $0x6400, $0x38;
	[tilespmem:$0x12900] =	vst v63  }
0x32: {  	_ =	swait.ge @!p0 [sflag:s20], $0x6400  }
0x33: {  	[sflag:s20] =	ssyncset.done @!p0 $0x0  }
0x34: {  	[sflag:s20] =	ssyncadd.s32 @!p0 $0xFFFF9C00  }
0x35: {  	s31 =	sadd.s32 $0x0, s12;
	[bflag:$0x0] =	sbarrier.arrive $0xFFFF  }
0x36: {  	[tilespmem:s3], [sflag:$0x1] =	stream.linear.gather [hbm4b:s31+s3], $0x50, $0x38;
	[tilespmem:$0x12900] =	vst v63  }
0x37: {  	_ =	swait.ge [sflag:s13], $0x50  }
0x38: {  	[sflag:s13] =	ssyncset.done $0x0  }
0x39: {  	[sflag:s13] =	ssyncadd.s32 $0xFFFFFFB0  }
0x3a: {  	[tilespmem:s14], [sflag:$0x1] =	stream.linear.gather [hbm4b:s11+s3], $0x2800, $0x38;
	[tilespmem:$0x12900] =	vst v63  }
0x3b: {  	_ =	swait.ge [sflag:s13], $0x2800  }
0x3c: {  	[sflag:s13] =	ssyncset.done $0x0  }
0x3d: {  	[sflag:s13] =	ssyncadd.s32 $0xFFFFD800  }
0x3e: {  	v2 =	vld [tilespmem:$0x40]  }
0x3f: {  	v3 =	vld [tilespmem:$0x30]  }
0x40: {  	v4 =	vld [tilespmem:$0x20]  }
0x41: {  	v5 =	vld [tilespmem:$0x10]  }
0x42: {  	v6 =	vld [tilespmem:$0x0]  }
0x43: {  	v2 =	vsub.s32 v2, v0  }
0x44: {  	v3 =	vsub.s32 v3, v0;
	v2 =	vmin.u32 v2, $0x1388  }
0x45: {  	v4 =	vsub.s32 v4, v0;
	v3 =	vmin.u32 v3, $0x1388;
	[tilespmem:$0x40] =	vst v2  }
0x46: {  	v4 =	vmin.u32 v4, $0x1388;
	v2 =	vsub.s32 v5, v0;
	[tilespmem:$0x30] =	vst v3  }
0x47: {  	v3 =	vsub.s32 v6, v0;
	[tilespmem:$0x20] =	vst v4;
	v5 =	vmin.u32 v2, $0x1388  }
0x48: {  	s19 =	simm.s32 $0xA;
	s20 =	smov.u32 s11;
	v2 =	vmin.u32 v3, $0x1388;
	[tilespmem:$0x10] =	vst v5  }
.LBB2_4:
0x49: {  	p1 =	sne.s32 s19, $0x9BA  }
0x4a: {  	[tilespmem:$0x0] =	vst v2;
	s20 =	sadd.s32 $0x500, s20;
	s21 =	smov.u32 s19;
	s19 =	sadd.s32 $0xA, s19  }
0x4b: {  	[spmem:s2] =	stream.indirect.scatter.add.f32 [tilespmem:s14], [sflag:$0x1], $0x80, s3, s15, $0xb8;
	[tilespmem:$0x12900] =	vst v63  }
0x4c: {  	_ =	swait.ge [sflag:s13], $0x2800  }
0x4d: {  	[sflag:s13] =	ssyncset.done $0x0  }
0x4e: {  	s21 =	sadd.s32 s21, s12;
	[sflag:s13] =	ssyncadd.s32 $0xFFFFD800  }
0x4f: {  	[tilespmem:s3], [sflag:$0x1] =	stream.linear.gather [hbm4b:s21+s3], $0x50, $0x38;
	[tilespmem:$0x12900] =	vst v63  }
0x50: {  	_ =	swait.ge [sflag:s13], $0x50  }
0x51: {  	[sflag:s13] =	ssyncset.done $0x0  }
0x52: {  	[sflag:s13] =	ssyncadd.s32 $0xFFFFFFB0  }
0x53: {  	[tilespmem:s14], [sflag:$0x1] =	stream.linear.gather [hbm4b:s20+s3], $0x2800, $0x38;
	[tilespmem:$0x12900] =	vst v63  }
0x54: {  	_ =	swait.ge [sflag:s13], $0x2800  }
0x55: {  	[sflag:s13] =	ssyncset.done $0x0  }
0x56: {  	[sflag:s13] =	ssyncadd.s32 $0xFFFFD800  }
0x57: {  	v2 =	vld [tilespmem:$0x40]  }
0x58: {  	v3 =	vld [tilespmem:$0x30]  }
0x59: {  	v4 =	vld [tilespmem:$0x20]  }
0x5a: {  	v5 =	vld [tilespmem:$0x10]  }
0x5b: {  	v6 =	vld [tilespmem:$0x0]  }
0x5c: {  	v2 =	vsub.s32 v2, v0  }
.Ltmp1:
0x5d: {  	v3 =	vsub.s32 v3, v0;
	v2 =	vmin.u32 v2, $0x1388;
	(pc) =	sbr.rel @p1 .LBB2_4-.Ltmp1, $4  }
0x5e: {  	v4 =	vsub.s32 v4, v0;
	v3 =	vmin.u32 v3, $0x1388;
	[tilespmem:$0x40] =	vst v2  }
0x5f: {  	v2 =	vsub.s32 v5, v0;
	v4 =	vmin.u32 v4, $0x1388;
	[tilespmem:$0x30] =	vst v3  }
0x60: {  	v3 =	vsub.s32 v6, v0;
	v5 =	vmin.u32 v2, $0x1388;
	[tilespmem:$0x20] =	vst v4  }
0x61: {  	v2 =	vmin.u32 v3, $0x1388;
	[tilespmem:$0x10] =	vst v5  }
0x62: {  	[tilespmem:$0x0] =	vst v2  }
0x63: {  	[spmem:s2] =	stream.indirect.scatter.add.f32 [tilespmem:s14], [sflag:$0x1], $0x80, s3, s15, $0xb8;
	[tilespmem:$0x12900] =	vst v63  }
0x64: {  	_ =	swait.ge [sflag:s13], $0x2800  }
0x65: {  	s18 =	sadd.s32 $0x1, s18;
	[sflag:s13] =	ssyncset.done $0x0  }
0x66: {  	p1 =	sne.s32 s18, s6;
	[sflag:s13] =	ssyncadd.s32 $0xFFFFD800  }
.Ltmp2:
0x67: {  	s19 =	simm.s32 @!p0 $0x1;
	[bflag:$0x0] =	sbarrier.arrive $0xFFFF;
	(pc) =	sbr.rel @p1 .LBB2_1-.Ltmp2, $4  }
0x68: {  	[hbm:s5], [sflag:s16] =	dma.local @!p0 [spmem:s17], $0x3E80  }
0x69: {  	_ =	swait.ge @!p0 [sflag:s19], $0x3E80  }
0x6a: {  	[sflag:s19] =	ssyncset.done @!p0 $0x0  }
0x6b: {  	[sflag:s19] =	ssyncadd.s32 @!p0 $0xFFFFC180  }
0x6c: {  	_ =	sfence.sel $0x180000  }
0x6d: {  	[bflag:$0x0] =	sbarrier.arrive $0xFFFF  }
0x6e: {  	p0 =	sne.s32 s0, $0x0;
	_ =	strace $0x90000059  }
0x6f: {  	s0 =	sadd.s32 @!p0 $0x100000, s1;
	[bflag:$0x2] =	sbarrier.arrive $0xFFFF  }
0x70: {  	[sflag:s0] =	ssyncadd.tile.s32 @!p0 $0x1;
	_ =	shalt  }
.Lfunc_end2:
_tile_overlayer_lowered:
.L_overlay_start_2:
0x71: {  	(tag) =	ssettag $0x2  }
0x72: {  	s0 =	rddreg [dreg:$0x0];
	s2 =	stileid.u32  }
0x73: {  	s1 =	rddreg [dreg:$0x1];
	p0 =	sne.s32 s2, $0x0  }
0x74: {  	s3 =	rddreg [dreg:$0x2];
	[bflag:$0x3] =	sbarrier.arrive $0xFFFF;
	s2 =	simm.s32 @!p0 $0x1C01  }
0x75: {  	[timem:s3], [sflag:s2] =	dma.local @!p0 [hbm:s0], s1  }
0x76: {  	s0 =	simm.s32 @!p0 $0x1  }
0x77: {  	_ =	swait.ge @!p0 [sflag:s0], s1  }
0x78: {  	s1 =	ssub.s32 @!p0 $0x0, s1;
	[sflag:s0] =	ssyncset.done @!p0 $0x0  }
0x79: {  	[sflag:s0] =	ssyncadd.s32 @!p0 s1  }
0x7a: {  	[bflag:$0x3] =	sbarrier.arrive $0xFFFF  }
0x7b: {  	_ =	shalt  }

// kernel: kernel.15.cloned.1.call-start
scs
__scs_entry_jumppad:
0x0: {  	(pc) =	sbr.rel $0x88, $3  }
0x1: {  	(tag) =	ssettag $0x0;
	lr =	simm.s32 $0x1  }
0x2: {  	[smem:$0x3F81] =	sst lr;
	_ =	strace $0xD0000000  }
0x3: {  	_ = 	snop  }
0x4: {  	_ = 	snop  }
0x5: {  	_ = 	snop  }
0x6: {  	_ = 	snop  }
0x7: {  	_ = 	snop  }
__scs_overlays_trampoline_lowered:
0x8: {  	[smem:$0x3F90] =	sst s0  }
0x9: {  	[smem:$0x3F91] =	sst s1  }
0xa: {  	[smem:$0x3F92] =	sst s2  }
0xb: {  	[smem:$0x3F93] =	sst s3  }
0xc: {  	[smem:$0x3F94] =	sst s4  }
0xd: {  	[smem:$0x3F95] =	sst s5  }
0xe: {  	[smem:$0x3F96] =	sst s6  }
0xf: {  	[smem:$0x3F97] =	sst s7  }
0x10: {  	[smem:$0x3F98] =	sst s8  }
0x11: {  	[smem:$0x3F99] =	sst s9;
	s0 =	simm.s32 @!p0 $0x0  }
0x12: {  	s1 =	sld [smem:$0x3F7F];
	s0 =	simm.s32 @p0 $0x1  }
0x13: {  	[smem:$0x3F9A] =	sst s0;
	s0 =	simm.s32 @!p1 $0x0  }
0x14: {  	s2 =	sld [smem:$0x3F7E];
	s0 =	simm.s32 @p1 $0x1  }
0x15: {  	[smem:$0x3F9B] =	sst s0;
	s0 =	simm.s32 @!p2 $0x0  }
0x16: {  	s3 =	sld [smem:$0x3FDB];
	s0 =	simm.s32 @p2 $0x1  }
0x17: {  	s4 =	simm.s32 $0x1BF5;
	[smem:$0x3F9D] =	sst s0  }
0x18: {  	s0 =	sld [smem:$0x3F80];
	_ =	swait.ge [sflag:s4], $0x0  }
0x19: {  	s7 =	sld [smem:$0x3F81]  }
0x1a: {  	s8 =	sadd.s32 $0xFFFFE003, lr  }
0x1b: {  	s9 =	sadd.s32 $0xFFFFFEF7, lr;
	s5 =	simm.s32 $0xFFFFFFFF;
	p2 =	slt.u32 s8, $0xFFFFF086  }
0x1c: {  	p1 =	slt.u32 s9, $0xF7A;
	s5 =	simm.s32 @!p2 $0x0  }
0x1d: {  	s5 =	simm.s32 @p1 $0x1;
	p0 =	seq.s32 s7, s2  }
0x1e: {  	s7 =	smul.u32 @!p0 $0xF7A, s2;
	p2 =	seq.s32 @!p0 s5, $0x0  }
0x1f: {  	s9 =	smul.u32 $0xF7A, s1;
	s8 =	simm.s32 @!p0 $0x1BF5;
	p2 =	por !p2, p0  }
0x20: {  	[sflag:s8] =	ssyncset.s32 @!p0 $0xFFFFF086;
	s6 =	sadd.s32 @!p0 s3, s7;
	s7 =	simm.s32 @!p0 $0x108  }
0x21: {  	s3 =	sadd.s32 s3, s9;
	s6 =	sadd.s32 @!p0 $0x88, s6;
	s7 =	simm.s32 @p2 $0x1082  }
0x22: {  	[simem:s7], [sflag:s8] =	dma.local @!p0 [hbm:s6], $0xF7A  }
0x23: {  	s9 =	sor.u32 $0xD0000000, s2;
	s6 =	simm.s32 $0x108;
	_ =	swait.ge @!p0 [sflag:s8], $0x0  }
0x24: {  	s3 =	sadd.s32 $0x88, s3;
	s6 =	simm.s32 @!p1 $0x1082;
	[sflag:s4] =	ssyncset.s32 $0xFFFFF086  }
0x25: {  	[simem:s6], [sflag:s4] =	dma.local [hbm:s3], $0xF7A  }
0x26: {  	[smem:$0x3F81] =	sst s1;
	(tag) =	ssettag s2;
	_ =	strace s9  }
0x27: {  	s1 =	sld [smem:$0x3F91]  }
0x28: {  	s2 =	sld [smem:$0x3F92]  }
0x29: {  	s4 =	sld [smem:$0x3F94]  }
0x2a: {  	p0 =	seq.s32 s5, $0x0;
	s5 =	sld [smem:$0x3F95]  }
0x2b: {  	s6 =	sld [smem:$0x3F96]  }
0x2c: {  	s7 =	sld [smem:$0x3F97]  }
0x2d: {  	s3 =	simm.s32 $0x108;
	s8 =	sld [smem:$0x3F98]  }
0x2e: {  	s3 =	simm.s32 @!p0 $0x1082;
	s9 =	sld [smem:$0x3F99]  }
0x2f: {  	lr =	sadd.s32 s0, s3;
	s0 =	sld [smem:$0x3F90]  }
0x30: {  	s3 =	sld [smem:$0x3F93]  }
0x31: {  	[smem:$0x3F9C] =	sst s10  }
0x32: {  	s10 =	sld [smem:$0x3F9A];
	_ =	sdelay $0x3  }
0x33: {  	p0 =	seq.s32 s10, $0x1;
	s10 =	sld [smem:$0x3F9C];
	_ =	sdelay $0x3  }
0x34: {  	[smem:$0x3F9C] =	sst s10  }
0x35: {  	s10 =	sld [smem:$0x3F9B];
	_ =	sdelay $0x3  }
0x36: {  	p1 =	seq.s32 s10, $0x1;
	s10 =	sld [smem:$0x3F9C];
	_ =	sdelay $0x3  }
0x37: {  	[smem:$0x3F9C] =	sst s10  }
0x38: {  	s10 =	sld [smem:$0x3F9D]  }
0x39: {  	_ = 	snop;
	(pc) =	sbr.ind lr, $3  }
0x3a: {  	_ = 	snop  }
0x3b: {  	_ = 	snop  }
0x3c: {  	p2 =	seq.s32 s10, $0x1;
	s10 =	sld [smem:$0x3F9C]  }
0x3d: {  	_ =	shalt  }
0x3e: {  	_ =	shalt  }
0x3f: {  	_ =	shalt  }
0x40: {  	_ =	shalt  }
0x41: {  	_ =	shalt  }
0x42: {  	_ =	shalt  }
0x43: {  	_ =	shalt  }
0x44: {  	_ =	shalt  }
0x45: {  	_ =	shalt  }
0x46: {  	_ =	shalt  }
0x47: {  	_ =	shalt  }
0x48: {  	_ =	shalt  }
0x49: {  	_ =	shalt  }
0x4a: {  	_ =	shalt  }
0x4b: {  	_ =	shalt  }
0x4c: {  	_ =	shalt  }
0x4d: {  	_ =	shalt  }
0x4e: {  	_ =	shalt  }
0x4f: {  	_ =	shalt  }
0x50: {  	_ =	shalt  }
0x51: {  	_ =	shalt  }
0x52: {  	_ =	shalt  }
0x53: {  	_ =	shalt  }
0x54: {  	_ =	shalt  }
0x55: {  	_ =	shalt  }
0x56: {  	_ =	shalt  }
0x57: {  	_ =	shalt  }
0x58: {  	_ =	shalt  }
0x59: {  	_ =	shalt  }
0x5a: {  	_ =	shalt  }
0x5b: {  	_ =	shalt  }
0x5c: {  	_ =	shalt  }
0x5d: {  	_ =	shalt  }
0x5e: {  	_ =	shalt  }
0x5f: {  	_ =	shalt  }
0x60: {  	_ =	shalt  }
0x61: {  	_ =	shalt  }
0x62: {  	_ =	shalt  }
0x63: {  	_ =	shalt  }
0x64: {  	_ =	shalt  }
0x65: {  	_ =	shalt  }
0x66: {  	_ =	shalt  }
0x67: {  	_ =	shalt  }
0x68: {  	_ =	shalt  }
0x69: {  	_ =	shalt  }
0x6a: {  	_ =	shalt  }
0x6b: {  	_ =	shalt  }
0x6c: {  	_ =	shalt  }
0x6d: {  	_ =	shalt  }
0x6e: {  	_ =	shalt  }
0x6f: {  	_ =	shalt  }
0x70: {  	_ =	shalt  }
0x71: {  	_ =	shalt  }
0x72: {  	_ =	shalt  }
0x73: {  	_ =	shalt  }
0x74: {  	_ =	shalt  }
0x75: {  	_ =	shalt  }
0x76: {  	_ =	shalt  }
0x77: {  	_ =	shalt  }
0x78: {  	_ =	shalt  }
0x79: {  	_ =	shalt  }
0x7a: {  	_ =	shalt  }
0x7b: {  	_ =	shalt  }
0x7c: {  	_ =	shalt  }
0x7d: {  	_ =	shalt  }
0x7e: {  	_ =	shalt  }
0x7f: {  	_ =	shalt  }
0x80: {  	_ =	shalt  }
0x81: {  	_ =	shalt  }
0x82: {  	_ =	shalt  }
0x83: {  	_ =	shalt  }
0x84: {  	_ =	shalt  }
0x85: {  	_ =	shalt  }
0x86: {  	_ =	shalt  }
0x87: {  	_ =	shalt  }
.Lfunc_end0:
.L_simem_size_0:
called_computation.6_lowered:
.L_overlay_start_0:
0x88: {  	s2 =	sld [smem:$0x3FD9]  }
0x89: {  	s3 =	sld [smem:$0x3FFE];
	_ =	sdelay $0x1  }
0x8a: {  	s1 =	srdreg.scid  }
0x8b: {  	s0 =	sand.u32 $0x1, s1  }
0x8c: {  	s17 =	sshll.u32 s0, $0xA;
	s2 =	sadd.s32 s3, s2  }
0x8d: {  	s2 =	sadd.s32 s2, s17  }
0x8e: {  	[smem:$0x3FA8] =	sst s2  }
0x8f: {  	_ = 	snop  }
0x90: {  	(tm) =	ssettm $0x1  }
0x91: {  	s18 =	sld [smem:$0x3FFB];
	_ =	sdelay $0x3  }
0x92: {  	_ =	strace s18  }
0x93: {  	s2 =	sld [smem:$0x3FFC];
	_ =	sdelay $0x3  }
0x94: {  	_ =	strace s2  }
0x95: {  	s2 =	sld [smem:$0x3FFD];
	_ =	sdelay $0x3  }
0x96: {  	_ =	strace s2  }
0x97: {  	_ =	strace $0x8FFFFFFF  }
0x98: {  	s19 =	sld [smem:$0x3FDB];
	_ =	sdelay $0x1  }
0x99: {  	s20 =	simm.s32 $_scs_section_size  }
0x9a: {  	s4 =	simm.s32 $_size__tile_overlayer_lowered;
	s5 =	simm.s32 $_tile_overlayer_lowered  }
0x9b: {  	s6 =	simm.s32 $0x1BFF;
	s21 =	sshll.u32 s5, $0x1;
	s3 =	sadd.s32 s20, s19  }
0x9c: {  	s22 =	simm.s32 $0x0;
	s4 =	sshll.u32 s4, $0x1;
	s5 =	sadd.s32 s21, s3  }
0x9d: {  	[timem:s22], [sflag:s6] =	dma.local [hbm:s5], s4  }
0x9e: {  	_ =	swait.ge [sflag:s6], s4  }
0x9f: {  	s4 =	ssub.s32 $0x0, s4;
	[sflag:s6] =	ssyncset.done $0x0  }
0xa0: {  	[sflag:s6] =	ssyncadd.s32 s4;
	_ =	sdelay $0x1  }
0xa1: {  	s23 =	simm.s32 $0x1B8B  }
0xa2: {  	_ =	swait.ge [sflag:s23], $0x1  }
0xa3: {  	[sflag:s23] =	ssyncset.done $0x0  }
0xa4: {  	[sflag:s23] =	ssyncadd.s32 $0xFFFFFFFF  }
0xa5: {  	s4 =	sld [smem:$0x0]  }
0xa6: {  	s5 =	sand.u32 $0xFFFFFFFE, s1  }
0xa7: {  	p0 =	sne.s32 s1, s5  }
0xa8: {  	s5 =	sshll.u32 @p0 s5, $0xE  }
0xa9: {  	s5 =	sadd.s32 @p0 $0x11B8D, s5;
	s6 =	sshll.u32 @p0 s4, $0x11  }
0xaa: {  	s5 =	sor.u32 @p0 s6, s5  }
0xab: {  	[sflag:s5] =	ssyncadd.remote.s32 @p0 $0x1;
	_ =	sdelay $0x1  }
0xac: {  	s5 =	simm.s32 @p0 $0x1B8D  }
0xad: {  	_ =	swait.eq @p0 [sflag:s5], $0x1  }
0xae: {  	[sflag:s5] =	ssyncadd.s32 @p0 $0xFFFFFFFF  }
0xaf: {  	s6 =	sshll.u32 @!p0 s1, $0xE  }
0xb0: {  	s6 =	sor.u32 @!p0 $0x4000, s6;
	s5 =	simm.s32 @!p0 $0x1B8D  }
0xb1: {  	s4 =	sshll.u32 @!p0 s4, $0x11;
	s6 =	sadd.s32 @!p0 $0x11B8D, s6;
	_ =	swait.eq @!p0 [sflag:s5], $0x1  }
0xb2: {  	s4 =	sor.u32 @!p0 s4, s6;
	[sflag:s5] =	ssyncadd.s32 @!p0 $0xFFFFFFFF  }
0xb3: {  	s25 =	simm.s32 $0x1B8E;
	s24 =	sld [smem:$0x3FFE];
	[sflag:s4] =	ssyncadd.remote.s32 @!p0 $0x1  }
0xb4: {  	s26 =	simm.s32 $execute0_lowered;
	[smem:$0x3FD2] =	sst s25  }
0xb5: {  	s5 =	sshll.u32 s26, $0x1;
	_ =	strace $0x8000004C;
	[dreg:$0x1] =	wrdreg $0xFFFFFFFF  }
0xb6: {  	s28 =	simm.s32 $_size_execute0_lowered;
	s3 =	sadd.s32 s3, s5;
	[dreg:$0x0] =	wrdreg $0x0  }
0xb7: {  	s5 =	sshll.u32 s28, $0x1;
	[dreg:$0x2] =	wrdreg s3  }
0xb8: {  	[dreg:$0x3] =	wrdreg s5  }
0xb9: {  	[dreg:$0x4] =	wrdreg $0xC0  }
0xba: {  	_ =	task [dreg:s22], $0x5FFFF  }
0xbb: {  	[dreg:$0x1] =	wrdreg $0xFFFFFFFF  }
0xbc: {  	[dreg:$0x0] =	wrdreg $0x60  }
0xbd: {  	[dreg:$0x2] =	wrdreg s24  }
0xbe: {  	[dreg:$0x3] =	wrdreg $0x8C800  }
0xbf: {  	[dreg:$0x4] =	wrdreg $0xB  }
0xc0: {  	_ =	task.clear_ibuf [dreg:s22], $0x5FFFF;
	_ =	strace $0x9000004C  }
0xc1: {  	s29 =	simm.s32 $0xB;
	_ =	strace $0x8000004E  }
0xc2: {  	_ =	swait.ge [sflag:s29], $0x1  }
0xc3: {  	[sflag:s29] =	ssyncadd.s32 $0xFFFFFFFF  }
0xc4: {  	_ =	strace $0x9000004E  }
0xc5: {  	_ =	sfence  }
0xc6: {  	s30 =	sld [smem:$0x0];
	_ =	sdelay $0x2  }
0xc7: {  	s31 =	sshll.u32 s1, $0xD;
	s1 =	sshrl.u32 s1, $0x2  }
0xc8: {  	s4 =	sand.u32 $0x4000, s31;
	s1 =	sadd.s32 s1, s30  }
0xc9: {  	s0 =	sor.u32 s4, s0;
	s1 =	sshll.u32 s1, $0x11  }
0xca: {  	s0 =	sor.u32 s1, s0  }
0xcb: {  	s0 =	sadd.s32 $0x8F2B, s0  }
0xcc: {  	[sflag:s0] =	ssyncadd.remote.s32 $0x1  }
0xcd: {  	_ =	sfence.sel $0xFFFF  }
0xce: {  	[dreg:$0x0] =	wrdreg $0xFFFFFFFF;
	(pc) =	sbr.abs _section_cstart, $3  }
0xcf: {  	[dreg:$0x1] =	wrdreg $0xFFFFFFFF  }
0xd0: {  	_ =	task.clear_ibuf [dreg:s22], $0x2FFFF;
	_ =	strace $0x9FFFFFFF  }
0xd1: {  	(tm) =	ssettm $0x7FFFFFFF  }
tec
execute0_lowered:
.L_overlay_start_1:
0x0: {  	(tag) =	ssettag $0x1  }
0x1: {  	s4 =	rddreg [dreg:$0x0];
	s0 =	stileid.u32  }
0x2: {  	s1 =	srdreg.scid;
	s2 =	rddreg [dreg:$0x1]  }
0x3: {  	s3 =	simm.s32 $0x0;
	s13 =	simm.s32 $0x1;
	s5 =	smul.u32 $0x4E200, s0  }
0x4: {  	s14 =	simm.s32 $0x80;
	s15 =	simm.s32 $0x50;
	s7 =	smul.u32 $0x3E8, s0  }
0x5: {  	s6 =	sand.u32 $0x1, s1;
	s1 =	rddreg [dreg:$0x2];
	s8 =	smul.u32 $0x9C4, s0  }
0x6: {  	s18 =	simm.s32 $0x0;
	[smem:$0x7FF] =	sst s3;
	s30 =	smul.u32 $0x7D000, s0  }
0x7: {  	p0 =	sgt.u32 s0, $0x4;
	s16 =	smul.u32 $0x1388, s6;
	_ =	strace $0x8000004D  }
0x8: {  	s6 =	ssub.s32 $0x2, s6;
	s17 =	sshll.u32 @!p0 s0, $0x6;
	s11 =	sadd.s32 s5, s4  }
0x9: {  	s12 =	sadd.s32 s8, s4;
	s31 =	sshrl.u32 s6, $0x1;
	s29 =	sadd.s32 s7, s16  }
0xa: {  	s7 =	sshrl.u32 s30, $0x2;
	s6 =	ssub.s32 s6, s31;
	s11 =	sadd.s32 $0xF0DC00, s11  }
0xb: {  	s12 =	sadd.s32 $0x40400, s12;
	v0 =	vmov s16;
	s16 =	sor.u32 @!p0 $0x1C01, s17;
	s5 =	sshll.u32 s29, $0x4  }
0xc: {  	s6 =	smax.u32 s6, $0x1;
	s5 =	sadd.s32 s5, s4;
	s4 =	sadd.s32 s7, s2  }
0xd: {  	s5 =	sadd.s32 $0x5600, s5;
	s7 =	sadd.s32 $0x6400, s4;
	s8 =	sadd.s32 $0xC800, s4  }
0xe: {  	v1 =	vimm.f32 $0.0e+00;
	s9 =	sadd.s32 $0x12C00, s4;
	s10 =	sadd.s32 $0x19000, s4;
	s17 =	sshrl.u32 @!p0 s4, $0x3  }
.LBB2_1:
0xf: {  	s19 =	simm.s32 $0x0;
	s20 =	simm.s32 $0x200  }
.LBB2_2:
0x10: {  	p1 =	sne.s32 s20, $0x18E00;
	[tilespmem:s19+$0x28F0] =	vst v1  }
0x11: {  	[tilespmem:s19+$0x2880] =	vst v1  }
0x12: {  	[tilespmem:s19+$0x2890] =	vst v1  }
.Ltmp0:
0x13: {  	[tilespmem:s19+$0x28A0] =	vst v1;
	(pc) =	sbr.rel @p1 .LBB2_2-.Ltmp0, $4  }
0x14: {  	[tilespmem:s19+$0x28B0] =	vst v1  }
0x15: {  	[tilespmem:s19+$0x28C0] =	vst v1  }
0x16: {  	[tilespmem:s19+$0x28D0] =	vst v1  }
0x17: {  	[tilespmem:s19+$0x28E0] =	vst v1;
	s19 =	sshra.s32 s20, $0x2;
	s20 =	sadd.s32 $0x200, s20  }
0x18: {  	[tilespmem:s19+$0x28F0] =	vst v1  }
0x19: {  	[tilespmem:s19+$0x2880] =	vst v1  }
0x1a: {  	[tilespmem:s19+$0x2890] =	vst v1  }
0x1b: {  	[tilespmem:s19+$0x28A0] =	vst v1  }
0x1c: {  	[tilespmem:s19+$0x28B0] =	vst v1  }
0x1d: {  	[tilespmem:s19+$0x28C0] =	vst v1  }
0x1e: {  	[tilespmem:s19+$0x28D0] =	vst v1  }
0x1f: {  	[tilespmem:s19+$0x28E0] =	vst v1;
	s19 =	simm.s32 @!p0 $0x2880;
	s20 =	simm.s32 @!p0 $0x1  }
0x20: {  	[spmem:s4] =	stream.linear.scatter @!p0 [tilespmem:s19], [sflag:$0x1], $0x6400, $0x38;
	[tilespmem:$0x12900] =	vst v63  }
0x21: {  	_ =	swait.ge @!p0 [sflag:s20], $0x6400  }
0x22: {  	[sflag:s20] =	ssyncset.done @!p0 $0x0  }
0x23: {  	[sflag:s20] =	ssyncadd.s32 @!p0 $0xFFFF9C00  }
0x24: {  	[spmem:s7] =	stream.linear.scatter @!p0 [tilespmem:s19], [sflag:$0x1], $0x6400, $0x38;
	[tilespmem:$0x12900] =	vst v63  }
0x25: {  	_ =	swait.ge @!p0 [sflag:s20], $0x6400  }
0x26: {  	[sflag:s20] =	ssyncset.done @!p0 $0x0  }
0x27: {  	[sflag:s20] =	ssyncadd.s32 @!p0 $0xFFFF9C00  }
0x28: {  	[spmem:s8] =	stream.linear.scatter @!p0 [tilespmem:s19], [sflag:$0x1], $0x6400, $0x38;
	[tilespmem:$0x12900] =	vst v63  }
0x29: {  	_ =	swait.ge @!p0 [sflag:s20], $0x6400  }
0x2a: {  	[sflag:s20] =	ssyncset.done @!p0 $0x0  }
0x2b: {  	[sflag:s20] =	ssyncadd.s32 @!p0 $0xFFFF9C00  }
0x2c: {  	[spmem:s9] =	stream.linear.scatter @!p0 [tilespmem:s19], [sflag:$0x1], $0x6400, $0x38;
	[tilespmem:$0x12900] =	vst v63  }
0x2d: {  	_ =	swait.ge @!p0 [sflag:s20], $0x6400  }
0x2e: {  	[sflag:s20] =	ssyncset.done @!p0 $0x0  }
0x2f: {  	[sflag:s20] =	ssyncadd.s32 @!p0 $0xFFFF9C00  }
0x30: {  	[spmem:s10] =	stream.linear.scatter @!p0 [tilespmem:s19], [sflag:$0x1], $0x6400, $0x38;
	[tilespmem:$0x12900] =	vst v63  }
0x31: {  	_ =	swait.ge @!p0 [sflag:s20], $0x6400  }
0x32: {  	[sflag:s20] =	ssyncset.done @!p0 $0x0  }
0x33: {  	[sflag:s20] =	ssyncadd.s32 @!p0 $0xFFFF9C00  }
0x34: {  	s31 =	sadd.s32 $0x0, s12;
	[bflag:$0x0] =	sbarrier.arrive $0xFFFF  }
0x35: {  	[tilespmem:s3], [sflag:$0x1] =	stream.linear.gather [hbm4b:s31+s3], $0x50, $0x38;
	[tilespmem:$0x12900] =	vst v63  }
0x36: {  	_ =	swait.ge [sflag:s13], $0x50  }
0x37: {  	[sflag:s13] =	ssyncset.done $0x0  }
0x38: {  	[sflag:s13] =	ssyncadd.s32 $0xFFFFFFB0  }
0x39: {  	[tilespmem:s14], [sflag:$0x1] =	stream.linear.gather [hbm4b:s11+s3], $0x2800, $0x38;
	[tilespmem:$0x12900] =	vst v63  }
0x3a: {  	_ =	swait.ge [sflag:s13], $0x2800  }
0x3b: {  	[sflag:s13] =	ssyncset.done $0x0  }
0x3c: {  	[sflag:s13] =	ssyncadd.s32 $0xFFFFD800  }
0x3d: {  	v2 =	vld [tilespmem:$0x40]  }
0x3e: {  	v3 =	vld [tilespmem:$0x30]  }
0x3f: {  	v4 =	vld [tilespmem:$0x20]  }
0x40: {  	v5 =	vld [tilespmem:$0x10]  }
0x41: {  	v6 =	vld [tilespmem:$0x0]  }
0x42: {  	v2 =	vsub.s32 v2, v0  }
0x43: {  	v3 =	vsub.s32 v3, v0;
	v2 =	vmin.u32 v2, $0x1388  }
0x44: {  	v4 =	vsub.s32 v4, v0;
	v3 =	vmin.u32 v3, $0x1388;
	[tilespmem:$0x40] =	vst v2  }
0x45: {  	v4 =	vmin.u32 v4, $0x1388;
	v2 =	vsub.s32 v5, v0;
	[tilespmem:$0x30] =	vst v3  }
0x46: {  	v3 =	vsub.s32 v6, v0;
	[tilespmem:$0x20] =	vst v4;
	v5 =	vmin.u32 v2, $0x1388  }
0x47: {  	s19 =	simm.s32 $0xA;
	s20 =	smov.u32 s11;
	v2 =	vmin.u32 v3, $0x1388;
	[tilespmem:$0x10] =	vst v5  }
.LBB2_4:
0x48: {  	p1 =	sne.s32 s19, $0x9BA  }
0x49: {  	[tilespmem:$0x0] =	vst v2;
	s20 =	sadd.s32 $0x500, s20;
	s21 =	smov.u32 s19;
	s19 =	sadd.s32 $0xA, s19  }
0x4a: {  	[spmem:s2] =	stream.indirect.scatter.add.f32 [tilespmem:s14], [sflag:$0x1], $0x80, s3, s15, $0xb8;
	[tilespmem:$0x12900] =	vst v63  }
0x4b: {  	_ =	swait.ge [sflag:s13], $0x2800  }
0x4c: {  	[sflag:s13] =	ssyncset.done $0x0  }
0x4d: {  	s21 =	sadd.s32 s21, s12;
	[sflag:s13] =	ssyncadd.s32 $0xFFFFD800  }
0x4e: {  	[tilespmem:s3], [sflag:$0x1] =	stream.linear.gather [hbm4b:s21+s3], $0x50, $0x38;
	[tilespmem:$0x12900] =	vst v63  }
0x4f: {  	_ =	swait.ge [sflag:s13], $0x50  }
0x50: {  	[sflag:s13] =	ssyncset.done $0x0  }
0x51: {  	[sflag:s13] =	ssyncadd.s32 $0xFFFFFFB0  }
0x52: {  	[tilespmem:s14], [sflag:$0x1] =	stream.linear.gather [hbm4b:s20+s3], $0x2800, $0x38;
	[tilespmem:$0x12900] =	vst v63  }
0x53: {  	_ =	swait.ge [sflag:s13], $0x2800  }
0x54: {  	[sflag:s13] =	ssyncset.done $0x0  }
0x55: {  	[sflag:s13] =	ssyncadd.s32 $0xFFFFD800  }
0x56: {  	v2 =	vld [tilespmem:$0x40]  }
0x57: {  	v3 =	vld [tilespmem:$0x30]  }
0x58: {  	v4 =	vld [tilespmem:$0x20]  }
0x59: {  	v5 =	vld [tilespmem:$0x10]  }
0x5a: {  	v6 =	vld [tilespmem:$0x0]  }
0x5b: {  	v2 =	vsub.s32 v2, v0  }
.Ltmp1:
0x5c: {  	v3 =	vsub.s32 v3, v0;
	v2 =	vmin.u32 v2, $0x1388;
	(pc) =	sbr.rel @p1 .LBB2_4-.Ltmp1, $4  }
0x5d: {  	v4 =	vsub.s32 v4, v0;
	v3 =	vmin.u32 v3, $0x1388;
	[tilespmem:$0x40] =	vst v2  }
0x5e: {  	v2 =	vsub.s32 v5, v0;
	v4 =	vmin.u32 v4, $0x1388;
	[tilespmem:$0x30] =	vst v3  }
0x5f: {  	v3 =	vsub.s32 v6, v0;
	v5 =	vmin.u32 v2, $0x1388;
	[tilespmem:$0x20] =	vst v4  }
0x60: {  	v2 =	vmin.u32 v3, $0x1388;
	[tilespmem:$0x10] =	vst v5  }
0x61: {  	[tilespmem:$0x0] =	vst v2  }
0x62: {  	[spmem:s2] =	stream.indirect.scatter.add.f32 [tilespmem:s14], [sflag:$0x1], $0x80, s3, s15, $0xb8;
	[tilespmem:$0x12900] =	vst v63  }
0x63: {  	_ =	swait.ge [sflag:s13], $0x2800  }
0x64: {  	s18 =	sadd.s32 $0x1, s18;
	[sflag:s13] =	ssyncset.done $0x0  }
0x65: {  	p1 =	sne.s32 s18, s6;
	[sflag:s13] =	ssyncadd.s32 $0xFFFFD800  }
.Ltmp2:
0x66: {  	s19 =	simm.s32 @!p0 $0x1;
	[bflag:$0x0] =	sbarrier.arrive $0xFFFF;
	(pc) =	sbr.rel @p1 .LBB2_1-.Ltmp2, $4  }
0x67: {  	[hbm:s5], [sflag:s16] =	dma.local @!p0 [spmem:s17], $0x3E80  }
0x68: {  	_ =	swait.ge @!p0 [sflag:s19], $0x3E80  }
0x69: {  	[sflag:s19] =	ssyncset.done @!p0 $0x0  }
0x6a: {  	[sflag:s19] =	ssyncadd.s32 @!p0 $0xFFFFC180  }
0x6b: {  	_ =	sfence.sel $0x180000  }
0x6c: {  	[bflag:$0x0] =	sbarrier.arrive $0xFFFF  }
0x6d: {  	p0 =	sne.s32 s0, $0x0;
	_ =	strace $0x9000004D  }
0x6e: {  	s0 =	sadd.s32 @!p0 $0x100000, s1;
	[bflag:$0x2] =	sbarrier.arrive $0xFFFF  }
0x6f: {  	[sflag:s0] =	ssyncadd.tile.s32 @!p0 $0x1;
	_ =	shalt  }
.Lfunc_end2:
_tile_overlayer_lowered:
.L_overlay_start_2:
0x70: {  	(tag) =	ssettag $0x2  }
0x71: {  	s0 =	rddreg [dreg:$0x0];
	s2 =	stileid.u32  }
0x72: {  	s1 =	rddreg [dreg:$0x1];
	p0 =	sne.s32 s2, $0x0  }
0x73: {  	s3 =	rddreg [dreg:$0x2];
	[bflag:$0x3] =	sbarrier.arrive $0xFFFF;
	s2 =	simm.s32 @!p0 $0x1C01  }
0x74: {  	[timem:s3], [sflag:s2] =	dma.local @!p0 [hbm:s0], s1  }
0x75: {  	s0 =	simm.s32 @!p0 $0x1  }
0x76: {  	_ =	swait.ge @!p0 [sflag:s0], s1  }
0x77: {  	s1 =	ssub.s32 @!p0 $0x0, s1;
	[sflag:s0] =	ssyncset.done @!p0 $0x0  }
0x78: {  	[sflag:s0] =	ssyncadd.s32 @!p0 s1  }
0x79: {  	[bflag:$0x3] =	sbarrier.arrive $0xFFFF  }
0x7a: {  	_ =	shalt  }

// kernel: kernel.9.cloned.1.call-start
scs
__scs_entry_jumppad:
0x0: {  	(pc) =	sbr.rel $0x88, $3  }
0x1: {  	(tag) =	ssettag $0x0;
	lr =	simm.s32 $0x1  }
0x2: {  	[smem:$0x3F81] =	sst lr;
	_ =	strace $0xD0000000  }
0x3: {  	_ = 	snop  }
0x4: {  	_ = 	snop  }
0x5: {  	_ = 	snop  }
0x6: {  	_ = 	snop  }
0x7: {  	_ = 	snop  }
__scs_overlays_trampoline_lowered:
0x8: {  	[smem:$0x3F90] =	sst s0  }
0x9: {  	[smem:$0x3F91] =	sst s1  }
0xa: {  	[smem:$0x3F92] =	sst s2  }
0xb: {  	[smem:$0x3F93] =	sst s3  }
0xc: {  	[smem:$0x3F94] =	sst s4  }
0xd: {  	[smem:$0x3F95] =	sst s5  }
0xe: {  	[smem:$0x3F96] =	sst s6  }
0xf: {  	[smem:$0x3F97] =	sst s7  }
0x10: {  	[smem:$0x3F98] =	sst s8  }
0x11: {  	[smem:$0x3F99] =	sst s9;
	s0 =	simm.s32 @!p0 $0x0  }
0x12: {  	s1 =	sld [smem:$0x3F7F];
	s0 =	simm.s32 @p0 $0x1  }
0x13: {  	[smem:$0x3F9A] =	sst s0;
	s0 =	simm.s32 @!p1 $0x0  }
0x14: {  	s2 =	sld [smem:$0x3F7E];
	s0 =	simm.s32 @p1 $0x1  }
0x15: {  	[smem:$0x3F9B] =	sst s0;
	s0 =	simm.s32 @!p2 $0x0  }
0x16: {  	s3 =	sld [smem:$0x3FDB];
	s0 =	simm.s32 @p2 $0x1  }
0x17: {  	s4 =	simm.s32 $0x1BF5;
	[smem:$0x3F9D] =	sst s0  }
0x18: {  	s0 =	sld [smem:$0x3F80];
	_ =	swait.ge [sflag:s4], $0x0  }
0x19: {  	s7 =	sld [smem:$0x3F81]  }
0x1a: {  	s8 =	sadd.s32 $0xFFFFE003, lr  }
0x1b: {  	s9 =	sadd.s32 $0xFFFFFEF7, lr;
	s5 =	simm.s32 $0xFFFFFFFF;
	p2 =	slt.u32 s8, $0xFFFFF086  }
0x1c: {  	p1 =	slt.u32 s9, $0xF7A;
	s5 =	simm.s32 @!p2 $0x0  }
0x1d: {  	s5 =	simm.s32 @p1 $0x1;
	p0 =	seq.s32 s7, s2  }
0x1e: {  	s7 =	smul.u32 @!p0 $0xF7A, s2;
	p2 =	seq.s32 @!p0 s5, $0x0  }
0x1f: {  	s9 =	smul.u32 $0xF7A, s1;
	s8 =	simm.s32 @!p0 $0x1BF5;
	p2 =	por !p2, p0  }
0x20: {  	[sflag:s8] =	ssyncset.s32 @!p0 $0xFFFFF086;
	s6 =	sadd.s32 @!p0 s3, s7;
	s7 =	simm.s32 @!p0 $0x108  }
0x21: {  	s3 =	sadd.s32 s3, s9;
	s6 =	sadd.s32 @!p0 $0x88, s6;
	s7 =	simm.s32 @p2 $0x1082  }
0x22: {  	[simem:s7], [sflag:s8] =	dma.local @!p0 [hbm:s6], $0xF7A  }
0x23: {  	s9 =	sor.u32 $0xD0000000, s2;
	s6 =	simm.s32 $0x108;
	_ =	swait.ge @!p0 [sflag:s8], $0x0  }
0x24: {  	s3 =	sadd.s32 $0x88, s3;
	s6 =	simm.s32 @!p1 $0x1082;
	[sflag:s4] =	ssyncset.s32 $0xFFFFF086  }
0x25: {  	[simem:s6], [sflag:s4] =	dma.local [hbm:s3], $0xF7A  }
0x26: {  	[smem:$0x3F81] =	sst s1;
	(tag) =	ssettag s2;
	_ =	strace s9  }
0x27: {  	s1 =	sld [smem:$0x3F91]  }
0x28: {  	s2 =	sld [smem:$0x3F92]  }
0x29: {  	s4 =	sld [smem:$0x3F94]  }
0x2a: {  	p0 =	seq.s32 s5, $0x0;
	s5 =	sld [smem:$0x3F95]  }
0x2b: {  	s6 =	sld [smem:$0x3F96]  }
0x2c: {  	s7 =	sld [smem:$0x3F97]  }
0x2d: {  	s3 =	simm.s32 $0x108;
	s8 =	sld [smem:$0x3F98]  }
0x2e: {  	s3 =	simm.s32 @!p0 $0x1082;
	s9 =	sld [smem:$0x3F99]  }
0x2f: {  	lr =	sadd.s32 s0, s3;
	s0 =	sld [smem:$0x3F90]  }
0x30: {  	s3 =	sld [smem:$0x3F93]  }
0x31: {  	[smem:$0x3F9C] =	sst s10  }
0x32: {  	s10 =	sld [smem:$0x3F9A];
	_ =	sdelay $0x3  }
0x33: {  	p0 =	seq.s32 s10, $0x1;
	s10 =	sld [smem:$0x3F9C];
	_ =	sdelay $0x3  }
0x34: {  	[smem:$0x3F9C] =	sst s10  }
0x35: {  	s10 =	sld [smem:$0x3F9B];
	_ =	sdelay $0x3  }
0x36: {  	p1 =	seq.s32 s10, $0x1;
	s10 =	sld [smem:$0x3F9C];
	_ =	sdelay $0x3  }
0x37: {  	[smem:$0x3F9C] =	sst s10  }
0x38: {  	s10 =	sld [smem:$0x3F9D]  }
0x39: {  	_ = 	snop;
	(pc) =	sbr.ind lr, $3  }
0x3a: {  	_ = 	snop  }
0x3b: {  	_ = 	snop  }
0x3c: {  	p2 =	seq.s32 s10, $0x1;
	s10 =	sld [smem:$0x3F9C]  }
0x3d: {  	_ =	shalt  }
0x3e: {  	_ =	shalt  }
0x3f: {  	_ =	shalt  }
0x40: {  	_ =	shalt  }
0x41: {  	_ =	shalt  }
0x42: {  	_ =	shalt  }
0x43: {  	_ =	shalt  }
0x44: {  	_ =	shalt  }
0x45: {  	_ =	shalt  }
0x46: {  	_ =	shalt  }
0x47: {  	_ =	shalt  }
0x48: {  	_ =	shalt  }
0x49: {  	_ =	shalt  }
0x4a: {  	_ =	shalt  }
0x4b: {  	_ =	shalt  }
0x4c: {  	_ =	shalt  }
0x4d: {  	_ =	shalt  }
0x4e: {  	_ =	shalt  }
0x4f: {  	_ =	shalt  }
0x50: {  	_ =	shalt  }
0x51: {  	_ =	shalt  }
0x52: {  	_ =	shalt  }
0x53: {  	_ =	shalt  }
0x54: {  	_ =	shalt  }
0x55: {  	_ =	shalt  }
0x56: {  	_ =	shalt  }
0x57: {  	_ =	shalt  }
0x58: {  	_ =	shalt  }
0x59: {  	_ =	shalt  }
0x5a: {  	_ =	shalt  }
0x5b: {  	_ =	shalt  }
0x5c: {  	_ =	shalt  }
0x5d: {  	_ =	shalt  }
0x5e: {  	_ =	shalt  }
0x5f: {  	_ =	shalt  }
0x60: {  	_ =	shalt  }
0x61: {  	_ =	shalt  }
0x62: {  	_ =	shalt  }
0x63: {  	_ =	shalt  }
0x64: {  	_ =	shalt  }
0x65: {  	_ =	shalt  }
0x66: {  	_ =	shalt  }
0x67: {  	_ =	shalt  }
0x68: {  	_ =	shalt  }
0x69: {  	_ =	shalt  }
0x6a: {  	_ =	shalt  }
0x6b: {  	_ =	shalt  }
0x6c: {  	_ =	shalt  }
0x6d: {  	_ =	shalt  }
0x6e: {  	_ =	shalt  }
0x6f: {  	_ =	shalt  }
0x70: {  	_ =	shalt  }
0x71: {  	_ =	shalt  }
0x72: {  	_ =	shalt  }
0x73: {  	_ =	shalt  }
0x74: {  	_ =	shalt  }
0x75: {  	_ =	shalt  }
0x76: {  	_ =	shalt  }
0x77: {  	_ =	shalt  }
0x78: {  	_ =	shalt  }
0x79: {  	_ =	shalt  }
0x7a: {  	_ =	shalt  }
0x7b: {  	_ =	shalt  }
0x7c: {  	_ =	shalt  }
0x7d: {  	_ =	shalt  }
0x7e: {  	_ =	shalt  }
0x7f: {  	_ =	shalt  }
0x80: {  	_ =	shalt  }
0x81: {  	_ =	shalt  }
0x82: {  	_ =	shalt  }
0x83: {  	_ =	shalt  }
0x84: {  	_ =	shalt  }
0x85: {  	_ =	shalt  }
0x86: {  	_ =	shalt  }
0x87: {  	_ =	shalt  }
.Lfunc_end0:
.L_simem_size_0:
called_computation.4_lowered:
.L_overlay_start_0:
0x88: {  	s2 =	sld [smem:$0x3FD9]  }
0x89: {  	s3 =	sld [smem:$0x3FFE];
	_ =	sdelay $0x1  }
0x8a: {  	s1 =	srdreg.scid  }
0x8b: {  	s0 =	sand.u32 $0x1, s1  }
0x8c: {  	s17 =	sshll.u32 s0, $0xA;
	s2 =	sadd.s32 s3, s2  }
0x8d: {  	s2 =	sadd.s32 s2, s17  }
0x8e: {  	[smem:$0x3FA8] =	sst s2  }
0x8f: {  	_ = 	snop  }
0x90: {  	s2 =	sld [smem:$0x3FD0];
	(tm) =	ssettm $0x1  }
0x91: {  	s18 =	sld [smem:$0x3FFB];
	_ =	sdelay $0x3  }
0x92: {  	_ =	strace s18  }
0x93: {  	s3 =	sld [smem:$0x3FFC];
	_ =	sdelay $0x3  }
0x94: {  	_ =	strace s3  }
0x95: {  	s3 =	sld [smem:$0x3FFD];
	_ =	sdelay $0x3  }
0x96: {  	_ =	strace s3  }
0x97: {  	_ =	strace $0x8FFFFFFF  }
0x98: {  	s19 =	sld [smem:$0x3FDB];
	_ =	sdelay $0x1  }
0x99: {  	s4 =	simm.s32 $_scs_section_size  }
0x9a: {  	s5 =	simm.s32 $_size__tile_overlayer_lowered;
	s6 =	simm.s32 $_tile_overlayer_lowered  }
0x9b: {  	s22 =	simm.s32 $0x1BFF;
	s21 =	sshll.u32 s6, $0x1;
	s3 =	sadd.s32 s4, s19  }
0x9c: {  	s7 =	simm.s32 $0x0;
	s20 =	sshll.u32 s5, $0x1;
	s5 =	sadd.s32 s21, s3  }
0x9d: {  	[timem:s7], [sflag:s22] =	dma.local [hbm:s5], s20  }
0x9e: {  	_ =	swait.ge [sflag:s22], s20  }
0x9f: {  	s4 =	ssub.s32 $0x0, s20;
	[sflag:s22] =	ssyncset.done $0x0  }
0xa0: {  	[sflag:s22] =	ssyncadd.s32 s4;
	_ =	sdelay $0x1  }
0xa1: {  	s23 =	simm.s32 $0x1B8B  }
0xa2: {  	_ =	swait.ge [sflag:s23], $0x1  }
0xa3: {  	[sflag:s23] =	ssyncset.done $0x0  }
0xa4: {  	s25 =	simm.s32 $0x1B8E;
	s24 =	sld [smem:$0x3FFE];
	[sflag:s23] =	ssyncadd.s32 $0xFFFFFFFF  }
0xa5: {  	s26 =	simm.s32 $execute0_lowered;
	[smem:$0x3FD2] =	sst s25  }
0xa6: {  	s5 =	sshll.u32 s26, $0x1;
	_ =	strace $0x80000046;
	[dreg:$0x1] =	wrdreg $0xFFFFFFFF  }
0xa7: {  	s28 =	simm.s32 $_size_execute0_lowered;
	s3 =	sadd.s32 s3, s5;
	[dreg:$0x0] =	wrdreg $0x0  }
0xa8: {  	s5 =	sshll.u32 s28, $0x1;
	[dreg:$0x2] =	wrdreg s3  }
0xa9: {  	[dreg:$0x3] =	wrdreg s5  }
0xaa: {  	[dreg:$0x4] =	wrdreg $0xC0  }
0xab: {  	_ =	task [dreg:s7], $0x5FFFF  }
0xac: {  	[dreg:$0x1] =	wrdreg $0xFFFFFFFF  }
0xad: {  	[dreg:$0x0] =	wrdreg $0x60  }
0xae: {  	[dreg:$0x2] =	wrdreg s2  }
0xaf: {  	[dreg:$0x3] =	wrdreg s24  }
0xb0: {  	[dreg:$0x4] =	wrdreg $0x9  }
0xb1: {  	_ =	task.clear_ibuf [dreg:s7], $0x5FFFF;
	_ =	strace $0x90000046  }
0xb2: {  	s29 =	simm.s32 $0x9;
	_ =	strace $0x80000048  }
0xb3: {  	_ =	swait.ge [sflag:s29], $0x1  }
0xb4: {  	[sflag:s29] =	ssyncadd.s32 $0xFFFFFFFF  }
0xb5: {  	_ =	strace $0x90000048  }
0xb6: {  	_ =	sfence  }
0xb7: {  	s30 =	sld [smem:$0x0];
	_ =	sdelay $0x2  }
0xb8: {  	s31 =	sshll.u32 s1, $0xD;
	s1 =	sshrl.u32 s1, $0x2  }
0xb9: {  	s3 =	sand.u32 $0x4000, s31;
	s1 =	sadd.s32 s1, s30  }
0xba: {  	s0 =	sor.u32 s3, s0;
	s1 =	sshll.u32 s1, $0x11  }
0xbb: {  	s0 =	sor.u32 s1, s0  }
0xbc: {  	s0 =	sadd.s32 $0x8F2B, s0  }
0xbd: {  	[sflag:s0] =	ssyncadd.remote.s32 $0x1  }
0xbe: {  	_ =	sfence.sel $0xFFFF  }
0xbf: {  	[dreg:$0x0] =	wrdreg $0xFFFFFFFF;
	(pc) =	sbr.abs _section_cstart, $3  }
0xc0: {  	[dreg:$0x1] =	wrdreg $0xFFFFFFFF  }
0xc1: {  	_ =	task.clear_ibuf [dreg:s7], $0x2FFFF;
	_ =	strace $0x9FFFFFFF  }
0xc2: {  	(tm) =	ssettm $0x7FFFFFFF  }
0xc3: {  	_ =	shalt  }
tec
execute0_lowered:
.L_overlay_start_1:
0x0: {  	(tag) =	ssettag $0x1  }
0x1: {  	s1 =	rddreg [dreg:$0x0]  }
0x2: {  	s9 =	rddreg [dreg:$0x1]  }
0x3: {  	s0 =	rddreg [dreg:$0x2];
	s2 =	simm.s32 $0x0  }
0x4: {  	s3 =	srdreg.scid;
	s14 =	simm.s32 $0x50;
	s15 =	simm.s32 $0x100  }
0x5: {  	s16 =	simm.s32 $0x2900;
	s17 =	simm.s32 $0x1;
	s18 =	simm.s32 $0x2  }
0x6: {  	s19 =	simm.s32 $0x5100;
	s20 =	simm.s32 $0x0;
	[smem:$0x7FF] =	sst s2  }
0x7: {  	s4 =	sadd.s32 $0x5600, s9;
	s5 =	sadd.s32 $0x36600, s9;
	s10 =	sand.u32 $0x1, s3  }
0x8: {  	s6 =	sadd.s32 $0x4A200, s9;
	s3 =	stileid.u32;
	s7 =	sadd.s32 $0x2C800, s9  }
0x9: {  	s8 =	sadd.s32 $0x40400, s9;
	s9 =	sadd.s32 $0x54000, s9;
	s11 =	ssub.s32 $0x2, s10  }
0xa: {  	_ =	strace $0x80000047;
	s13 =	sshll.u32 s3, $0x1;
	s12 =	sshrl.u32 s11, $0x1  }
0xb: {  	s10 =	sor.u32 s10, s13;
	s13 =	simm.s32 $0x80;
	s11 =	ssub.s32 s11, s12  }
0xc: {  	s10 =	smul.u32 $0x2710, s10;
	s12 =	simm.s32 $0x3;
	s11 =	smax.u32 s11, $0x1  }
.LBB2_1:
0xd: {  	s21 =	simm.s32 $0x0  }
.LBB2_2:
0xe: {  	s22 =	smul.u32 $0x50, s21;
	_ =	sdelay $0x1  }
0xf: {  	s22 =	sadd.s32 s10, s22  }
0x10: {  	s23 =	sshrl.u32 s22, $0x3  }
0x11: {  	s25 =	simm.s32 $0x0;
	s24 =	sadd.s32 s5, s23  }
0x12: {  	[tilespmem:s25], [sflag:$0x3] =	stream.linear.gather [hbm4b:s24+s25], $0x50, $0x38;
	[tilespmem:$0x7900] =	vst v63  }
0x13: {  	_ =	swait.ge [sflag:s12], $0x50  }
0x14: {  	[sflag:s12] =	ssyncset.done $0x0  }
0x15: {  	s31 =	sadd.s32 s6, s23;
	[sflag:s12] =	ssyncadd.s32 $0xFFFFFFB0  }
0x16: {  	[tilespmem:s13], [sflag:$0x3] =	stream.linear.gather [hbm4b:s31+s25], $0x50, $0x38;
	[tilespmem:$0x7900] =	vst v63  }
0x17: {  	_ =	swait.ge [sflag:s12], $0x50  }
0x18: {  	[sflag:s12] =	ssyncset.done $0x0  }
0x19: {  	[sflag:s12] =	ssyncadd.s32 $0xFFFFFFB0  }
0x1a: {  	[tilespmem:s15], [sflag:$0x1] =	stream.indirect.gather [hbm4b:s1+s14], $0x80, s25, s14, $0xb8;
	[tilespmem:$0x7900] =	vst v63  }
0x1b: {  	_ = 	snop  }
0x1c: {  	[tilespmem:s16], [sflag:$0x2] =	stream.indirect.gather [hbm4b:s1+s14], $0x80, s13, s14, $0xb8;
	[tilespmem:$0x7900] =	vst v63  }
0x1d: {  	_ =	swait.ge [sflag:s17], $0x2800  }
0x1e: {  	[sflag:s17] =	ssyncset.done $0x0  }
0x1f: {  	[sflag:s17] =	ssyncadd.s32 $0xFFFFD800  }
0x20: {  	_ =	swait.ge [sflag:s18], $0x2800  }
0x21: {  	[sflag:s18] =	ssyncset.done $0x0  }
0x22: {  	s24 =	simm.s32 $0x0;
	[sflag:s18] =	ssyncadd.s32 $0xFFFFD800  }
0x23: {  	v2 =	vld [tilespmem:s24+$0x130]  }
0x24: {  	v4 =	vld [tilespmem:s24+$0x2970]  }
0x25: {  	v5 =	vld [tilespmem:s24+$0x100]  }
0x26: {  	v6 =	vld [tilespmem:s24+$0x2940]  }
0x27: {  	v1 =	vld [tilespmem:s24+$0x110]  }
0x28: {  	v3 =	vld [tilespmem:s24+$0x2950]  }
0x29: {  	v0 =	vld [tilespmem:s24+$0x120];
	v7 =	vadd.f32 v4, v2  }
0x2a: {  	s25 =	simm.s32 $0x80;
	v4 =	vld [tilespmem:s24+$0x2960]  }
0x2b: {  	s26 =	simm.s32 $0x400;
	v2 =	vld [tilespmem:s25+$0x130];
	v5 =	vadd.f32 v6, v5;
	[tilespmem:s24+$0x5130] =	vst v7  }
.LBB2_3:
0x2c: {  	p0 =	sne.s32 s26, $0x9E00;
	v6 =	vld [tilespmem:s25+$0x2970]  }
0x2d: {  	v7 =	vld [tilespmem:s25+$0x100];
	[tilespmem:s24+$0x5100] =	vst v5;
	v3 =	vadd.f32 v3, v1  }
0x2e: {  	v5 =	vld [tilespmem:s25+$0x2940]  }
.Ltmp0:
0x2f: {  	v1 =	vld [tilespmem:s25+$0x110];
	[tilespmem:s24+$0x5110] =	vst v3;
	v4 =	vadd.f32 v4, v0;
	(pc) =	sbr.rel @p0 .LBB2_3-.Ltmp0, $4  }
0x30: {  	v3 =	vld [tilespmem:s25+$0x2950]  }
0x31: {  	v0 =	vld [tilespmem:s25+$0x120];
	v6 =	vadd.f32 v6, v2;
	[tilespmem:s24+$0x5120] =	vst v4;
	s24 =	smov.u32 s25  }
0x32: {  	s25 =	sshra.s32 s26, $0x2;
	v4 =	vld [tilespmem:s24+$0x2960]  }
0x33: {  	s26 =	sadd.s32 $0x200, s26;
	v2 =	vld [tilespmem:s25+$0x130];
	v5 =	vadd.f32 v5, v7;
	[tilespmem:s24+$0x5130] =	vst v6  }
0x34: {  	v6 =	vld [tilespmem:s25+$0x2970]  }
0x35: {  	v7 =	vld [tilespmem:s25+$0x100];
	[tilespmem:s24+$0x5100] =	vst v5;
	v1 =	vadd.f32 v3, v1  }
0x36: {  	v3 =	vld [tilespmem:s25+$0x2940]  }
0x37: {  	v5 =	vld [tilespmem:s25+$0x110];
	[tilespmem:s24+$0x5110] =	vst v1;
	v0 =	vadd.f32 v4, v0  }
0x38: {  	v1 =	vld [tilespmem:s25+$0x2950]  }
0x39: {  	v4 =	vld [tilespmem:s25+$0x120];
	[tilespmem:s24+$0x5120] =	vst v0  }
0x3a: {  	v0 =	vld [tilespmem:s25+$0x2960];
	_ =	sdelay $0x1  }
0x3b: {  	v2 =	vadd.f32 v6, v2  }
0x3c: {  	v3 =	vadd.f32 v3, v7  }
0x3d: {  	[tilespmem:s25+$0x5130] =	vst v2;
	v1 =	vadd.f32 v1, v5  }
0x3e: {  	[tilespmem:s25+$0x5100] =	vst v3;
	v0 =	vadd.f32 v0, v4  }
0x3f: {  	[tilespmem:s25+$0x5110] =	vst v1  }
0x40: {  	s29 =	sadd.s32 s7, s23;
	s30 =	simm.s32 $0x0;
	[tilespmem:s25+$0x5120] =	vst v0  }
0x41: {  	[tilespmem:s30], [sflag:$0x3] =	stream.linear.gather [hbm4b:s29+s30], $0x50, $0x38;
	[tilespmem:$0x7900] =	vst v63  }
0x42: {  	_ =	swait.ge [sflag:s12], $0x50  }
0x43: {  	[sflag:s12] =	ssyncset.done $0x0  }
0x44: {  	s31 =	sadd.s32 s8, s23;
	[sflag:s12] =	ssyncadd.s32 $0xFFFFFFB0  }
0x45: {  	[tilespmem:s13], [sflag:$0x3] =	stream.linear.gather [hbm4b:s31+s30], $0x50, $0x38;
	[tilespmem:$0x7900] =	vst v63  }
0x46: {  	_ =	swait.ge [sflag:s12], $0x50  }
0x47: {  	[sflag:s12] =	ssyncset.done $0x0  }
0x48: {  	[sflag:s12] =	ssyncadd.s32 $0xFFFFFFB0  }
0x49: {  	[tilespmem:s15], [sflag:$0x1] =	stream.indirect.gather [hbm4b:s4+s14], $0x80, s30, s14, $0xb8;
	[tilespmem:$0x7900] =	vst v63  }
0x4a: {  	_ = 	snop  }
0x4b: {  	[tilespmem:s16], [sflag:$0x2] =	stream.indirect.gather [hbm4b:s4+s14], $0x80, s13, s14, $0xb8;
	[tilespmem:$0x7900] =	vst v63  }
0x4c: {  	_ =	swait.ge [sflag:s17], $0x2800  }
0x4d: {  	[sflag:s17] =	ssyncset.done $0x0  }
0x4e: {  	[sflag:s17] =	ssyncadd.s32 $0xFFFFD800  }
0x4f: {  	_ =	swait.ge [sflag:s18], $0x2800  }
0x50: {  	[sflag:s18] =	ssyncset.done $0x0  }
0x51: {  	s23 =	simm.s32 $0x0;
	[sflag:s18] =	ssyncadd.s32 $0xFFFFD800  }
0x52: {  	v2 =	vld [tilespmem:s23+$0x130]  }
0x53: {  	v4 =	vld [tilespmem:s23+$0x2970]  }
0x54: {  	v5 =	vld [tilespmem:s23+$0x100]  }
0x55: {  	v6 =	vld [tilespmem:s23+$0x2940]  }
0x56: {  	v1 =	vld [tilespmem:s23+$0x110]  }
0x57: {  	v3 =	vld [tilespmem:s23+$0x2950]  }
0x58: {  	v0 =	vld [tilespmem:s23+$0x120];
	v7 =	vadd.f32 v4, v2  }
0x59: {  	s24 =	simm.s32 $0x80;
	v4 =	vld [tilespmem:s23+$0x2960]  }
0x5a: {  	s25 =	simm.s32 $0x400;
	v2 =	vld [tilespmem:s24+$0x130];
	v5 =	vadd.f32 v6, v5;
	[tilespmem:s23+$0x5170] =	vst v7  }
.LBB2_5:
0x5b: {  	p0 =	sne.s32 s25, $0x9E00;
	v6 =	vld [tilespmem:s24+$0x2970]  }
0x5c: {  	v7 =	vld [tilespmem:s24+$0x100];
	[tilespmem:s23+$0x5140] =	vst v5;
	v3 =	vadd.f32 v3, v1  }
0x5d: {  	v5 =	vld [tilespmem:s24+$0x2940]  }
.Ltmp1:
0x5e: {  	v1 =	vld [tilespmem:s24+$0x110];
	[tilespmem:s23+$0x5150] =	vst v3;
	v4 =	vadd.f32 v4, v0;
	(pc) =	sbr.rel @p0 .LBB2_5-.Ltmp1, $4  }
0x5f: {  	v3 =	vld [tilespmem:s24+$0x2950]  }
0x60: {  	v0 =	vld [tilespmem:s24+$0x120];
	v6 =	vadd.f32 v6, v2;
	[tilespmem:s23+$0x5160] =	vst v4;
	s23 =	smov.u32 s24  }
0x61: {  	s24 =	sshra.s32 s25, $0x2;
	v4 =	vld [tilespmem:s23+$0x2960]  }
0x62: {  	s25 =	sadd.s32 $0x200, s25;
	v2 =	vld [tilespmem:s24+$0x130];
	v5 =	vadd.f32 v5, v7;
	[tilespmem:s23+$0x5170] =	vst v6  }
0x63: {  	v6 =	vld [tilespmem:s24+$0x2970]  }
0x64: {  	v7 =	vld [tilespmem:s24+$0x100];
	[tilespmem:s23+$0x5140] =	vst v5;
	v1 =	vadd.f32 v3, v1  }
0x65: {  	v62 =	vld [tilespmem:s24+$0x2940]  }
0x66: {  	v5 =	vld [tilespmem:s24+$0x110];
	[tilespmem:s23+$0x5150] =	vst v1;
	v0 =	vadd.f32 v4, v0  }
0x67: {  	v1 =	vld [tilespmem:s24+$0x2950]  }
0x68: {  	v63 =	vld [tilespmem:s24+$0x120];
	[tilespmem:s23+$0x5160] =	vst v0  }
0x69: {  	v0 =	vld [tilespmem:s24+$0x2960];
	_ =	sdelay $0x1  }
0x6a: {  	v2 =	vadd.f32 v6, v2  }
0x6b: {  	v3 =	vadd.f32 v62, v7  }
0x6c: {  	[tilespmem:s24+$0x5170] =	vst v2;
	v1 =	vadd.f32 v1, v5  }
0x6d: {  	s21 =	sadd.s32 $0x1, s21;
	[tilespmem:s24+$0x5140] =	vst v3;
	v0 =	vadd.f32 v0, v63  }
0x6e: {  	s22 =	sshll.u32 s22, $0x4;
	p0 =	sne.s32 s21, $0x7D;
	[tilespmem:s24+$0x5150] =	vst v1  }
.Ltmp2:
0x6f: {  	s22 =	sadd.s32 s9, s22;
	[tilespmem:s24+$0x5160] =	vst v0;
	(pc) =	sbr.rel @p0 .LBB2_2-.Ltmp2, $4  }
0x70: {  	[hbm4b:s22+s2] =	stream.linear.scatter [tilespmem:s19], [sflag:$0x3], $0x2800, $0x38;
	[tilespmem:$0x7900] =	vst v63  }
0x71: {  	_ =	swait.ge [sflag:s12], $0x2800  }
0x72: {  	[sflag:s12] =	ssyncset.done $0x0  }
0x73: {  	[sflag:s12] =	ssyncadd.s32 $0xFFFFD800  }
0x74: {  	s20 =	sadd.s32 $0x1, s20  }
0x75: {  	p0 =	sne.s32 s20, s11  }
.Ltmp3:
0x76: {  	_ = 	snop;
	(pc) =	sbr.rel @p0 .LBB2_1-.Ltmp3, $1  }
0x77: {  	_ =	sdelay $0x3  }
0x78: {  	_ =	sfence.sel $0x180000  }
0x79: {  	[bflag:$0x0] =	sbarrier.arrive $0xFFFF  }
0x7a: {  	p0 =	sne.s32 s3, $0x0;
	_ =	strace $0x90000047  }
0x7b: {  	s0 =	sadd.s32 @!p0 $0x100000, s0;
	[bflag:$0x2] =	sbarrier.arrive $0xFFFF  }
0x7c: {  	[sflag:s0] =	ssyncadd.tile.s32 @!p0 $0x1;
	_ =	shalt  }
.Lfunc_end2:
_tile_overlayer_lowered:
.L_overlay_start_2:
0x7d: {  	(tag) =	ssettag $0x2  }
0x7e: {  	s0 =	rddreg [dreg:$0x0];
	s2 =	stileid.u32  }
0x7f: {  	s1 =	rddreg [dreg:$0x1];
	p0 =	sne.s32 s2, $0x0  }
0x80: {  	s3 =	rddreg [dreg:$0x2];
	[bflag:$0x3] =	sbarrier.arrive $0xFFFF;
	s2 =	simm.s32 @!p0 $0x1C03  }
0x81: {  	[timem:s3], [sflag:s2] =	dma.local @!p0 [hbm:s0], s1  }
0x82: {  	s0 =	simm.s32 @!p0 $0x3  }
0x83: {  	_ =	swait.ge @!p0 [sflag:s0], s1  }
0x84: {  	s1 =	ssub.s32 @!p0 $0x0, s1;
	[sflag:s0] =	ssyncset.done @!p0 $0x0  }
0x85: {  	[sflag:s0] =	ssyncadd.s32 @!p0 s1  }
0x86: {  	[bflag:$0x3] =	sbarrier.arrive $0xFFFF  }
0x87: {  	_ =	shalt  }

// kernel: scatter_offload_async_start
scs
__scs_entry_jumppad:
0x0: {  	(pc) =	sbr.rel $0x88, $3  }
0x1: {  	(tag) =	ssettag $0x0;
	lr =	simm.s32 $0x1  }
0x2: {  	[smem:$0x3F81] =	sst lr;
	_ =	strace $0xD0000000  }
0x3: {  	_ = 	snop  }
0x4: {  	_ = 	snop  }
0x5: {  	_ = 	snop  }
0x6: {  	_ = 	snop  }
0x7: {  	_ = 	snop  }
__scs_overlays_trampoline_lowered:
0x8: {  	[smem:$0x3F90] =	sst s0  }
0x9: {  	[smem:$0x3F91] =	sst s1  }
0xa: {  	[smem:$0x3F92] =	sst s2  }
0xb: {  	[smem:$0x3F93] =	sst s3  }
0xc: {  	[smem:$0x3F94] =	sst s4  }
0xd: {  	[smem:$0x3F95] =	sst s5  }
0xe: {  	[smem:$0x3F96] =	sst s6  }
0xf: {  	[smem:$0x3F97] =	sst s7  }
0x10: {  	[smem:$0x3F98] =	sst s8  }
0x11: {  	[smem:$0x3F99] =	sst s9;
	s0 =	simm.s32 @!p0 $0x0  }
0x12: {  	s1 =	sld [smem:$0x3F7F];
	s0 =	simm.s32 @p0 $0x1  }
0x13: {  	[smem:$0x3F9A] =	sst s0;
	s0 =	simm.s32 @!p1 $0x0  }
0x14: {  	s2 =	sld [smem:$0x3F7E];
	s0 =	simm.s32 @p1 $0x1  }
0x15: {  	[smem:$0x3F9B] =	sst s0;
	s0 =	simm.s32 @!p2 $0x0  }
0x16: {  	s3 =	sld [smem:$0x3FDB];
	s0 =	simm.s32 @p2 $0x1  }
0x17: {  	s4 =	simm.s32 $0x1BF5;
	[smem:$0x3F9D] =	sst s0  }
0x18: {  	s0 =	sld [smem:$0x3F80];
	_ =	swait.ge [sflag:s4], $0x0  }
0x19: {  	s7 =	sld [smem:$0x3F81]  }
0x1a: {  	s8 =	sadd.s32 $0xFFFFE003, lr  }
0x1b: {  	s9 =	sadd.s32 $0xFFFFFEF7, lr;
	s5 =	simm.s32 $0xFFFFFFFF;
	p2 =	slt.u32 s8, $0xFFFFF086  }
0x1c: {  	p1 =	slt.u32 s9, $0xF7A;
	s5 =	simm.s32 @!p2 $0x0  }
0x1d: {  	s5 =	simm.s32 @p1 $0x1;
	p0 =	seq.s32 s7, s2  }
0x1e: {  	s7 =	smul.u32 @!p0 $0xF7A, s2;
	p2 =	seq.s32 @!p0 s5, $0x0  }
0x1f: {  	s9 =	smul.u32 $0xF7A, s1;
	s8 =	simm.s32 @!p0 $0x1BF5;
	p2 =	por !p2, p0  }
0x20: {  	[sflag:s8] =	ssyncset.s32 @!p0 $0xFFFFF086;
	s6 =	sadd.s32 @!p0 s3, s7;
	s7 =	simm.s32 @!p0 $0x108  }
0x21: {  	s3 =	sadd.s32 s3, s9;
	s6 =	sadd.s32 @!p0 $0x88, s6;
	s7 =	simm.s32 @p2 $0x1082  }
0x22: {  	[simem:s7], [sflag:s8] =	dma.local @!p0 [hbm:s6], $0xF7A  }
0x23: {  	s9 =	sor.u32 $0xD0000000, s2;
	s6 =	simm.s32 $0x108;
	_ =	swait.ge @!p0 [sflag:s8], $0x0  }
0x24: {  	s3 =	sadd.s32 $0x88, s3;
	s6 =	simm.s32 @!p1 $0x1082;
	[sflag:s4] =	ssyncset.s32 $0xFFFFF086  }
0x25: {  	[simem:s6], [sflag:s4] =	dma.local [hbm:s3], $0xF7A  }
0x26: {  	[smem:$0x3F81] =	sst s1;
	(tag) =	ssettag s2;
	_ =	strace s9  }
0x27: {  	s1 =	sld [smem:$0x3F91]  }
0x28: {  	s2 =	sld [smem:$0x3F92]  }
0x29: {  	s4 =	sld [smem:$0x3F94]  }
0x2a: {  	p0 =	seq.s32 s5, $0x0;
	s5 =	sld [smem:$0x3F95]  }
0x2b: {  	s6 =	sld [smem:$0x3F96]  }
0x2c: {  	s7 =	sld [smem:$0x3F97]  }
0x2d: {  	s3 =	simm.s32 $0x108;
	s8 =	sld [smem:$0x3F98]  }
0x2e: {  	s3 =	simm.s32 @!p0 $0x1082;
	s9 =	sld [smem:$0x3F99]  }
0x2f: {  	lr =	sadd.s32 s0, s3;
	s0 =	sld [smem:$0x3F90]  }
0x30: {  	s3 =	sld [smem:$0x3F93]  }
0x31: {  	[smem:$0x3F9C] =	sst s10  }
0x32: {  	s10 =	sld [smem:$0x3F9A];
	_ =	sdelay $0x3  }
0x33: {  	p0 =	seq.s32 s10, $0x1;
	s10 =	sld [smem:$0x3F9C];
	_ =	sdelay $0x3  }
0x34: {  	[smem:$0x3F9C] =	sst s10  }
0x35: {  	s10 =	sld [smem:$0x3F9B];
	_ =	sdelay $0x3  }
0x36: {  	p1 =	seq.s32 s10, $0x1;
	s10 =	sld [smem:$0x3F9C];
	_ =	sdelay $0x3  }
0x37: {  	[smem:$0x3F9C] =	sst s10  }
0x38: {  	s10 =	sld [smem:$0x3F9D]  }
0x39: {  	_ = 	snop;
	(pc) =	sbr.ind lr, $3  }
0x3a: {  	_ = 	snop  }
0x3b: {  	_ = 	snop  }
0x3c: {  	p2 =	seq.s32 s10, $0x1;
	s10 =	sld [smem:$0x3F9C]  }
0x3d: {  	_ =	shalt  }
0x3e: {  	_ =	shalt  }
0x3f: {  	_ =	shalt  }
0x40: {  	_ =	shalt  }
0x41: {  	_ =	shalt  }
0x42: {  	_ =	shalt  }
0x43: {  	_ =	shalt  }
0x44: {  	_ =	shalt  }
0x45: {  	_ =	shalt  }
0x46: {  	_ =	shalt  }
0x47: {  	_ =	shalt  }
0x48: {  	_ =	shalt  }
0x49: {  	_ =	shalt  }
0x4a: {  	_ =	shalt  }
0x4b: {  	_ =	shalt  }
0x4c: {  	_ =	shalt  }
0x4d: {  	_ =	shalt  }
0x4e: {  	_ =	shalt  }
0x4f: {  	_ =	shalt  }
0x50: {  	_ =	shalt  }
0x51: {  	_ =	shalt  }
0x52: {  	_ =	shalt  }
0x53: {  	_ =	shalt  }
0x54: {  	_ =	shalt  }
0x55: {  	_ =	shalt  }
0x56: {  	_ =	shalt  }
0x57: {  	_ =	shalt  }
0x58: {  	_ =	shalt  }
0x59: {  	_ =	shalt  }
0x5a: {  	_ =	shalt  }
0x5b: {  	_ =	shalt  }
0x5c: {  	_ =	shalt  }
0x5d: {  	_ =	shalt  }
0x5e: {  	_ =	shalt  }
0x5f: {  	_ =	shalt  }
0x60: {  	_ =	shalt  }
0x61: {  	_ =	shalt  }
0x62: {  	_ =	shalt  }
0x63: {  	_ =	shalt  }
0x64: {  	_ =	shalt  }
0x65: {  	_ =	shalt  }
0x66: {  	_ =	shalt  }
0x67: {  	_ =	shalt  }
0x68: {  	_ =	shalt  }
0x69: {  	_ =	shalt  }
0x6a: {  	_ =	shalt  }
0x6b: {  	_ =	shalt  }
0x6c: {  	_ =	shalt  }
0x6d: {  	_ =	shalt  }
0x6e: {  	_ =	shalt  }
0x6f: {  	_ =	shalt  }
0x70: {  	_ =	shalt  }
0x71: {  	_ =	shalt  }
0x72: {  	_ =	shalt  }
0x73: {  	_ =	shalt  }
0x74: {  	_ =	shalt  }
0x75: {  	_ =	shalt  }
0x76: {  	_ =	shalt  }
0x77: {  	_ =	shalt  }
0x78: {  	_ =	shalt  }
0x79: {  	_ =	shalt  }
0x7a: {  	_ =	shalt  }
0x7b: {  	_ =	shalt  }
0x7c: {  	_ =	shalt  }
0x7d: {  	_ =	shalt  }
0x7e: {  	_ =	shalt  }
0x7f: {  	_ =	shalt  }
0x80: {  	_ =	shalt  }
0x81: {  	_ =	shalt  }
0x82: {  	_ =	shalt  }
0x83: {  	_ =	shalt  }
0x84: {  	_ =	shalt  }
0x85: {  	_ =	shalt  }
0x86: {  	_ =	shalt  }
0x87: {  	_ =	shalt  }
.Lfunc_end0:
.L_simem_size_0:
called_computation_lowered:
.L_overlay_start_0:
0x88: {  	s2 =	sld [smem:$0x3FD9]  }
0x89: {  	s3 =	sld [smem:$0x3FFE];
	_ =	sdelay $0x1  }
0x8a: {  	s1 =	srdreg.scid  }
0x8b: {  	s0 =	sand.u32 $0x1, s1  }
0x8c: {  	s16 =	sshll.u32 s0, $0xA;
	s2 =	sadd.s32 s3, s2  }
0x8d: {  	s2 =	sadd.s32 s2, s16  }
0x8e: {  	[smem:$0x3FA8] =	sst s2  }
0x8f: {  	_ = 	snop  }
0x90: {  	s2 =	sld [smem:$0x3FD0];
	(tm) =	ssettm $0x1  }
0x91: {  	s17 =	sld [smem:$0x3FFB];
	_ =	sdelay $0x3  }
0x92: {  	_ =	strace s17  }
0x93: {  	s3 =	sld [smem:$0x3FFC];
	_ =	sdelay $0x3  }
0x94: {  	_ =	strace s3  }
0x95: {  	s3 =	sld [smem:$0x3FFD];
	_ =	sdelay $0x3  }
0x96: {  	_ =	strace s3  }
0x97: {  	_ =	strace $0x8FFFFFFF  }
0x98: {  	s18 =	sld [smem:$0x3FDB];
	_ =	sdelay $0x1  }
0x99: {  	s4 =	simm.s32 $_scs_section_size  }
0x9a: {  	s5 =	simm.s32 $_size__tile_overlayer_lowered;
	s6 =	simm.s32 $_tile_overlayer_lowered  }
0x9b: {  	s21 =	simm.s32 $0x1BFF;
	s20 =	sshll.u32 s6, $0x1;
	s3 =	sadd.s32 s4, s18  }
0x9c: {  	s7 =	simm.s32 $0x0;
	s19 =	sshll.u32 s5, $0x1;
	s5 =	sadd.s32 s20, s3  }
0x9d: {  	[timem:s7], [sflag:s21] =	dma.local [hbm:s5], s19  }
0x9e: {  	_ =	swait.ge [sflag:s21], s19  }
0x9f: {  	s4 =	ssub.s32 $0x0, s19;
	[sflag:s21] =	ssyncset.done $0x0  }
0xa0: {  	[sflag:s21] =	ssyncadd.s32 s4;
	_ =	sdelay $0x1  }
0xa1: {  	s22 =	simm.s32 $0x1B8B  }
0xa2: {  	_ =	swait.ge [sflag:s22], $0x1  }
0xa3: {  	[sflag:s22] =	ssyncset.done $0x0  }
0xa4: {  	s23 =	sld [smem:$0x3FFE];
	[sflag:s22] =	ssyncadd.s32 $0xFFFFFFFF  }
0xa5: {  	s25 =	simm.s32 $0x1B8E;
	s24 =	sld [smem:$0x0]  }
0xa6: {  	s26 =	simm.s32 $execute0_lowered;
	[smem:$0x3FD2] =	sst s25  }
0xa7: {  	s6 =	sshll.u32 s26, $0x1;
	_ =	strace $0x80000049;
	[dreg:$0x1] =	wrdreg $0xFFFFFFFF  }
0xa8: {  	s28 =	simm.s32 $_size_execute0_lowered;
	s3 =	sadd.s32 s3, s6;
	[dreg:$0x0] =	wrdreg $0x0  }
0xa9: {  	s6 =	sshll.u32 s28, $0x1;
	[dreg:$0x2] =	wrdreg s3  }
0xaa: {  	[dreg:$0x3] =	wrdreg s6  }
0xab: {  	[dreg:$0x4] =	wrdreg $0xC0  }
0xac: {  	_ =	task [dreg:s7], $0x5FFFF  }
0xad: {  	[dreg:$0x1] =	wrdreg $0xFFFFFFFF  }
0xae: {  	[dreg:$0x0] =	wrdreg $0x60  }
0xaf: {  	[dreg:$0x2] =	wrdreg s2  }
0xb0: {  	[dreg:$0x3] =	wrdreg s23  }
0xb1: {  	[dreg:$0x4] =	wrdreg s1  }
0xb2: {  	[dreg:$0x5] =	wrdreg s24  }
0xb3: {  	[dreg:$0x6] =	wrdreg $0xA  }
0xb4: {  	_ =	task.clear_ibuf [dreg:s7], $0x7FFFF;
	_ =	strace $0x90000049  }
0xb5: {  	s29 =	simm.s32 $0xA;
	_ =	strace $0x8000004B  }
0xb6: {  	_ =	swait.ge [sflag:s29], $0x1  }
0xb7: {  	[sflag:s29] =	ssyncadd.s32 $0xFFFFFFFF  }
0xb8: {  	_ =	strace $0x9000004B  }
0xb9: {  	_ =	sfence  }
0xba: {  	s30 =	sld [smem:$0x0];
	_ =	sdelay $0x2  }
0xbb: {  	s31 =	sshll.u32 s1, $0xD;
	s1 =	sshrl.u32 s1, $0x2  }
0xbc: {  	s3 =	sand.u32 $0x4000, s31;
	s1 =	sadd.s32 s1, s30  }
0xbd: {  	s0 =	sor.u32 s3, s0;
	s1 =	sshll.u32 s1, $0x11  }
0xbe: {  	s0 =	sor.u32 s1, s0  }
0xbf: {  	s0 =	sadd.s32 $0x8F2B, s0  }
0xc0: {  	[sflag:s0] =	ssyncadd.remote.s32 $0x1  }
0xc1: {  	_ =	sfence.sel $0xFFFF  }
0xc2: {  	[dreg:$0x0] =	wrdreg $0xFFFFFFFF;
	(pc) =	sbr.abs _section_cstart, $3  }
0xc3: {  	[dreg:$0x1] =	wrdreg $0xFFFFFFFF  }
0xc4: {  	_ =	task.clear_ibuf [dreg:s7], $0x2FFFF;
	_ =	strace $0x9FFFFFFF  }
0xc5: {  	(tm) =	ssettm $0x7FFFFFFF  }
tec
execute0_lowered:
.L_overlay_start_1:
0x0: {  	(tag) =	ssettag $0x1  }
0x1: {  	s1 =	rddreg [dreg:$0x0]  }
0x2: {  	s7 =	rddreg [dreg:$0x1]  }
0x3: {  	s3 =	rddreg [dreg:$0x2];
	_ =	strace $0x8000004A;
	s4 =	simm.s32 $0x1  }
0x4: {  	v0 =	vimm.s32 $0x0;
	[sflag:s4] =	ssyncpa.u1 $0x0  }
0x5: {  	[tilespmem:$0x48] =	vst v0  }
0x6: {  	[tilespmem:$0x58] =	vst v0  }
0x7: {  	[tilespmem:$0x68] =	vst v0  }
0x8: {  	[tilespmem:$0x78] =	vst v0  }
0x9: {  	[tilespmem:$0x88] =	vst v0  }
0xa: {  	[tilespmem:$0x98] =	vst v0  }
0xb: {  	[tilespmem:$0xA8] =	vst v0  }
0xc: {  	[tilespmem:$0xB8] =	vst v0  }
0xd: {  	[tilespmem:$0xC8] =	vst v0  }
0xe: {  	[tilespmem:$0xD8] =	vst v0  }
0xf: {  	[tilespmem:$0xE8] =	vst v0  }
0x10: {  	[tilespmem:$0xF8] =	vst v0  }
0x11: {  	[tilespmem:$0x108] =	vst v0  }
0x12: {  	[tilespmem:$0x118] =	vst v0  }
0x13: {  	[tilespmem:$0x128] =	vst v0  }
0x14: {  	[tilespmem:$0x138] =	vst v0  }
0x15: {  	[tilespmem:$0x148] =	vst v0  }
0x16: {  	[tilespmem:$0x158] =	vst v0  }
0x17: {  	[tilespmem:$0x168] =	vst v0  }
0x18: {  	[tilespmem:$0x178] =	vst v0  }
0x19: {  	[tilespmem:$0x188] =	vst v0  }
0x1a: {  	[tilespmem:$0x198] =	vst v0  }
0x1b: {  	[tilespmem:$0x1A8] =	vst v0  }
0x1c: {  	[tilespmem:$0x1B8] =	vst v0  }
0x1d: {  	[tilespmem:$0x1C8] =	vst v0  }
0x1e: {  	[tilespmem:$0x1D8] =	vst v0  }
0x1f: {  	[tilespmem:$0x1E8] =	vst v0  }
0x20: {  	[tilespmem:$0x1F8] =	vst v0  }
0x21: {  	[tilespmem:$0x208] =	vst v0  }
0x22: {  	[tilespmem:$0x218] =	vst v0  }
0x23: {  	[tilespmem:$0x228] =	vst v0  }
0x24: {  	[tilespmem:$0x238] =	vst v0  }
0x25: {  	[tilespmem:$0x248] =	vst v0  }
0x26: {  	[tilespmem:$0x258] =	vst v0  }
0x27: {  	[tilespmem:$0x268] =	vst v0  }
0x28: {  	[tilespmem:$0x278] =	vst v0  }
0x29: {  	[tilespmem:$0x288] =	vst v0  }
0x2a: {  	[tilespmem:$0x298] =	vst v0  }
0x2b: {  	[tilespmem:$0x2A8] =	vst v0  }
0x2c: {  	[tilespmem:$0x2B8] =	vst v0  }
0x2d: {  	[tilespmem:$0x2C8] =	vst v0  }
0x2e: {  	[tilespmem:$0x2D8] =	vst v0  }
0x2f: {  	[tilespmem:$0x2E8] =	vst v0  }
0x30: {  	[tilespmem:$0x2F8] =	vst v0  }
0x31: {  	[tilespmem:$0x308] =	vst v0  }
0x32: {  	[tilespmem:$0x318] =	vst v0  }
0x33: {  	[tilespmem:$0x328] =	vst v0  }
0x34: {  	[tilespmem:$0x338] =	vst v0  }
0x35: {  	[tilespmem:$0x348] =	vst v0  }
0x36: {  	[tilespmem:$0x358] =	vst v0  }
0x37: {  	[tilespmem:$0x368] =	vst v0  }
0x38: {  	[tilespmem:$0x378] =	vst v0  }
0x39: {  	[tilespmem:$0x388] =	vst v0  }
0x3a: {  	[tilespmem:$0x398] =	vst v0  }
0x3b: {  	[tilespmem:$0x3A8] =	vst v0  }
0x3c: {  	[tilespmem:$0x3B8] =	vst v0  }
0x3d: {  	[tilespmem:$0x3C8] =	vst v0  }
0x3e: {  	[tilespmem:$0x3D8] =	vst v0  }
0x3f: {  	[tilespmem:$0x3E8] =	vst v0  }
0x40: {  	[tilespmem:$0x3F8] =	vst v0  }
0x41: {  	[tilespmem:$0x408] =	vst v0  }
0x42: {  	[tilespmem:$0x418] =	vst v0  }
0x43: {  	[tilespmem:$0x428] =	vst v0  }
0x44: {  	[tilespmem:$0x438] =	vst v0  }
0x45: {  	[tilespmem:$0x448] =	vst v0  }
0x46: {  	[tilespmem:$0x458] =	vst v0  }
0x47: {  	[tilespmem:$0x468] =	vst v0  }
0x48: {  	[tilespmem:$0x478] =	vst v0  }
0x49: {  	[tilespmem:$0x488] =	vst v0  }
0x4a: {  	[tilespmem:$0x498] =	vst v0  }
0x4b: {  	[tilespmem:$0x4A8] =	vst v0  }
0x4c: {  	[tilespmem:$0x4B8] =	vst v0  }
0x4d: {  	[tilespmem:$0x4C8] =	vst v0  }
0x4e: {  	[tilespmem:$0x4D8] =	vst v0  }
0x4f: {  	[tilespmem:$0x4E8] =	vst v0  }
0x50: {  	[tilespmem:$0x4F8] =	vst v0  }
0x51: {  	[tilespmem:$0x508] =	vst v0  }
0x52: {  	[tilespmem:$0x518] =	vst v0  }
0x53: {  	[tilespmem:$0x528] =	vst v0  }
0x54: {  	[tilespmem:$0x538] =	vst v0  }
0x55: {  	[tilespmem:$0x548] =	vst v0  }
0x56: {  	[tilespmem:$0x558] =	vst v0  }
0x57: {  	[tilespmem:$0x568] =	vst v0  }
0x58: {  	[tilespmem:$0x578] =	vst v0  }
0x59: {  	[tilespmem:$0x588] =	vst v0  }
0x5a: {  	[tilespmem:$0x598] =	vst v0  }
0x5b: {  	[tilespmem:$0x5A8] =	vst v0  }
0x5c: {  	[tilespmem:$0x5B8] =	vst v0  }
0x5d: {  	[tilespmem:$0x5C8] =	vst v0  }
0x5e: {  	[tilespmem:$0x5D8] =	vst v0  }
0x5f: {  	[tilespmem:$0x5E8] =	vst v0  }
0x60: {  	[tilespmem:$0x5F8] =	vst v0  }
0x61: {  	[tilespmem:$0x608] =	vst v0  }
0x62: {  	[tilespmem:$0x618] =	vst v0  }
0x63: {  	[tilespmem:$0x628] =	vst v0  }
0x64: {  	[tilespmem:$0x638] =	vst v0  }
0x65: {  	[tilespmem:$0x648] =	vst v0  }
0x66: {  	[tilespmem:$0x658] =	vst v0  }
0x67: {  	[tilespmem:$0x668] =	vst v0  }
0x68: {  	[tilespmem:$0x678] =	vst v0  }
0x69: {  	[tilespmem:$0x688] =	vst v0  }
0x6a: {  	[tilespmem:$0x698] =	vst v0  }
0x6b: {  	[tilespmem:$0x6A8] =	vst v0  }
0x6c: {  	[tilespmem:$0x6B8] =	vst v0  }
0x6d: {  	[tilespmem:$0x6C8] =	vst v0  }
0x6e: {  	[tilespmem:$0x6D8] =	vst v0  }
0x6f: {  	[tilespmem:$0x6E8] =	vst v0  }
0x70: {  	[tilespmem:$0x6F8] =	vst v0  }
0x71: {  	[tilespmem:$0x708] =	vst v0  }
0x72: {  	[tilespmem:$0x718] =	vst v0  }
0x73: {  	[tilespmem:$0x728] =	vst v0  }
0x74: {  	[tilespmem:$0x738] =	vst v0  }
0x75: {  	[tilespmem:$0x748] =	vst v0  }
0x76: {  	[tilespmem:$0x758] =	vst v0  }
0x77: {  	[tilespmem:$0x768] =	vst v0  }
0x78: {  	[tilespmem:$0x778] =	vst v0  }
0x79: {  	[tilespmem:$0x788] =	vst v0  }
0x7a: {  	[tilespmem:$0x798] =	vst v0  }
0x7b: {  	[tilespmem:$0x7A8] =	vst v0  }
0x7c: {  	[tilespmem:$0x7B8] =	vst v0  }
0x7d: {  	[tilespmem:$0x7C8] =	vst v0  }
0x7e: {  	[tilespmem:$0x7D8] =	vst v0  }
0x7f: {  	[tilespmem:$0x7E8] =	vst v0  }
0x80: {  	[tilespmem:$0x7F8] =	vst v0  }
0x81: {  	[tilespmem:$0x808] =	vst v0  }
0x82: {  	[tilespmem:$0x818] =	vst v0  }
0x83: {  	[tilespmem:$0x828] =	vst v0  }
0x84: {  	[tilespmem:$0x838] =	vst v0  }
0x85: {  	[tilespmem:$0x848] =	vst v0  }
0x86: {  	[tilespmem:$0x858] =	vst v0  }
0x87: {  	[tilespmem:$0x868] =	vst v0  }
0x88: {  	[tilespmem:$0x878] =	vst v0  }
0x89: {  	[tilespmem:$0x888] =	vst v0  }
0x8a: {  	[tilespmem:$0x898] =	vst v0  }
0x8b: {  	[tilespmem:$0x8A8] =	vst v0  }
0x8c: {  	[tilespmem:$0x8B8] =	vst v0  }
0x8d: {  	[tilespmem:$0x8C8] =	vst v0  }
0x8e: {  	[tilespmem:$0x8D8] =	vst v0  }
0x8f: {  	[tilespmem:$0x8E8] =	vst v0  }
0x90: {  	[tilespmem:$0x8F8] =	vst v0  }
0x91: {  	[tilespmem:$0x908] =	vst v0  }
0x92: {  	[tilespmem:$0x918] =	vst v0  }
0x93: {  	[tilespmem:$0x928] =	vst v0  }
0x94: {  	[tilespmem:$0x938] =	vst v0  }
0x95: {  	[tilespmem:$0x948] =	vst v0  }
0x96: {  	[tilespmem:$0x958] =	vst v0  }
0x97: {  	[tilespmem:$0x968] =	vst v0  }
0x98: {  	[tilespmem:$0x978] =	vst v0  }
0x99: {  	[tilespmem:$0x988] =	vst v0  }
0x9a: {  	[tilespmem:$0x998] =	vst v0  }
0x9b: {  	[tilespmem:$0x9A8] =	vst v0  }
0x9c: {  	[tilespmem:$0x9B8] =	vst v0  }
0x9d: {  	[tilespmem:$0x9C8] =	vst v0  }
0x9e: {  	[tilespmem:$0x9D8] =	vst v0  }
0x9f: {  	[tilespmem:$0x9E8] =	vst v0  }
0xa0: {  	[tilespmem:$0x9F8] =	vst v0  }
0xa1: {  	[tilespmem:$0xA08] =	vst v0  }
0xa2: {  	[tilespmem:$0xA18] =	vst v0  }
0xa3: {  	[tilespmem:$0xA28] =	vst v0  }
0xa4: {  	[tilespmem:$0xA38] =	vst v0  }
0xa5: {  	[tilespmem:$0xA48] =	vst v0  }
0xa6: {  	[tilespmem:$0xA58] =	vst v0  }
0xa7: {  	[tilespmem:$0xA68] =	vst v0  }
0xa8: {  	[tilespmem:$0xA78] =	vst v0  }
0xa9: {  	[tilespmem:$0xA88] =	vst v0  }
0xaa: {  	[tilespmem:$0xA98] =	vst v0  }
0xab: {  	[tilespmem:$0xAA8] =	vst v0  }
0xac: {  	[tilespmem:$0xAB8] =	vst v0  }
0xad: {  	[tilespmem:$0xAC8] =	vst v0  }
0xae: {  	[tilespmem:$0xAD8] =	vst v0  }
0xaf: {  	[tilespmem:$0xAE8] =	vst v0  }
0xb0: {  	[tilespmem:$0xAF8] =	vst v0  }
0xb1: {  	[tilespmem:$0xB08] =	vst v0  }
0xb2: {  	[tilespmem:$0xB18] =	vst v0  }
0xb3: {  	[tilespmem:$0xB28] =	vst v0  }
0xb4: {  	[tilespmem:$0xB38] =	vst v0  }
0xb5: {  	[tilespmem:$0xB48] =	vst v0  }
0xb6: {  	[tilespmem:$0xB58] =	vst v0  }
0xb7: {  	[tilespmem:$0xB68] =	vst v0  }
0xb8: {  	[tilespmem:$0xB78] =	vst v0  }
0xb9: {  	[tilespmem:$0xB88] =	vst v0  }
0xba: {  	[tilespmem:$0xB98] =	vst v0  }
0xbb: {  	[tilespmem:$0xBA8] =	vst v0  }
0xbc: {  	[tilespmem:$0xBB8] =	vst v0  }
0xbd: {  	[tilespmem:$0xBC8] =	vst v0  }
0xbe: {  	[tilespmem:$0xBD8] =	vst v0  }
0xbf: {  	[tilespmem:$0xBE8] =	vst v0  }
0xc0: {  	[tilespmem:$0xBF8] =	vst v0  }
0xc1: {  	[tilespmem:$0xC08] =	vst v0  }
0xc2: {  	[tilespmem:$0xC18] =	vst v0  }
0xc3: {  	[tilespmem:$0xC28] =	vst v0  }
0xc4: {  	[tilespmem:$0xC38] =	vst v0  }
0xc5: {  	[tilespmem:$0xC48] =	vst v0  }
0xc6: {  	[tilespmem:$0xC58] =	vst v0  }
0xc7: {  	[tilespmem:$0xC68] =	vst v0  }
0xc8: {  	[tilespmem:$0xC78] =	vst v0  }
0xc9: {  	[tilespmem:$0xC88] =	vst v0  }
0xca: {  	[tilespmem:$0xC98] =	vst v0  }
0xcb: {  	[tilespmem:$0xCA8] =	vst v0  }
0xcc: {  	[tilespmem:$0xCB8] =	vst v0  }
0xcd: {  	[tilespmem:$0xCC8] =	vst v0  }
0xce: {  	[tilespmem:$0xCD8] =	vst v0  }
0xcf: {  	[tilespmem:$0xCE8] =	vst v0  }
0xd0: {  	[tilespmem:$0xCF8] =	vst v0  }
0xd1: {  	[tilespmem:$0xD08] =	vst v0  }
0xd2: {  	[tilespmem:$0xD18] =	vst v0  }
0xd3: {  	[tilespmem:$0xD28] =	vst v0  }
0xd4: {  	[tilespmem:$0xD38] =	vst v0  }
0xd5: {  	[tilespmem:$0xD48] =	vst v0  }
0xd6: {  	[tilespmem:$0xD58] =	vst v0  }
0xd7: {  	[tilespmem:$0xD68] =	vst v0  }
0xd8: {  	[tilespmem:$0xD78] =	vst v0  }
0xd9: {  	[tilespmem:$0xD88] =	vst v0  }
0xda: {  	[tilespmem:$0xD98] =	vst v0  }
0xdb: {  	[tilespmem:$0xDA8] =	vst v0  }
0xdc: {  	[tilespmem:$0xDB8] =	vst v0  }
0xdd: {  	[tilespmem:$0xDC8] =	vst v0  }
0xde: {  	[tilespmem:$0xDD8] =	vst v0  }
0xdf: {  	[tilespmem:$0xDE8] =	vst v0  }
0xe0: {  	[tilespmem:$0xDF8] =	vst v0  }
0xe1: {  	[tilespmem:$0xE08] =	vst v0  }
0xe2: {  	[tilespmem:$0xE18] =	vst v0  }
0xe3: {  	[tilespmem:$0xE28] =	vst v0  }
0xe4: {  	[tilespmem:$0xE38] =	vst v0  }
0xe5: {  	[tilespmem:$0xE48] =	vst v0  }
0xe6: {  	[tilespmem:$0xE58] =	vst v0  }
0xe7: {  	[tilespmem:$0xE68] =	vst v0  }
0xe8: {  	[tilespmem:$0xE78] =	vst v0  }
0xe9: {  	[tilespmem:$0xE88] =	vst v0  }
0xea: {  	[tilespmem:$0xE98] =	vst v0  }
0xeb: {  	[tilespmem:$0xEA8] =	vst v0  }
0xec: {  	[tilespmem:$0xEB8] =	vst v0  }
0xed: {  	[tilespmem:$0xEC8] =	vst v0  }
0xee: {  	[tilespmem:$0xED8] =	vst v0  }
0xef: {  	[tilespmem:$0xEE8] =	vst v0  }
0xf0: {  	[tilespmem:$0xEF8] =	vst v0  }
0xf1: {  	[tilespmem:$0xF08] =	vst v0  }
0xf2: {  	[tilespmem:$0xF18] =	vst v0  }
0xf3: {  	[tilespmem:$0xF28] =	vst v0  }
0xf4: {  	[tilespmem:$0xF38] =	vst v0  }
0xf5: {  	[tilespmem:$0xF48] =	vst v0  }
0xf6: {  	[tilespmem:$0xF58] =	vst v0  }
0xf7: {  	[tilespmem:$0xF68] =	vst v0  }
0xf8: {  	[tilespmem:$0xF78] =	vst v0  }
0xf9: {  	[tilespmem:$0xF88] =	vst v0  }
0xfa: {  	[tilespmem:$0xF98] =	vst v0  }
0xfb: {  	[tilespmem:$0xFA8] =	vst v0  }
0xfc: {  	[tilespmem:$0xFB8] =	vst v0  }
0xfd: {  	[tilespmem:$0xFC8] =	vst v0  }
0xfe: {  	[tilespmem:$0xFD8] =	vst v0  }
0xff: {  	[tilespmem:$0xFE8] =	vst v0  }
0x100: {  	[tilespmem:$0xFF8] =	vst v0  }
0x101: {  	[tilespmem:$0x1008] =	vst v0  }
0x102: {  	[tilespmem:$0x1018] =	vst v0  }
0x103: {  	[tilespmem:$0x1028] =	vst v0  }
0x104: {  	[tilespmem:$0x1168] =	vst v0  }
0x105: {  	[tilespmem:$0x1038] =	vst v0  }
0x106: {  	[tilespmem:$0x1048] =	vst v0  }
0x107: {  	[tilespmem:$0x1058] =	vst v0  }
0x108: {  	[tilespmem:$0x1068] =	vst v0  }
0x109: {  	[tilespmem:$0x1078] =	vst v0  }
0x10a: {  	[tilespmem:$0x1088] =	vst v0  }
0x10b: {  	[tilespmem:$0x1098] =	vst v0  }
0x10c: {  	[tilespmem:$0x10A8] =	vst v0  }
0x10d: {  	[tilespmem:$0x10B8] =	vst v0  }
0x10e: {  	[tilespmem:$0x10C8] =	vst v0  }
0x10f: {  	[tilespmem:$0x10D8] =	vst v0  }
0x110: {  	[tilespmem:$0x10E8] =	vst v0  }
0x111: {  	[tilespmem:$0x10F8] =	vst v0  }
0x112: {  	[tilespmem:$0x1108] =	vst v0  }
0x113: {  	[tilespmem:$0x1118] =	vst v0  }
0x114: {  	[tilespmem:$0x1128] =	vst v0  }
0x115: {  	[tilespmem:$0x1138] =	vst v0  }
0x116: {  	[tilespmem:$0x1148] =	vst v0  }
0x117: {  	[tilespmem:$0x1158] =	vst v0  }
0x118: {  	[tilespmem:$0x1178] =	vst v0  }
0x119: {  	[tilespmem:$0x1188] =	vst v0  }
0x11a: {  	[tilespmem:$0x1198] =	vst v0  }
0x11b: {  	[tilespmem:$0x11A8] =	vst v0  }
0x11c: {  	[tilespmem:$0x11B8] =	vst v0  }
0x11d: {  	[tilespmem:$0x11C8] =	vst v0  }
0x11e: {  	[tilespmem:$0x11D8] =	vst v0  }
0x11f: {  	[tilespmem:$0x11E8] =	vst v0  }
0x120: {  	[tilespmem:$0x11F8] =	vst v0  }
0x121: {  	[tilespmem:$0x1208] =	vst v0  }
0x122: {  	[tilespmem:$0x1218] =	vst v0  }
0x123: {  	[tilespmem:$0x1228] =	vst v0  }
0x124: {  	[tilespmem:$0x1238] =	vst v0  }
0x125: {  	[tilespmem:$0x1248] =	vst v0  }
0x126: {  	[tilespmem:$0x1258] =	vst v0  }
0x127: {  	[tilespmem:$0x1268] =	vst v0  }
0x128: {  	[tilespmem:$0x1278] =	vst v0  }
0x129: {  	[tilespmem:$0x1288] =	vst v0  }
0x12a: {  	[tilespmem:$0x1298] =	vst v0  }
0x12b: {  	[tilespmem:$0x12A8] =	vst v0  }
0x12c: {  	[tilespmem:$0x12B8] =	vst v0  }
0x12d: {  	[tilespmem:$0x12C8] =	vst v0  }
0x12e: {  	[tilespmem:$0x12D8] =	vst v0  }
0x12f: {  	[tilespmem:$0x12E8] =	vst v0  }
0x130: {  	[tilespmem:$0x12F8] =	vst v0  }
0x131: {  	[tilespmem:$0x1308] =	vst v0  }
0x132: {  	[tilespmem:$0x1318] =	vst v0  }
0x133: {  	[tilespmem:$0x1328] =	vst v0  }
0x134: {  	[tilespmem:$0x1338] =	vst v0  }
0x135: {  	[tilespmem:$0x1348] =	vst v0  }
0x136: {  	[tilespmem:$0x1358] =	vst v0  }
0x137: {  	[tilespmem:$0x1368] =	vst v0  }
0x138: {  	[tilespmem:$0x1378] =	vst v0  }
0x139: {  	[tilespmem:$0x1388] =	vst v0  }
0x13a: {  	[tilespmem:$0x1398] =	vst v0  }
0x13b: {  	[tilespmem:$0x13A8] =	vst v0  }
0x13c: {  	[tilespmem:$0x13B8] =	vst v0  }
0x13d: {  	[tilespmem:$0x13C8] =	vst v0  }
0x13e: {  	[tilespmem:$0x13D8] =	vst v0  }
0x13f: {  	[tilespmem:$0x13E8] =	vst v0  }
0x140: {  	[tilespmem:$0x13F8] =	vst v0  }
0x141: {  	[tilespmem:$0x1408] =	vst v0  }
0x142: {  	[tilespmem:$0x1418] =	vst v0  }
0x143: {  	[tilespmem:$0x1428] =	vst v0  }
0x144: {  	[tilespmem:$0x1438] =	vst v0  }
0x145: {  	[tilespmem:$0x1448] =	vst v0  }
0x146: {  	[tilespmem:$0x1458] =	vst v0  }
0x147: {  	[tilespmem:$0x1468] =	vst v0  }
0x148: {  	[tilespmem:$0x1478] =	vst v0  }
0x149: {  	[tilespmem:$0x1488] =	vst v0  }
0x14a: {  	[tilespmem:$0x1498] =	vst v0  }
0x14b: {  	[tilespmem:$0x14A8] =	vst v0  }
0x14c: {  	[tilespmem:$0x14B8] =	vst v0  }
0x14d: {  	[tilespmem:$0x14C8] =	vst v0  }
0x14e: {  	[tilespmem:$0x14D8] =	vst v0  }
0x14f: {  	[tilespmem:$0x14E8] =	vst v0  }
0x150: {  	[tilespmem:$0x14F8] =	vst v0  }
0x151: {  	[tilespmem:$0x1508] =	vst v0  }
0x152: {  	[tilespmem:$0x1518] =	vst v0  }
0x153: {  	[tilespmem:$0x1528] =	vst v0  }
0x154: {  	[tilespmem:$0x1538] =	vst v0  }
0x155: {  	[tilespmem:$0x1548] =	vst v0  }
0x156: {  	[tilespmem:$0x1558] =	vst v0  }
0x157: {  	[tilespmem:$0x1568] =	vst v0  }
0x158: {  	[tilespmem:$0x1578] =	vst v0  }
0x159: {  	[tilespmem:$0x1588] =	vst v0  }
0x15a: {  	[tilespmem:$0x1598] =	vst v0  }
0x15b: {  	[tilespmem:$0x15A8] =	vst v0  }
0x15c: {  	[tilespmem:$0x15B8] =	vst v0  }
0x15d: {  	[tilespmem:$0x15C8] =	vst v0  }
0x15e: {  	[tilespmem:$0x15D8] =	vst v0  }
0x15f: {  	[tilespmem:$0x15E8] =	vst v0  }
0x160: {  	[tilespmem:$0x15F8] =	vst v0  }
0x161: {  	[tilespmem:$0x1608] =	vst v0  }
0x162: {  	[tilespmem:$0x1618] =	vst v0  }
0x163: {  	[tilespmem:$0x1628] =	vst v0  }
0x164: {  	[tilespmem:$0x1638] =	vst v0  }
0x165: {  	[tilespmem:$0x1648] =	vst v0  }
0x166: {  	[tilespmem:$0x1658] =	vst v0  }
0x167: {  	[tilespmem:$0x1668] =	vst v0  }
0x168: {  	[tilespmem:$0x1678] =	vst v0  }
0x169: {  	[tilespmem:$0x1688] =	vst v0  }
0x16a: {  	[tilespmem:$0x1698] =	vst v0  }
0x16b: {  	[tilespmem:$0x16A8] =	vst v0  }
0x16c: {  	[tilespmem:$0x16B8] =	vst v0  }
0x16d: {  	[tilespmem:$0x16C8] =	vst v0  }
0x16e: {  	[tilespmem:$0x16D8] =	vst v0  }
0x16f: {  	[tilespmem:$0x16E8] =	vst v0  }
0x170: {  	[tilespmem:$0x16F8] =	vst v0  }
0x171: {  	[tilespmem:$0x1708] =	vst v0  }
0x172: {  	[tilespmem:$0x1718] =	vst v0  }
0x173: {  	[tilespmem:$0x1728] =	vst v0  }
0x174: {  	[tilespmem:$0x1738] =	vst v0  }
0x175: {  	[tilespmem:$0x1748] =	vst v0  }
0x176: {  	[tilespmem:$0x1758] =	vst v0  }
0x177: {  	[tilespmem:$0x1768] =	vst v0  }
0x178: {  	[tilespmem:$0x1778] =	vst v0  }
0x179: {  	[tilespmem:$0x1788] =	vst v0  }
0x17a: {  	[tilespmem:$0x1798] =	vst v0  }
0x17b: {  	[tilespmem:$0x17A8] =	vst v0  }
0x17c: {  	[tilespmem:$0x17B8] =	vst v0  }
0x17d: {  	[tilespmem:$0x17C8] =	vst v0  }
0x17e: {  	[tilespmem:$0x17D8] =	vst v0  }
0x17f: {  	[tilespmem:$0x17E8] =	vst v0  }
0x180: {  	[tilespmem:$0x17F8] =	vst v0  }
0x181: {  	[tilespmem:$0x1808] =	vst v0  }
0x182: {  	[tilespmem:$0x1818] =	vst v0  }
0x183: {  	[tilespmem:$0x1828] =	vst v0  }
0x184: {  	[tilespmem:$0x1838] =	vst v0  }
0x185: {  	[tilespmem:$0x1848] =	vst v0  }
0x186: {  	[tilespmem:$0x1858] =	vst v0  }
0x187: {  	[tilespmem:$0x1868] =	vst v0  }
0x188: {  	[tilespmem:$0x1878] =	vst v0  }
0x189: {  	[tilespmem:$0x1888] =	vst v0  }
0x18a: {  	[tilespmem:$0x1898] =	vst v0  }
0x18b: {  	[tilespmem:$0x18A8] =	vst v0  }
0x18c: {  	[tilespmem:$0x18B8] =	vst v0  }
0x18d: {  	[tilespmem:$0x18C8] =	vst v0  }
0x18e: {  	[tilespmem:$0x18D8] =	vst v0  }
0x18f: {  	[tilespmem:$0x18E8] =	vst v0  }
0x190: {  	[tilespmem:$0x18F8] =	vst v0  }
0x191: {  	[tilespmem:$0x1908] =	vst v0  }
0x192: {  	[tilespmem:$0x1918] =	vst v0  }
0x193: {  	[tilespmem:$0x1928] =	vst v0  }
0x194: {  	[tilespmem:$0x1938] =	vst v0  }
0x195: {  	[tilespmem:$0x1948] =	vst v0  }
0x196: {  	[tilespmem:$0x1958] =	vst v0  }
0x197: {  	[tilespmem:$0x1968] =	vst v0  }
0x198: {  	[tilespmem:$0x1978] =	vst v0  }
0x199: {  	[tilespmem:$0x1988] =	vst v0  }
0x19a: {  	[tilespmem:$0x1998] =	vst v0  }
0x19b: {  	[tilespmem:$0x19A8] =	vst v0  }
0x19c: {  	[tilespmem:$0x19B8] =	vst v0  }
0x19d: {  	[tilespmem:$0x19C8] =	vst v0  }
0x19e: {  	[tilespmem:$0x19D8] =	vst v0  }
0x19f: {  	[tilespmem:$0x19E8] =	vst v0  }
0x1a0: {  	[tilespmem:$0x19F8] =	vst v0  }
0x1a1: {  	[tilespmem:$0x1A08] =	vst v0  }
0x1a2: {  	[tilespmem:$0x1A18] =	vst v0  }
0x1a3: {  	[tilespmem:$0x1A28] =	vst v0  }
0x1a4: {  	[tilespmem:$0x1A38] =	vst v0  }
0x1a5: {  	[tilespmem:$0x1A48] =	vst v0  }
0x1a6: {  	[tilespmem:$0x1A58] =	vst v0  }
0x1a7: {  	[tilespmem:$0x1A68] =	vst v0  }
0x1a8: {  	[tilespmem:$0x1A78] =	vst v0  }
0x1a9: {  	[tilespmem:$0x1A88] =	vst v0  }
0x1aa: {  	[tilespmem:$0x1A98] =	vst v0  }
0x1ab: {  	[tilespmem:$0x1AA8] =	vst v0  }
0x1ac: {  	[tilespmem:$0x1AB8] =	vst v0  }
0x1ad: {  	[tilespmem:$0x1AC8] =	vst v0  }
0x1ae: {  	[tilespmem:$0x1AD8] =	vst v0  }
0x1af: {  	[tilespmem:$0x1AE8] =	vst v0  }
0x1b0: {  	[tilespmem:$0x1AF8] =	vst v0  }
0x1b1: {  	[tilespmem:$0x1B08] =	vst v0  }
0x1b2: {  	[tilespmem:$0x1B18] =	vst v0  }
0x1b3: {  	[tilespmem:$0x1B28] =	vst v0  }
0x1b4: {  	[tilespmem:$0x1B38] =	vst v0  }
0x1b5: {  	[tilespmem:$0x1B48] =	vst v0  }
0x1b6: {  	[tilespmem:$0x1B58] =	vst v0  }
0x1b7: {  	[tilespmem:$0x1B68] =	vst v0  }
0x1b8: {  	[tilespmem:$0x1B78] =	vst v0  }
0x1b9: {  	[tilespmem:$0x1B88] =	vst v0  }
0x1ba: {  	[tilespmem:$0x1B98] =	vst v0  }
0x1bb: {  	[tilespmem:$0x1BA8] =	vst v0  }
0x1bc: {  	[tilespmem:$0x1BB8] =	vst v0  }
0x1bd: {  	[tilespmem:$0x1BC8] =	vst v0  }
0x1be: {  	[tilespmem:$0x1BD8] =	vst v0  }
0x1bf: {  	[tilespmem:$0x1BE8] =	vst v0  }
0x1c0: {  	[tilespmem:$0x1BF8] =	vst v0  }
0x1c1: {  	[tilespmem:$0x1C08] =	vst v0  }
0x1c2: {  	[tilespmem:$0x1C18] =	vst v0  }
0x1c3: {  	[tilespmem:$0x1C28] =	vst v0  }
0x1c4: {  	[tilespmem:$0x1C38] =	vst v0  }
0x1c5: {  	[tilespmem:$0x1C48] =	vst v0  }
0x1c6: {  	[tilespmem:$0x1C58] =	vst v0  }
0x1c7: {  	[tilespmem:$0x1C68] =	vst v0  }
0x1c8: {  	[tilespmem:$0x1C78] =	vst v0  }
0x1c9: {  	[tilespmem:$0x1C88] =	vst v0  }
0x1ca: {  	[tilespmem:$0x1C98] =	vst v0  }
0x1cb: {  	[tilespmem:$0x1CA8] =	vst v0  }
0x1cc: {  	[tilespmem:$0x1CB8] =	vst v0  }
0x1cd: {  	[tilespmem:$0x1CC8] =	vst v0  }
0x1ce: {  	[tilespmem:$0x1CD8] =	vst v0  }
0x1cf: {  	[tilespmem:$0x1CE8] =	vst v0  }
0x1d0: {  	[tilespmem:$0x1CF8] =	vst v0  }
0x1d1: {  	[tilespmem:$0x1D08] =	vst v0  }
0x1d2: {  	[tilespmem:$0x1D18] =	vst v0  }
0x1d3: {  	[tilespmem:$0x1D28] =	vst v0  }
0x1d4: {  	[tilespmem:$0x1D38] =	vst v0  }
0x1d5: {  	[tilespmem:$0x1D48] =	vst v0  }
0x1d6: {  	[tilespmem:$0x1D58] =	vst v0  }
0x1d7: {  	[tilespmem:$0x1D68] =	vst v0  }
0x1d8: {  	[tilespmem:$0x1D78] =	vst v0  }
0x1d9: {  	[tilespmem:$0x1D88] =	vst v0  }
0x1da: {  	[tilespmem:$0x1D98] =	vst v0  }
0x1db: {  	[tilespmem:$0x1DA8] =	vst v0  }
0x1dc: {  	[tilespmem:$0x1DB8] =	vst v0  }
0x1dd: {  	[tilespmem:$0x1DC8] =	vst v0  }
0x1de: {  	[tilespmem:$0x1DD8] =	vst v0  }
0x1df: {  	[tilespmem:$0x1DE8] =	vst v0  }
0x1e0: {  	[tilespmem:$0x1DF8] =	vst v0  }
0x1e1: {  	[tilespmem:$0x1E08] =	vst v0  }
0x1e2: {  	[tilespmem:$0x1E18] =	vst v0  }
0x1e3: {  	[tilespmem:$0x1E28] =	vst v0  }
0x1e4: {  	[tilespmem:$0x1E38] =	vst v0  }
0x1e5: {  	[tilespmem:$0x1E48] =	vst v0  }
0x1e6: {  	[tilespmem:$0x1E58] =	vst v0  }
0x1e7: {  	[tilespmem:$0x1E68] =	vst v0  }
0x1e8: {  	[tilespmem:$0x1E78] =	vst v0  }
0x1e9: {  	[tilespmem:$0x1E88] =	vst v0  }
0x1ea: {  	[tilespmem:$0x1E98] =	vst v0  }
0x1eb: {  	[tilespmem:$0x1EA8] =	vst v0  }
0x1ec: {  	[tilespmem:$0x1EB8] =	vst v0  }
0x1ed: {  	[tilespmem:$0x1EC8] =	vst v0  }
0x1ee: {  	[tilespmem:$0x1ED8] =	vst v0  }
0x1ef: {  	[tilespmem:$0x1EE8] =	vst v0  }
0x1f0: {  	[tilespmem:$0x1EF8] =	vst v0  }
0x1f1: {  	[tilespmem:$0x1F08] =	vst v0  }
0x1f2: {  	[tilespmem:$0x1F18] =	vst v0  }
0x1f3: {  	[tilespmem:$0x1F28] =	vst v0  }
0x1f4: {  	[tilespmem:$0x1F38] =	vst v0  }
0x1f5: {  	[tilespmem:$0x1F48] =	vst v0  }
0x1f6: {  	[tilespmem:$0x1F58] =	vst v0  }
0x1f7: {  	[tilespmem:$0x1F68] =	vst v0  }
0x1f8: {  	[tilespmem:$0x1F78] =	vst v0  }
0x1f9: {  	[tilespmem:$0x1F88] =	vst v0  }
0x1fa: {  	[tilespmem:$0x1F98] =	vst v0  }
0x1fb: {  	[tilespmem:$0x1FA8] =	vst v0  }
0x1fc: {  	[tilespmem:$0x1FB8] =	vst v0  }
0x1fd: {  	[tilespmem:$0x1FC8] =	vst v0  }
0x1fe: {  	[tilespmem:$0x1FD8] =	vst v0  }
0x1ff: {  	[tilespmem:$0x1FE8] =	vst v0  }
0x200: {  	[tilespmem:$0x1FF8] =	vst v0  }
0x201: {  	[tilespmem:$0x2008] =	vst v0  }
0x202: {  	[tilespmem:$0x2018] =	vst v0  }
0x203: {  	[tilespmem:$0x2028] =	vst v0  }
0x204: {  	[tilespmem:$0x2038] =	vst v0  }
0x205: {  	[tilespmem:$0x2048] =	vst v0  }
0x206: {  	[tilespmem:$0x2058] =	vst v0  }
0x207: {  	[tilespmem:$0x2068] =	vst v0  }
0x208: {  	[tilespmem:$0x2078] =	vst v0  }
0x209: {  	[tilespmem:$0x2088] =	vst v0  }
0x20a: {  	[tilespmem:$0x2098] =	vst v0  }
0x20b: {  	[tilespmem:$0x20A8] =	vst v0  }
0x20c: {  	[tilespmem:$0x20B8] =	vst v0  }
0x20d: {  	[tilespmem:$0x20C8] =	vst v0  }
0x20e: {  	[tilespmem:$0x20D8] =	vst v0  }
0x20f: {  	[tilespmem:$0x20E8] =	vst v0  }
0x210: {  	[tilespmem:$0x20F8] =	vst v0  }
0x211: {  	[tilespmem:$0x2108] =	vst v0  }
0x212: {  	[tilespmem:$0x2118] =	vst v0  }
0x213: {  	[tilespmem:$0x2128] =	vst v0  }
0x214: {  	[tilespmem:$0x2138] =	vst v0  }
0x215: {  	[tilespmem:$0x2148] =	vst v0  }
0x216: {  	[tilespmem:$0x2158] =	vst v0  }
0x217: {  	[tilespmem:$0x2168] =	vst v0  }
0x218: {  	[tilespmem:$0x2218] =	vst v0  }
0x219: {  	[tilespmem:$0x3058] =	vst v0  }
0x21a: {  	[tilespmem:$0x3048] =	vst v0  }
0x21b: {  	[tilespmem:$0x3038] =	vst v0  }
0x21c: {  	[tilespmem:$0x3028] =	vst v0  }
0x21d: {  	[tilespmem:$0x3018] =	vst v0  }
0x21e: {  	[tilespmem:$0x3008] =	vst v0  }
0x21f: {  	[tilespmem:$0x2FF8] =	vst v0  }
0x220: {  	[tilespmem:$0x2FE8] =	vst v0  }
0x221: {  	[tilespmem:$0x2FD8] =	vst v0  }
0x222: {  	[tilespmem:$0x2FC8] =	vst v0  }
0x223: {  	[tilespmem:$0x2FB8] =	vst v0  }
0x224: {  	[tilespmem:$0x2FA8] =	vst v0  }
0x225: {  	[tilespmem:$0x2F98] =	vst v0  }
0x226: {  	[tilespmem:$0x2F88] =	vst v0  }
0x227: {  	[tilespmem:$0x2F78] =	vst v0  }
0x228: {  	[tilespmem:$0x2F68] =	vst v0  }
0x229: {  	[tilespmem:$0x2F58] =	vst v0  }
0x22a: {  	[tilespmem:$0x2F48] =	vst v0  }
0x22b: {  	[tilespmem:$0x2F38] =	vst v0  }
0x22c: {  	[tilespmem:$0x2F28] =	vst v0  }
0x22d: {  	[tilespmem:$0x2F18] =	vst v0  }
0x22e: {  	[tilespmem:$0x2F08] =	vst v0  }
0x22f: {  	[tilespmem:$0x2EF8] =	vst v0  }
0x230: {  	[tilespmem:$0x2EE8] =	vst v0  }
0x231: {  	[tilespmem:$0x2ED8] =	vst v0  }
0x232: {  	[tilespmem:$0x2EC8] =	vst v0  }
0x233: {  	[tilespmem:$0x2EB8] =	vst v0  }
0x234: {  	[tilespmem:$0x2EA8] =	vst v0  }
0x235: {  	[tilespmem:$0x2E98] =	vst v0  }
0x236: {  	[tilespmem:$0x2E88] =	vst v0  }
0x237: {  	[tilespmem:$0x2E78] =	vst v0  }
0x238: {  	[tilespmem:$0x2E68] =	vst v0  }
0x239: {  	[tilespmem:$0x2E58] =	vst v0  }
0x23a: {  	[tilespmem:$0x2E48] =	vst v0  }
0x23b: {  	[tilespmem:$0x2E38] =	vst v0  }
0x23c: {  	[tilespmem:$0x2E28] =	vst v0  }
0x23d: {  	[tilespmem:$0x2E18] =	vst v0  }
0x23e: {  	[tilespmem:$0x2E08] =	vst v0  }
0x23f: {  	[tilespmem:$0x2DF8] =	vst v0  }
0x240: {  	[tilespmem:$0x2DE8] =	vst v0  }
0x241: {  	[tilespmem:$0x2DD8] =	vst v0  }
0x242: {  	[tilespmem:$0x2DC8] =	vst v0  }
0x243: {  	[tilespmem:$0x2DB8] =	vst v0  }
0x244: {  	[tilespmem:$0x2DA8] =	vst v0  }
0x245: {  	[tilespmem:$0x2D98] =	vst v0  }
0x246: {  	[tilespmem:$0x2D88] =	vst v0  }
0x247: {  	[tilespmem:$0x2D78] =	vst v0  }
0x248: {  	[tilespmem:$0x2D68] =	vst v0  }
0x249: {  	[tilespmem:$0x2D58] =	vst v0  }
0x24a: {  	[tilespmem:$0x2D48] =	vst v0  }
0x24b: {  	[tilespmem:$0x2D38] =	vst v0  }
0x24c: {  	[tilespmem:$0x2D28] =	vst v0  }
0x24d: {  	[tilespmem:$0x2D18] =	vst v0  }
0x24e: {  	[tilespmem:$0x2D08] =	vst v0  }
0x24f: {  	[tilespmem:$0x2CF8] =	vst v0  }
0x250: {  	[tilespmem:$0x2CE8] =	vst v0  }
0x251: {  	[tilespmem:$0x2CD8] =	vst v0  }
0x252: {  	[tilespmem:$0x2CC8] =	vst v0  }
0x253: {  	[tilespmem:$0x2CB8] =	vst v0  }
0x254: {  	[tilespmem:$0x2CA8] =	vst v0  }
0x255: {  	[tilespmem:$0x2C98] =	vst v0  }
0x256: {  	[tilespmem:$0x2C88] =	vst v0  }
0x257: {  	[tilespmem:$0x2C78] =	vst v0  }
0x258: {  	[tilespmem:$0x2C68] =	vst v0  }
0x259: {  	[tilespmem:$0x2C58] =	vst v0  }
0x25a: {  	[tilespmem:$0x2C48] =	vst v0  }
0x25b: {  	[tilespmem:$0x2C38] =	vst v0  }
0x25c: {  	[tilespmem:$0x2C28] =	vst v0  }
0x25d: {  	[tilespmem:$0x2C18] =	vst v0  }
0x25e: {  	[tilespmem:$0x2C08] =	vst v0  }
0x25f: {  	[tilespmem:$0x2BF8] =	vst v0  }
0x260: {  	[tilespmem:$0x2BE8] =	vst v0  }
0x261: {  	[tilespmem:$0x2BD8] =	vst v0  }
0x262: {  	[tilespmem:$0x2BC8] =	vst v0  }
0x263: {  	[tilespmem:$0x2BB8] =	vst v0  }
0x264: {  	[tilespmem:$0x2BA8] =	vst v0  }
0x265: {  	[tilespmem:$0x2B98] =	vst v0  }
0x266: {  	[tilespmem:$0x2B88] =	vst v0  }
0x267: {  	[tilespmem:$0x2B78] =	vst v0  }
0x268: {  	[tilespmem:$0x2B68] =	vst v0  }
0x269: {  	[tilespmem:$0x2B58] =	vst v0  }
0x26a: {  	[tilespmem:$0x2B48] =	vst v0  }
0x26b: {  	[tilespmem:$0x2B38] =	vst v0  }
0x26c: {  	[tilespmem:$0x2B28] =	vst v0  }
0x26d: {  	[tilespmem:$0x2B18] =	vst v0  }
0x26e: {  	[tilespmem:$0x2B08] =	vst v0  }
0x26f: {  	[tilespmem:$0x2AF8] =	vst v0  }
0x270: {  	[tilespmem:$0x2AE8] =	vst v0  }
0x271: {  	[tilespmem:$0x2AD8] =	vst v0  }
0x272: {  	[tilespmem:$0x2AC8] =	vst v0  }
0x273: {  	[tilespmem:$0x2AB8] =	vst v0  }
0x274: {  	[tilespmem:$0x2AA8] =	vst v0  }
0x275: {  	[tilespmem:$0x2A98] =	vst v0  }
0x276: {  	[tilespmem:$0x2A88] =	vst v0  }
0x277: {  	[tilespmem:$0x2A78] =	vst v0  }
0x278: {  	[tilespmem:$0x2A68] =	vst v0  }
0x279: {  	[tilespmem:$0x2A58] =	vst v0  }
0x27a: {  	[tilespmem:$0x2A48] =	vst v0  }
0x27b: {  	[tilespmem:$0x2A38] =	vst v0  }
0x27c: {  	[tilespmem:$0x2A28] =	vst v0  }
0x27d: {  	[tilespmem:$0x2A18] =	vst v0  }
0x27e: {  	[tilespmem:$0x2A08] =	vst v0  }
0x27f: {  	[tilespmem:$0x29F8] =	vst v0  }
0x280: {  	[tilespmem:$0x29E8] =	vst v0  }
0x281: {  	[tilespmem:$0x29D8] =	vst v0  }
0x282: {  	[tilespmem:$0x29C8] =	vst v0  }
0x283: {  	[tilespmem:$0x29B8] =	vst v0  }
0x284: {  	[tilespmem:$0x29A8] =	vst v0  }
0x285: {  	[tilespmem:$0x2998] =	vst v0  }
0x286: {  	[tilespmem:$0x2988] =	vst v0  }
0x287: {  	[tilespmem:$0x2978] =	vst v0  }
0x288: {  	[tilespmem:$0x2968] =	vst v0  }
0x289: {  	[tilespmem:$0x2958] =	vst v0  }
0x28a: {  	[tilespmem:$0x2948] =	vst v0  }
0x28b: {  	[tilespmem:$0x2938] =	vst v0  }
0x28c: {  	[tilespmem:$0x2928] =	vst v0  }
0x28d: {  	[tilespmem:$0x2918] =	vst v0  }
0x28e: {  	[tilespmem:$0x2908] =	vst v0  }
0x28f: {  	[tilespmem:$0x28F8] =	vst v0  }
0x290: {  	[tilespmem:$0x28E8] =	vst v0  }
0x291: {  	[tilespmem:$0x28D8] =	vst v0  }
0x292: {  	[tilespmem:$0x28C8] =	vst v0  }
0x293: {  	[tilespmem:$0x28B8] =	vst v0  }
0x294: {  	[tilespmem:$0x28A8] =	vst v0  }
0x295: {  	[tilespmem:$0x2898] =	vst v0  }
0x296: {  	[tilespmem:$0x2888] =	vst v0  }
0x297: {  	[tilespmem:$0x2878] =	vst v0  }
0x298: {  	[tilespmem:$0x2868] =	vst v0  }
0x299: {  	[tilespmem:$0x2858] =	vst v0  }
0x29a: {  	[tilespmem:$0x2848] =	vst v0  }
0x29b: {  	[tilespmem:$0x2838] =	vst v0  }
0x29c: {  	[tilespmem:$0x2828] =	vst v0  }
0x29d: {  	[tilespmem:$0x2818] =	vst v0  }
0x29e: {  	[tilespmem:$0x2808] =	vst v0  }
0x29f: {  	[tilespmem:$0x27F8] =	vst v0  }
0x2a0: {  	[tilespmem:$0x27E8] =	vst v0  }
0x2a1: {  	[tilespmem:$0x27D8] =	vst v0  }
0x2a2: {  	[tilespmem:$0x27C8] =	vst v0  }
0x2a3: {  	[tilespmem:$0x27B8] =	vst v0  }
0x2a4: {  	[tilespmem:$0x27A8] =	vst v0  }
0x2a5: {  	[tilespmem:$0x2798] =	vst v0  }
0x2a6: {  	[tilespmem:$0x2788] =	vst v0  }
0x2a7: {  	[tilespmem:$0x2778] =	vst v0  }
0x2a8: {  	[tilespmem:$0x2768] =	vst v0  }
0x2a9: {  	[tilespmem:$0x2758] =	vst v0  }
0x2aa: {  	[tilespmem:$0x2748] =	vst v0  }
0x2ab: {  	[tilespmem:$0x2738] =	vst v0  }
0x2ac: {  	[tilespmem:$0x2728] =	vst v0  }
0x2ad: {  	[tilespmem:$0x2718] =	vst v0  }
0x2ae: {  	[tilespmem:$0x2708] =	vst v0  }
0x2af: {  	[tilespmem:$0x26F8] =	vst v0  }
0x2b0: {  	[tilespmem:$0x26E8] =	vst v0  }
0x2b1: {  	[tilespmem:$0x26D8] =	vst v0  }
0x2b2: {  	[tilespmem:$0x26C8] =	vst v0  }
0x2b3: {  	[tilespmem:$0x26B8] =	vst v0  }
0x2b4: {  	[tilespmem:$0x26A8] =	vst v0  }
0x2b5: {  	[tilespmem:$0x2698] =	vst v0  }
0x2b6: {  	[tilespmem:$0x2688] =	vst v0  }
0x2b7: {  	[tilespmem:$0x2678] =	vst v0  }
0x2b8: {  	[tilespmem:$0x2668] =	vst v0  }
0x2b9: {  	[tilespmem:$0x2658] =	vst v0  }
0x2ba: {  	[tilespmem:$0x2648] =	vst v0  }
0x2bb: {  	[tilespmem:$0x2638] =	vst v0  }
0x2bc: {  	[tilespmem:$0x2628] =	vst v0  }
0x2bd: {  	[tilespmem:$0x2618] =	vst v0  }
0x2be: {  	[tilespmem:$0x2608] =	vst v0  }
0x2bf: {  	[tilespmem:$0x25F8] =	vst v0  }
0x2c0: {  	[tilespmem:$0x25E8] =	vst v0  }
0x2c1: {  	[tilespmem:$0x25D8] =	vst v0  }
0x2c2: {  	[tilespmem:$0x25C8] =	vst v0  }
0x2c3: {  	[tilespmem:$0x25B8] =	vst v0  }
0x2c4: {  	[tilespmem:$0x25A8] =	vst v0  }
0x2c5: {  	[tilespmem:$0x2598] =	vst v0  }
0x2c6: {  	[tilespmem:$0x2588] =	vst v0  }
0x2c7: {  	[tilespmem:$0x2578] =	vst v0  }
0x2c8: {  	[tilespmem:$0x2568] =	vst v0  }
0x2c9: {  	[tilespmem:$0x2558] =	vst v0  }
0x2ca: {  	[tilespmem:$0x2548] =	vst v0  }
0x2cb: {  	[tilespmem:$0x2538] =	vst v0  }
0x2cc: {  	[tilespmem:$0x2528] =	vst v0  }
0x2cd: {  	[tilespmem:$0x2518] =	vst v0  }
0x2ce: {  	[tilespmem:$0x2508] =	vst v0  }
0x2cf: {  	[tilespmem:$0x24F8] =	vst v0  }
0x2d0: {  	[tilespmem:$0x24E8] =	vst v0  }
0x2d1: {  	[tilespmem:$0x24D8] =	vst v0  }
0x2d2: {  	[tilespmem:$0x24C8] =	vst v0  }
0x2d3: {  	[tilespmem:$0x24B8] =	vst v0  }
0x2d4: {  	[tilespmem:$0x24A8] =	vst v0  }
0x2d5: {  	[tilespmem:$0x2498] =	vst v0  }
0x2d6: {  	[tilespmem:$0x2488] =	vst v0  }
0x2d7: {  	[tilespmem:$0x2478] =	vst v0  }
0x2d8: {  	[tilespmem:$0x2468] =	vst v0  }
0x2d9: {  	[tilespmem:$0x2458] =	vst v0  }
0x2da: {  	[tilespmem:$0x2448] =	vst v0  }
0x2db: {  	[tilespmem:$0x2438] =	vst v0  }
0x2dc: {  	[tilespmem:$0x2428] =	vst v0  }
0x2dd: {  	[tilespmem:$0x2418] =	vst v0  }
0x2de: {  	[tilespmem:$0x2408] =	vst v0  }
0x2df: {  	[tilespmem:$0x23F8] =	vst v0  }
0x2e0: {  	[tilespmem:$0x23E8] =	vst v0  }
0x2e1: {  	[tilespmem:$0x23D8] =	vst v0  }
0x2e2: {  	[tilespmem:$0x23C8] =	vst v0  }
0x2e3: {  	[tilespmem:$0x23B8] =	vst v0  }
0x2e4: {  	[tilespmem:$0x23A8] =	vst v0  }
0x2e5: {  	[tilespmem:$0x2398] =	vst v0  }
0x2e6: {  	[tilespmem:$0x2388] =	vst v0  }
0x2e7: {  	[tilespmem:$0x2378] =	vst v0  }
0x2e8: {  	[tilespmem:$0x2368] =	vst v0  }
0x2e9: {  	[tilespmem:$0x2358] =	vst v0  }
0x2ea: {  	[tilespmem:$0x2348] =	vst v0  }
0x2eb: {  	[tilespmem:$0x2338] =	vst v0  }
0x2ec: {  	[tilespmem:$0x2328] =	vst v0  }
0x2ed: {  	[tilespmem:$0x2318] =	vst v0  }
0x2ee: {  	[tilespmem:$0x2308] =	vst v0  }
0x2ef: {  	[tilespmem:$0x22F8] =	vst v0  }
0x2f0: {  	[tilespmem:$0x22E8] =	vst v0  }
0x2f1: {  	[tilespmem:$0x22D8] =	vst v0  }
0x2f2: {  	[tilespmem:$0x22C8] =	vst v0  }
0x2f3: {  	[tilespmem:$0x22B8] =	vst v0  }
0x2f4: {  	[tilespmem:$0x22A8] =	vst v0  }
0x2f5: {  	[tilespmem:$0x2298] =	vst v0  }
0x2f6: {  	[tilespmem:$0x2288] =	vst v0  }
0x2f7: {  	[tilespmem:$0x2278] =	vst v0  }
0x2f8: {  	s10 =	stileid.u32;
	[tilespmem:$0x2268] =	vst v0  }
0x2f9: {  	s0 =	simm.s32 $0x1;
	p0 =	sne.s32 s10, $0x0;
	s2 =	smul.u32 $0x1A, s10;
	[tilespmem:$0x2258] =	vst v0  }
0x2fa: {  	s0 =	simm.s32 @!p0 $0x0;
	[tilespmem:$0x2248] =	vst v0  }
0x2fb: {  	[tilespmem:$0x2238] =	vst v0;
	s0 =	sor.u32 s0, s2  }
0x2fc: {  	p1 =	seq.s32 s10, $0x0;
	[tilespmem:$0x2228] =	vst v0;
	s2 =	simm.s32 $0x2880;
	s8 =	smul.u32 $0x180, s0  }
0x2fd: {  	s2 =	simm.s32 @!p1 $0x2700;
	[tilespmem:$0x21F8] =	vst v0  }
0x2fe: {  	[tilespmem:$0x2208] =	vst v0;
	s0 =	sadd.s32 s2, s8  }
0x2ff: {  	[tilespmem:$0x21E8] =	vst v0;
	s9 =	smin.u32 s0, $0x27100  }
0x300: {  	s5 =	simm.s32 $0x2;
	s30 =	simm.s32 $0x9;
	[tilespmem:$0x2188] =	vst v0;
	s0 =	ssub.s32 s9, s8  }
0x301: {  	s31 =	simm.s32 $0xA;
	s12 =	simm.s32 $0xB;
	[tilespmem:$0x21D8] =	vst v0;
	p1 =	sgt.s32 s0, $0x0  }
0x302: {  	s18 =	simm.s32 $0x0;
	p2 =	por $0x0, $0x0;
	[tilespmem:$0x21C8] =	vst v0;
	s0 =	simm.s32 @!p1 $0x0  }
0x303: {  	s19 =	simm.s32 $0xC;
	s23 =	simm.s32 $0x0;
	[tilespmem:$0x21B8] =	vst v0;
	s29 =	smulhi.u32 $0x2AAAAAAB, s0  }
0x304: {  	s20 =	simm.s32 $0x0;
	s22 =	simm.s32 $0x0;
	s3 =	sand.u32 $0x1, s3;
	[tilespmem:$0x21A8] =	vst v0  }
0x305: {  	s2 =	sshrl.u32 s29, $0x6;
	[tilespmem:$0x2198] =	vst v0;
	[dreg:$0x5] =	wrdreg s3;
	s3 =	smul.u32 $0x4E20, s3  }
0x306: {  	s16 =	sshll.u32 s10, $0x6;
	[tilespmem:$0x2178] =	vst v0;
	[sflag:s5] =	ssyncpa.u1 $0x0;
	v0 =	vimm.s32 $0xFFFFFFFF;
	s6 =	smul.u32 $0x180, s2  }
.Ltmp0:
0x307: {  	[tilespmem:$0x6088] =	vst v0;
	[sflag:s30] =	ssyncpa.u1 $0x0;
	s3 =	sadd.s32 s3, s7;
	(pc) =	sbr.rel .LBB2_1-.Ltmp0, $4  }
0x308: {  	[sflag:s31] =	ssyncpa.u1 $0x0;
	p1 =	sne.s32 s0, s6;
	s0 =	simm.s32 $0x1  }
0x309: {  	s7 =	sadd.s32 $0xA2BC00, s7;
	[sflag:s12] =	ssyncpa.u1 $0x0;
	s0 =	simm.s32 @!p1 $0x0  }
0x30a: {  	s14 =	sadd.s32 $0xA21E00, s3;
	s15 =	sadd.s32 $0xA18000, s3;
	s13 =	sadd.s32 s0, s2  }
0x30b: {  	v0 =	vlaneseq.u32;
	s21 =	smov.u32 s8;
	p1 =	por $0x1, $0x1;
	s17 =	sadd.s32 $0x1, s13  }
.LBB2_22:
0x30c: {  	s0 =	sshrl.u32 s0, $0x2  }
.LBB2_24:
0x30d: {  	_ =	swait.ge [sflag:s19], s0  }
0x30e: {  	s30 =	ssub.s32 $0x0, s0;
	v1 =	vmov s25;
	vm0 =	veq.s32 v0, $0x0;
	[sflag:s19] =	ssyncset.done $0x0  }
0x30f: {  	vm15 =	veq.s32 v0, $0x2;
	v1 =	vsel vm0, s31, v1;
	[sflag:s19] =	ssyncadd.s32 s30  }
0x310: {  	v1 =	vsel vm15, s23, v1;
	[sflag:s19] =	ssyncpa.u1 $0x1  }
0x311: {  	[tilespmem:$0x6088] =	vst v1  }
.LBB2_25:
0x312: {  	s0 =	sadd.s32 $0x180, s21  }
0x313: {  	s2 =	smov.u32 s8;
	p3 =	slt.s32 s0, s9  }
0x314: {  	s2 =	smov.u32 @p3 s0;
	p3 =	sne.s32 s22, s17  }
.Ltmp1:
0x315: {  	_ = 	snop;
	(pc) =	sbr.rel @!p3 .LBB2_26-.Ltmp1, $4  }
0x316: {  	_ = 	snop  }
0x317: {  	s23 =	smov.u32 s20  }
0x318: {  	s31 =	sadd.s32 $0x1, s22;
	s20 =	smov.u32 s21;
	p1 =	por !p1, !p1  }
0x319: {  	p2 =	por !p2, !p2;
	s22 =	smov.u32 s31;
	s21 =	smov.u32 s2  }
.LBB2_1:
0x31a: {  	p3 =	sge.u32 s22, s13  }
0x31b: {  	s0 =	smulhi.u32 @!p3 $0xAAAAAAAB, s22  }
0x31c: {  	s2 =	smov.u32 s21;
	p4 =	sgt.s32 @!p3 s21, $0x26F80  }
0x31d: {  	s3 =	sshra.s32 @!p3 s21, $0x1F;
	p4 =	por !p4, p3;
	s0 =	sshrl.u32 @!p3 s0, $0x1  }
0x31e: {  	s3 =	sand.u32 @!p3 s3, s21;
	s2 =	simm.s32 @p4 $0x26F80;
	s0 =	smul.u32 @!p3 $0x3, s0  }
0x31f: {  	s2 =	ssub.s32 @!p3 s2, s3  }
0x320: {  	s2 =	sadd.s32 @!p3 $0xFFFD9080, s2;
	s0 =	ssub.s32 @!p3 s22, s0  }
0x321: {  	s3 =	sshll.u32 @!p3 s2, $0x2;
	p4 =	sgt.s32 @!p3 s2, $0x17F;
	s0 =	smul.u32 @!p3 $0x600, s0  }
0x322: {  	s5 =	sand.u32 @!p3 $0x7, s21;
	s2 =	ssub.s32 @!p3 $0x600, s3;
	p4 =	por !p4, p3  }
0x323: {  	s3 =	sshrl.u32 @!p3 s21, $0x3;
	s2 =	sshrl.u32 @!p3 s2, $0x2;
	s0 =	sshrl.u32 @!p3 s0, $0x2  }
0x324: {  	s3 =	sadd.s32 @!p3 s3, s14;
	s2 =	simm.s32 @!p4 $0x0;
	s0 =	sadd.s32 @!p3 $0x64C8, s0  }
0x325: {  	[tilespmem:s0], [sflag:$0xA] =	stream.linear.gather @!p3 [hbm4b:s3+s5], s2, $0x38;
	[tilespmem:$0x1EC48] =	vst v63  }
0x326: {  	s2 =	sadd.s32 $0xFFFFFFFF, s22  }
0x327: {  	p3 =	sge.u32 s2, s13  }
0x328: {  	p4 =	sgt.s32 @!p3 s20, $0x26F80  }
0x329: {  	s0 =	smov.u32 s20;
	s3 =	sshra.s32 @!p3 s20, $0x1F;
	p4 =	por !p4, p3  }
0x32a: {  	s3 =	sand.u32 @!p3 s3, s20;
	s0 =	simm.s32 @p4 $0x26F80  }
0x32b: {  	s0 =	ssub.s32 @!p3 s0, s3  }
0x32c: {  	s0 =	sadd.s32 @!p3 $0xFFFD9080, s0  }
0x32d: {  	s3 =	sshll.u32 @!p3 s0, $0x2  }
0x32e: {  	p4 =	sgt.s32 @!p3 s0, $0x17F;
	s0 =	ssub.s32 @!p3 $0x600, s3  }
0x32f: {  	p4 =	por !p4, p3;
	s0 =	sshrl.u32 @!p3 s0, $0x2  }
0x330: {  	s5 =	simm.s32 @!p3 $0xA;
	s3 =	sand.u32 @!p3 $0x1, s2;
	s0 =	simm.s32 @!p4 $0x0  }
0x331: {  	s3 =	smul.u32 @!p3 $0x600, s3;
	_ =	swait.ge @!p3 [sflag:s5], s0  }
0x332: {  	s6 =	ssub.s32 @!p3 $0x0, s0;
	[sflag:s5] =	ssyncset.done @!p3 $0x0  }
0x333: {  	s3 =	sshrl.u32 @!p3 s3, $0x2;
	[sflag:s5] =	ssyncadd.s32 @!p3 s6;
	s5 =	sshrl.u32 @!p3 s20, $0x3  }
0x334: {  	s3 =	sadd.s32 @!p3 $0x6948, s3;
	s6 =	sand.u32 @!p3 $0x7, s20;
	s5 =	sadd.s32 @!p3 s5, s15  }
0x335: {  	[tilespmem:s3], [sflag:$0xB] =	stream.linear.gather @!p3 [hbm4b:s5+s6], s0, $0x38;
	[tilespmem:$0x1EC48] =	vst v63  }
0x336: {  	s0 =	ssub.s32 @!p3 $0x27100, s20  }
0x337: {  	p4 =	slt.s32 @!p3 s0, $0x1  }
0x338: {  	p4 =	por p3, p4  }
.Ltmp2:
0x339: {  	_ = 	snop;
	(pc) =	sbr.rel @p4 .LBB2_7-.Ltmp2, $1  }
0x33a: {  	_ =	sdelay $0x3  }
0x33b: {  	s3 =	smulhi.u32 $0xAAAAAAAB, s2;
	_ =	sdelay $0x1  }
0x33c: {  	s3 =	sshrl.u32 s3, $0x1  }
0x33d: {  	s3 =	smul.u32 $0x3, s3;
	_ =	sdelay $0x1  }
0x33e: {  	s29 =	ssub.s32 s2, s3  }
0x33f: {  	s5 =	simm.s32 $0x1;
	s2 =	smul.u32 $0x600, s29  }
.Ltmp3:
0x340: {  	s5 =	simm.s32 @!p1 $0x0;
	(pc) =	sbr.rel .LBB2_4-.Ltmp3, $4  }
0x341: {  	s30 =	smul.u32 $0x30000, s5  }
0x342: {  	p4 =	slt.s32 @!p3 s0, $0x180;
	s2 =	sshrl.u32 s2, $0x2  }
0x343: {  	p3 =	por !p4, p3;
	s3 =	sshrl.u32 s30, $0x2;
	s31 =	sadd.s32 $0x64C8, s2  }
0x344: {  	s24 =	simm.s32 $0x0;
	s0 =	simm.s32 @p3 $0x180;
	s2 =	sadd.s32 $0x6C48, s3;
	v1 =	vmov s31  }
.LBB2_3:
0x345: {  	p3 =	sge.s32 s24, s0  }
.Ltmp4:
0x346: {  	_ = 	snop;
	(pc) =	sbr.rel @p3 .LBB2_7-.Ltmp4, $2  }
0x347: {  	_ =	sdelay $0x2  }
0x348: {  	s2 =	sadd.s32 $0x800, s2  }
.LBB2_4:
0x349: {  	p3 =	sle.s32 s0, s24  }
.Ltmp5:
0x34a: {  	_ = 	snop;
	(pc) =	sbr.rel @p3 .LBB2_3-.Ltmp5, $2  }
0x34b: {  	_ =	sdelay $0x2  }
0x34c: {  	s3 =	smov.u32 s24;
	s24 =	sadd.s32 $0x10, s24  }
0x34d: {  	s5 =	ssub.s32 s0, s3  }
0x34e: {  	p3 =	slt.s32 s5, $0x10  }
0x34f: {  	s5 =	simm.s32 @!p3 $0x10  }
0x350: {  	v2 =	vmov s5  }
0x351: {  	vm0 =	vgt.s32 v2, v0;
	_ =	sdelay $0x5  }
0x352: {  	v2 =	vld.idx.msk [tilespmem:v1+s3+$0x0 ss:$0x1], vm0;
	_ =	sdelay $0x2  }
0x353: {  	s6 =	smov.u32 s0;
	p3 =	slt.s32 s24, s0  }
0x354: {  	s25 =	simm.s32 $0x0;
	s6 =	smov.u32 @p3 s24;
	s5 =	smov.u32 s2  }
.LBB2_6:
0x355: {  	(v2sf) =	vpush v2, s25;
	_ =	sdelay $0xc  }
0x356: {  	s25 =	sadd.s32 $0x1, s25  }
0x357: {  	s31 =	sadd.s32 s25, s3  }
0x358: {  	p3 =	slt.s32 s31, s6;
	s10 =	spop (v2sf)  }
.Ltmp6:
0x359: {  	s10 =	sshll.u32 s10, $0x4;
	(pc) =	sbr.rel @p3 .LBB2_6-.Ltmp6, $4  }
0x35a: {  	s10 =	sand.u32 $0x1FFFFFF0, s10  }
0x35b: {  	s10 =	sadd.s32 s7, s10  }
0x35c: {  	[tilespmem:s5], [sflag:$0x9] =	stream.linear.gather [hbm4b:s10+s18], $0x20, $0x38;
	[tilespmem:$0x1EC48] =	vst v63  }
0x35d: {  	s5 =	sadd.s32 $0x80, s5  }
.Ltmp7:
0x35e: {  	_ = 	snop;
	(pc) =	sbr.rel .LBB2_3-.Ltmp7, $1  }
0x35f: {  	_ =	sdelay $0x3  }
.LBB2_7:
0x360: {  	p3 =	slt.u32 s22, $0x2  }
.Ltmp8:
0x361: {  	_ = 	snop;
	(pc) =	sbr.rel @p3 .LBB2_25-.Ltmp8, $1  }
0x362: {  	_ =	sdelay $0x3  }
0x363: {  	p3 =	sgt.s32 s23, $0x26F80  }
0x364: {  	s0 =	smov.u32 s23;
	s2 =	sshra.s32 s23, $0x1F;
	s3 =	ssub.s32 $0x27100, s23  }
0x365: {  	s0 =	simm.s32 @!p3 $0x26F80;
	s2 =	sand.u32 s2, s23;
	p3 =	slt.s32 s3, $0x180  }
0x366: {  	s0 =	ssub.s32 s0, s2;
	s3 =	simm.s32 @!p3 $0x180  }
0x367: {  	s0 =	sadd.s32 $0xFFFD9080, s0;
	s11 =	sshll.u32 s3, $0x5  }
0x368: {  	s26 =	simm.s32 $0x9;
	s24 =	sshll.u32 s0, $0x2;
	s2 =	sand.u32 $0x3FFFFFE0, s11  }
0x369: {  	p3 =	sgt.s32 s0, $0x17F;
	s25 =	ssub.s32 $0x600, s24;
	_ =	swait.ge [sflag:s26], s2  }
0x36a: {  	s2 =	ssub.s32 $0x0, s2;
	[sflag:s26] =	ssyncset.done $0x0;
	s0 =	sshrl.u32 s25, $0x2  }
0x36b: {  	[sflag:s26] =	ssyncadd.s32 s2;
	s0 =	simm.s32 @p3 $0x0  }
0x36c: {  	_ =	swait.ge [sflag:s12], s0  }
0x36d: {  	s0 =	ssub.s32 $0x0, s0;
	[sflag:s12] =	ssyncset.done $0x0  }
0x36e: {  	[sflag:s12] =	ssyncadd.s32 s0  }
0x36f: {  	v1 =	vld [tilespmem:$0x6088];
	_ =	sdelay $0x4  }
0x370: {  	(v2sf) =	vpush v1, $0x0  }
0x371: {  	(v2sf) =	vpush v1, $0x1  }
0x372: {  	(v2sf) =	vpush v1, $0x2;
	_ =	sdelay $0x3  }
0x373: {  	s0 =	sadd.s32 $0x180, s23  }
0x374: {  	s2 =	ssub.s32 $0x4E200, s23;
	p3 =	slt.s32 s9, s0  }
0x375: {  	s0 =	smov.u32 @p3 s9;
	p3 =	sgt.s32 s2, $0x0  }
0x376: {  	s28 =	ssub.s32 s0, s23;
	s2 =	simm.s32 @!p3 $0x0  }
0x377: {  	p3 =	slt.s32 s2, s28  }
0x378: {  	s28 =	smov.u32 @p3 s2  }
0x379: {  	s26 =	simm.s32 $0x1;
	p3 =	slt.s32 s28, $0x1  }
.Ltmp9:
0x37a: {  	s26 =	simm.s32 @!p2 $0x0;
	(pc) =	sbr.rel @p3 .LBB2_12-.Ltmp9, $4  }
0x37b: {  	s30 =	smul.u32 $0x600, s26  }
0x37c: {  	s0 =	spop (v2sf)  }
0x37d: {  	s31 =	sshrl.u32 s30, $0x2;
	s29 =	spop (v2sf)  }
0x37e: {  	s24 =	sadd.s32 $0x6948, s31;
	s23 =	spop (v2sf)  }
0x37f: {  	s2 =	smin.u32 s28, $0x10  }
0x380: {  	v1 =	vmov s2  }
0x381: {  	p4 =	sgt.s32 s28, $0x10;
	vm1 =	vgt.u32 v1, v0  }
.Ltmp10:
0x382: {  	_ = 	snop;
	(pc) =	sbr.rel @!p4 .LBB2_11-.Ltmp10, $2  }
0x383: {  	_ =	sdelay $0x2  }
0x384: {  	s3 =	simm.s32 $0x10;
	s25 =	sadd.s32 $0xFFFFFFF0, s28;
	s2 =	smov.u32 s24;
	vm0 =	vmmov vm1  }
.LBB2_10:
0x385: {  	s5 =	smin.u32 s25, $0x10;
	s3 =	sadd.s32 $0x10, s3;
	v1 =	vld.msk [tilespmem:s2+$0x0 ss:$0x1], vm1  }
0x386: {  	v2 =	vmov s5;
	p4 =	slt.s32 s3, s28  }
0x387: {  	vm1 =	vgt.u32 v2, v0  }
.Ltmp11:
0x388: {  	(pc) =	sbr.rel @p4 .LBB2_10-.Ltmp11, $3  }
0x389: {  	_ =	sdelay $0x1  }
0x38a: {  	v1 =	vshll.u32 v1, $0x4  }
0x38b: {  	s25 =	sadd.s32 $0xFFFFFFF0, s25;
	[tilespmem:s2+$0x0] =	vst.msk vm0, v1;
	s2 =	sadd.s32 $0x10, s2;
	vm0 =	vmmov vm1  }
.LBB2_11:
0x38c: {  	_ =	sdelay $0x4  }
0x38d: {  	v1 =	vld.msk [tilespmem:s2+$0x0 ss:$0x1], vm1;
	_ =	sdelay $0x4  }
0x38e: {  	v1 =	vshll.u32 v1, $0x4  }
0x38f: {  	[tilespmem:s2+$0x0] =	vst.msk vm0, v1  }
.LBB2_12:
0x390: {  	s2 =	sand.u32 $0x1, s22  }
0x391: {  	s3 =	smul.u32 $0x180, s2  }
0x392: {  	p4 =	sne.s32 s29, $0xFFFFFFFF  }
0x393: {  	v1 =	vld.msk @!p4 [tilespmem:s3+$0x6948], $0x1;
	_ =	sdelay $0x4  }
0x394: {  	(v2sf) =	vpush @!p4 v1, $0x0;
	_ =	sdelay $0x3  }
0x395: {  	s2 =	smul.u32 $0xC000, s2;
	_ =	sdelay $0x1  }
0x396: {  	v1 =	vld @!p4 [tilespmem:s2+$0x6C48];
	_ =	sdelay $0x4  }
0x397: {  	[tilespmem:$0x48] =	vst @!p4 v1  }
0x398: {  	v1 =	vld @!p4 [tilespmem:s2+$0x6C58]  }
.Ltmp12:
0x399: {  	_ = 	snop;
	(pc) =	sbr.rel @p3 .LBB2_23-.Ltmp12, $4  }
0x39a: {  	_ = 	snop  }
0x39b: {  	s30 =	spop @!p4 (v2sf)  }
0x39c: {  	s23 =	simm.s32 @!p4 $0x0;
	s25 =	smov.u32 s30  }
0x39d: {  	[tilespmem:$0x58] =	vst @!p4 v1;
	[sflag:s19] =	ssyncpa.u1 $0x0;
	s30 =	smov.u32 @p4 s0;
	s25 =	smov.u32 @p4 s29  }
0x39e: {  	v1 =	vld.msk [tilespmem:s24+$0x0], $0x1;
	_ =	sdelay $0x4  }
0x39f: {  	(v2sf) =	vpush v1, $0x0;
	_ =	sdelay $0xe  }
0x3a0: {  	s0 =	smul.u32 $0x30000, s26;
	s2 =	spop (v2sf)  }
0x3a1: {  	s28 =	ssub.s32 $0x0, s28;
	p3 =	seq.s32 s30, s2  }
0x3a2: {  	s5 =	smov.u32 s30;
	s0 =	sshrl.u32 s0, $0x2;
	p4 =	sgt.s32 @!p3 s30, $0x0  }
0x3a3: {  	s26 =	sadd.s32 $0x6C58, s0;
	s0 =	sadd.s32 $0x1, s28;
	p4 =	por !p4, p3  }
0x3a4: {  	s5 =	simm.s32 @p4 $0x0;
	p4 =	seq.s32 s0, $0x0  }
.Ltmp13:
0x3a5: {  	_ = 	snop;
	(pc) =	sbr.rel @p4 .LBB2_15-.Ltmp13, $4  }
0x3a6: {  	_ = 	snop  }
0x3a7: {  	s29 =	simm.s32 $0x0;
	s31 =	sadd.s32 $0x1, s24;
	s5 =	smin.u32 @!p3 s5, $0x270FC  }
0x3a8: {  	s3 =	simm.s32 @!p3 $0x1;
	s6 =	simm.s32 @!p3 $0x3068;
	s10 =	sand.u32 @!p3 $0x3FFF8, s5  }
0x3a9: {  	s3 =	smov.u32 @p3 s29;
	s5 =	sand.u32 @!p3 $0x7, s5;
	s10 =	sadd.s32 @!p3 s1, s10  }
.LBB2_14:
0x3aa: {  	s11 =	smov.u32 s3  }
0x3ab: {  	[tilespmem:s6], [sflag:$0x2] =	stream.linear.gather @!p3 [hbm4b:s10+s5], $0x20, $0x38;
	[tilespmem:$0x1EC48] =	vst v63  }
0x3ac: {  	s0 =	sadd.s32 $0x1, s0;
	s5 =	smov.u32 s2;
	v1 =	vld.msk [tilespmem:s31+$0x0], $0x1  }
0x3ad: {  	p4 =	seq.s32 s0, $0x0;
	_ =	sdelay $0x3  }
0x3ae: {  	(v2sf) =	vpush v1, $0x0;
	_ =	sdelay $0xe  }
0x3af: {  	s2 =	spop (v2sf)  }
0x3b0: {  	p3 =	seq.s32 s5, s2  }
0x3b1: {  	p5 =	sgt.s32 @!p3 s5, $0x0;
	s6 =	sshll.u32 @!p3 s3, $0x7;
	s3 =	sadd.s32 @!p3 $0x1, s3  }
.Ltmp14:
0x3b2: {  	p5 =	por !p5, p3;
	s6 =	sshra.s32 @!p3 s6, $0x2;
	(pc) =	sbr.rel @!p4 .LBB2_14-.Ltmp14, $4  }
0x3b3: {  	s3 =	smov.u32 @p3 s11;
	s5 =	simm.s32 @p5 $0x0;
	s6 =	sadd.s32 @!p3 $0x3068, s6  }
0x3b4: {  	s5 =	smin.u32 @!p3 s5, $0x270FC  }
0x3b5: {  	s10 =	sand.u32 @!p3 $0x3FFF8, s5;
	s5 =	sand.u32 @!p3 $0x7, s5  }
0x3b6: {  	s31 =	sadd.s32 $0x1, s31;
	s10 =	sadd.s32 @!p3 s1, s10  }
.LBB2_15:
0x3b7: {  	[tilespmem:s6], [sflag:$0x2] =	stream.linear.gather @!p3 [hbm4b:s10+s5], $0x20, $0x38;
	[tilespmem:$0x1EC48] =	vst v63  }
.Ltmp15:
0x3b8: {  	s0 =	sshll.u32 s3, $0x5;
	(pc) =	sbr.rel .LBB2_16-.Ltmp15, $4  }
0x3b9: {  	s2 =	simm.s32 $0x2;
	s0 =	sand.u32 $0x3FFFFFE0, s0  }
0x3ba: {  	_ =	swait.ge [sflag:s2], s0  }
0x3bb: {  	s0 =	ssub.s32 $0x0, s0;
	[sflag:s2] =	ssyncset.done $0x0  }
0x3bc: {  	[sflag:s2] =	ssyncadd.s32 s0;
	s0 =	simm.s32 $0x0  }
.LBB2_17:
0x3bd: {  	v1 =	vld [tilespmem:s26+$0xFFFFFFF0]  }
0x3be: {  	v2 =	vld [tilespmem:s2+$0x48];
	_ =	sdelay $0x4  }
0x3bf: {  	v1 =	vmax.f32 v1, v2  }
0x3c0: {  	v2 =	vld [tilespmem:s2+$0x58];
	[tilespmem:s2+$0x48] =	vst v1  }
0x3c1: {  	v1 =	vld [tilespmem:s26+$0x0];
	_ =	sdelay $0x4  }
0x3c2: {  	v1 =	vmax.f32 v1, v2  }
0x3c3: {  	[tilespmem:s2+$0x58] =	vst v1  }
.LBB2_21:
0x3c4: {  	s28 =	sadd.s32 $0x1, s28  }
0x3c5: {  	p3 =	seq.s32 s28, $0x0  }
.Ltmp16:
0x3c6: {  	_ = 	snop;
	(pc) =	sbr.rel @p3 .LBB2_22-.Ltmp16, $2  }
0x3c7: {  	_ =	sdelay $0x2  }
0x3c8: {  	s26 =	sadd.s32 $0x80, s26;
	s24 =	sadd.s32 $0x1, s24;
	s30 =	smov.u32 s31  }
.LBB2_16:
0x3c9: {  	v1 =	vld.msk [tilespmem:s24+$0x0], $0x1;
	_ =	sdelay $0x4  }
0x3ca: {  	(v2sf) =	vpush v1, $0x0;
	_ =	sdelay $0xe  }
0x3cb: {  	s31 =	spop (v2sf)  }
0x3cc: {  	p3 =	sne.s32 s30, s31  }
.Ltmp17:
0x3cd: {  	_ = 	snop;
	(pc) =	sbr.rel @!p3 .LBB2_17-.Ltmp17, $3  }
0x3ce: {  	_ =	sdelay $0x1  }
0x3cf: {  	s2 =	sshll.u32 s23, $0x7  }
0x3d0: {  	s2 =	sshra.s32 s2, $0x2  }
0x3d1: {  	p3 =	seq.s32 s30, s25  }
.Ltmp18:
0x3d2: {  	_ = 	snop;
	(pc) =	sbr.rel @!p3 .LBB2_19-.Ltmp18, $1  }
0x3d3: {  	_ =	sdelay $0x3  }
.Ltmp19:
0x3d4: {  	s2 =	sadd.s32 $0x48, s2;
	(pc) =	sbr.rel .LBB2_20-.Ltmp19, $4  }
0x3d5: {  	[spmem:s16] =	stream.linear.scatter [tilespmem:s2], [sflag:$0x1], $0x20, $0x38;
	[tilespmem:$0x1EC48] =	vst v63  }
0x3d6: {  	_ =	swait.ge [sflag:s4], $0x20  }
0x3d7: {  	[sflag:s4] =	ssyncset.done $0x0  }
0x3d8: {  	[sflag:s4] =	ssyncadd.s32 $0xFFFFFFE0  }
.LBB2_19:
0x3d9: {  	s3 =	sshll.u32 s29, $0x7  }
0x3da: {  	v2 =	vld [tilespmem:s2+$0x48];
	s3 =	sshra.s32 s3, $0x2  }
0x3db: {  	v1 =	vld [tilespmem:s3+$0x3068];
	_ =	sdelay $0x4  }
0x3dc: {  	v1 =	vmax.f32 v1, v2  }
0x3dd: {  	v2 =	vld [tilespmem:s2+$0x58];
	[tilespmem:s2+$0x48] =	vst v1  }
0x3de: {  	v1 =	vld [tilespmem:s3+$0x3078];
	_ =	sdelay $0x3  }
0x3df: {  	p3 =	sgt.u32 s30, $0x270FC  }
0x3e0: {  	s3 =	sand.u32 @!p3 $0x3FFF8, s30;
	v1 =	vmax.f32 v1, v2  }
0x3e1: {  	s5 =	sadd.s32 $0x48, s2;
	[tilespmem:s2+$0x58] =	vst v1;
	s2 =	sadd.s32 @!p3 s1, s3;
	s3 =	sand.u32 @!p3 $0x7, s30  }
0x3e2: {  	[hbm4b:s2+s3] =	stream.linear.scatter @!p3 [tilespmem:s5], [sflag:$0xC], $0x20, $0x38;
	[tilespmem:$0x1EC48] =	vst v63  }
0x3e3: {  	s2 =	simm.s32 $0x0  }
0x3e4: {  	s2 =	simm.s32 @!p3 $0x80  }
0x3e5: {  	s0 =	sadd.s32 s2, s0  }
.LBB2_20:
0x3e6: {  	s2 =	sadd.s32 $0x1, s23  }
0x3e7: {  	s3 =	smulhi.u32 $0xAAAAAAAB, s2;
	_ =	sdelay $0x1  }
0x3e8: {  	v1 =	vld [tilespmem:s26+$0xFFFFFFF0];
	s3 =	sshrl.u32 s3, $0x8  }
0x3e9: {  	s3 =	smul.u32 $0x180, s3;
	_ =	sdelay $0x1  }
0x3ea: {  	s23 =	ssub.s32 s2, s3  }
0x3eb: {  	s2 =	sshll.u32 s23, $0x5  }
0x3ec: {  	[tilespmem:s2+$0x48] =	vst v1  }
0x3ed: {  	v1 =	vld [tilespmem:s26+$0x0]  }
.Ltmp20:
0x3ee: {  	_ = 	snop;
	(pc) =	sbr.rel .LBB2_21-.Ltmp20, $2  }
0x3ef: {  	_ =	sdelay $0x2  }
0x3f0: {  	s29 =	sadd.s32 $0x1, s29;
	[tilespmem:s2+$0x58] =	vst v1  }
.LBB2_23:
.Ltmp21:
0x3f1: {  	(pc) =	sbr.rel .LBB2_24-.Ltmp21, $4  }
0x3f2: {  	_ = 	snop  }
0x3f3: {  	s0 =	simm.s32 $0x2  }
0x3f4: {  	_ =	swait.ge [sflag:s0], $0x0  }
0x3f5: {  	s31 =	smov.u32 s30;
	[sflag:s0] =	ssyncset.done $0x0;
	s0 =	simm.s32 $0x0  }
.LBB2_26:
0x3f6: {  	_ =	sfence.sel $0x180000  }
0x3f7: {  	s0 =	simm.s32 $0x9;
	[bflag:$0x0] =	sbarrier.arrive $0xFFFF  }
0x3f8: {  	s24 =	simm.s32 $0xA;
	[sflag:s0] =	ssyncpa.u1 $0x1  }
0x3f9: {  	s25 =	simm.s32 $0xB;
	[sflag:s24] =	ssyncpa.u1 $0x1  }
0x3fa: {  	s26 =	simm.s32 $0x2;
	[sflag:s25] =	ssyncpa.u1 $0x1  }
0x3fb: {  	[sflag:s26] =	ssyncpa.u1 $0x1  }
0x3fc: {  	v0 =	vld [tilespmem:$0x6088];
	_ =	sdelay $0x4  }
0x3fd: {  	(v2sf) =	vpush v0, $0x0  }
0x3fe: {  	(v2sf) =	vpush v0, $0x1;
	_ =	sdelay $0x1  }
0x3ff: {  	(v2sf) =	vpush v0, $0x2;
	_ =	sdelay $0xb  }
0x400: {  	s0 =	spop (v2sf)  }
0x401: {  	s2 =	spop (v2sf)  }
0x402: {  	s3 =	smov.u32 s0;
	p1 =	sne.s32 s0, s2  }
0x403: {  	s4 =	spop (v2sf);
	s3 =	simm.s32 @!p1 $0xFFFFFFFF  }
0x404: {  	v2 =	vimm.s32 $0x1;
	v3 =	vlaneseq.u32;
	p1 =	seq.s32 s4, $0xFFFFFFFF;
	v1 =	vmov s3  }
0x405: {  	s14 =	stileid.u32;
	v0 =	vperm.xlane v0, v2;
	p2 =	sne.s32 @!p1 s0, s2;
	v1 =	vperm.xlane v1, v3  }
0x406: {  	vm0 =	vcmask $0x3F04;
	s6 =	simm.s32 $0x6088;
	s0 =	simm.s32 @!p1 $0x1;
	p2 =	por !p2, p1  }
0x407: {  	s3 =	sshll.u32 s14, $0x1;
	s2 =	sshll.u32 @!p1 s4, $0x7;
	s0 =	simm.s32 @p2 $0x0;
	v0 =	vsel vm0, v1, v0  }
0x408: {  	s5 =	sor.u32 $0x400, s3;
	s2 =	sshra.s32 @!p1 s2, $0x2;
	s0 =	sor.u32 @!p1 s0, s3;
	[tilespmem:$0x6088] =	vst v0  }
0x409: {  	[spmem:s5] =	stream.linear.scatter [tilespmem:s6], [sflag:$0x1], $0x2, $0x38;
	[tilespmem:$0x1EC48] =	vst v63  }
0x40a: {  	s2 =	sadd.s32 @!p1 $0x48, s2;
	s0 =	sshll.u32 @!p1 s0, $0x5  }
0x40b: {  	[spmem:s0] =	stream.linear.scatter @!p1 [tilespmem:s2], [sflag:$0x1], $0x20, $0x38;
	[tilespmem:$0x1EC48] =	vst v63  }
0x40c: {  	s0 =	simm.s32 @!p1 $0x22  }
0x40d: {  	s28 =	simm.s32 $0x1;
	s0 =	simm.s32 @p1 $0x2  }
0x40e: {  	_ =	swait.ge [sflag:s28], s0  }
0x40f: {  	s0 =	ssub.s32 $0x0, s0;
	[sflag:s28] =	ssyncset.done $0x0  }
0x410: {  	[sflag:s28] =	ssyncadd.s32 s0  }
.Ltmp22:
0x411: {  	_ =	sfence.stream.spmem;
	(pc) =	sbr.rel @p0 .LBB2_43-.Ltmp22, $4  }
0x412: {  	s29 =	simm.s32 $0x3;
	[bflag:$0x0] =	sbarrier.arrive $0xFFFF  }
0x413: {  	s30 =	simm.s32 $0x4;
	[sflag:s29] =	ssyncpa.u1 $0x1  }
0x414: {  	s31 =	simm.s32 $0x3C;
	[sflag:s30] =	ssyncpa.u1 $0x1  }
0x415: {  	s15 =	rddreg [dreg:$0x5];
	[sflag:s31] =	ssyncpa.u1 $0x1  }
0x416: {  	_ =	sfence.stream.spmem;
	s0 =	simm.s32 $0x5  }
0x417: {  	s2 =	simm.s32 $0x400;
	s3 =	simm.s32 $0x6098;
	[sflag:s0] =	ssyncpa.u1 $0x0  }
0x418: {  	[tilespmem:s3], [sflag:$0x5] =	stream.linear.gather [spmem:s2], $0x20, $0x38;
	[tilespmem:$0x1EC48] =	vst v63  }
0x419: {  	s26 =	simm.s32 $0x0;
	s28 =	simm.s32 $0x60B8  }
0x41a: {  	[tilespmem:s28], [sflag:$0x5] =	stream.linear.gather [spmem:s26], $0x400, $0x38;
	[tilespmem:$0x1EC48] =	vst v63  }
0x41b: {  	_ =	swait.ge [sflag:s0], $0x420  }
0x41c: {  	[sflag:s0] =	ssyncset.done $0x0  }
0x41d: {  	s29 =	simm.s32 $0x0;
	[sflag:s0] =	ssyncadd.s32 $0xFFFFFBE0  }
0x41e: {  	v0 =	vld.msk [tilespmem:s29+$0x6098], $0x1;
	_ =	sdelay $0x1  }
0x41f: {  	s30 =	simm.s32 $0x1  }
0x420: {  	v1 =	vld.msk [tilespmem:s30+$0x6098], $0x1;
	_ =	sdelay $0x1  }
0x421: {  	(v2sf) =	vpush v0, $0x0;
	_ =	sdelay $0x2  }
0x422: {  	(v2sf) =	vpush v1, $0x0;
	_ =	sdelay $0x2  }
0x423: {  	s31 =	simm.s32 $0x2  }
0x424: {  	v0 =	vld.msk [tilespmem:s31+$0x6098], $0x1;
	_ =	sdelay $0x2  }
0x425: {  	s2 =	simm.s32 $0xFFFFFFFF;
	s3 =	simm.s32 $0xFFFFFFFF;
	s0 =	simm.s32 $0xC  }
.LBB2_28:
0x426: {  	s4 =	smov.u32 s3;
	s5 =	smov.u32 s2  }
0x427: {  	s2 =	sshra.s32 s0, $0x2;
	p1 =	sne.s32 s0, $0x7C;
	s0 =	sadd.s32 $0x4, s0;
	(v2sf) =	vpush v0, $0x0  }
0x428: {  	v0 =	vld.msk [tilespmem:s2+$0x6098], $0x1  }
.Ltmp23:
0x429: {  	(pc) =	sbr.rel @p1 .LBB2_28-.Ltmp23, $4  }
0x42a: {  	s3 =	spop (v2sf)  }
0x42b: {  	p2 =	sne.s32 s5, $0xFFFFFFFF;
	s2 =	smov.u32 s3  }
0x42c: {  	p3 =	seq.s32 s3, $0xFFFFFFFF;
	s2 =	smov.u32 @p2 s5  }
0x42d: {  	s3 =	smov.u32 @p3 s4;
	s2 =	smov.u32 @p3 s5  }
0x42e: {  	(v2sf) =	vpush v0, $0x0;
	_ =	sdelay $0x8  }
0x42f: {  	s0 =	spop (v2sf)  }
0x430: {  	p1 =	sne.s32 s2, $0xFFFFFFFF;
	s4 =	smov.u32 s0  }
0x431: {  	s9 =	simm.s32 $0x6;
	p2 =	seq.s32 s0, $0xFFFFFFFF;
	s4 =	smov.u32 @p1 s2  }
0x432: {  	s10 =	simm.s32 $0x6068;
	s4 =	smov.u32 @p2 s2;
	s2 =	spop (v2sf)  }
0x433: {  	s0 =	smov.u32 @p2 s3;
	p1 =	sne.s32 s4, $0xFFFFFFFF;
	s5 =	smov.u32 s2  }
.Ltmp24:
0x434: {  	p2 =	seq.s32 s2, $0xFFFFFFFF;
	s5 =	smov.u32 @p1 s4;
	(pc) =	sbr.rel .LBB2_30-.Ltmp24, $4  }
0x435: {  	s11 =	simm.s32 $0x0;
	s5 =	smov.u32 @p2 s4;
	s7 =	spop (v2sf)  }
0x436: {  	[sflag:s9] =	ssyncpa.u1 $0x0;
	p1 =	sne.s32 s5, $0xFFFFFFFF;
	s8 =	smov.u32 s7  }
0x437: {  	s2 =	smov.u32 @p2 s0;
	p2 =	seq.s32 s7, $0xFFFFFFFF;
	s8 =	smov.u32 @p1 s5  }
0x438: {  	s4 =	simm.s32 $0x0;
	s7 =	smov.u32 @p2 s2;
	s8 =	smov.u32 @p2 s5  }
.LBB2_36:
0x439: {  	p1 =	sgt.u32 s12, $0x270FC  }
0x43a: {  	p2 =	seq.s32 @!p1 s12, s8  }
0x43b: {  	p1 =	por p1, p2  }
0x43c: {  	p2 =	sne.s32 @!p1 s12, s7  }
0x43d: {  	p1 =	por p1, !p2  }
0x43e: {  	s0 =	sshll.u32 @p1 s11, $0x7  }
0x43f: {  	s0 =	sand.u32 @!p1 $0x3FFF8, s12  }
0x440: {  	s2 =	sand.u32 @!p1 $0x7, s12;
	s0 =	sadd.s32 @!p1 s1, s0  }
0x441: {  	[tilespmem:s10], [sflag:$0x6] =	stream.linear.gather @!p1 [hbm4b:s0+s2], $0x20, $0x38;
	[tilespmem:$0x1EC48] =	vst v63  }
0x442: {  	_ =	swait.ge @!p1 [sflag:s9], $0x20  }
0x443: {  	[sflag:s9] =	ssyncset.done @!p1 $0x0  }
0x444: {  	s0 =	sshll.u32 @!p1 s11, $0x7;
	[sflag:s9] =	ssyncadd.s32 @!p1 $0xFFFFFFE0  }
0x445: {  	s2 =	sshrl.u32 @!p1 s0, $0x2;
	v1 =	vld @!p1 [tilespmem:$0x6068]  }
0x446: {  	v2 =	vld @!p1 [tilespmem:s2+$0x60B8];
	_ =	sdelay $0x4  }
0x447: {  	v1 =	vmax.f32 @!p1 v1, v2  }
0x448: {  	v2 =	vld @!p1 [tilespmem:s2+$0x60C8];
	[tilespmem:s2+$0x60B8] =	vst @!p1 v1  }
0x449: {  	v1 =	vld @!p1 [tilespmem:$0x6078];
	_ =	sdelay $0x4  }
0x44a: {  	v1 =	vmax.f32 @!p1 v1, v2  }
0x44b: {  	[tilespmem:s2+$0x60C8] =	vst @!p1 v1  }
0x44c: {  	s0 =	sshrl.u32 s0, $0x2;
	[tilespmem:s4+$0x6098] =	vst.msk $0x1, v0  }
0x44d: {  	v0 =	vld [tilespmem:s0+$0x60B8];
	_ =	sdelay $0x2  }
0x44e: {  	s31 =	sshll.u32 s4, $0x7  }
0x44f: {  	s2 =	sshra.s32 s31, $0x2  }
0x450: {  	[tilespmem:s2+$0x60B8] =	vst v0  }
0x451: {  	v0 =	vld [tilespmem:s0+$0x60C8];
	_ =	sdelay $0x4  }
0x452: {  	s4 =	sadd.s32 $0x1, s4;
	[tilespmem:s2+$0x60C8] =	vst v0  }
.LBB2_37:
0x453: {  	s11 =	sadd.s32 $0x1, s11  }
0x454: {  	p1 =	sne.s32 s11, $0x20  }
.Ltmp25:
0x455: {  	_ = 	snop;
	(pc) =	sbr.rel @!p1 .LBB2_38-.Ltmp25, $1  }
0x456: {  	_ =	sdelay $0x3  }
.LBB2_30:
0x457: {  	v0 =	vld.msk [tilespmem:s11+$0x6098], $0x1;
	_ =	sdelay $0x4  }
0x458: {  	(v2sf) =	vpush v0, $0x0;
	_ =	sdelay $0xe  }
0x459: {  	s12 =	spop (v2sf)  }
0x45a: {  	p1 =	seq.s32 s12, $0xFFFFFFFF  }
.Ltmp26:
0x45b: {  	_ = 	snop;
	(pc) =	sbr.rel @p1 .LBB2_37-.Ltmp26, $1  }
0x45c: {  	_ =	sdelay $0x3  }
0x45d: {  	p1 =	slt.s32 s4, $0x1  }
.Ltmp27:
0x45e: {  	_ = 	snop;
	(pc) =	sbr.rel @p1 .LBB2_36-.Ltmp27, $1  }
0x45f: {  	_ =	sdelay $0x3  }
0x460: {  	s0 =	simm.s32 $0x6098;
	p1 =	por $0x0, $0x0  }
0x461: {  	v1 =	vld.msk @!p1 [tilespmem:s0+$0x0], $0x1;
	_ =	sdelay $0x4  }
0x462: {  	(v2sf) =	vpush @!p1 v1, $0x0;
	_ =	sdelay $0xd  }
0x463: {  	p3 =	sne.s32 s4, $0x1  }
.Ltmp28:
0x464: {  	s2 =	spop @!p1 (v2sf);
	(pc) =	sbr.rel @!p3 .LBB2_34-.Ltmp28, $4  }
0x465: {  	p2 =	seq.s32 @!p1 s12, s2  }
0x466: {  	s13 =	simm.s32 $0x0;
	p2 =	por !p2, p1  }
0x467: {  	s3 =	simm.s32 $0xFFFFFFFF;
	s13 =	simm.s32 @p2 $0xFFFFFFFF  }
0x468: {  	s2 =	simm.s32 $0x1;
	s13 =	smov.u32 @p1 s3  }
.LBB2_33:
0x469: {  	s3 =	smov.u32 s13;
	p1 =	sne.s32 s13, $0xFFFFFFFF  }
0x46a: {  	s0 =	sadd.s32 $0x1, s0;
	s13 =	smov.u32 s2;
	s2 =	sadd.s32 $0x1, s2  }
0x46b: {  	p2 =	sne.s32 s4, s2;
	v1 =	vld.msk @!p1 [tilespmem:s0+$0x0], $0x1;
	_ =	sdelay $0x4  }
0x46c: {  	(v2sf) =	vpush @!p1 v1, $0x0;
	_ =	sdelay $0xe  }
.Ltmp29:
0x46d: {  	s5 =	spop @!p1 (v2sf);
	(pc) =	sbr.rel @p2 .LBB2_33-.Ltmp29, $4  }
0x46e: {  	p3 =	seq.s32 @!p1 s12, s5  }
0x46f: {  	p3 =	por !p3, p1  }
0x470: {  	s13 =	simm.s32 @p3 $0xFFFFFFFF  }
0x471: {  	s13 =	smov.u32 @p1 s3  }
.LBB2_34:
0x472: {  	p1 =	seq.s32 s13, $0xFFFFFFFF  }
.Ltmp30:
0x473: {  	_ = 	snop;
	(pc) =	sbr.rel @p1 .LBB2_36-.Ltmp30, $1  }
0x474: {  	_ =	sdelay $0x3  }
0x475: {  	s0 =	sshll.u32 s11, $0x5  }
0x476: {  	s2 =	sshll.u32 s13, $0x7;
	s0 =	sand.u32 $0x3FFFFFE0, s0  }
0x477: {  	s2 =	sshra.s32 s2, $0x2;
	v0 =	vld [tilespmem:s0+$0x60B8]  }
0x478: {  	v1 =	vld [tilespmem:s2+$0x60B8];
	_ =	sdelay $0x4  }
0x479: {  	v0 =	vmax.f32 v0, v1  }
0x47a: {  	v63 =	vld [tilespmem:s2+$0x60C8];
	[tilespmem:s2+$0x60B8] =	vst v0  }
0x47b: {  	v0 =	vld [tilespmem:s0+$0x60C8];
	_ =	sdelay $0x1  }
.Ltmp31:
0x47c: {  	_ = 	snop;
	(pc) =	sbr.rel .LBB2_37-.Ltmp31, $3  }
0x47d: {  	_ =	sdelay $0x1  }
0x47e: {  	v0 =	vmax.f32 v0, v63  }
0x47f: {  	[tilespmem:s2+$0x60C8] =	vst v0  }
.LBB2_38:
0x480: {  	s0 =	simm.s32 $0x6;
	p1 =	seq.s32 s4, $0x0  }
0x481: {  	[sflag:s0] =	ssyncpa.u1 $0x1;
	v0 =	vimm.s32 @p1 $0xFFFFFFFF  }
0x482: {  	s0 =	sadd.s32 $0xFFFFFFFF, s4;
	[tilespmem:$0x64B8] =	vst @p1 v0  }
0x483: {  	v0 =	vld.msk @!p1 [tilespmem:s0+$0x6098], $0x1;
	_ =	sdelay $0x1  }
0x484: {  	v1 =	vld.msk @!p1 [tilespmem:$0x6098], $0x1;
	_ =	sdelay $0x2  }
0x485: {  	p2 =	seq.s32 @!p1 s0, $0x0;
	v0 =	vbroadcast @!p1 v0, $0x0  }
0x486: {  	vm0 =	vmmov @!p1 $0x1;
	p2 =	por !p2, p1  }
0x487: {  	v1 =	vnsel @!p1 vm0, $0xFFFFFFFF, v1;
	vm0 =	vcmask @!p1 $0x308;
	v0 =	vpsel !p2, $0xFFFFFFFF, v0  }
0x488: {  	p2 =	sne.s32 @!p1 s8, s7;
	v0 =	vsel @!p1 vm0, v1, v0  }
0x489: {  	s2 =	simm.s32 @!p1 $0x60B8;
	s3 =	simm.s32 @!p1 $0x0;
	p3 =	por !p2, p1;
	[tilespmem:$0x64B8] =	vst @!p1 v0  }
0x48a: {  	[spmem:s3] =	stream.linear.scatter @!p1 [tilespmem:s2], [sflag:$0x1], $0x20, $0x38;
	[tilespmem:$0x1EC48] =	vst v63  }
0x48b: {  	s2 =	sshll.u32 @!p3 s0, $0x7  }
0x48c: {  	s2 =	sshra.s32 @!p3 s2, $0x2  }
0x48d: {  	s3 =	simm.s32 @!p3 $0x20;
	s2 =	sadd.s32 @!p3 $0x60B8, s2  }
0x48e: {  	[spmem:s3] =	stream.linear.scatter @!p3 [tilespmem:s2], [sflag:$0x1], $0x20, $0x38;
	[tilespmem:$0x1EC48] =	vst v63  }
0x48f: {  	s2 =	simm.s32 @!p3 $0x1  }
0x490: {  	_ =	swait.ge @!p3 [sflag:s2], $0x40  }
0x491: {  	p1 =	por p2, p1;
	[sflag:s2] =	ssyncset.done @!p3 $0x0  }
0x492: {  	[sflag:s2] =	ssyncadd.s32 @!p3 $0xFFFFFFC0;
	s2 =	simm.s32 @!p1 $0x1  }
0x493: {  	_ =	swait.ge @!p1 [sflag:s2], $0x20  }
0x494: {  	s29 =	simm.s32 $0x64B8;
	[sflag:s2] =	ssyncset.done @!p1 $0x0  }
0x495: {  	s30 =	simm.s32 $0x400;
	s31 =	simm.s32 $0x1;
	[sflag:s2] =	ssyncadd.s32 @!p1 $0xFFFFFFE0  }
0x496: {  	[spmem:s30] =	stream.linear.scatter [tilespmem:s29], [sflag:$0x1], $0x10, $0x38;
	[tilespmem:$0x1EC48] =	vst v63  }
0x497: {  	_ =	swait.ge [sflag:s31], $0x10  }
0x498: {  	[sflag:s31] =	ssyncset.done $0x0  }
0x499: {  	p1 =	seq.s32 s15, $0x0;
	s9 =	rddreg [dreg:$0x2];
	[sflag:s31] =	ssyncadd.s32 $0xFFFFFFF0  }
0x49a: {  	s3 =	sshll.u32 @p1 s9, $0xE;
	s8 =	rddreg [dreg:$0x3]  }
0x49b: {  	s2 =	sadd.s32 @p1 $0x15C3C, s3;
	s3 =	sshll.u32 @p1 s8, $0x11  }
0x49c: {  	_ =	sfence.stream.spmem;
	s2 =	sor.u32 @p1 s3, s2  }
0x49d: {  	[sflag:s2] =	ssyncadd.remote.s32 @p1 $0x1;
	s2 =	simm.s32 @p1 $0x4  }
0x49e: {  	s5 =	simm.s32 @!p1 $0x3C;
	s3 =	sand.u32 $0xFFFFFFFE, s9;
	_ =	swait.ge @p1 [sflag:s2], $0xA  }
0x49f: {  	s6 =	simm.s32 @!p1 $0x0;
	s3 =	sadd.s32 @!p1 $0x4, s3;
	[sflag:s2] =	ssyncset.done @p1 $0x0  }
0x4a0: {  	s7 =	simm.s32 @!p1 $0x40;
	[sflag:s2] =	ssyncadd.s32 @p1 $0xFFFFFFF6;
	s2 =	sshll.u32 @!p1 s3, $0x1A  }
0x4a1: {  	s3 =	sshll.u32 @!p1 s3, $0xD;
	s2 =	sor.u32 @!p1 s2, s8;
	_ =	swait.eq @!p1 [sflag:s5], $0x1  }
0x4a2: {  	s3 =	sor.u32 @!p1 $0x1C04, s3;
	s5 =	simm.s32 @!p1 $0x1C03;
	s2 =	sor.u32 @!p1 $0x80004000, s2  }
0x4a3: {  	[spmem:s7], [sflag:s3] =	dma.general @!p1 [spmem:s6], [sflag:s5], length:$0x8, [dreg:$0x0], stride_count:$0x0, ici_dest:s2, dma_misc:DstOpCode:WRITE  }
0x4a4: {  	p2 =	slt.s32 s0, $0x2;
	s6 =	simm.s32 @!p1 $0x80;
	s7 =	simm.s32 @!p1 $0x82  }
0x4a5: {  	[spmem:s7], [sflag:s3] =	dma.general @!p1 [spmem:s6], [sflag:s5], length:$0x2, [dreg:$0x0], stride_count:$0x0, ici_dest:s2, dma_misc:DstOpCode:WRITE  }
.Ltmp32:
0x4a6: {  	s2 =	simm.s32 @!p1 $0x3;
	(pc) =	sbr.rel @p2 .LBB2_42-.Ltmp32, $4  }
0x4a7: {  	s3 =	sshll.u32 @!p1 s9, $0xE;
	_ =	swait.ge @!p1 [sflag:s2], $0xA  }
0x4a8: {  	s5 =	sshll.u32 @!p1 s8, $0x11;
	s3 =	sadd.s32 @!p1 $0x11C3C, s3;
	[sflag:s2] =	ssyncset.done @!p1 $0x0  }
0x4a9: {  	[sflag:s2] =	ssyncadd.s32 @!p1 $0xFFFFFFF6;
	s2 =	sor.u32 @!p1 s5, s3  }
0x4aa: {  	s0 =	simm.s32 $0x0;
	[sflag:s2] =	ssyncadd.remote.s32 @!p1 $0xFFFFFFFF  }
0x4ab: {  	s0 =	simm.s32 $0x6099  }
0x4ac: {  	v0 =	vld.msk [tilespmem:s0+$0x0], $0x1;
	_ =	sdelay $0x4  }
0x4ad: {  	(v2sf) =	vpush v0, $0x0;
	_ =	sdelay $0xc  }
0x4ae: {  	s2 =	sadd.s32 $0xFFFFFFFE, s4  }
0x4af: {  	s2 =	sadd.s32 $0xFFFFFFFF, s2  }
0x4b0: {  	p2 =	sne.s32 s2, $0x0;
	s3 =	spop (v2sf)  }
.Ltmp33:
0x4b1: {  	p1 =	sgt.u32 s3, $0x270FC;
	(pc) =	sbr.rel @!p2 .LBB2_41-.Ltmp33, $4  }
0x4b2: {  	s6 =	simm.s32 $0x0;
	s4 =	sand.u32 @!p1 $0x3FFF8, s3  }
0x4b3: {  	s0 =	simm.s32 $0x60D8;
	s3 =	sand.u32 @!p1 $0x7, s3;
	s4 =	sadd.s32 @!p1 s1, s4  }
0x4b4: {  	[hbm4b:s4+s3] =	stream.linear.scatter @!p1 [tilespmem:s0], [sflag:$0x5], $0x20, $0x38;
	[tilespmem:$0x1EC48] =	vst v63  }
0x4b5: {  	s6 =	simm.s32 @!p1 $0x80;
	s3 =	simm.s32 $0x0;
	s4 =	simm.s32 $0x609A  }
.LBB2_40:
0x4b6: {  	v0 =	vld.msk [tilespmem:s4+$0x0], $0x1;
	s2 =	sadd.s32 $0xFFFFFFFF, s2;
	s3 =	sadd.s32 s3, s6  }
0x4b7: {  	p1 =	sne.s32 s2, $0x0;
	_ =	sdelay $0x3  }
0x4b8: {  	(v2sf) =	vpush v0, $0x0;
	_ =	sdelay $0xe  }
.Ltmp34:
0x4b9: {  	s5 =	spop (v2sf);
	(pc) =	sbr.rel @p1 .LBB2_40-.Ltmp34, $4  }
0x4ba: {  	s6 =	simm.s32 $0x0;
	p2 =	sgt.u32 s5, $0x270FC  }
0x4bb: {  	s0 =	sadd.s32 $0x20, s0;
	s6 =	simm.s32 @!p2 $0x80;
	s7 =	sand.u32 @!p2 $0x3FFF8, s5  }
0x4bc: {  	s4 =	sadd.s32 $0x1, s4;
	s5 =	sand.u32 @!p2 $0x7, s5;
	s7 =	sadd.s32 @!p2 s1, s7  }
0x4bd: {  	[hbm4b:s7+s5] =	stream.linear.scatter @!p2 [tilespmem:s0], [sflag:$0x5], $0x20, $0x38;
	[tilespmem:$0x1EC48] =	vst v63  }
.LBB2_41:
0x4be: {  	s0 =	sadd.s32 s3, s6  }
0x4bf: {  	s0 =	sshrl.u32 s0, $0x2  }
.LBB2_42:
0x4c0: {  	s2 =	simm.s32 $0x5  }
0x4c1: {  	_ =	swait.ge [sflag:s2], s0  }
0x4c2: {  	s31 =	ssub.s32 $0x0, s0;
	[sflag:s2] =	ssyncset.done $0x0  }
0x4c3: {  	[sflag:s2] =	ssyncadd.s32 s31  }
0x4c4: {  	[sflag:s2] =	ssyncpa.u1 $0x1  }
.LBB2_43:
0x4c5: {  	s0 =	sor.u32 s15, s14  }
0x4c6: {  	p1 =	sne.s32 s0, $0x0  }
.Ltmp35:
0x4c7: {  	_ = 	snop;
	(pc) =	sbr.rel @p1 .LBB2_58-.Ltmp35, $3  }
0x4c8: {  	_ =	sdelay $0x1  }
0x4c9: {  	[bflag:$0x0] =	sbarrier.arrive $0xFFFF  }
0x4ca: {  	_ =	sfence  }
0x4cb: {  	s0 =	simm.s32 $0x7  }
0x4cc: {  	s2 =	simm.s32 $0x400;
	s3 =	simm.s32 $0x6098;
	[sflag:s0] =	ssyncpa.u1 $0x0  }
0x4cd: {  	[tilespmem:s3], [sflag:$0x7] =	stream.linear.gather [spmem:s2], $0x20, $0x38;
	[tilespmem:$0x1EC48] =	vst v63  }
0x4ce: {  	s30 =	simm.s32 $0x60B8;
	s2 =	simm.s32 $0x0  }
0x4cf: {  	[tilespmem:s30], [sflag:$0x7] =	stream.linear.gather [spmem:s2], $0x400, $0x38;
	[tilespmem:$0x1EC48] =	vst v63  }
.Ltmp36:
0x4d0: {  	_ = 	snop;
	(pc) =	sbr.rel .LBB2_45-.Ltmp36, $4  }
0x4d1: {  	_ =	swait.ge [sflag:s0], $0x420  }
0x4d2: {  	[sflag:s0] =	ssyncset.done $0x0  }
0x4d3: {  	s31 =	simm.s32 $0x8;
	[sflag:s0] =	ssyncadd.s32 $0xFFFFFBE0  }
0x4d4: {  	s3 =	simm.s32 $0x0;
	[sflag:s31] =	ssyncpa.u1 $0x0  }
.LBB2_51:
0x4d5: {  	p1 =	slt.u32 s0, $0x270FD  }
0x4d6: {  	s4 =	sand.u32 @p1 $0x3FFF8, s0  }
0x4d7: {  	s0 =	sand.u32 @p1 $0x7, s0;
	s5 =	simm.s32 @p1 $0x6068;
	s4 =	sadd.s32 @p1 s1, s4  }
0x4d8: {  	[tilespmem:s5], [sflag:$0x8] =	stream.linear.gather @p1 [hbm4b:s4+s0], $0x20, $0x38;
	[tilespmem:$0x1EC48] =	vst v63  }
0x4d9: {  	s0 =	simm.s32 @p1 $0x8  }
0x4da: {  	_ =	swait.ge @p1 [sflag:s0], $0x20  }
0x4db: {  	[sflag:s0] =	ssyncset.done @p1 $0x0  }
0x4dc: {  	[sflag:s0] =	ssyncadd.s32 @p1 $0xFFFFFFE0;
	s0 =	sshll.u32 @p1 s3, $0x7  }
0x4dd: {  	s4 =	sshrl.u32 @p1 s0, $0x2;
	v1 =	vld @p1 [tilespmem:$0x6068]  }
0x4de: {  	v2 =	vld @p1 [tilespmem:s4+$0x60B8];
	_ =	sdelay $0x4  }
0x4df: {  	v1 =	vmax.f32 @p1 v1, v2  }
0x4e0: {  	v2 =	vld @p1 [tilespmem:s4+$0x60C8];
	[tilespmem:s4+$0x60B8] =	vst @p1 v1  }
0x4e1: {  	v1 =	vld @p1 [tilespmem:$0x6078];
	_ =	sdelay $0x4  }
0x4e2: {  	s5 =	sshll.u32 @!p1 s3, $0x7;
	v1 =	vmax.f32 @p1 v1, v2  }
0x4e3: {  	s5 =	smov.u32 @p1 s0;
	[tilespmem:s4+$0x60C8] =	vst @p1 v1  }
0x4e4: {  	s0 =	sshrl.u32 s5, $0x2;
	[tilespmem:s2+$0x6098] =	vst.msk $0x1, v0  }
0x4e5: {  	v0 =	vld [tilespmem:s0+$0x60B8];
	_ =	sdelay $0x2  }
0x4e6: {  	s31 =	sshll.u32 s2, $0x7  }
0x4e7: {  	s4 =	sshra.s32 s31, $0x2  }
0x4e8: {  	[tilespmem:s4+$0x60B8] =	vst v0  }
0x4e9: {  	v0 =	vld [tilespmem:s0+$0x60C8];
	_ =	sdelay $0x4  }
0x4ea: {  	s2 =	sadd.s32 $0x1, s2;
	[tilespmem:s4+$0x60C8] =	vst v0  }
.LBB2_52:
0x4eb: {  	s3 =	sadd.s32 $0x1, s3  }
0x4ec: {  	p1 =	sne.s32 s3, $0x20  }
.Ltmp37:
0x4ed: {  	_ = 	snop;
	(pc) =	sbr.rel @!p1 .LBB2_53-.Ltmp37, $1  }
0x4ee: {  	_ =	sdelay $0x3  }
.LBB2_45:
0x4ef: {  	v0 =	vld.msk [tilespmem:s3+$0x6098], $0x1;
	_ =	sdelay $0x4  }
0x4f0: {  	(v2sf) =	vpush v0, $0x0;
	_ =	sdelay $0xe  }
0x4f1: {  	s0 =	spop (v2sf)  }
0x4f2: {  	p1 =	seq.s32 s0, $0xFFFFFFFF  }
.Ltmp38:
0x4f3: {  	_ = 	snop;
	(pc) =	sbr.rel @p1 .LBB2_52-.Ltmp38, $1  }
0x4f4: {  	_ =	sdelay $0x3  }
0x4f5: {  	p1 =	slt.s32 s2, $0x1  }
.Ltmp39:
0x4f6: {  	_ = 	snop;
	(pc) =	sbr.rel @p1 .LBB2_51-.Ltmp39, $1  }
0x4f7: {  	_ =	sdelay $0x3  }
0x4f8: {  	s4 =	simm.s32 $0x6098;
	p1 =	por $0x0, $0x0  }
0x4f9: {  	v1 =	vld.msk @!p1 [tilespmem:s4+$0x0], $0x1;
	_ =	sdelay $0x4  }
0x4fa: {  	(v2sf) =	vpush @!p1 v1, $0x0;
	_ =	sdelay $0xd  }
0x4fb: {  	p3 =	sne.s32 s2, $0x1  }
.Ltmp40:
0x4fc: {  	s5 =	spop @!p1 (v2sf);
	(pc) =	sbr.rel @!p3 .LBB2_49-.Ltmp40, $4  }
0x4fd: {  	p2 =	seq.s32 @!p1 s0, s5  }
0x4fe: {  	s5 =	simm.s32 $0x0;
	p2 =	por !p2, p1  }
0x4ff: {  	s7 =	simm.s32 $0xFFFFFFFF;
	s5 =	simm.s32 @p2 $0xFFFFFFFF  }
0x500: {  	s6 =	simm.s32 $0x1;
	s5 =	smov.u32 @p1 s7  }
.LBB2_48:
0x501: {  	s7 =	smov.u32 s5;
	p1 =	sne.s32 s5, $0xFFFFFFFF  }
0x502: {  	s4 =	sadd.s32 $0x1, s4;
	s5 =	smov.u32 s6;
	s6 =	sadd.s32 $0x1, s6  }
0x503: {  	p2 =	sne.s32 s2, s6;
	v1 =	vld.msk @!p1 [tilespmem:s4+$0x0], $0x1;
	_ =	sdelay $0x4  }
0x504: {  	(v2sf) =	vpush @!p1 v1, $0x0;
	_ =	sdelay $0xe  }
.Ltmp41:
0x505: {  	s8 =	spop @!p1 (v2sf);
	(pc) =	sbr.rel @p2 .LBB2_48-.Ltmp41, $4  }
0x506: {  	p3 =	seq.s32 @!p1 s0, s8  }
0x507: {  	p3 =	por !p3, p1  }
0x508: {  	s5 =	simm.s32 @p3 $0xFFFFFFFF  }
0x509: {  	s5 =	smov.u32 @p1 s7  }
.LBB2_49:
0x50a: {  	p1 =	seq.s32 s5, $0xFFFFFFFF  }
.Ltmp42:
0x50b: {  	_ = 	snop;
	(pc) =	sbr.rel @p1 .LBB2_51-.Ltmp42, $1  }
0x50c: {  	_ =	sdelay $0x3  }
0x50d: {  	s0 =	sshll.u32 s3, $0x5  }
0x50e: {  	s4 =	sshll.u32 s5, $0x7;
	s0 =	sand.u32 $0x3FFFFFE0, s0  }
0x50f: {  	s4 =	sshra.s32 s4, $0x2;
	v0 =	vld [tilespmem:s0+$0x60B8]  }
0x510: {  	v1 =	vld [tilespmem:s4+$0x60B8];
	_ =	sdelay $0x4  }
0x511: {  	v0 =	vmax.f32 v0, v1  }
0x512: {  	v63 =	vld [tilespmem:s4+$0x60C8];
	[tilespmem:s4+$0x60B8] =	vst v0  }
0x513: {  	v0 =	vld [tilespmem:s0+$0x60C8];
	_ =	sdelay $0x1  }
.Ltmp43:
0x514: {  	_ = 	snop;
	(pc) =	sbr.rel .LBB2_52-.Ltmp43, $3  }
0x515: {  	_ =	sdelay $0x1  }
0x516: {  	v0 =	vmax.f32 v0, v63  }
0x517: {  	[tilespmem:s4+$0x60C8] =	vst v0  }
.LBB2_53:
0x518: {  	p1 =	slt.s32 s2, $0x1  }
.Ltmp44:
0x519: {  	_ = 	snop;
	(pc) =	sbr.rel @p1 .LBB2_57-.Ltmp44, $3  }
0x51a: {  	_ =	sdelay $0x1  }
0x51b: {  	s0 =	simm.s32 $0x8  }
0x51c: {  	[sflag:s0] =	ssyncpa.u1 $0x1;
	s0 =	simm.s32 $0x0  }
0x51d: {  	s3 =	simm.s32 $0x6098  }
0x51e: {  	v0 =	vld.msk [tilespmem:s3+$0x0], $0x1;
	_ =	sdelay $0x4  }
0x51f: {  	(v2sf) =	vpush v0, $0x0;
	_ =	sdelay $0xe  }
0x520: {  	s2 =	sadd.s32 $0xFFFFFFFF, s2;
	s4 =	spop (v2sf)  }
0x521: {  	p2 =	sne.s32 s2, $0x0;
	p1 =	sgt.u32 s4, $0x270FC  }
.Ltmp45:
0x522: {  	s5 =	sand.u32 @!p1 $0x3FFF8, s4;
	(pc) =	sbr.rel @!p2 .LBB2_56-.Ltmp45, $4  }
0x523: {  	s3 =	simm.s32 $0x60B8;
	s4 =	sand.u32 @!p1 $0x7, s4;
	s5 =	sadd.s32 @!p1 s1, s5  }
0x524: {  	[hbm4b:s5+s4] =	stream.linear.scatter @!p1 [tilespmem:s3], [sflag:$0x7], $0x20, $0x38;
	[tilespmem:$0x1EC48] =	vst v63  }
0x525: {  	s5 =	simm.s32 $0x0  }
0x526: {  	s4 =	simm.s32 $0x6099;
	s5 =	simm.s32 @!p1 $0x80  }
.LBB2_55:
0x527: {  	v0 =	vld.msk [tilespmem:s4+$0x0], $0x1;
	s2 =	sadd.s32 $0xFFFFFFFF, s2;
	s0 =	sadd.s32 s0, s5  }
0x528: {  	p1 =	sne.s32 s2, $0x0;
	_ =	sdelay $0x3  }
0x529: {  	(v2sf) =	vpush v0, $0x0;
	_ =	sdelay $0xe  }
.Ltmp46:
0x52a: {  	s6 =	spop (v2sf);
	(pc) =	sbr.rel @p1 .LBB2_55-.Ltmp46, $4  }
0x52b: {  	s5 =	simm.s32 $0x0;
	p2 =	sgt.u32 s6, $0x270FC  }
0x52c: {  	s3 =	sadd.s32 $0x20, s3;
	s5 =	simm.s32 @!p2 $0x80;
	s7 =	sand.u32 @!p2 $0x3FFF8, s6  }
0x52d: {  	s4 =	sadd.s32 $0x1, s4;
	s6 =	sand.u32 @!p2 $0x7, s6;
	s7 =	sadd.s32 @!p2 s1, s7  }
0x52e: {  	[hbm4b:s7+s6] =	stream.linear.scatter @!p2 [tilespmem:s3], [sflag:$0x7], $0x20, $0x38;
	[tilespmem:$0x1EC48] =	vst v63  }
.LBB2_56:
0x52f: {  	s0 =	sadd.s32 s0, s5  }
0x530: {  	s0 =	sshrl.u32 s0, $0x2  }
.LBB2_57:
0x531: {  	s1 =	simm.s32 $0x7  }
0x532: {  	_ =	swait.ge [sflag:s1], s0  }
0x533: {  	s31 =	ssub.s32 $0x0, s0;
	[sflag:s1] =	ssyncset.done $0x0  }
0x534: {  	[sflag:s1] =	ssyncadd.s32 s31  }
0x535: {  	[sflag:s1] =	ssyncpa.u1 $0x1  }
.LBB2_58:
0x536: {  	_ =	sfence;
	s0 =	simm.s32 $0x1  }
0x537: {  	[sflag:s0] =	ssyncpa.u1 $0x1  }
0x538: {  	_ =	strace $0x9000004A  }
0x539: {  	[bflag:$0x2] =	sbarrier.arrive $0xFFFF  }
0x53a: {  	s0 =	rddreg [dreg:$0x4]  }
0x53b: {  	s0 =	sadd.s32 @!p0 $0x100000, s0  }
0x53c: {  	[sflag:s0] =	ssyncadd.tile.s32 @!p0 $0x1;
	_ =	shalt  }
.Lfunc_end2:
_tile_overlayer_lowered:
.L_overlay_start_2:
0x53d: {  	(tag) =	ssettag $0x2  }
0x53e: {  	s0 =	rddreg [dreg:$0x0];
	s2 =	stileid.u32  }
0x53f: {  	s1 =	rddreg [dreg:$0x1];
	p0 =	sne.s32 s2, $0x0  }
0x540: {  	s3 =	rddreg [dreg:$0x2];
	[bflag:$0x3] =	sbarrier.arrive $0xFFFF;
	s2 =	simm.s32 @!p0 $0x1C01  }
0x541: {  	[timem:s3], [sflag:s2] =	dma.local @!p0 [hbm:s0], s1  }
0x542: {  	s0 =	simm.s32 @!p0 $0x1  }
0x543: {  	_ =	swait.ge @!p0 [sflag:s0], s1  }
0x544: {  	s1 =	ssub.s32 @!p0 $0x0, s1;
	[sflag:s0] =	ssyncset.done @!p0 $0x0  }
0x545: {  	[sflag:s0] =	ssyncadd.s32 @!p0 s1  }
0x546: {  	[bflag:$0x3] =	sbarrier.arrive $0xFFFF  }
0x547: {  	_ =	shalt  }

</sc_bundles>
